<compile_context>
chip_gen: v7x
topology: tpu7x:2x2x1
jax: 0.10.2.dev20260603
libtpu: 0.0.44.dev20260713+nightly
codegen_flags: <defaults>
</compile_context>

<pallas_src>
import dataclasses
import functools
import jax
import jax.numpy as jnp
from jax import lax
from jax.experimental import pallas as pl
from jax.experimental.pallas import tpu as pltpu
from jax.experimental.pallas import tpu_sc as plsc

N_NODES = 10000
N_PAD = 10240
E_EDGES = 160000
E_FULL = E_EDGES + N_PAD
E_PAD = 172032
F = 256
NG = 128
BLK = 512
NBLK = N_PAD // BLK



def _mm_body(x_ref, w_ref, o_ref):
    o_ref[...] = jnp.dot(x_ref[...], w_ref[...],
                         preferred_element_type=jnp.float32)


def _matmul(x, w):
    n, k = x.shape
    m = w.shape[1]
    return pl.pallas_call(
        _mm_body,
        grid=(n // BLK,),
        in_specs=[pl.BlockSpec((BLK, k), lambda i: (i, 0)),
                  pl.BlockSpec((k, m), lambda i: (0, 0))],
        out_specs=pl.BlockSpec((BLK, m), lambda i: (i, 0)),
        out_shape=jax.ShapeDtypeStruct((n, m), jnp.float32),
    )(x, w)


def _scale_body(h_ref, deg_ref, s_ref, dinv_ref):
    dv = lax.rsqrt(deg_ref[...])
    dinv_ref[...] = dv
    s_ref[...] = h_ref[...] * dv


def _scale(h1, degcol):
    return pl.pallas_call(
        _scale_body,
        grid=(NBLK,),
        in_specs=[pl.BlockSpec((BLK, F), lambda i: (i, 0)),
                  pl.BlockSpec((BLK, 1), lambda i: (i, 0))],
        out_specs=[pl.BlockSpec((BLK, F), lambda i: (i, 0)),
                   pl.BlockSpec((BLK, 1), lambda i: (i, 0))],
        out_shape=[jax.ShapeDtypeStruct((N_PAD, F), jnp.float32),
                   jax.ShapeDtypeStruct((N_PAD, 1), jnp.float32)],
    )(h1, degcol)


def _root_mm_body(xr_ref, w_ref, o_ref):
    o_ref[...] = jnp.dot(jnp.maximum(xr_ref[...], 0.0), w_ref[...],
                         preferred_element_type=jnp.float32)


def _root_mm(xr, w2b):
    return pl.pallas_call(
        _root_mm_body,
        out_shape=jax.ShapeDtypeStruct((NG, F), jnp.float32),
    )(xr, w2b)


def _layer2_body(a1_ref, dinv_ref, b1_ref, batch_ref, w2a_ref, rr_ref,
                 x2_ref, s2_ref):
    dv = dinv_ref[...]
    x2 = dv * a1_ref[...] + b1_ref[...]
    x2_ref[...] = x2
    z = jnp.maximum(x2, 0.0)
    bb = batch_ref[0, 0, :]
    oh = (bb[:, None] == lax.broadcasted_iota(jnp.int32, (BLK, NG), 1)
          ).astype(jnp.float32)
    h2 = (jnp.dot(z, w2a_ref[...], preferred_element_type=jnp.float32)
          + jnp.dot(oh, rr_ref[...], preferred_element_type=jnp.float32))
    s2_ref[...] = h2 * dv


def _layer2(a1, dinv, b1row, batch3, w2a, rr):
    return pl.pallas_call(
        _layer2_body,
        grid=(NBLK,),
        in_specs=[pl.BlockSpec((BLK, F), lambda i: (i, 0)),
                  pl.BlockSpec((BLK, 1), lambda i: (i, 0)),
                  pl.BlockSpec((1, F), lambda i: (0, 0)),
                  pl.BlockSpec((1, 1, BLK), lambda i: (i, 0, 0)),
                  pl.BlockSpec((F, F), lambda i: (0, 0)),
                  pl.BlockSpec((NG, F), lambda i: (0, 0))],
        out_specs=[pl.BlockSpec((BLK, F), lambda i: (i, 0)),
                   pl.BlockSpec((BLK, F), lambda i: (i, 0))],
        out_shape=[jax.ShapeDtypeStruct((N_PAD, F), jnp.float32),
                   jax.ShapeDtypeStruct((N_PAD, F), jnp.float32)],
    )(a1, dinv, b1row, batch3, w2a, rr)


def _final_body(a2_ref, dinv_ref, b2_ref, batch_ref, x2r_ref, out_ref,
                sums_ref, cnt_ref):
    i = pl.program_id(0)

    @pl.when(i == 0)
    def _():
        sums_ref[...] = jnp.zeros_like(sums_ref)
        cnt_ref[...] = jnp.zeros_like(cnt_ref)

    f = jnp.maximum(dinv_ref[...] * a2_ref[...] + b2_ref[...], 0.0)
    bb = batch_ref[0, 0, :]
    oh = (lax.broadcasted_iota(jnp.int32, (NG, BLK), 0) == bb[None, :]
          ).astype(jnp.float32)
    sums_ref[...] += jnp.dot(oh, f, preferred_element_type=jnp.float32)
    cnt_ref[...] += jnp.dot(oh, jnp.ones((BLK, 1), jnp.float32),
                            preferred_element_type=jnp.float32)

    @pl.when(i == NBLK - 1)
    def _():
        cnt = cnt_ref[...]
        out_ref[:, :F] = sums_ref[...] / jnp.maximum(cnt, 1.0)
        out_ref[:, F:] = jnp.where(cnt > 0.0, x2r_ref[...], 0.0)


def _final(a2, dinv, b2row, batch3, x2r):
    return pl.pallas_call(
        _final_body,
        grid=(NBLK,),
        in_specs=[pl.BlockSpec((BLK, F), lambda i: (i, 0)),
                  pl.BlockSpec((BLK, 1), lambda i: (i, 0)),
                  pl.BlockSpec((1, F), lambda i: (0, 0)),
                  pl.BlockSpec((1, 1, BLK), lambda i: (i, 0, 0)),
                  pl.BlockSpec((NG, F), lambda i: (0, 0))],
        out_specs=pl.BlockSpec((NG, 2 * F), lambda i: (0, 0)),
        out_shape=jax.ShapeDtypeStruct((NG, 2 * F), jnp.float32),
        scratch_shapes=[pltpu.VMEM((NG, F), jnp.float32),
                        pltpu.VMEM((NG, 1), jnp.float32)],
    )(a2, dinv, b2row, batch3, x2r)



_NSUB = 32
_EPS = E_PAD // _NSUB
_NWIN = _EPS // 128

_sc_mesh = plsc.VectorSubcoreMesh(core_axis_name="c", subcore_axis_name="s")

_sc_params = pltpu.CompilerParams()
if "needs_layout_passes" in pltpu.CompilerParams.__dataclass_fields__:
    _sc_params = dataclasses.replace(_sc_params, needs_layout_passes=False)


def _msg_sc_body(s_hbm, src_hbm, ridx_hbm, msg_hbm, xr_hbm, rows, srcbuf,
                 ridxbuf):
    c = lax.axis_index("c")
    s_id = lax.axis_index("s")
    wid = s_id * 2 + c

    @pl.loop(0, _NWIN)
    def _(w):
        eoff = wid * _EPS + w * 128
        pltpu.sync_copy(src_hbm.at[pl.ds(eoff, 128)], srcbuf)
        pltpu.sync_copy(s_hbm.at[srcbuf], rows)
        pltpu.sync_copy(rows, msg_hbm.at[pl.ds(eoff, 128)])

    @pl.when(jnp.logical_and(c == 0, s_id == 0))
    def _():
        pltpu.sync_copy(ridx_hbm, ridxbuf)
        pltpu.sync_copy(s_hbm.at[ridxbuf], rows)
        pltpu.sync_copy(rows, xr_hbm)


def _msg_sc(s, srcF, ridx):
    k = functools.partial(
        pl.kernel,
        mesh=_sc_mesh,
        out_type=[jax.ShapeDtypeStruct((E_PAD, F), jnp.float32),
                  jax.ShapeDtypeStruct((NG, F), jnp.float32)],
        compiler_params=_sc_params,
        scratch_types=[
            pltpu.VMEM((128, F), jnp.float32),
            pltpu.VMEM((128,), jnp.int32),
            pltpu.VMEM((NG,), jnp.int32),
        ],
    )(_msg_sc_body)
    return k(s, srcF, ridx)



def kernel(x, edge_index, batch, root_index, W1, b1, W2, b2):
    x_pad = jnp.pad(x, ((0, N_PAD - N_NODES), (0, 0)))
    npad = E_PAD - E_FULL
    loops = jnp.arange(N_PAD, dtype=jnp.int32)
    padv = N_NODES + (jnp.arange(npad, dtype=jnp.int32) % (N_PAD - N_NODES))
    srcF = jnp.concatenate([edge_index[0], loops, padv])
    dstF = jnp.concatenate([edge_index[1], loops, padv])
    batch_pad = jnp.pad(batch, (0, N_PAD - N_NODES),
                        constant_values=NG)
    batch3 = batch_pad.reshape(NBLK, 1, BLK)
    b1row = b1.reshape(1, F)
    b2row = b2.reshape(1, F)
    w2a = W2[:F]
    w2b = W2[F:]

    degcol = jax.ops.segment_sum(jnp.ones((E_PAD,), jnp.float32), dstF,
                                 num_segments=N_PAD)[:, None]
    h1 = _matmul(x_pad, W1)
    s1, dinv = _scale(h1, degcol)
    msg1, _ = _msg_sc(s1, srcF, root_index)
    a1 = jax.ops.segment_sum(msg1, dstF, num_segments=N_PAD)
    xr = jnp.take(x_pad, root_index, axis=0)
    rr = _root_mm(xr, w2b)
    x2, s2 = _layer2(a1, dinv, b1row, batch3, w2a, rr)
    msg2, _ = _msg_sc(s2, srcF, root_index)
    a2 = jax.ops.segment_sum(msg2, dstF, num_segments=N_PAD)
    x2r = jnp.take(x2, root_index, axis=0)
    return _final(a2, dinv, b2row, batch3, x2r)

# --- scband reference (transcript-rebuilt; emitter-appended) ---
"""Pipeline reference for scband-tdrumor-gcn-82188494176322 (READ-ONLY COPY).

The authoritative reference and input builder live on the scoring server;
editing this copy changes nothing except your own understanding.
"""

import jax, jax.numpy as jnp
import numpy as np

N = 10000
E = 160000
F_IN = 256
F_HID = 256
F_OUT = 256
G = 128


def setup_inputs(seed: int = 0) -> dict:
    key = jax.random.key(seed)
    k1, k2, k3, k4, k5, k6 = jax.random.split(key, 6)
    x = jax.random.normal(k1, (N, F_IN), dtype=jnp.float32)
    edge_index = jax.random.randint(k2, (2, E), 0, N, dtype=jnp.int32)
    batch = jnp.sort(jax.random.randint(k3, (N,), 0, G, dtype=jnp.int32))
    root_index = jax.random.randint(k4, (G,), 0, N, dtype=jnp.int32)
    W1 = jax.random.normal(k5, (F_IN, F_HID), dtype=jnp.float32) * 0.05
    b1 = jnp.zeros((F_HID,), dtype=jnp.float32)
    W2 = jax.random.normal(k6, (F_HID + F_IN, F_OUT), dtype=jnp.float32) * 0.05
    b2 = jnp.zeros((F_OUT,), dtype=jnp.float32)
    return {"x": x, "edge_index": edge_index, "batch": batch, "root_index": root_index,
            "W1": W1, "b1": b1, "W2": W2, "b2": b2}


def _gcn_conv(x, edge_index, W, b):
    # PyG GCNConv: add self-loops, symmetric normalization, scatter-add aggregation
    num_nodes = x.shape[0]
    loop = jnp.arange(num_nodes, dtype=edge_index.dtype)
    src = jnp.concatenate([edge_index[0], loop])
    dst = jnp.concatenate([edge_index[1], loop])
    h = x @ W
    deg = jax.ops.segment_sum(jnp.ones(src.shape[0], dtype=h.dtype), dst, num_segments=num_nodes)
    dinv = jnp.where(deg > 0, 1.0 / jnp.sqrt(deg), 0.0)
    norm = dinv[src] * dinv[dst]
    msg = h[src] * norm[:, None]
    out = jax.ops.segment_sum(msg, dst, num_segments=num_nodes)
    return out + b


def reference(x, edge_index, batch, root_index, W1, b1, W2, b2):
    x1 = x.astype(jnp.float32)
    h = _gcn_conv(x1, edge_index, W1, b1)
    x2 = h
    # root feature broadcast: root_extend[i] = x1[root_index[batch[i]]]
    root_extend = jnp.take(x1, jnp.take(root_index, batch, axis=0), axis=0)
    h = jnp.concatenate([h, root_extend], axis=1)
    h = jax.nn.relu(h)
    # dropout p=0.2 is identity in eval mode
    h = _gcn_conv(h, edge_index, W2, b2)
    h = jax.nn.relu(h)
    root_extend2 = jnp.take(x2, jnp.take(root_index, batch, axis=0), axis=0)
    h = jnp.concatenate([h, root_extend2], axis=1)
    # scatter_mean over graph ids
    sums = jax.ops.segment_sum(h, batch, num_segments=G)
    counts = jax.ops.segment_sum(jnp.ones((h.shape[0],), dtype=h.dtype), batch, num_segments=G)
    return sums / jnp.maximum(counts, 1.0)[:, None]

if __name__ == "__main__":
    import jax
    _d = setup_inputs()
    print(jax.jit(kernel)(*tuple(_d.values())))

</pallas_src>

<mosaic_0001>
#map = affine_map<(d0, d1) -> (0, 0)>
#map1 = affine_map<(d0, d1) -> (0)>
module attributes {stable_mosaic.version = 14 : i64} {
  func.func @_msg_sc_body(%arg0: i32, %arg1: i32, %arg2: memref<10240x256xf32, #tpu.memory_space<hbm>>, %arg3: memref<172032xi32, #tpu.memory_space<hbm>>, %arg4: memref<128xi32, #tpu.memory_space<hbm>>, %arg5: memref<172032x256xf32, #tpu.memory_space<hbm>>, %arg6: memref<128x256xf32, #tpu.memory_space<hbm>>, %arg7: memref<128x256xf32, #tpu.memory_space<vmem>>, %arg8: memref<128xi32, #tpu.memory_space<vmem>>, %arg9: memref<128xi32, #tpu.memory_space<vmem>>) attributes {dimension_semantics = [#tpu.dimension_semantics<core_parallel>, #tpu.dimension_semantics<subcore_parallel>], iteration_bounds = array<i64: 2, 16>, scalar_prefetch = 0 : i64, scratch_operands = 3 : i64, tpu.core_type = #tpu.core_type<sc_vector_subcore>, window_params = [{transform_indices = #map}, {transform_indices = #map1}, {transform_indices = #map1}, {transform_indices = #map}, {transform_indices = #map}]} {
    %mul3A = arith.constant 2 : i32
    %mul3A_0 = arith.muli %arg1, %mul3A : i32
    %add3A = arith.addi %mul3A_0, %arg0 : i32
    %scan3A = arith.constant 0 : i32
    %scan3A_1 = arith.constant 42 : i32
    %scan3A_2 = arith.addi %scan3A, %scan3A_1 : i32
    %scan3A_3 = arith.constant 1 : i32
    scf.for %scan3A_9 = %scan3A to %scan3A_2 step %scan3A_3  : i32 {
      %mul3A_10 = arith.constant 1 : i32
      %mul3A_11 = arith.muli %scan3A_9, %mul3A_10 : i32
      %add3A_12 = arith.constant 0 : i32
      %add3A_13 = arith.addi %add3A_12, %mul3A_11 : i32
      %mul3A_14 = arith.constant 5376 : i32
      %mul3A_15 = arith.muli %add3A, %mul3A_14 : i32
      %mul3A_16 = arith.constant 128 : i32
      %mul3A_17 = arith.muli %add3A_13, %mul3A_16 : i32
      %add3A_18 = arith.addi %mul3A_15, %mul3A_17 : i32
      "tpu.region"() ({
        %run_scoped3A = tpu.sem_alloc : memref<!tpu.dma_semaphore, #tpu.memory_space<semaphore_mem>>
        %dma_start3A = tpu.memref_slice %arg3[%add3A_18] : memref<172032xi32, #tpu.memory_space<hbm>> -> memref<128xi32, #tpu.memory_space<hbm>>
        %dma_start3A_19 = tpu.memref_slice %arg3[%add3A_18] : memref<172032xi32, #tpu.memory_space<hbm>> -> memref<128xi32, #tpu.memory_space<hbm>>
        tpu.enqueue_dma source(%dma_start3A_19 : memref<128xi32, #tpu.memory_space<hbm>>) target(%arg8 : memref<128xi32, #tpu.memory_space<vmem>>) target_semaphore(%run_scoped3A : memref<!tpu.dma_semaphore, #tpu.memory_space<semaphore_mem>>)
        %dma_wait3A = tpu.memref_slice %arg3[%add3A_18] : memref<172032xi32, #tpu.memory_space<hbm>> -> memref<128xi32, #tpu.memory_space<hbm>>
        %dma_wait3A_20 = tpu.memref_slice %arg3[%add3A_18] : memref<172032xi32, #tpu.memory_space<hbm>> -> memref<128xi32, #tpu.memory_space<hbm>>
        tpu.wait_dma2 semaphore(%run_scoped3A : memref<!tpu.dma_semaphore, #tpu.memory_space<semaphore_mem>>) src(%dma_wait3A_20 : memref<128xi32, #tpu.memory_space<hbm>>) dst(%arg8 : memref<128xi32, #tpu.memory_space<vmem>>)
        tpu.yield
      }) : () -> ()
      "tpu.region"() ({
        %run_scoped3A = tpu.sem_alloc : memref<!tpu.dma_semaphore, #tpu.memory_space<semaphore_mem>>
        %dma_start3A = arith.constant 0 : i32
        %dma_start3A_19 = arith.constant 0 : i32
        %dma_start3A_20 = tpu.memref_slice %arg2[%dma_start3A, %dma_start3A_19] : memref<10240x256xf32, #tpu.memory_space<hbm>> -> memref<10240x256xf32, #tpu.memory_space<hbm>>
        tpu.enqueue_indirect_dma source(%dma_start3A_20 : memref<10240x256xf32, #tpu.memory_space<hbm>>) target(%arg7 : memref<128x256xf32, #tpu.memory_space<vmem>>) offsets(%arg8 : memref<128xi32, #tpu.memory_space<vmem>>) semaphore(%run_scoped3A : memref<!tpu.dma_semaphore, #tpu.memory_space<semaphore_mem>>)
        %dma_wait3A = arith.constant 0 : i32
        %dma_wait3A_21 = arith.constant 0 : i32
        %dma_wait3A_22 = tpu.memref_slice %arg2[%dma_wait3A, %dma_wait3A_21] : memref<10240x256xf32, #tpu.memory_space<hbm>> -> memref<10240x256xf32, #tpu.memory_space<hbm>>
        tpu.wait_indirect_dma semaphore(%run_scoped3A : memref<!tpu.dma_semaphore, #tpu.memory_space<semaphore_mem>>) src(%dma_wait3A_22 : memref<10240x256xf32, #tpu.memory_space<hbm>>) dst(%arg7 : memref<128x256xf32, #tpu.memory_space<vmem>>)
        tpu.yield
      }) : () -> ()
      "tpu.region"() ({
        %run_scoped3A = tpu.sem_alloc : memref<!tpu.dma_semaphore, #tpu.memory_space<semaphore_mem>>
        %dma_start3A = arith.constant 0 : i32
        %dma_start3A_19 = tpu.memref_slice %arg5[%add3A_18, %dma_start3A] : memref<172032x256xf32, #tpu.memory_space<hbm>> -> memref<128x256xf32, #tpu.memory_space<hbm>>
        %dma_start3A_20 = arith.constant 0 : i32
        %dma_start3A_21 = tpu.memref_slice %arg5[%add3A_18, %dma_start3A_20] : memref<172032x256xf32, #tpu.memory_space<hbm>> -> memref<128x256xf32, #tpu.memory_space<hbm>>
        tpu.enqueue_dma source(%arg7 : memref<128x256xf32, #tpu.memory_space<vmem>>) target(%dma_start3A_21 : memref<128x256xf32, #tpu.memory_space<hbm>>) target_semaphore(%run_scoped3A : memref<!tpu.dma_semaphore, #tpu.memory_space<semaphore_mem>>)
        %dma_wait3A = arith.constant 0 : i32
        %dma_wait3A_22 = tpu.memref_slice %arg5[%add3A_18, %dma_wait3A] : memref<172032x256xf32, #tpu.memory_space<hbm>> -> memref<128x256xf32, #tpu.memory_space<hbm>>
        %dma_wait3A_23 = arith.constant 0 : i32
        %dma_wait3A_24 = tpu.memref_slice %arg5[%add3A_18, %dma_wait3A_23] : memref<172032x256xf32, #tpu.memory_space<hbm>> -> memref<128x256xf32, #tpu.memory_space<hbm>>
        tpu.wait_dma2 semaphore(%run_scoped3A : memref<!tpu.dma_semaphore, #tpu.memory_space<semaphore_mem>>) src(%arg7 : memref<128x256xf32, #tpu.memory_space<vmem>>) dst(%dma_wait3A_24 : memref<128x256xf32, #tpu.memory_space<hbm>>)
        tpu.yield
      }) : () -> ()
    }
    %scan3A_4 = arith.constant 42 : i32
    %eq3A = arith.constant 0 : i32
    %eq3A_5 = arith.cmpi eq, %arg0, %eq3A : i32
    %eq3A_6 = arith.constant 0 : i32
    %eq3A_7 = arith.cmpi eq, %arg1, %eq3A_6 : i32
    %and3A = arith.andi %eq3A_5, %eq3A_7 : i1
    %convert_element_type3A = arith.extui %and3A : i1 to i32
    %cond3A = arith.constant 0 : i32
    %cond3A_8 = arith.cmpi ne, %convert_element_type3A, %cond3A : i32
    scf.if %cond3A_8 {
      "tpu.region"() ({
        %run_scoped3A = tpu.sem_alloc : memref<!tpu.dma_semaphore, #tpu.memory_space<semaphore_mem>>
        tpu.enqueue_dma source(%arg4 : memref<128xi32, #tpu.memory_space<hbm>>) target(%arg9 : memref<128xi32, #tpu.memory_space<vmem>>) target_semaphore(%run_scoped3A : memref<!tpu.dma_semaphore, #tpu.memory_space<semaphore_mem>>)
        tpu.wait_dma2 semaphore(%run_scoped3A : memref<!tpu.dma_semaphore, #tpu.memory_space<semaphore_mem>>) src(%arg4 : memref<128xi32, #tpu.memory_space<hbm>>) dst(%arg9 : memref<128xi32, #tpu.memory_space<vmem>>)
        tpu.yield
      }) : () -> ()
      "tpu.region"() ({
        %run_scoped3A = tpu.sem_alloc : memref<!tpu.dma_semaphore, #tpu.memory_space<semaphore_mem>>
        %dma_start3A = arith.constant 0 : i32
        %dma_start3A_9 = arith.constant 0 : i32
        %dma_start3A_10 = tpu.memref_slice %arg2[%dma_start3A, %dma_start3A_9] : memref<10240x256xf32, #tpu.memory_space<hbm>> -> memref<10240x256xf32, #tpu.memory_space<hbm>>
        tpu.enqueue_indirect_dma source(%dma_start3A_10 : memref<10240x256xf32, #tpu.memory_space<hbm>>) target(%arg7 : memref<128x256xf32, #tpu.memory_space<vmem>>) offsets(%arg9 : memref<128xi32, #tpu.memory_space<vmem>>) semaphore(%run_scoped3A : memref<!tpu.dma_semaphore, #tpu.memory_space<semaphore_mem>>)
        %dma_wait3A = arith.constant 0 : i32
        %dma_wait3A_11 = arith.constant 0 : i32
        %dma_wait3A_12 = tpu.memref_slice %arg2[%dma_wait3A, %dma_wait3A_11] : memref<10240x256xf32, #tpu.memory_space<hbm>> -> memref<10240x256xf32, #tpu.memory_space<hbm>>
        tpu.wait_indirect_dma semaphore(%run_scoped3A : memref<!tpu.dma_semaphore, #tpu.memory_space<semaphore_mem>>) src(%dma_wait3A_12 : memref<10240x256xf32, #tpu.memory_space<hbm>>) dst(%arg7 : memref<128x256xf32, #tpu.memory_space<vmem>>)
        tpu.yield
      }) : () -> ()
      "tpu.region"() ({
        %run_scoped3A = tpu.sem_alloc : memref<!tpu.dma_semaphore, #tpu.memory_space<semaphore_mem>>
        tpu.enqueue_dma source(%arg7 : memref<128x256xf32, #tpu.memory_space<vmem>>) target(%arg6 : memref<128x256xf32, #tpu.memory_space<hbm>>) target_semaphore(%run_scoped3A : memref<!tpu.dma_semaphore, #tpu.memory_space<semaphore_mem>>)
        tpu.wait_dma2 semaphore(%run_scoped3A : memref<!tpu.dma_semaphore, #tpu.memory_space<semaphore_mem>>) src(%arg7 : memref<128x256xf32, #tpu.memory_space<vmem>>) dst(%arg6 : memref<128x256xf32, #tpu.memory_space<hbm>>)
        tpu.yield
      }) : () -> ()
    } else {
    }
    return
  }
}

#map = affine_map<(d0, d1) -> (0, 0)>
#map1 = affine_map<(d0, d1) -> (0)>
module attributes {stable_mosaic.version = 14 : i64} {
  func.func @_msg_sc_body(%arg0: i32, %arg1: i32, %arg2: memref<10240x256xf32, #tpu.memory_space<hbm>>, %arg3: memref<172032xi32, #tpu.memory_space<hbm>>, %arg4: memref<128xi32, #tpu.memory_space<hbm>>, %arg5: memref<172032x256xf32, #tpu.memory_space<hbm>>, %arg6: memref<128x256xf32, #tpu.memory_space<hbm>>, %arg7: memref<128x256xf32, #tpu.memory_space<vmem>>, %arg8: memref<128xi32, #tpu.memory_space<vmem>>, %arg9: memref<128xi32, #tpu.memory_space<vmem>>) attributes {dimension_semantics = [#tpu.dimension_semantics<core_parallel>, #tpu.dimension_semantics<subcore_parallel>], iteration_bounds = array<i64: 2, 16>, scalar_prefetch = 0 : i64, scratch_operands = 3 : i64, tpu.core_type = #tpu.core_type<sc_vector_subcore>, window_params = [{transform_indices = #map}, {transform_indices = #map1}, {transform_indices = #map1}, {transform_indices = #map}, {transform_indices = #map}]} {
    %mul3A = arith.constant 2 : i32
    %mul3A_0 = arith.muli %arg1, %mul3A : i32
    %add3A = arith.addi %mul3A_0, %arg0 : i32
    %scan3A = arith.constant 0 : i32
    %scan3A_1 = arith.constant 42 : i32
    %scan3A_2 = arith.addi %scan3A, %scan3A_1 : i32
    %scan3A_3 = arith.constant 1 : i32
    scf.for %scan3A_9 = %scan3A to %scan3A_2 step %scan3A_3  : i32 {
      %mul3A_10 = arith.constant 1 : i32
      %mul3A_11 = arith.muli %scan3A_9, %mul3A_10 : i32
      %add3A_12 = arith.constant 0 : i32
      %add3A_13 = arith.addi %add3A_12, %mul3A_11 : i32
      %mul3A_14 = arith.constant 5376 : i32
      %mul3A_15 = arith.muli %add3A, %mul3A_14 : i32
      %mul3A_16 = arith.constant 128 : i32
      %mul3A_17 = arith.muli %add3A_13, %mul3A_16 : i32
      %add3A_18 = arith.addi %mul3A_15, %mul3A_17 : i32
      "tpu.region"() ({
        %run_scoped3A = tpu.sem_alloc : memref<!tpu.dma_semaphore, #tpu.memory_space<semaphore_mem>>
        %dma_start3A = tpu.memref_slice %arg3[%add3A_18] : memref<172032xi32, #tpu.memory_space<hbm>> -> memref<128xi32, #tpu.memory_space<hbm>>
        %dma_start3A_19 = tpu.memref_slice %arg3[%add3A_18] : memref<172032xi32, #tpu.memory_space<hbm>> -> memref<128xi32, #tpu.memory_space<hbm>>
        tpu.enqueue_dma source(%dma_start3A_19 : memref<128xi32, #tpu.memory_space<hbm>>) target(%arg8 : memref<128xi32, #tpu.memory_space<vmem>>) target_semaphore(%run_scoped3A : memref<!tpu.dma_semaphore, #tpu.memory_space<semaphore_mem>>)
        %dma_wait3A = tpu.memref_slice %arg3[%add3A_18] : memref<172032xi32, #tpu.memory_space<hbm>> -> memref<128xi32, #tpu.memory_space<hbm>>
        %dma_wait3A_20 = tpu.memref_slice %arg3[%add3A_18] : memref<172032xi32, #tpu.memory_space<hbm>> -> memref<128xi32, #tpu.memory_space<hbm>>
        tpu.wait_dma2 semaphore(%run_scoped3A : memref<!tpu.dma_semaphore, #tpu.memory_space<semaphore_mem>>) src(%dma_wait3A_20 : memref<128xi32, #tpu.memory_space<hbm>>) dst(%arg8 : memref<128xi32, #tpu.memory_space<vmem>>)
        tpu.yield
      }) : () -> ()
      "tpu.region"() ({
        %run_scoped3A = tpu.sem_alloc : memref<!tpu.dma_semaphore, #tpu.memory_space<semaphore_mem>>
        %dma_start3A = arith.constant 0 : i32
        %dma_start3A_19 = arith.constant 0 : i32
        %dma_start3A_20 = tpu.memref_slice %arg2[%dma_start3A, %dma_start3A_19] : memref<10240x256xf32, #tpu.memory_space<hbm>> -> memref<10240x256xf32, #tpu.memory_space<hbm>>
        tpu.enqueue_indirect_dma source(%dma_start3A_20 : memref<10240x256xf32, #tpu.memory_space<hbm>>) target(%arg7 : memref<128x256xf32, #tpu.memory_space<vmem>>) offsets(%arg8 : memref<128xi32, #tpu.memory_space<vmem>>) semaphore(%run_scoped3A : memref<!tpu.dma_semaphore, #tpu.memory_space<semaphore_mem>>)
        %dma_wait3A = arith.constant 0 : i32
        %dma_wait3A_21 = arith.constant 0 : i32
        %dma_wait3A_22 = tpu.memref_slice %arg2[%dma_wait3A, %dma_wait3A_21] : memref<10240x256xf32, #tpu.memory_space<hbm>> -> memref<10240x256xf32, #tpu.memory_space<hbm>>
        tpu.wait_indirect_dma semaphore(%run_scoped3A : memref<!tpu.dma_semaphore, #tpu.memory_space<semaphore_mem>>) src(%dma_wait3A_22 : memref<10240x256xf32, #tpu.memory_space<hbm>>) dst(%arg7 : memref<128x256xf32, #tpu.memory_space<vmem>>)
        tpu.yield
      }) : () -> ()
      "tpu.region"() ({
        %run_scoped3A = tpu.sem_alloc : memref<!tpu.dma_semaphore, #tpu.memory_space<semaphore_mem>>
        %dma_start3A = arith.constant 0 : i32
        %dma_start3A_19 = tpu.memref_slice %arg5[%add3A_18, %dma_start3A] : memref<172032x256xf32, #tpu.memory_space<hbm>> -> memref<128x256xf32, #tpu.memory_space<hbm>>
        %dma_start3A_20 = arith.constant 0 : i32
        %dma_start3A_21 = tpu.memref_slice %arg5[%add3A_18, %dma_start3A_20] : memref<172032x256xf32, #tpu.memory_space<hbm>> -> memref<128x256xf32, #tpu.memory_space<hbm>>
        tpu.enqueue_dma source(%arg7 : memref<128x256xf32, #tpu.memory_space<vmem>>) target(%dma_start3A_21 : memref<128x256xf32, #tpu.memory_space<hbm>>) target_semaphore(%run_scoped3A : memref<!tpu.dma_semaphore, #tpu.memory_space<semaphore_mem>>)
        %dma_wait3A = arith.constant 0 : i32
        %dma_wait3A_22 = tpu.memref_slice %arg5[%add3A_18, %dma_wait3A] : memref<172032x256xf32, #tpu.memory_space<hbm>> -> memref<128x256xf32, #tpu.memory_space<hbm>>
        %dma_wait3A_23 = arith.constant 0 : i32
        %dma_wait3A_24 = tpu.memref_slice %arg5[%add3A_18, %dma_wait3A_23] : memref<172032x256xf32, #tpu.memory_space<hbm>> -> memref<128x256xf32, #tpu.memory_space<hbm>>
        tpu.wait_dma2 semaphore(%run_scoped3A : memref<!tpu.dma_semaphore, #tpu.memory_space<semaphore_mem>>) src(%arg7 : memref<128x256xf32, #tpu.memory_space<vmem>>) dst(%dma_wait3A_24 : memref<128x256xf32, #tpu.memory_space<hbm>>)
        tpu.yield
      }) : () -> ()
    }
    %scan3A_4 = arith.constant 42 : i32
    %eq3A = arith.constant 0 : i32
    %eq3A_5 = arith.cmpi eq, %arg0, %eq3A : i32
    %eq3A_6 = arith.constant 0 : i32
    %eq3A_7 = arith.cmpi eq, %arg1, %eq3A_6 : i32
    %and3A = arith.andi %eq3A_5, %eq3A_7 : i1
    %convert_element_type3A = arith.extui %and3A : i1 to i32
    %cond3A = arith.constant 0 : i32
    %cond3A_8 = arith.cmpi ne, %convert_element_type3A, %cond3A : i32
    scf.if %cond3A_8 {
      "tpu.region"() ({
        %run_scoped3A = tpu.sem_alloc : memref<!tpu.dma_semaphore, #tpu.memory_space<semaphore_mem>>
        tpu.enqueue_dma source(%arg4 : memref<128xi32, #tpu.memory_space<hbm>>) target(%arg9 : memref<128xi32, #tpu.memory_space<vmem>>) target_semaphore(%run_scoped3A : memref<!tpu.dma_semaphore, #tpu.memory_space<semaphore_mem>>)
        tpu.wait_dma2 semaphore(%run_scoped3A : memref<!tpu.dma_semaphore, #tpu.memory_space<semaphore_mem>>) src(%arg4 : memref<128xi32, #tpu.memory_space<hbm>>) dst(%arg9 : memref<128xi32, #tpu.memory_space<vmem>>)
        tpu.yield
      }) : () -> ()
      "tpu.region"() ({
        %run_scoped3A = tpu.sem_alloc : memref<!tpu.dma_semaphore, #tpu.memory_space<semaphore_mem>>
        %dma_start3A = arith.constant 0 : i32
        %dma_start3A_9 = arith.constant 0 : i32
        %dma_start3A_10 = tpu.memref_slice %arg2[%dma_start3A, %dma_start3A_9] : memref<10240x256xf32, #tpu.memory_space<hbm>> -> memref<10240x256xf32, #tpu.memory_space<hbm>>
        tpu.enqueue_indirect_dma source(%dma_start3A_10 : memref<10240x256xf32, #tpu.memory_space<hbm>>) target(%arg7 : memref<128x256xf32, #tpu.memory_space<vmem>>) offsets(%arg9 : memref<128xi32, #tpu.memory_space<vmem>>) semaphore(%run_scoped3A : memref<!tpu.dma_semaphore, #tpu.memory_space<semaphore_mem>>)
        %dma_wait3A = arith.constant 0 : i32
        %dma_wait3A_11 = arith.constant 0 : i32
        %dma_wait3A_12 = tpu.memref_slice %arg2[%dma_wait3A, %dma_wait3A_11] : memref<10240x256xf32, #tpu.memory_space<hbm>> -> memref<10240x256xf32, #tpu.memory_space<hbm>>
        tpu.wait_indirect_dma semaphore(%run_scoped3A : memref<!tpu.dma_semaphore, #tpu.memory_space<semaphore_mem>>) src(%dma_wait3A_12 : memref<10240x256xf32, #tpu.memory_space<hbm>>) dst(%arg7 : memref<128x256xf32, #tpu.memory_space<vmem>>)
        tpu.yield
      }) : () -> ()
      "tpu.region"() ({
        %run_scoped3A = tpu.sem_alloc : memref<!tpu.dma_semaphore, #tpu.memory_space<semaphore_mem>>
        tpu.enqueue_dma source(%arg7 : memref<128x256xf32, #tpu.memory_space<vmem>>) target(%arg6 : memref<128x256xf32, #tpu.memory_space<hbm>>) target_semaphore(%run_scoped3A : memref<!tpu.dma_semaphore, #tpu.memory_space<semaphore_mem>>)
        tpu.wait_dma2 semaphore(%run_scoped3A : memref<!tpu.dma_semaphore, #tpu.memory_space<semaphore_mem>>) src(%arg7 : memref<128x256xf32, #tpu.memory_space<vmem>>) dst(%arg6 : memref<128x256xf32, #tpu.memory_space<hbm>>)
        tpu.yield
      }) : () -> ()
    } else {
    }
    return
  }
}

module attributes {stable_mosaic.version = 14 : i64} {
  func.func @_mm_body(%arg0: i32, %arg1: memref<512x256xf32, #tpu.memory_space<vmem>>, %arg2: memref<256x256xf32, #tpu.memory_space<vmem>>, %arg3: memref<512x256xf32, #tpu.memory_space<vmem>>) attributes {dimension_semantics = [#tpu.dimension_semantics<arbitrary>], iteration_bounds = array<i64: 20>, scalar_prefetch = 0 : i64, scratch_operands = 0 : i64, tpu.core_type = #tpu.core_type<tc>, window_params = [{transform_indices = @transform_0, window_bounds = array<i64: 512, 256>}, {pipeline_mode = #tpu.pipeline_mode<synchronous>, transform_indices = @transform_1, window_bounds = array<i64: 256, 256>}, {transform_indices = @transform_2, window_bounds = array<i64: 512, 256>}]} {
    %get3A = arith.constant 0 : index
    %get3A_0 = arith.constant 0 : index
    %get3A_1 = vector.load %arg1[%get3A, %get3A_0] : memref<512x256xf32, #tpu.memory_space<vmem>>, vector<512x256xf32>
    %get3A_2 = arith.constant 0 : index
    %get3A_3 = arith.constant 0 : index
    %get3A_4 = vector.load %arg2[%get3A_2, %get3A_3] : memref<256x256xf32, #tpu.memory_space<vmem>>, vector<256x256xf32>
    %dot_general3A = arith.constant dense<0.000000e+00> : vector<512x256xf32>
    %dot_general3A_5 = tpu.matmul %get3A_1, %get3A_4, %dot_general3A {dimension_numbers = #tpu.dot_dimension_numbers<[1], [0], [0], [1], [0, 0, 1, 1], [], []>, transpose_lhs_hint = false} : vector<512x256xf32>, vector<256x256xf32>, vector<512x256xf32> -> vector<512x256xf32>
    %swap3A = arith.constant 0 : index
    %swap3A_6 = arith.constant 0 : index
    %swap3A_7 = vector.load %arg3[%swap3A, %swap3A_6] : memref<512x256xf32, #tpu.memory_space<vmem>>, vector<512x256xf32>
    tpu.vector_store %arg3[%swap3A, %swap3A_6], %dot_general3A_5 {strides = array<i32>} : memref<512x256xf32, #tpu.memory_space<vmem>>, vector<512x256xf32>,
    return
  }
  func.func @transform_0(%arg0: i32) -> (i32, i32) {
    %c0_i32 = arith.constant 0 : i32
    %c0_i32_0 = arith.constant 0 : i32
    return %arg0, %c0_i32 : i32, i32
  }
  func.func @transform_1(%arg0: i32) -> (i32, i32) {
    %c0_i32 = arith.constant 0 : i32
    %c0_i32_0 = arith.constant 0 : i32
    %c0_i32_1 = arith.constant 0 : i32
    return %c0_i32, %c0_i32_0 : i32, i32
  }
  func.func @transform_2(%arg0: i32) -> (i32, i32) {
    %c0_i32 = arith.constant 0 : i32
    %c0_i32_0 = arith.constant 0 : i32
    return %arg0, %c0_i32 : i32, i32
  }
}

module attributes {stable_mosaic.version = 14 : i64} {
  func.func @_scale_body(%arg0: i32, %arg1: memref<512x256xf32, #tpu.memory_space<vmem>>, %arg2: memref<512x1xf32, #tpu.memory_space<vmem>>, %arg3: memref<512x256xf32, #tpu.memory_space<vmem>>, %arg4: memref<512x1xf32, #tpu.memory_space<vmem>>) attributes {dimension_semantics = [#tpu.dimension_semantics<arbitrary>], iteration_bounds = array<i64: 20>, scalar_prefetch = 0 : i64, scratch_operands = 0 : i64, tpu.core_type = #tpu.core_type<tc>, window_params = [{transform_indices = @transform_0, window_bounds = array<i64: 512, 256>}, {transform_indices = @transform_1, window_bounds = array<i64: 512, 1>}, {transform_indices = @transform_2, window_bounds = array<i64: 512, 256>}, {transform_indices = @transform_3, window_bounds = array<i64: 512, 1>}]} {
    %get3A = arith.constant 0 : index
    %get3A_0 = arith.constant 0 : index
    %get3A_1 = vector.load %arg2[%get3A, %get3A_0] : memref<512x1xf32, #tpu.memory_space<vmem>>, vector<512x1xf32>
    %rsqrt3A = math.rsqrt %get3A_1 : vector<512x1xf32>
    %swap3A = arith.constant 0 : index
    %swap3A_2 = arith.constant 0 : index
    %swap3A_3 = vector.load %arg4[%swap3A, %swap3A_2] : memref<512x1xf32, #tpu.memory_space<vmem>>, vector<512x1xf32>
    tpu.vector_store %arg4[%swap3A, %swap3A_2], %rsqrt3A {strides = array<i32>} : memref<512x1xf32, #tpu.memory_space<vmem>>, vector<512x1xf32>,
    %get3A_4 = arith.constant 0 : index
    %get3A_5 = arith.constant 0 : index
    %get3A_6 = vector.load %arg1[%get3A_4, %get3A_5] : memref<512x256xf32, #tpu.memory_space<vmem>>, vector<512x256xf32>
    %mul3A = vector.broadcast %rsqrt3A : vector<512x1xf32> to vector<512x256xf32>
    %mul3A_7 = arith.mulf %get3A_6, %mul3A : vector<512x256xf32>
    %swap3A_8 = arith.constant 0 : index
    %swap3A_9 = arith.constant 0 : index
    %swap3A_10 = vector.load %arg3[%swap3A_8, %swap3A_9] : memref<512x256xf32, #tpu.memory_space<vmem>>, vector<512x256xf32>
    tpu.vector_store %arg3[%swap3A_8, %swap3A_9], %mul3A_7 {strides = array<i32>} : memref<512x256xf32, #tpu.memory_space<vmem>>, vector<512x256xf32>,
    return
  }
  func.func @transform_0(%arg0: i32) -> (i32, i32) {
    %c0_i32 = arith.constant 0 : i32
    %c0_i32_0 = arith.constant 0 : i32
    return %arg0, %c0_i32 : i32, i32
  }
  func.func @transform_1(%arg0: i32) -> (i32, i32) {
    %c0_i32 = arith.constant 0 : i32
    %c0_i32_0 = arith.constant 0 : i32
    return %arg0, %c0_i32 : i32, i32
  }
  func.func @transform_2(%arg0: i32) -> (i32, i32) {
    %c0_i32 = arith.constant 0 : i32
    %c0_i32_0 = arith.constant 0 : i32
    return %arg0, %c0_i32 : i32, i32
  }
  func.func @transform_3(%arg0: i32) -> (i32, i32) {
    %c0_i32 = arith.constant 0 : i32
    %c0_i32_0 = arith.constant 0 : i32
    return %arg0, %c0_i32 : i32, i32
  }
}

module attributes {stable_mosaic.version = 14 : i64} {
  func.func @_root_mm_body(%arg0: memref<128x256xf32, #tpu.memory_space<vmem>>, %arg1: memref<256x256xf32, #tpu.memory_space<vmem>>, %arg2: memref<128x256xf32, #tpu.memory_space<vmem>>) attributes {dimension_semantics = [], scalar_prefetch = 0 : i64, scratch_operands = 0 : i64, tpu.core_type = #tpu.core_type<tc>} {
    %get3A = arith.constant 0 : index
    %get3A_0 = arith.constant 0 : index
    %get3A_1 = vector.load %arg0[%get3A, %get3A_0] : memref<128x256xf32, #tpu.memory_space<vmem>>, vector<128x256xf32>
    %max3A = arith.constant 0.000000e+00 : f32
    %max3A_2 = vector.broadcast %max3A : f32 to vector<128x256xf32>
    %max3A_3 = arith.maximumf %get3A_1, %max3A_2 : vector<128x256xf32>
    %get3A_4 = arith.constant 0 : index
    %get3A_5 = arith.constant 0 : index
    %get3A_6 = vector.load %arg1[%get3A_4, %get3A_5] : memref<256x256xf32, #tpu.memory_space<vmem>>, vector<256x256xf32>
    %dot_general3A = arith.constant dense<0.000000e+00> : vector<128x256xf32>
    %dot_general3A_7 = tpu.matmul %max3A_3, %get3A_6, %dot_general3A {dimension_numbers = #tpu.dot_dimension_numbers<[1], [0], [0], [1], [0, 0, 1, 1], [], []>, transpose_lhs_hint = false} : vector<128x256xf32>, vector<256x256xf32>, vector<128x256xf32> -> vector<128x256xf32>
    %swap3A = arith.constant 0 : index
    %swap3A_8 = arith.constant 0 : index
    %swap3A_9 = vector.load %arg2[%swap3A, %swap3A_8] : memref<128x256xf32, #tpu.memory_space<vmem>>, vector<128x256xf32>
    tpu.vector_store %arg2[%swap3A, %swap3A_8], %dot_general3A_7 {strides = array<i32>} : memref<128x256xf32, #tpu.memory_space<vmem>>, vector<128x256xf32>,
    return
  }
}

module attributes {stable_mosaic.version = 14 : i64} {
  func.func @_layer2_body(%arg0: i32, %arg1: memref<512x256xf32, #tpu.memory_space<vmem>>, %arg2: memref<512x1xf32, #tpu.memory_space<vmem>>, %arg3: memref<1x256xf32, #tpu.memory_space<vmem>>, %arg4: memref<1x1x512xi32, #tpu.memory_space<vmem>>, %arg5: memref<256x256xf32, #tpu.memory_space<vmem>>, %arg6: memref<128x256xf32, #tpu.memory_space<vmem>>, %arg7: memref<512x256xf32, #tpu.memory_space<vmem>>, %arg8: memref<512x256xf32, #tpu.memory_space<vmem>>) attributes {dimension_semantics = [#tpu.dimension_semantics<arbitrary>], iteration_bounds = array<i64: 20>, scalar_prefetch = 0 : i64, scratch_operands = 0 : i64, tpu.core_type = #tpu.core_type<tc>, window_params = [{transform_indices = @transform_0, window_bounds = array<i64: 512, 256>}, {transform_indices = @transform_1, window_bounds = array<i64: 512, 1>}, {pipeline_mode = #tpu.pipeline_mode<synchronous>, transform_indices = @transform_2, window_bounds = array<i64: 1, 256>}, {transform_indices = @transform_3, window_bounds = array<i64: 1, 1, 512>}, {pipeline_mode = #tpu.pipeline_mode<synchronous>, transform_indices = @transform_4, window_bounds = array<i64: 256, 256>}, {pipeline_mode = #tpu.pipeline_mode<synchronous>, transform_indices = @transform_5, window_bounds = array<i64: 128, 256>}, {transform_indices = @transform_6, window_bounds = array<i64: 512, 256>}, {transform_indices = @transform_7, window_bounds = array<i64: 512, 256>}]} {
    %get3A = arith.constant 0 : index
    %get3A_0 = arith.constant 0 : index
    %get3A_1 = vector.load %arg2[%get3A, %get3A_0] : memref<512x1xf32, #tpu.memory_space<vmem>>, vector<512x1xf32>
    %get3A_2 = arith.constant 0 : index
    %get3A_3 = arith.constant 0 : index
    %get3A_4 = vector.load %arg1[%get3A_2, %get3A_3] : memref<512x256xf32, #tpu.memory_space<vmem>>, vector<512x256xf32>
    %mul3A = vector.broadcast %get3A_1 : vector<512x1xf32> to vector<512x256xf32>
    %mul3A_5 = arith.mulf %mul3A, %get3A_4 : vector<512x256xf32>
    %get3A_6 = arith.constant 0 : index
    %get3A_7 = arith.constant 0 : index
    %get3A_8 = vector.load %arg3[%get3A_6, %get3A_7] : memref<1x256xf32, #tpu.memory_space<vmem>>, vector<1x256xf32>
    %add3A = vector.broadcast %get3A_8 : vector<1x256xf32> to vector<512x256xf32>
    %add3A_9 = arith.addf %mul3A_5, %add3A : vector<512x256xf32>
    %swap3A = arith.constant 0 : index
    %swap3A_10 = arith.constant 0 : index
    %swap3A_11 = vector.load %arg7[%swap3A, %swap3A_10] : memref<512x256xf32, #tpu.memory_space<vmem>>, vector<512x256xf32>
    tpu.vector_store %arg7[%swap3A, %swap3A_10], %add3A_9 {strides = array<i32>} : memref<512x256xf32, #tpu.memory_space<vmem>>, vector<512x256xf32>,
    %max3A = arith.constant 0.000000e+00 : f32
    %max3A_12 = vector.broadcast %max3A : f32 to vector<512x256xf32>
    %max3A_13 = arith.maximumf %add3A_9, %max3A_12 : vector<512x256xf32>
    %get3A_14 = arith.constant 0 : index
    %get3A_15 = arith.constant 0 : index
    %get3A_16 = arith.constant 0 : index
    %get3A_17 = vector.load %arg4[%get3A_14, %get3A_15, %get3A_16] : memref<1x1x512xi32, #tpu.memory_space<vmem>>, vector<1x1x512xi32>
    %get3A_18 = vector.shape_cast %get3A_17 : vector<1x1x512xi32> to vector<512xi32>
    %broadcast_in_dim3A = vector.shape_cast %get3A_18 : vector<512xi32> to vector<512x1xi32>
    %iota3A = tpu.iota {dimensions = array<i32: 1>} : vector<512x128xi32>
    %eq3A = vector.broadcast %broadcast_in_dim3A : vector<512x1xi32> to vector<512x128xi32>
    %eq3A_19 = arith.cmpi eq, %eq3A, %iota3A : vector<512x128xi32>
    %convert_element_type3A = arith.extui %eq3A_19 : vector<512x128xi1> to vector<512x128xi32>
    %convert_element_type3A_20 = arith.sitofp %convert_element_type3A : vector<512x128xi32> to vector<512x128xf32>
    %get3A_21 = arith.constant 0 : index
    %get3A_22 = arith.constant 0 : index
    %get3A_23 = vector.load %arg5[%get3A_21, %get3A_22] : memref<256x256xf32, #tpu.memory_space<vmem>>, vector<256x256xf32>
    %dot_general3A = arith.constant dense<0.000000e+00> : vector<512x256xf32>
    %dot_general3A_24 = tpu.matmul %max3A_13, %get3A_23, %dot_general3A {dimension_numbers = #tpu.dot_dimension_numbers<[1], [0], [0], [1], [0, 0, 1, 1], [], []>, transpose_lhs_hint = false} : vector<512x256xf32>, vector<256x256xf32>, vector<512x256xf32> -> vector<512x256xf32>
    %get3A_25 = arith.constant 0 : index
    %get3A_26 = arith.constant 0 : index
    %get3A_27 = vector.load %arg6[%get3A_25, %get3A_26] : memref<128x256xf32, #tpu.memory_space<vmem>>, vector<128x256xf32>
    %dot_general3A_28 = arith.constant dense<0.000000e+00> : vector<512x256xf32>
    %dot_general3A_29 = tpu.matmul %convert_element_type3A_20, %get3A_27, %dot_general3A_28 {dimension_numbers = #tpu.dot_dimension_numbers<[1], [0], [0], [1], [0, 0, 1, 1], [], []>, transpose_lhs_hint = false} : vector<512x128xf32>, vector<128x256xf32>, vector<512x256xf32> -> vector<512x256xf32>
    %add3A_30 = arith.addf %dot_general3A_24, %dot_general3A_29 : vector<512x256xf32>
    %mul3A_31 = vector.broadcast %get3A_1 : vector<512x1xf32> to vector<512x256xf32>
    %mul3A_32 = arith.mulf %add3A_30, %mul3A_31 : vector<512x256xf32>
    %swap3A_33 = arith.constant 0 : index
    %swap3A_34 = arith.constant 0 : index
    %swap3A_35 = vector.load %arg8[%swap3A_33, %swap3A_34] : memref<512x256xf32, #tpu.memory_space<vmem>>, vector<512x256xf32>
    tpu.vector_store %arg8[%swap3A_33, %swap3A_34], %mul3A_32 {strides = array<i32>} : memref<512x256xf32, #tpu.memory_space<vmem>>, vector<512x256xf32>,
    return
  }
  func.func @transform_0(%arg0: i32) -> (i32, i32) {
    %c0_i32 = arith.constant 0 : i32
    %c0_i32_0 = arith.constant 0 : i32
    return %arg0, %c0_i32 : i32, i32
  }
  func.func @transform_1(%arg0: i32) -> (i32, i32) {
    %c0_i32 = arith.constant 0 : i32
    %c0_i32_0 = arith.constant 0 : i32
    return %arg0, %c0_i32 : i32, i32
  }
  func.func @transform_2(%arg0: i32) -> (i32, i32) {
    %c0_i32 = arith.constant 0 : i32
    %c0_i32_0 = arith.constant 0 : i32
    %c0_i32_1 = arith.constant 0 : i32
    return %c0_i32, %c0_i32_0 : i32, i32
  }
  func.func @transform_3(%arg0: i32) -> (i32, i32, i32) {
    %c0_i32 = arith.constant 0 : i32
    %c0_i32_0 = arith.constant 0 : i32
    %c0_i32_1 = arith.constant 0 : i32
    return %arg0, %c0_i32, %c0_i32_0 : i32, i32, i32
  }
  func.func @transform_4(%arg0: i32) -> (i32, i32) {
    %c0_i32 = arith.constant 0 : i32
    %c0_i32_0 = arith.constant 0 : i32
    %c0_i32_1 = arith.constant 0 : i32
    return %c0_i32, %c0_i32_0 : i32, i32
  }
  func.func @transform_5(%arg0: i32) -> (i32, i32) {
    %c0_i32 = arith.constant 0 : i32
    %c0_i32_0 = arith.constant 0 : i32
    %c0_i32_1 = arith.constant 0 : i32
    return %c0_i32, %c0_i32_0 : i32, i32
  }
  func.func @transform_6(%arg0: i32) -> (i32, i32) {
    %c0_i32 = arith.constant 0 : i32
    %c0_i32_0 = arith.constant 0 : i32
    return %arg0, %c0_i32 : i32, i32
  }
  func.func @transform_7(%arg0: i32) -> (i32, i32) {
    %c0_i32 = arith.constant 0 : i32
    %c0_i32_0 = arith.constant 0 : i32
    return %arg0, %c0_i32 : i32, i32
  }
}

module attributes {stable_mosaic.version = 14 : i64} {
  func.func @_final_body(%arg0: i32, %arg1: memref<512x256xf32, #tpu.memory_space<vmem>>, %arg2: memref<512x1xf32, #tpu.memory_space<vmem>>, %arg3: memref<1x256xf32, #tpu.memory_space<vmem>>, %arg4: memref<1x1x512xi32, #tpu.memory_space<vmem>>, %arg5: memref<128x256xf32, #tpu.memory_space<vmem>>, %arg6: memref<128x512xf32, #tpu.memory_space<vmem>>, %arg7: memref<128x256xf32, #tpu.memory_space<vmem>>, %arg8: memref<128x1xf32, #tpu.memory_space<vmem>>) attributes {dimension_semantics = [#tpu.dimension_semantics<arbitrary>], iteration_bounds = array<i64: 20>, scalar_prefetch = 0 : i64, scratch_operands = 2 : i64, tpu.core_type = #tpu.core_type<tc>, window_params = [{transform_indices = @transform_0, window_bounds = array<i64: 512, 256>}, {transform_indices = @transform_1, window_bounds = array<i64: 512, 1>}, {pipeline_mode = #tpu.pipeline_mode<synchronous>, transform_indices = @transform_2, window_bounds = array<i64: 1, 256>}, {transform_indices = @transform_3, window_bounds = array<i64: 1, 1, 512>}, {pipeline_mode = #tpu.pipeline_mode<synchronous>, transform_indices = @transform_4, window_bounds = array<i64: 128, 256>}, {pipeline_mode = #tpu.pipeline_mode<synchronous>, transform_indices = @transform_5, window_bounds = array<i64: 128, 512>}]} {
    %eq3A = arith.constant 0 : i32
    %eq3A_0 = arith.cmpi eq, %arg0, %eq3A : i32
    %convert_element_type3A = arith.extui %eq3A_0 : i1 to i32
    %cond3A = arith.constant 0 : i32
    %cond3A_1 = arith.cmpi ne, %convert_element_type3A, %cond3A : i32
    scf.if %cond3A_1 {
      %broadcast_in_dim3A_46 = arith.constant 0.000000e+00 : f32
      %broadcast_in_dim3A_47 = vector.broadcast %broadcast_in_dim3A_46 : f32 to vector<128x256xf32>
      %swap3A_48 = arith.constant 0 : index
      %swap3A_49 = arith.constant 0 : index
      %swap3A_50 = vector.load %arg7[%swap3A_48, %swap3A_49] : memref<128x256xf32, #tpu.memory_space<vmem>>, vector<128x256xf32>
      tpu.vector_store %arg7[%swap3A_48, %swap3A_49], %broadcast_in_dim3A_47 {strides = array<i32>} : memref<128x256xf32, #tpu.memory_space<vmem>>, vector<128x256xf32>,
      %broadcast_in_dim3A_51 = arith.constant 0.000000e+00 : f32
      %broadcast_in_dim3A_52 = vector.broadcast %broadcast_in_dim3A_51 : f32 to vector<128x1xf32>
      %swap3A_53 = arith.constant 0 : index
      %swap3A_54 = arith.constant 0 : index
      %swap3A_55 = vector.load %arg8[%swap3A_53, %swap3A_54] : memref<128x1xf32, #tpu.memory_space<vmem>>, vector<128x1xf32>
      tpu.vector_store %arg8[%swap3A_53, %swap3A_54], %broadcast_in_dim3A_52 {strides = array<i32>} : memref<128x1xf32, #tpu.memory_space<vmem>>, vector<128x1xf32>,
    } else {
    }
    %get3A = arith.constant 0 : index
    %get3A_2 = arith.constant 0 : index
    %get3A_3 = vector.load %arg2[%get3A, %get3A_2] : memref<512x1xf32, #tpu.memory_space<vmem>>, vector<512x1xf32>
    %get3A_4 = arith.constant 0 : index
    %get3A_5 = arith.constant 0 : index
    %get3A_6 = vector.load %arg1[%get3A_4, %get3A_5] : memref<512x256xf32, #tpu.memory_space<vmem>>, vector<512x256xf32>
    %mul3A = vector.broadcast %get3A_3 : vector<512x1xf32> to vector<512x256xf32>
    %mul3A_7 = arith.mulf %mul3A, %get3A_6 : vector<512x256xf32>
    %get3A_8 = arith.constant 0 : index
    %get3A_9 = arith.constant 0 : index
    %get3A_10 = vector.load %arg3[%get3A_8, %get3A_9] : memref<1x256xf32, #tpu.memory_space<vmem>>, vector<1x256xf32>
    %add3A = vector.broadcast %get3A_10 : vector<1x256xf32> to vector<512x256xf32>
    %add3A_11 = arith.addf %mul3A_7, %add3A : vector<512x256xf32>
    %max3A = arith.constant 0.000000e+00 : f32
    %max3A_12 = vector.broadcast %max3A : f32 to vector<512x256xf32>
    %max3A_13 = arith.maximumf %add3A_11, %max3A_12 : vector<512x256xf32>
    %get3A_14 = arith.constant 0 : index
    %get3A_15 = arith.constant 0 : index
    %get3A_16 = arith.constant 0 : index
    %get3A_17 = vector.load %arg4[%get3A_14, %get3A_15, %get3A_16] : memref<1x1x512xi32, #tpu.memory_space<vmem>>, vector<1x1x512xi32>
    %get3A_18 = vector.shape_cast %get3A_17 : vector<1x1x512xi32> to vector<512xi32>
    %iota3A = tpu.iota {dimensions = array<i32: 0>} : vector<128x512xi32>
    %broadcast_in_dim3A = vector.shape_cast %get3A_18 : vector<512xi32> to vector<1x512xi32>
    %eq3A_19 = vector.broadcast %broadcast_in_dim3A : vector<1x512xi32> to vector<128x512xi32>
    %eq3A_20 = arith.cmpi eq, %iota3A, %eq3A_19 : vector<128x512xi32>
    %convert_element_type3A_21 = arith.extui %eq3A_20 : vector<128x512xi1> to vector<128x512xi32>
    %convert_element_type3A_22 = arith.sitofp %convert_element_type3A_21 : vector<128x512xi32> to vector<128x512xf32>
    %get3A_23 = arith.constant 0 : index
    %get3A_24 = arith.constant 0 : index
    %get3A_25 = vector.load %arg7[%get3A_23, %get3A_24] : memref<128x256xf32, #tpu.memory_space<vmem>>, vector<128x256xf32>
    %dot_general3A = arith.constant dense<0.000000e+00> : vector<128x256xf32>
    %dot_general3A_26 = tpu.matmul %convert_element_type3A_22, %max3A_13, %dot_general3A {dimension_numbers = #tpu.dot_dimension_numbers<[1], [0], [0], [1], [0, 0, 1, 1], [], []>, transpose_lhs_hint = false} : vector<128x512xf32>, vector<512x256xf32>, vector<128x256xf32> -> vector<128x256xf32>
    %add3A_27 = arith.addf %get3A_25, %dot_general3A_26 : vector<128x256xf32>
    %swap3A = arith.constant 0 : index
    %swap3A_28 = arith.constant 0 : index
    %swap3A_29 = vector.load %arg7[%swap3A, %swap3A_28] : memref<128x256xf32, #tpu.memory_space<vmem>>, vector<128x256xf32>
    tpu.vector_store %arg7[%swap3A, %swap3A_28], %add3A_27 {strides = array<i32>} : memref<128x256xf32, #tpu.memory_space<vmem>>, vector<128x256xf32>,
    %get3A_30 = arith.constant 0 : index
    %get3A_31 = arith.constant 0 : index
    %get3A_32 = vector.load %arg8[%get3A_30, %get3A_31] : memref<128x1xf32, #tpu.memory_space<vmem>>, vector<128x1xf32>
    %broadcast_in_dim3A_33 = arith.constant 1.000000e+00 : f32
    %broadcast_in_dim3A_34 = vector.broadcast %broadcast_in_dim3A_33 : f32 to vector<512x1xf32>
    %dot_general3A_35 = arith.constant dense<0.000000e+00> : vector<128x1xf32>
    %dot_general3A_36 = tpu.matmul %convert_element_type3A_22, %broadcast_in_dim3A_34, %dot_general3A_35 {dimension_numbers = #tpu.dot_dimension_numbers<[1], [0], [0], [1], [0, 0, 1, 1], [], []>, transpose_lhs_hint = false} : vector<128x512xf32>, vector<512x1xf32>, vector<128x1xf32> -> vector<128x1xf32>
    %add3A_37 = arith.addf %get3A_32, %dot_general3A_36 : vector<128x1xf32>
    %swap3A_38 = arith.constant 0 : index
    %swap3A_39 = arith.constant 0 : index
    %swap3A_40 = vector.load %arg8[%swap3A_38, %swap3A_39] : memref<128x1xf32, #tpu.memory_space<vmem>>, vector<128x1xf32>
    tpu.vector_store %arg8[%swap3A_38, %swap3A_39], %add3A_37 {strides = array<i32>} : memref<128x1xf32, #tpu.memory_space<vmem>>, vector<128x1xf32>,
    %eq3A_41 = arith.constant 19 : i32
    %eq3A_42 = arith.cmpi eq, %arg0, %eq3A_41 : i32
    %convert_element_type3A_43 = arith.extui %eq3A_42 : i1 to i32
    %cond3A_44 = arith.constant 0 : i32
    %cond3A_45 = arith.cmpi ne, %convert_element_type3A_43, %cond3A_44 : i32
    scf.if %cond3A_45 {
      %get3A_46 = arith.constant 0 : index
      %get3A_47 = arith.constant 0 : index
      %get3A_48 = vector.load %arg8[%get3A_46, %get3A_47] : memref<128x1xf32, #tpu.memory_space<vmem>>, vector<128x1xf32>
      %get3A_49 = arith.constant 0 : index
      %get3A_50 = arith.constant 0 : index
      %get3A_51 = vector.load %arg7[%get3A_49, %get3A_50] : memref<128x256xf32, #tpu.memory_space<vmem>>, vector<128x256xf32>
      %max3A_52 = arith.constant 1.000000e+00 : f32
      %max3A_53 = vector.broadcast %max3A_52 : f32 to vector<128x1xf32>
      %max3A_54 = arith.maximumf %get3A_48, %max3A_53 : vector<128x1xf32>
      %div3A = vector.broadcast %max3A_54 : vector<128x1xf32> to vector<128x256xf32>
      %div3A_55 = arith.divf %get3A_51, %div3A : vector<128x256xf32>
      %swap3A_56 = arith.constant 0 : index
      %swap3A_57 = arith.constant 0 : index
      %swap3A_58 = vector.load %arg6[%swap3A_56, %swap3A_57] : memref<128x512xf32, #tpu.memory_space<vmem>>, vector<128x256xf32>
      tpu.vector_store %arg6[%swap3A_56, %swap3A_57], %div3A_55 {strides = array<i32>} : memref<128x512xf32, #tpu.memory_space<vmem>>, vector<128x256xf32>,
      %gt3A = arith.constant 0.000000e+00 : f32
      %gt3A_59 = vector.broadcast %gt3A : f32 to vector<128x1xf32>
      %gt3A_60 = arith.cmpf ogt, %get3A_48, %gt3A_59 : vector<128x1xf32>
      %get3A_61 = arith.constant 0 : index
      %get3A_62 = arith.constant 0 : index
      %get3A_63 = vector.load %arg5[%get3A_61, %get3A_62] : memref<128x256xf32, #tpu.memory_space<vmem>>, vector<128x256xf32>
      %jit3A = arith.constant 0.000000e+00 : f32
      %broadcast_in_dim3A_64 = vector.shape_cast %gt3A_60 : vector<128x1xi1> to vector<128x1xi1>
      %broadcast_in_dim3A_65 = vector.broadcast %broadcast_in_dim3A_64 : vector<128x1xi1> to vector<128x256xi1>
      %broadcast_in_dim3A_66 = vector.broadcast %jit3A : f32 to vector<128x256xf32>
      %select_n3A = arith.select %broadcast_in_dim3A_65, %get3A_63, %broadcast_in_dim3A_66 : vector<128x256xi1>, vector<128x256xf32>
      %swap3A_67 = arith.constant 0 : index
      %swap3A_68 = arith.constant 256 : index
      %swap3A_69 = vector.load %arg6[%swap3A_67, %swap3A_68] : memref<128x512xf32, #tpu.memory_space<vmem>>, vector<128x256xf32>
      tpu.vector_store %arg6[%swap3A_67, %swap3A_68], %select_n3A {strides = array<i32>} : memref<128x512xf32, #tpu.memory_space<vmem>>, vector<128x256xf32>,
    } else {
    }
    return
  }
  func.func @transform_0(%arg0: i32) -> (i32, i32) {
    %c0_i32 = arith.constant 0 : i32
    %c0_i32_0 = arith.constant 0 : i32
    return %arg0, %c0_i32 : i32, i32
  }
  func.func @transform_1(%arg0: i32) -> (i32, i32) {
    %c0_i32 = arith.constant 0 : i32
    %c0_i32_0 = arith.constant 0 : i32
    return %arg0, %c0_i32 : i32, i32
  }
  func.func @transform_2(%arg0: i32) -> (i32, i32) {
    %c0_i32 = arith.constant 0 : i32
    %c0_i32_0 = arith.constant 0 : i32
    %c0_i32_1 = arith.constant 0 : i32
    return %c0_i32, %c0_i32_0 : i32, i32
  }
  func.func @transform_3(%arg0: i32) -> (i32, i32, i32) {
    %c0_i32 = arith.constant 0 : i32
    %c0_i32_0 = arith.constant 0 : i32
    %c0_i32_1 = arith.constant 0 : i32
    return %arg0, %c0_i32, %c0_i32_0 : i32, i32, i32
  }
  func.func @transform_4(%arg0: i32) -> (i32, i32) {
    %c0_i32 = arith.constant 0 : i32
    %c0_i32_0 = arith.constant 0 : i32
    %c0_i32_1 = arith.constant 0 : i32
    return %c0_i32, %c0_i32_0 : i32, i32
  }
  func.func @transform_5(%arg0: i32) -> (i32, i32) {
    %c0_i32 = arith.constant 0 : i32
    %c0_i32_0 = arith.constant 0 : i32
    %c0_i32_1 = arith.constant 0 : i32
    return %c0_i32, %c0_i32_0 : i32, i32
  }
}

</mosaic_0001>

<sc_bundles>
// kernel: kernel.12.cloned.1.call-start
scs
__scs_entry_jumppad:
0x0: {  	(pc) =	sbr.rel $0x88, $3  }
0x1: {  	(tag) =	ssettag $0x0;
	lr =	simm.s32 $0x1  }
0x2: {  	[smem:$0x3F99] =	sst lr;
	_ =	strace $0xD0000000  }
0x3: {  	_ = 	snop  }
0x4: {  	_ = 	snop  }
0x5: {  	_ = 	snop  }
0x6: {  	_ = 	snop  }
0x7: {  	_ = 	snop  }
__scs_overlays_trampoline_lowered:
0x8: {  	[smem:$0x3FA8] =	sst s0  }
0x9: {  	[smem:$0x3FA9] =	sst s1  }
0xa: {  	[smem:$0x3FAA] =	sst s2  }
0xb: {  	[smem:$0x3FAB] =	sst s3  }
0xc: {  	[smem:$0x3FAC] =	sst s4  }
0xd: {  	[smem:$0x3FAD] =	sst s5  }
0xe: {  	[smem:$0x3FAE] =	sst s6  }
0xf: {  	[smem:$0x3FAF] =	sst s7  }
0x10: {  	[smem:$0x3FB0] =	sst s8  }
0x11: {  	[smem:$0x3FB1] =	sst s9;
	s0 =	simm.s32 @!p0 $0x0  }
0x12: {  	s1 =	sld [smem:$0x3F97];
	s0 =	simm.s32 @p0 $0x1  }
0x13: {  	[smem:$0x3FB2] =	sst s0;
	s0 =	simm.s32 @!p1 $0x0  }
0x14: {  	s2 =	sld [smem:$0x3F96];
	s0 =	simm.s32 @p1 $0x1  }
0x15: {  	[smem:$0x3FB3] =	sst s0;
	s0 =	simm.s32 @!p2 $0x0  }
0x16: {  	s3 =	sld [smem:$0x3FDB];
	s0 =	simm.s32 @p2 $0x1  }
0x17: {  	s4 =	simm.s32 $0x1BF5;
	[smem:$0x3FB5] =	sst s0  }
0x18: {  	s0 =	sld [smem:$0x3F98];
	_ =	swait.ge [sflag:s4], $0x0  }
0x19: {  	s7 =	sld [smem:$0x3F99]  }
0x1a: {  	s8 =	sadd.s32 $0xFFFFE003, lr  }
0x1b: {  	s9 =	sadd.s32 $0xFFFFFEF7, lr;
	s5 =	simm.s32 $0xFFFFFFFF;
	p2 =	slt.u32 s8, $0xFFFFF086  }
0x1c: {  	p1 =	slt.u32 s9, $0xF7A;
	s5 =	simm.s32 @!p2 $0x0  }
0x1d: {  	s5 =	simm.s32 @p1 $0x1;
	p0 =	seq.s32 s7, s2  }
0x1e: {  	s7 =	smul.u32 @!p0 $0xF7A, s2;
	p2 =	seq.s32 @!p0 s5, $0x0  }
0x1f: {  	s9 =	smul.u32 $0xF7A, s1;
	s8 =	simm.s32 @!p0 $0x1BF5;
	p2 =	por !p2, p0  }
0x20: {  	[sflag:s8] =	ssyncset.s32 @!p0 $0xFFFFF086;
	s6 =	sadd.s32 @!p0 s3, s7;
	s7 =	simm.s32 @!p0 $0x108  }
0x21: {  	s3 =	sadd.s32 s3, s9;
	s6 =	sadd.s32 @!p0 $0x88, s6;
	s7 =	simm.s32 @p2 $0x1082  }
0x22: {  	[simem:s7], [sflag:s8] =	dma.local @!p0 [hbm:s6], $0xF7A  }
0x23: {  	s9 =	sor.u32 $0xD0000000, s2;
	s6 =	simm.s32 $0x108;
	_ =	swait.ge @!p0 [sflag:s8], $0x0  }
0x24: {  	s3 =	sadd.s32 $0x88, s3;
	s6 =	simm.s32 @!p1 $0x1082;
	[sflag:s4] =	ssyncset.s32 $0xFFFFF086  }
0x25: {  	[simem:s6], [sflag:s4] =	dma.local [hbm:s3], $0xF7A  }
0x26: {  	[smem:$0x3F99] =	sst s1;
	(tag) =	ssettag s2;
	_ =	strace s9  }
0x27: {  	s1 =	sld [smem:$0x3FA9]  }
0x28: {  	s2 =	sld [smem:$0x3FAA]  }
0x29: {  	s4 =	sld [smem:$0x3FAC]  }
0x2a: {  	p0 =	seq.s32 s5, $0x0;
	s5 =	sld [smem:$0x3FAD]  }
0x2b: {  	s6 =	sld [smem:$0x3FAE]  }
0x2c: {  	s7 =	sld [smem:$0x3FAF]  }
0x2d: {  	s3 =	simm.s32 $0x108;
	s8 =	sld [smem:$0x3FB0]  }
0x2e: {  	s3 =	simm.s32 @!p0 $0x1082;
	s9 =	sld [smem:$0x3FB1]  }
0x2f: {  	lr =	sadd.s32 s0, s3;
	s0 =	sld [smem:$0x3FA8]  }
0x30: {  	s3 =	sld [smem:$0x3FAB]  }
0x31: {  	[smem:$0x3FB4] =	sst s10  }
0x32: {  	s10 =	sld [smem:$0x3FB2];
	_ =	sdelay $0x3  }
0x33: {  	p0 =	seq.s32 s10, $0x1;
	s10 =	sld [smem:$0x3FB4];
	_ =	sdelay $0x3  }
0x34: {  	[smem:$0x3FB4] =	sst s10  }
0x35: {  	s10 =	sld [smem:$0x3FB3];
	_ =	sdelay $0x3  }
0x36: {  	p1 =	seq.s32 s10, $0x1;
	s10 =	sld [smem:$0x3FB4];
	_ =	sdelay $0x3  }
0x37: {  	[smem:$0x3FB4] =	sst s10  }
0x38: {  	s10 =	sld [smem:$0x3FB5]  }
0x39: {  	_ = 	snop;
	(pc) =	sbr.ind lr, $3  }
0x3a: {  	_ = 	snop  }
0x3b: {  	_ = 	snop  }
0x3c: {  	p2 =	seq.s32 s10, $0x1;
	s10 =	sld [smem:$0x3FB4]  }
0x3d: {  	_ =	shalt  }
0x3e: {  	_ =	shalt  }
0x3f: {  	_ =	shalt  }
0x40: {  	_ =	shalt  }
0x41: {  	_ =	shalt  }
0x42: {  	_ =	shalt  }
0x43: {  	_ =	shalt  }
0x44: {  	_ =	shalt  }
0x45: {  	_ =	shalt  }
0x46: {  	_ =	shalt  }
0x47: {  	_ =	shalt  }
0x48: {  	_ =	shalt  }
0x49: {  	_ =	shalt  }
0x4a: {  	_ =	shalt  }
0x4b: {  	_ =	shalt  }
0x4c: {  	_ =	shalt  }
0x4d: {  	_ =	shalt  }
0x4e: {  	_ =	shalt  }
0x4f: {  	_ =	shalt  }
0x50: {  	_ =	shalt  }
0x51: {  	_ =	shalt  }
0x52: {  	_ =	shalt  }
0x53: {  	_ =	shalt  }
0x54: {  	_ =	shalt  }
0x55: {  	_ =	shalt  }
0x56: {  	_ =	shalt  }
0x57: {  	_ =	shalt  }
0x58: {  	_ =	shalt  }
0x59: {  	_ =	shalt  }
0x5a: {  	_ =	shalt  }
0x5b: {  	_ =	shalt  }
0x5c: {  	_ =	shalt  }
0x5d: {  	_ =	shalt  }
0x5e: {  	_ =	shalt  }
0x5f: {  	_ =	shalt  }
0x60: {  	_ =	shalt  }
0x61: {  	_ =	shalt  }
0x62: {  	_ =	shalt  }
0x63: {  	_ =	shalt  }
0x64: {  	_ =	shalt  }
0x65: {  	_ =	shalt  }
0x66: {  	_ =	shalt  }
0x67: {  	_ =	shalt  }
0x68: {  	_ =	shalt  }
0x69: {  	_ =	shalt  }
0x6a: {  	_ =	shalt  }
0x6b: {  	_ =	shalt  }
0x6c: {  	_ =	shalt  }
0x6d: {  	_ =	shalt  }
0x6e: {  	_ =	shalt  }
0x6f: {  	_ =	shalt  }
0x70: {  	_ =	shalt  }
0x71: {  	_ =	shalt  }
0x72: {  	_ =	shalt  }
0x73: {  	_ =	shalt  }
0x74: {  	_ =	shalt  }
0x75: {  	_ =	shalt  }
0x76: {  	_ =	shalt  }
0x77: {  	_ =	shalt  }
0x78: {  	_ =	shalt  }
0x79: {  	_ =	shalt  }
0x7a: {  	_ =	shalt  }
0x7b: {  	_ =	shalt  }
0x7c: {  	_ =	shalt  }
0x7d: {  	_ =	shalt  }
0x7e: {  	_ =	shalt  }
0x7f: {  	_ =	shalt  }
0x80: {  	_ =	shalt  }
0x81: {  	_ =	shalt  }
0x82: {  	_ =	shalt  }
0x83: {  	_ =	shalt  }
0x84: {  	_ =	shalt  }
0x85: {  	_ =	shalt  }
0x86: {  	_ =	shalt  }
0x87: {  	_ =	shalt  }
.Lfunc_end0:
.L_simem_size_0:
called_computation.4_lowered:
.L_overlay_start_0:
0x88: {  	s2 =	sld [smem:$0x3FD9]  }
0x89: {  	s3 =	sld [smem:$0x3FFE];
	_ =	sdelay $0x1  }
0x8a: {  	s1 =	srdreg.scid  }
0x8b: {  	s0 =	sand.u32 $0x1, s1  }
0x8c: {  	s17 =	sshll.u32 s0, $0xA;
	s2 =	sadd.s32 s3, s2  }
0x8d: {  	s2 =	sadd.s32 s2, s17  }
0x8e: {  	[smem:$0x3FC0] =	sst s2  }
0x8f: {  	_ = 	snop  }
0x90: {  	s2 =	sld [smem:$0x3FC6]  }
0x91: {  	s18 =	sld [smem:$0x3FD0];
	(tm) =	ssettm $0x1  }
0x92: {  	s4 =	sld [smem:$0x3FFB];
	_ =	sdelay $0x3  }
0x93: {  	_ =	strace s4  }
0x94: {  	s4 =	sld [smem:$0x3FFC];
	_ =	sdelay $0x3  }
0x95: {  	_ =	strace s4  }
0x96: {  	s4 =	sld [smem:$0x3FFD];
	_ =	sdelay $0x3  }
0x97: {  	_ =	strace s4  }
0x98: {  	_ =	strace $0x8FFFFFFF  }
0x99: {  	s19 =	sld [smem:$0x3FDB];
	_ =	sdelay $0x1  }
0x9a: {  	s5 =	simm.s32 $_scs_section_size  }
0x9b: {  	s6 =	simm.s32 $_size__tile_overlayer_lowered;
	s7 =	simm.s32 $_tile_overlayer_lowered  }
0x9c: {  	s22 =	simm.s32 $0x1BFF;
	s21 =	sshll.u32 s7, $0x1;
	s4 =	sadd.s32 s5, s19  }
0x9d: {  	s8 =	simm.s32 $0x0;
	s20 =	sshll.u32 s6, $0x1;
	s6 =	sadd.s32 s21, s4  }
0x9e: {  	[timem:s8], [sflag:s22] =	dma.local [hbm:s6], s20  }
0x9f: {  	_ =	swait.ge [sflag:s22], s20  }
0xa0: {  	s5 =	ssub.s32 $0x0, s20;
	[sflag:s22] =	ssyncset.done $0x0  }
0xa1: {  	[sflag:s22] =	ssyncadd.s32 s5;
	_ =	sdelay $0x1  }
0xa2: {  	s23 =	simm.s32 $0x1B8B  }
0xa3: {  	_ =	swait.ge [sflag:s23], $0x1  }
0xa4: {  	[sflag:s23] =	ssyncset.done $0x0  }
0xa5: {  	s25 =	simm.s32 $0x1B8E;
	s24 =	sld [smem:$0x3FFE];
	[sflag:s23] =	ssyncadd.s32 $0xFFFFFFFF  }
0xa6: {  	s26 =	simm.s32 $execute0_lowered;
	[smem:$0x3FD2] =	sst s25  }
0xa7: {  	s6 =	sshll.u32 s26, $0x1;
	_ =	strace $0x80000052;
	[dreg:$0x1] =	wrdreg $0xFFFFFFFF  }
0xa8: {  	s28 =	simm.s32 $_size_execute0_lowered;
	s4 =	sadd.s32 s4, s6;
	[dreg:$0x0] =	wrdreg $0x0  }
0xa9: {  	s6 =	sshll.u32 s28, $0x1;
	[dreg:$0x2] =	wrdreg s4  }
0xaa: {  	[dreg:$0x3] =	wrdreg s6  }
0xab: {  	[dreg:$0x4] =	wrdreg $0xC0  }
0xac: {  	_ =	task [dreg:s8], $0x5FFFF  }
0xad: {  	[dreg:$0x1] =	wrdreg $0xFFFFFFFF  }
0xae: {  	[dreg:$0x0] =	wrdreg $0x60  }
0xaf: {  	[dreg:$0x2] =	wrdreg s24  }
0xb0: {  	[dreg:$0x3] =	wrdreg s2  }
0xb1: {  	[dreg:$0x4] =	wrdreg s18  }
0xb2: {  	[dreg:$0x5] =	wrdreg $0x9  }
0xb3: {  	_ =	task.clear_ibuf [dreg:s8], $0x6FFFF;
	_ =	strace $0x90000052  }
0xb4: {  	s29 =	simm.s32 $0x9;
	_ =	strace $0x80000054  }
0xb5: {  	_ =	swait.ge [sflag:s29], $0x1  }
0xb6: {  	[sflag:s29] =	ssyncadd.s32 $0xFFFFFFFF  }
0xb7: {  	_ =	strace $0x90000054  }
0xb8: {  	_ =	sfence  }
0xb9: {  	s30 =	sld [smem:$0x0];
	_ =	sdelay $0x2  }
0xba: {  	s31 =	sshll.u32 s1, $0xD;
	s1 =	sshrl.u32 s1, $0x2  }
0xbb: {  	s3 =	sand.u32 $0x4000, s31;
	s1 =	sadd.s32 s1, s30  }
0xbc: {  	s0 =	sor.u32 s3, s0;
	s1 =	sshll.u32 s1, $0x11  }
0xbd: {  	s0 =	sor.u32 s1, s0  }
0xbe: {  	s0 =	sadd.s32 $0x8F2B, s0  }
0xbf: {  	[sflag:s0] =	ssyncadd.remote.s32 $0x1  }
0xc0: {  	_ =	sfence.sel $0xFFFF  }
0xc1: {  	[dreg:$0x0] =	wrdreg $0xFFFFFFFF;
	(pc) =	sbr.abs _section_cstart, $3  }
0xc2: {  	[dreg:$0x1] =	wrdreg $0xFFFFFFFF  }
0xc3: {  	_ =	task.clear_ibuf [dreg:s8], $0x2FFFF;
	_ =	strace $0x9FFFFFFF  }
0xc4: {  	(tm) =	ssettm $0x7FFFFFFF  }
0xc5: {  	_ =	shalt  }
tec
execute0_lowered:
.L_overlay_start_1:
0x0: {  	(tag) =	ssettag $0x1  }
0x1: {  	s6 =	rddreg [dreg:$0x0]  }
0x2: {  	s2 =	rddreg [dreg:$0x1]  }
0x3: {  	s3 =	rddreg [dreg:$0x2]  }
0x4: {  	s0 =	rddreg [dreg:$0x3]  }
0x5: {  	s5 =	srdreg.scid;
	s1 =	stileid.u32  }
0x6: {  	s4 =	simm.s32 $0x0;
	s13 =	simm.s32 $0x1800;
	s14 =	simm.s32 $0x2000  }
0x7: {  	s15 =	simm.s32 $0x2800;
	s16 =	simm.s32 $0x3000;
	s17 =	simm.s32 $0x3800  }
0x8: {  	s18 =	simm.s32 $0x4000;
	s19 =	simm.s32 $0x4800;
	s20 =	simm.s32 $0x5000  }
0x9: {  	s21 =	simm.s32 $0x5800;
	s22 =	simm.s32 $0x6000;
	s23 =	simm.s32 $0x6800  }
0xa: {  	s24 =	simm.s32 $0x7000;
	s26 =	simm.s32 $0x8080;
	s8 =	smul.u32 $0x2A00, s1  }
0xb: {  	s28 =	simm.s32 $0x0;
	s7 =	sand.u32 $0x1, s5;
	s10 =	smul.u32 $0x54000, s1  }
0xc: {  	[smem:$0x7FF] =	sst s4;
	s5 =	sadd.s32 $0x12400, s6;
	s9 =	smul.u32 $0x1500, s7  }
0xd: {  	_ =	strace $0x80000053;
	s29 =	ssub.s32 $0x2, s7;
	s11 =	smul.u32 $0x2A000, s7  }
0xe: {  	s25 =	sor.u32 s1, s7;
	s10 =	sadd.s32 s10, s6;
	s12 =	sshrl.u32 s29, $0x1  }
.Ltmp0:
0xf: {  	p0 =	sne.s32 s25, $0x0;
	s25 =	simm.s32 $0x7800;
	(pc) =	sbr.rel .LBB2_1-.Ltmp0, $4  }
0x10: {  	s8 =	sadd.s32 s9, s8;
	s30 =	ssub.s32 s29, s12;
	s31 =	sadd.s32 s11, s10  }
0x11: {  	v2 =	vlaneseq.u32;
	s9 =	simm.s32 $0x8000;
	s10 =	simm.s32 $0x1;
	s8 =	sshrl.u32 s8, $0x3  }
0x12: {  	vm0 =	vmmov $0xffff;
	v1 =	vshrl.u32 v2, $0x3;
	s11 =	simm.s32 $0x800;
	s12 =	simm.s32 $0x1000;
	s8 =	sadd.s32 s8, s6  }
0x13: {  	v0 =	vand.u32 $0x7, v2;
	v2 =	vor.u32 $0x8, v2;
	v1 =	vmul.u32 $0x8, v1;
	s7 =	sadd.s32 $0x12EE00, s31;
	s6 =	smax.u32 s30, $0x1;
	s8 =	sadd.s32 $0x1E00, s8  }
.LBB2_5:
0x14: {  	s28 =	sadd.s32 $0x1, s28  }
0x15: {  	p1 =	sne.s32 s28, s6  }
.Ltmp1:
0x16: {  	_ = 	snop;
	(pc) =	sbr.rel @!p1 .LBB2_6-.Ltmp1, $1  }
0x17: {  	_ =	sdelay $0x3  }
.LBB2_1:
0x18: {  	s29 =	smov.u32 s7;
	s30 =	simm.s32 $0x0  }
.LBB2_2:
0x19: {  	s31 =	sadd.s32 s30, s8  }
0x1a: {  	[tilespmem:s9], [sflag:$0x1] =	stream.linear.gather [hbm4b:s31+s4], $0x80, $0x38;
	[tilespmem:$0x8100] =	vst v63  }
0x1b: {  	_ =	swait.ge [sflag:s10], $0x80  }
0x1c: {  	[sflag:s10] =	ssyncset.done $0x0  }
0x1d: {  	[sflag:s10] =	ssyncadd.s32 $0xFFFFFF80  }
0x1e: {  	v3 =	vld [tilespmem:$0x8000];
	_ =	sdelay $0x4  }
0x1f: {  	v4 =	vshll.u32 v3, $0x1  }
0x20: {  	v3 =	vand.u32 $0x7, v3;
	v4 =	vand.u32 $0xFFFFFFF0, v4  }
0x21: {  	v3 =	vor.u32 v3, v4  }
0x22: {  	v4 =	vperm.xlane v3, v0;
	_ =	sdelay $0x1  }
0x23: {  	v3 =	vperm.xlane v3, v2;
	v4 =	vadd.s32 v1, v4;
	_ =	sdelay $0x1  }
0x24: {  	v3 =	vadd.s32 v1, v3;
	_ =	sdelay $0x2  }
0x25: {  	[tilespmem:s4], [sflag:$0x1] =	stream.indirect_vreg.gather [hbm4b:s5+s4], $0x80, v4, vm0, $0xb8;
	[tilespmem:$0x8100] =	vst v63  }
0x26: {  	_ = 	snop  }
0x27: {  	[tilespmem:s11], [sflag:$0x1] =	stream.indirect_vreg.gather [hbm4b:s5+s4], $0x80, v3, vm0, $0xb8;
	[tilespmem:$0x8100] =	vst v63  }
0x28: {  	v3 =	vld [tilespmem:$0x8010];
	_ =	sdelay $0x4  }
0x29: {  	v57 =	vshll.u32 v3, $0x1  }
0x2a: {  	v3 =	vand.u32 $0x7, v3;
	v4 =	vand.u32 $0xFFFFFFF0, v57  }
0x2b: {  	v3 =	vor.u32 v3, v4  }
0x2c: {  	v4 =	vperm.xlane v3, v0;
	_ =	sdelay $0x1  }
0x2d: {  	v3 =	vperm.xlane v3, v2;
	v4 =	vadd.s32 v1, v4;
	_ =	sdelay $0x1  }
0x2e: {  	v3 =	vadd.s32 v1, v3;
	_ =	sdelay $0x2  }
0x2f: {  	[tilespmem:s12], [sflag:$0x1] =	stream.indirect_vreg.gather [hbm4b:s5+s4], $0x80, v4, vm0, $0xb8;
	[tilespmem:$0x8100] =	vst v63  }
0x30: {  	_ = 	snop  }
0x31: {  	[tilespmem:s13], [sflag:$0x1] =	stream.indirect_vreg.gather [hbm4b:s5+s4], $0x80, v3, vm0, $0xb8;
	[tilespmem:$0x8100] =	vst v63  }
0x32: {  	v3 =	vld [tilespmem:$0x8020];
	_ =	sdelay $0x4  }
0x33: {  	v58 =	vshll.u32 v3, $0x1  }
0x34: {  	v3 =	vand.u32 $0x7, v3;
	v4 =	vand.u32 $0xFFFFFFF0, v58  }
0x35: {  	v3 =	vor.u32 v3, v4  }
0x36: {  	v4 =	vperm.xlane v3, v0;
	_ =	sdelay $0x1  }
0x37: {  	v3 =	vperm.xlane v3, v2;
	v4 =	vadd.s32 v1, v4;
	_ =	sdelay $0x1  }
0x38: {  	v3 =	vadd.s32 v1, v3;
	_ =	sdelay $0x2  }
0x39: {  	[tilespmem:s14], [sflag:$0x1] =	stream.indirect_vreg.gather [hbm4b:s5+s4], $0x80, v4, vm0, $0xb8;
	[tilespmem:$0x8100] =	vst v63  }
0x3a: {  	_ = 	snop  }
0x3b: {  	[tilespmem:s15], [sflag:$0x1] =	stream.indirect_vreg.gather [hbm4b:s5+s4], $0x80, v3, vm0, $0xb8;
	[tilespmem:$0x8100] =	vst v63  }
0x3c: {  	v3 =	vld [tilespmem:$0x8030];
	_ =	sdelay $0x4  }
0x3d: {  	v59 =	vshll.u32 v3, $0x1  }
0x3e: {  	v3 =	vand.u32 $0x7, v3;
	v4 =	vand.u32 $0xFFFFFFF0, v59  }
0x3f: {  	v3 =	vor.u32 v3, v4  }
0x40: {  	v4 =	vperm.xlane v3, v0;
	_ =	sdelay $0x1  }
0x41: {  	v3 =	vperm.xlane v3, v2;
	v4 =	vadd.s32 v1, v4;
	_ =	sdelay $0x1  }
0x42: {  	v3 =	vadd.s32 v1, v3;
	_ =	sdelay $0x2  }
0x43: {  	[tilespmem:s16], [sflag:$0x1] =	stream.indirect_vreg.gather [hbm4b:s5+s4], $0x80, v4, vm0, $0xb8;
	[tilespmem:$0x8100] =	vst v63  }
0x44: {  	_ = 	snop  }
0x45: {  	[tilespmem:s17], [sflag:$0x1] =	stream.indirect_vreg.gather [hbm4b:s5+s4], $0x80, v3, vm0, $0xb8;
	[tilespmem:$0x8100] =	vst v63  }
0x46: {  	v3 =	vld [tilespmem:$0x8040];
	_ =	sdelay $0x4  }
0x47: {  	v60 =	vshll.u32 v3, $0x1  }
0x48: {  	v3 =	vand.u32 $0x7, v3;
	v4 =	vand.u32 $0xFFFFFFF0, v60  }
0x49: {  	v3 =	vor.u32 v3, v4  }
0x4a: {  	v4 =	vperm.xlane v3, v0;
	_ =	sdelay $0x1  }
0x4b: {  	v3 =	vperm.xlane v3, v2;
	v4 =	vadd.s32 v1, v4;
	_ =	sdelay $0x1  }
0x4c: {  	v3 =	vadd.s32 v1, v3;
	_ =	sdelay $0x2  }
0x4d: {  	[tilespmem:s18], [sflag:$0x1] =	stream.indirect_vreg.gather [hbm4b:s5+s4], $0x80, v4, vm0, $0xb8;
	[tilespmem:$0x8100] =	vst v63  }
0x4e: {  	_ = 	snop  }
0x4f: {  	[tilespmem:s19], [sflag:$0x1] =	stream.indirect_vreg.gather [hbm4b:s5+s4], $0x80, v3, vm0, $0xb8;
	[tilespmem:$0x8100] =	vst v63  }
0x50: {  	v3 =	vld [tilespmem:$0x8050];
	_ =	sdelay $0x4  }
0x51: {  	v61 =	vshll.u32 v3, $0x1  }
0x52: {  	v3 =	vand.u32 $0x7, v3;
	v4 =	vand.u32 $0xFFFFFFF0, v61  }
0x53: {  	v3 =	vor.u32 v3, v4  }
0x54: {  	v4 =	vperm.xlane v3, v0;
	_ =	sdelay $0x1  }
0x55: {  	v3 =	vperm.xlane v3, v2;
	v4 =	vadd.s32 v1, v4;
	_ =	sdelay $0x1  }
0x56: {  	v3 =	vadd.s32 v1, v3;
	_ =	sdelay $0x2  }
0x57: {  	[tilespmem:s20], [sflag:$0x1] =	stream.indirect_vreg.gather [hbm4b:s5+s4], $0x80, v4, vm0, $0xb8;
	[tilespmem:$0x8100] =	vst v63  }
0x58: {  	_ = 	snop  }
0x59: {  	[tilespmem:s21], [sflag:$0x1] =	stream.indirect_vreg.gather [hbm4b:s5+s4], $0x80, v3, vm0, $0xb8;
	[tilespmem:$0x8100] =	vst v63  }
0x5a: {  	v3 =	vld [tilespmem:$0x8060];
	_ =	sdelay $0x4  }
0x5b: {  	v62 =	vshll.u32 v3, $0x1  }
0x5c: {  	v3 =	vand.u32 $0x7, v3;
	v4 =	vand.u32 $0xFFFFFFF0, v62  }
0x5d: {  	v3 =	vor.u32 v3, v4  }
0x5e: {  	v4 =	vperm.xlane v3, v0;
	_ =	sdelay $0x1  }
0x5f: {  	v3 =	vperm.xlane v3, v2;
	v4 =	vadd.s32 v1, v4;
	_ =	sdelay $0x1  }
0x60: {  	v3 =	vadd.s32 v1, v3;
	_ =	sdelay $0x2  }
0x61: {  	[tilespmem:s22], [sflag:$0x1] =	stream.indirect_vreg.gather [hbm4b:s5+s4], $0x80, v4, vm0, $0xb8;
	[tilespmem:$0x8100] =	vst v63  }
0x62: {  	_ = 	snop  }
0x63: {  	[tilespmem:s23], [sflag:$0x1] =	stream.indirect_vreg.gather [hbm4b:s5+s4], $0x80, v3, vm0, $0xb8;
	[tilespmem:$0x8100] =	vst v63  }
0x64: {  	v3 =	vld [tilespmem:$0x8070];
	_ =	sdelay $0x4  }
0x65: {  	v63 =	vshll.u32 v3, $0x1  }
0x66: {  	v3 =	vand.u32 $0x7, v3;
	v4 =	vand.u32 $0xFFFFFFF0, v63  }
0x67: {  	v3 =	vor.u32 v3, v4  }
0x68: {  	v4 =	vperm.xlane v3, v0;
	_ =	sdelay $0x1  }
0x69: {  	v3 =	vperm.xlane v3, v2;
	v4 =	vadd.s32 v1, v4;
	_ =	sdelay $0x1  }
0x6a: {  	v3 =	vadd.s32 v1, v3;
	_ =	sdelay $0x2  }
0x6b: {  	[tilespmem:s24], [sflag:$0x1] =	stream.indirect_vreg.gather [hbm4b:s5+s4], $0x80, v4, vm0, $0xb8;
	[tilespmem:$0x8100] =	vst v63  }
0x6c: {  	_ = 	snop  }
0x6d: {  	[tilespmem:s25], [sflag:$0x1] =	stream.indirect_vreg.gather [hbm4b:s5+s4], $0x80, v3, vm0, $0xb8;
	[tilespmem:$0x8100] =	vst v63  }
0x6e: {  	_ =	swait.ge [sflag:s10], $0x8000  }
0x6f: {  	p1 =	sne.s32 s30, $0x290;
	[sflag:s10] =	ssyncset.done $0x0  }
.Ltmp2:
0x70: {  	[sflag:s10] =	ssyncadd.s32 $0xFFFF8000;
	(pc) =	sbr.rel @p1 .LBB2_2-.Ltmp2, $4  }
0x71: {  	[hbm4b:s29+s4] =	stream.linear.scatter [tilespmem:s4], [sflag:$0x1], $0x8000, $0x38;
	[tilespmem:$0x8100] =	vst v63  }
0x72: {  	_ =	swait.ge [sflag:s10], $0x8000  }
0x73: {  	[sflag:s10] =	ssyncset.done $0x0  }
0x74: {  	s30 =	sadd.s32 $0x10, s30;
	s29 =	sadd.s32 $0x1000, s29;
	[sflag:s10] =	ssyncadd.s32 $0xFFFF8000  }
.Ltmp3:
0x75: {  	(pc) =	sbr.rel @p0 .LBB2_5-.Ltmp3, $1  }
0x76: {  	_ =	sdelay $0x3  }
0x77: {  	[tilespmem:s26], [sflag:$0x1] =	stream.linear.gather [hbm4b:s2+s4], $0x80, $0x38;
	[tilespmem:$0x8100] =	vst v63  }
0x78: {  	_ =	swait.ge [sflag:s10], $0x80  }
0x79: {  	[sflag:s10] =	ssyncset.done $0x0  }
0x7a: {  	[sflag:s10] =	ssyncadd.s32 $0xFFFFFF80  }
0x7b: {  	v3 =	vld [tilespmem:$0x8080];
	_ =	sdelay $0x4  }
0x7c: {  	v4 =	vshll.u32 v3, $0x1  }
0x7d: {  	v3 =	vand.u32 $0x7, v3;
	v4 =	vand.u32 $0xFFFFFFF0, v4  }
0x7e: {  	v3 =	vor.u32 v3, v4  }
0x7f: {  	v4 =	vperm.xlane v3, v0;
	_ =	sdelay $0x1  }
0x80: {  	v3 =	vperm.xlane v3, v2;
	v4 =	vadd.s32 v1, v4;
	_ =	sdelay $0x1  }
0x81: {  	v3 =	vadd.s32 v1, v3;
	_ =	sdelay $0x2  }
0x82: {  	[tilespmem:s4], [sflag:$0x1] =	stream.indirect_vreg.gather [hbm4b:s5+s4], $0x80, v4, vm0, $0xb8;
	[tilespmem:$0x8100] =	vst v63  }
0x83: {  	_ = 	snop  }
0x84: {  	[tilespmem:s11], [sflag:$0x1] =	stream.indirect_vreg.gather [hbm4b:s5+s4], $0x80, v3, vm0, $0xb8;
	[tilespmem:$0x8100] =	vst v63  }
0x85: {  	v3 =	vld [tilespmem:$0x8090];
	_ =	sdelay $0x4  }
0x86: {  	v57 =	vshll.u32 v3, $0x1  }
0x87: {  	v3 =	vand.u32 $0x7, v3;
	v4 =	vand.u32 $0xFFFFFFF0, v57  }
0x88: {  	v3 =	vor.u32 v3, v4  }
0x89: {  	v4 =	vperm.xlane v3, v0;
	_ =	sdelay $0x1  }
0x8a: {  	v3 =	vperm.xlane v3, v2;
	v4 =	vadd.s32 v1, v4;
	_ =	sdelay $0x1  }
0x8b: {  	v3 =	vadd.s32 v1, v3;
	_ =	sdelay $0x2  }
0x8c: {  	[tilespmem:s12], [sflag:$0x1] =	stream.indirect_vreg.gather [hbm4b:s5+s4], $0x80, v4, vm0, $0xb8;
	[tilespmem:$0x8100] =	vst v63  }
0x8d: {  	_ = 	snop  }
0x8e: {  	[tilespmem:s13], [sflag:$0x1] =	stream.indirect_vreg.gather [hbm4b:s5+s4], $0x80, v3, vm0, $0xb8;
	[tilespmem:$0x8100] =	vst v63  }
0x8f: {  	v3 =	vld [tilespmem:$0x80A0];
	_ =	sdelay $0x4  }
0x90: {  	v58 =	vshll.u32 v3, $0x1  }
0x91: {  	v3 =	vand.u32 $0x7, v3;
	v4 =	vand.u32 $0xFFFFFFF0, v58  }
0x92: {  	v3 =	vor.u32 v3, v4  }
0x93: {  	v4 =	vperm.xlane v3, v0;
	_ =	sdelay $0x1  }
0x94: {  	v3 =	vperm.xlane v3, v2;
	v4 =	vadd.s32 v1, v4;
	_ =	sdelay $0x1  }
0x95: {  	v3 =	vadd.s32 v1, v3;
	_ =	sdelay $0x2  }
0x96: {  	[tilespmem:s14], [sflag:$0x1] =	stream.indirect_vreg.gather [hbm4b:s5+s4], $0x80, v4, vm0, $0xb8;
	[tilespmem:$0x8100] =	vst v63  }
0x97: {  	_ = 	snop  }
0x98: {  	[tilespmem:s15], [sflag:$0x1] =	stream.indirect_vreg.gather [hbm4b:s5+s4], $0x80, v3, vm0, $0xb8;
	[tilespmem:$0x8100] =	vst v63  }
0x99: {  	v3 =	vld [tilespmem:$0x80B0];
	_ =	sdelay $0x4  }
0x9a: {  	v59 =	vshll.u32 v3, $0x1  }
0x9b: {  	v3 =	vand.u32 $0x7, v3;
	v4 =	vand.u32 $0xFFFFFFF0, v59  }
0x9c: {  	v3 =	vor.u32 v3, v4  }
0x9d: {  	v4 =	vperm.xlane v3, v0;
	_ =	sdelay $0x1  }
0x9e: {  	v3 =	vperm.xlane v3, v2;
	v4 =	vadd.s32 v1, v4;
	_ =	sdelay $0x1  }
0x9f: {  	v3 =	vadd.s32 v1, v3;
	_ =	sdelay $0x2  }
0xa0: {  	[tilespmem:s16], [sflag:$0x1] =	stream.indirect_vreg.gather [hbm4b:s5+s4], $0x80, v4, vm0, $0xb8;
	[tilespmem:$0x8100] =	vst v63  }
0xa1: {  	_ = 	snop  }
0xa2: {  	[tilespmem:s17], [sflag:$0x1] =	stream.indirect_vreg.gather [hbm4b:s5+s4], $0x80, v3, vm0, $0xb8;
	[tilespmem:$0x8100] =	vst v63  }
0xa3: {  	v3 =	vld [tilespmem:$0x80C0];
	_ =	sdelay $0x4  }
0xa4: {  	v60 =	vshll.u32 v3, $0x1  }
0xa5: {  	v3 =	vand.u32 $0x7, v3;
	v4 =	vand.u32 $0xFFFFFFF0, v60  }
0xa6: {  	v3 =	vor.u32 v3, v4  }
0xa7: {  	v4 =	vperm.xlane v3, v0;
	_ =	sdelay $0x1  }
0xa8: {  	v3 =	vperm.xlane v3, v2;
	v4 =	vadd.s32 v1, v4;
	_ =	sdelay $0x1  }
0xa9: {  	v3 =	vadd.s32 v1, v3;
	_ =	sdelay $0x2  }
0xaa: {  	[tilespmem:s18], [sflag:$0x1] =	stream.indirect_vreg.gather [hbm4b:s5+s4], $0x80, v4, vm0, $0xb8;
	[tilespmem:$0x8100] =	vst v63  }
0xab: {  	_ = 	snop  }
0xac: {  	[tilespmem:s19], [sflag:$0x1] =	stream.indirect_vreg.gather [hbm4b:s5+s4], $0x80, v3, vm0, $0xb8;
	[tilespmem:$0x8100] =	vst v63  }
0xad: {  	v3 =	vld [tilespmem:$0x80D0];
	_ =	sdelay $0x4  }
0xae: {  	v61 =	vshll.u32 v3, $0x1  }
0xaf: {  	v3 =	vand.u32 $0x7, v3;
	v4 =	vand.u32 $0xFFFFFFF0, v61  }
0xb0: {  	v3 =	vor.u32 v3, v4  }
0xb1: {  	v4 =	vperm.xlane v3, v0;
	_ =	sdelay $0x1  }
0xb2: {  	v3 =	vperm.xlane v3, v2;
	v4 =	vadd.s32 v1, v4;
	_ =	sdelay $0x1  }
0xb3: {  	v3 =	vadd.s32 v1, v3;
	_ =	sdelay $0x2  }
0xb4: {  	[tilespmem:s20], [sflag:$0x1] =	stream.indirect_vreg.gather [hbm4b:s5+s4], $0x80, v4, vm0, $0xb8;
	[tilespmem:$0x8100] =	vst v63  }
0xb5: {  	_ = 	snop  }
0xb6: {  	[tilespmem:s21], [sflag:$0x1] =	stream.indirect_vreg.gather [hbm4b:s5+s4], $0x80, v3, vm0, $0xb8;
	[tilespmem:$0x8100] =	vst v63  }
0xb7: {  	v3 =	vld [tilespmem:$0x80E0];
	_ =	sdelay $0x4  }
0xb8: {  	v62 =	vshll.u32 v3, $0x1  }
0xb9: {  	v3 =	vand.u32 $0x7, v3;
	v4 =	vand.u32 $0xFFFFFFF0, v62  }
0xba: {  	v3 =	vor.u32 v3, v4  }
0xbb: {  	v4 =	vperm.xlane v3, v0;
	_ =	sdelay $0x1  }
0xbc: {  	v3 =	vperm.xlane v3, v2;
	v4 =	vadd.s32 v1, v4;
	_ =	sdelay $0x1  }
0xbd: {  	v3 =	vadd.s32 v1, v3;
	_ =	sdelay $0x2  }
0xbe: {  	[tilespmem:s22], [sflag:$0x1] =	stream.indirect_vreg.gather [hbm4b:s5+s4], $0x80, v4, vm0, $0xb8;
	[tilespmem:$0x8100] =	vst v63  }
0xbf: {  	_ = 	snop  }
0xc0: {  	[tilespmem:s23], [sflag:$0x1] =	stream.indirect_vreg.gather [hbm4b:s5+s4], $0x80, v3, vm0, $0xb8;
	[tilespmem:$0x8100] =	vst v63  }
0xc1: {  	v3 =	vld [tilespmem:$0x80F0];
	_ =	sdelay $0x4  }
0xc2: {  	v63 =	vshll.u32 v3, $0x1  }
0xc3: {  	v3 =	vand.u32 $0x7, v3;
	v4 =	vand.u32 $0xFFFFFFF0, v63  }
0xc4: {  	v3 =	vor.u32 v3, v4  }
0xc5: {  	v4 =	vperm.xlane v3, v0;
	_ =	sdelay $0x1  }
0xc6: {  	v3 =	vperm.xlane v3, v2;
	v4 =	vadd.s32 v1, v4;
	_ =	sdelay $0x1  }
0xc7: {  	v3 =	vadd.s32 v1, v3;
	_ =	sdelay $0x2  }
0xc8: {  	[tilespmem:s24], [sflag:$0x1] =	stream.indirect_vreg.gather [hbm4b:s5+s4], $0x80, v4, vm0, $0xb8;
	[tilespmem:$0x8100] =	vst v63  }
0xc9: {  	_ = 	snop  }
0xca: {  	[tilespmem:s25], [sflag:$0x1] =	stream.indirect_vreg.gather [hbm4b:s5+s4], $0x80, v3, vm0, $0xb8;
	[tilespmem:$0x8100] =	vst v63  }
0xcb: {  	_ =	swait.ge [sflag:s10], $0x8000  }
0xcc: {  	[sflag:s10] =	ssyncset.done $0x0  }
.Ltmp4:
0xcd: {  	[sflag:s10] =	ssyncadd.s32 $0xFFFF8000;
	(pc) =	sbr.rel .LBB2_5-.Ltmp4, $4  }
0xce: {  	[hbm4b:s3+s4] =	stream.linear.scatter [tilespmem:s4], [sflag:$0x1], $0x8000, $0x38;
	[tilespmem:$0x8100] =	vst v63  }
0xcf: {  	_ =	swait.ge [sflag:s10], $0x8000  }
0xd0: {  	[sflag:s10] =	ssyncset.done $0x0  }
0xd1: {  	[sflag:s10] =	ssyncadd.s32 $0xFFFF8000  }
.LBB2_6:
0xd2: {  	_ =	sfence.sel $0x180000  }
0xd3: {  	[bflag:$0x0] =	sbarrier.arrive $0xFFFF  }
0xd4: {  	p0 =	sne.s32 s1, $0x0;
	_ =	strace $0x90000053  }
0xd5: {  	s0 =	sadd.s32 @!p0 $0x100000, s0;
	[bflag:$0x2] =	sbarrier.arrive $0xFFFF  }
0xd6: {  	[sflag:s0] =	ssyncadd.tile.s32 @!p0 $0x1;
	_ =	shalt  }
.Lfunc_end2:
_tile_overlayer_lowered:
.L_overlay_start_2:
0xd7: {  	(tag) =	ssettag $0x2  }
0xd8: {  	s0 =	rddreg [dreg:$0x0];
	s2 =	stileid.u32  }
0xd9: {  	s1 =	rddreg [dreg:$0x1];
	p0 =	sne.s32 s2, $0x0  }
0xda: {  	s3 =	rddreg [dreg:$0x2];
	[bflag:$0x3] =	sbarrier.arrive $0xFFFF;
	s2 =	simm.s32 @!p0 $0x1C01  }
0xdb: {  	[timem:s3], [sflag:s2] =	dma.local @!p0 [hbm:s0], s1  }
0xdc: {  	s0 =	simm.s32 @!p0 $0x1  }
0xdd: {  	_ =	swait.ge @!p0 [sflag:s0], s1  }
0xde: {  	s1 =	ssub.s32 @!p0 $0x0, s1;
	[sflag:s0] =	ssyncset.done @!p0 $0x0  }
0xdf: {  	[sflag:s0] =	ssyncadd.s32 @!p0 s1  }
0xe0: {  	[bflag:$0x3] =	sbarrier.arrive $0xFFFF  }
0xe1: {  	_ =	shalt  }

// kernel: kernel.9.cloned.1.call-start
scs
__scs_entry_jumppad:
0x0: {  	(pc) =	sbr.rel $0x88, $3  }
0x1: {  	(tag) =	ssettag $0x0;
	lr =	simm.s32 $0x1  }
0x2: {  	[smem:$0x3F99] =	sst lr;
	_ =	strace $0xD0000000  }
0x3: {  	_ = 	snop  }
0x4: {  	_ = 	snop  }
0x5: {  	_ = 	snop  }
0x6: {  	_ = 	snop  }
0x7: {  	_ = 	snop  }
__scs_overlays_trampoline_lowered:
0x8: {  	[smem:$0x3FA8] =	sst s0  }
0x9: {  	[smem:$0x3FA9] =	sst s1  }
0xa: {  	[smem:$0x3FAA] =	sst s2  }
0xb: {  	[smem:$0x3FAB] =	sst s3  }
0xc: {  	[smem:$0x3FAC] =	sst s4  }
0xd: {  	[smem:$0x3FAD] =	sst s5  }
0xe: {  	[smem:$0x3FAE] =	sst s6  }
0xf: {  	[smem:$0x3FAF] =	sst s7  }
0x10: {  	[smem:$0x3FB0] =	sst s8  }
0x11: {  	[smem:$0x3FB1] =	sst s9;
	s0 =	simm.s32 @!p0 $0x0  }
0x12: {  	s1 =	sld [smem:$0x3F97];
	s0 =	simm.s32 @p0 $0x1  }
0x13: {  	[smem:$0x3FB2] =	sst s0;
	s0 =	simm.s32 @!p1 $0x0  }
0x14: {  	s2 =	sld [smem:$0x3F96];
	s0 =	simm.s32 @p1 $0x1  }
0x15: {  	[smem:$0x3FB3] =	sst s0;
	s0 =	simm.s32 @!p2 $0x0  }
0x16: {  	s3 =	sld [smem:$0x3FDB];
	s0 =	simm.s32 @p2 $0x1  }
0x17: {  	s4 =	simm.s32 $0x1BF5;
	[smem:$0x3FB5] =	sst s0  }
0x18: {  	s0 =	sld [smem:$0x3F98];
	_ =	swait.ge [sflag:s4], $0x0  }
0x19: {  	s7 =	sld [smem:$0x3F99]  }
0x1a: {  	s8 =	sadd.s32 $0xFFFFE003, lr  }
0x1b: {  	s9 =	sadd.s32 $0xFFFFFEF7, lr;
	s5 =	simm.s32 $0xFFFFFFFF;
	p2 =	slt.u32 s8, $0xFFFFF086  }
0x1c: {  	p1 =	slt.u32 s9, $0xF7A;
	s5 =	simm.s32 @!p2 $0x0  }
0x1d: {  	s5 =	simm.s32 @p1 $0x1;
	p0 =	seq.s32 s7, s2  }
0x1e: {  	s7 =	smul.u32 @!p0 $0xF7A, s2;
	p2 =	seq.s32 @!p0 s5, $0x0  }
0x1f: {  	s9 =	smul.u32 $0xF7A, s1;
	s8 =	simm.s32 @!p0 $0x1BF5;
	p2 =	por !p2, p0  }
0x20: {  	[sflag:s8] =	ssyncset.s32 @!p0 $0xFFFFF086;
	s6 =	sadd.s32 @!p0 s3, s7;
	s7 =	simm.s32 @!p0 $0x108  }
0x21: {  	s3 =	sadd.s32 s3, s9;
	s6 =	sadd.s32 @!p0 $0x88, s6;
	s7 =	simm.s32 @p2 $0x1082  }
0x22: {  	[simem:s7], [sflag:s8] =	dma.local @!p0 [hbm:s6], $0xF7A  }
0x23: {  	s9 =	sor.u32 $0xD0000000, s2;
	s6 =	simm.s32 $0x108;
	_ =	swait.ge @!p0 [sflag:s8], $0x0  }
0x24: {  	s3 =	sadd.s32 $0x88, s3;
	s6 =	simm.s32 @!p1 $0x1082;
	[sflag:s4] =	ssyncset.s32 $0xFFFFF086  }
0x25: {  	[simem:s6], [sflag:s4] =	dma.local [hbm:s3], $0xF7A  }
0x26: {  	[smem:$0x3F99] =	sst s1;
	(tag) =	ssettag s2;
	_ =	strace s9  }
0x27: {  	s1 =	sld [smem:$0x3FA9]  }
0x28: {  	s2 =	sld [smem:$0x3FAA]  }
0x29: {  	s4 =	sld [smem:$0x3FAC]  }
0x2a: {  	p0 =	seq.s32 s5, $0x0;
	s5 =	sld [smem:$0x3FAD]  }
0x2b: {  	s6 =	sld [smem:$0x3FAE]  }
0x2c: {  	s7 =	sld [smem:$0x3FAF]  }
0x2d: {  	s3 =	simm.s32 $0x108;
	s8 =	sld [smem:$0x3FB0]  }
0x2e: {  	s3 =	simm.s32 @!p0 $0x1082;
	s9 =	sld [smem:$0x3FB1]  }
0x2f: {  	lr =	sadd.s32 s0, s3;
	s0 =	sld [smem:$0x3FA8]  }
0x30: {  	s3 =	sld [smem:$0x3FAB]  }
0x31: {  	[smem:$0x3FB4] =	sst s10  }
0x32: {  	s10 =	sld [smem:$0x3FB2];
	_ =	sdelay $0x3  }
0x33: {  	p0 =	seq.s32 s10, $0x1;
	s10 =	sld [smem:$0x3FB4];
	_ =	sdelay $0x3  }
0x34: {  	[smem:$0x3FB4] =	sst s10  }
0x35: {  	s10 =	sld [smem:$0x3FB3];
	_ =	sdelay $0x3  }
0x36: {  	p1 =	seq.s32 s10, $0x1;
	s10 =	sld [smem:$0x3FB4];
	_ =	sdelay $0x3  }
0x37: {  	[smem:$0x3FB4] =	sst s10  }
0x38: {  	s10 =	sld [smem:$0x3FB5]  }
0x39: {  	_ = 	snop;
	(pc) =	sbr.ind lr, $3  }
0x3a: {  	_ = 	snop  }
0x3b: {  	_ = 	snop  }
0x3c: {  	p2 =	seq.s32 s10, $0x1;
	s10 =	sld [smem:$0x3FB4]  }
0x3d: {  	_ =	shalt  }
0x3e: {  	_ =	shalt  }
0x3f: {  	_ =	shalt  }
0x40: {  	_ =	shalt  }
0x41: {  	_ =	shalt  }
0x42: {  	_ =	shalt  }
0x43: {  	_ =	shalt  }
0x44: {  	_ =	shalt  }
0x45: {  	_ =	shalt  }
0x46: {  	_ =	shalt  }
0x47: {  	_ =	shalt  }
0x48: {  	_ =	shalt  }
0x49: {  	_ =	shalt  }
0x4a: {  	_ =	shalt  }
0x4b: {  	_ =	shalt  }
0x4c: {  	_ =	shalt  }
0x4d: {  	_ =	shalt  }
0x4e: {  	_ =	shalt  }
0x4f: {  	_ =	shalt  }
0x50: {  	_ =	shalt  }
0x51: {  	_ =	shalt  }
0x52: {  	_ =	shalt  }
0x53: {  	_ =	shalt  }
0x54: {  	_ =	shalt  }
0x55: {  	_ =	shalt  }
0x56: {  	_ =	shalt  }
0x57: {  	_ =	shalt  }
0x58: {  	_ =	shalt  }
0x59: {  	_ =	shalt  }
0x5a: {  	_ =	shalt  }
0x5b: {  	_ =	shalt  }
0x5c: {  	_ =	shalt  }
0x5d: {  	_ =	shalt  }
0x5e: {  	_ =	shalt  }
0x5f: {  	_ =	shalt  }
0x60: {  	_ =	shalt  }
0x61: {  	_ =	shalt  }
0x62: {  	_ =	shalt  }
0x63: {  	_ =	shalt  }
0x64: {  	_ =	shalt  }
0x65: {  	_ =	shalt  }
0x66: {  	_ =	shalt  }
0x67: {  	_ =	shalt  }
0x68: {  	_ =	shalt  }
0x69: {  	_ =	shalt  }
0x6a: {  	_ =	shalt  }
0x6b: {  	_ =	shalt  }
0x6c: {  	_ =	shalt  }
0x6d: {  	_ =	shalt  }
0x6e: {  	_ =	shalt  }
0x6f: {  	_ =	shalt  }
0x70: {  	_ =	shalt  }
0x71: {  	_ =	shalt  }
0x72: {  	_ =	shalt  }
0x73: {  	_ =	shalt  }
0x74: {  	_ =	shalt  }
0x75: {  	_ =	shalt  }
0x76: {  	_ =	shalt  }
0x77: {  	_ =	shalt  }
0x78: {  	_ =	shalt  }
0x79: {  	_ =	shalt  }
0x7a: {  	_ =	shalt  }
0x7b: {  	_ =	shalt  }
0x7c: {  	_ =	shalt  }
0x7d: {  	_ =	shalt  }
0x7e: {  	_ =	shalt  }
0x7f: {  	_ =	shalt  }
0x80: {  	_ =	shalt  }
0x81: {  	_ =	shalt  }
0x82: {  	_ =	shalt  }
0x83: {  	_ =	shalt  }
0x84: {  	_ =	shalt  }
0x85: {  	_ =	shalt  }
0x86: {  	_ =	shalt  }
0x87: {  	_ =	shalt  }
.Lfunc_end0:
.L_simem_size_0:
called_computation.3_lowered:
.L_overlay_start_0:
0x88: {  	s2 =	sld [smem:$0x3FD9]  }
0x89: {  	s3 =	sld [smem:$0x3FFE];
	_ =	sdelay $0x1  }
0x8a: {  	s1 =	srdreg.scid  }
0x8b: {  	s0 =	sand.u32 $0x1, s1  }
0x8c: {  	s17 =	sshll.u32 s0, $0xA;
	s2 =	sadd.s32 s3, s2  }
0x8d: {  	s2 =	sadd.s32 s2, s17  }
0x8e: {  	[smem:$0x3FC0] =	sst s2  }
0x8f: {  	_ = 	snop  }
0x90: {  	s2 =	sld [smem:$0x3FC6]  }
0x91: {  	s18 =	sld [smem:$0x3FD0];
	(tm) =	ssettm $0x1  }
0x92: {  	s4 =	sld [smem:$0x3FFB];
	_ =	sdelay $0x3  }
0x93: {  	_ =	strace s4  }
0x94: {  	s4 =	sld [smem:$0x3FFC];
	_ =	sdelay $0x3  }
0x95: {  	_ =	strace s4  }
0x96: {  	s4 =	sld [smem:$0x3FFD];
	_ =	sdelay $0x3  }
0x97: {  	_ =	strace s4  }
0x98: {  	_ =	strace $0x8FFFFFFF  }
0x99: {  	s19 =	sld [smem:$0x3FDB];
	_ =	sdelay $0x1  }
0x9a: {  	s5 =	simm.s32 $_scs_section_size  }
0x9b: {  	s6 =	simm.s32 $_size__tile_overlayer_lowered;
	s7 =	simm.s32 $_tile_overlayer_lowered  }
0x9c: {  	s22 =	simm.s32 $0x1BFF;
	s21 =	sshll.u32 s7, $0x1;
	s4 =	sadd.s32 s5, s19  }
0x9d: {  	s8 =	simm.s32 $0x0;
	s20 =	sshll.u32 s6, $0x1;
	s6 =	sadd.s32 s21, s4  }
0x9e: {  	[timem:s8], [sflag:s22] =	dma.local [hbm:s6], s20  }
0x9f: {  	_ =	swait.ge [sflag:s22], s20  }
0xa0: {  	s5 =	ssub.s32 $0x0, s20;
	[sflag:s22] =	ssyncset.done $0x0  }
0xa1: {  	[sflag:s22] =	ssyncadd.s32 s5;
	_ =	sdelay $0x1  }
0xa2: {  	s23 =	simm.s32 $0x1B8B  }
0xa3: {  	_ =	swait.ge [sflag:s23], $0x1  }
0xa4: {  	[sflag:s23] =	ssyncset.done $0x0  }
0xa5: {  	s25 =	simm.s32 $0x1B8E;
	s24 =	sld [smem:$0x3FFE];
	[sflag:s23] =	ssyncadd.s32 $0xFFFFFFFF  }
0xa6: {  	s26 =	simm.s32 $execute0_lowered;
	[smem:$0x3FD2] =	sst s25  }
0xa7: {  	s6 =	sshll.u32 s26, $0x1;
	_ =	strace $0x80000049;
	[dreg:$0x1] =	wrdreg $0xFFFFFFFF  }
0xa8: {  	s28 =	simm.s32 $_size_execute0_lowered;
	s4 =	sadd.s32 s4, s6;
	[dreg:$0x0] =	wrdreg $0x0  }
0xa9: {  	s6 =	sshll.u32 s28, $0x1;
	[dreg:$0x2] =	wrdreg s4  }
0xaa: {  	[dreg:$0x3] =	wrdreg s6  }
0xab: {  	[dreg:$0x4] =	wrdreg $0xC0  }
0xac: {  	_ =	task [dreg:s8], $0x5FFFF  }
0xad: {  	[dreg:$0x1] =	wrdreg $0xFFFFFFFF  }
0xae: {  	[dreg:$0x0] =	wrdreg $0x60  }
0xaf: {  	[dreg:$0x2] =	wrdreg s24  }
0xb0: {  	[dreg:$0x3] =	wrdreg s2  }
0xb1: {  	[dreg:$0x4] =	wrdreg s18  }
0xb2: {  	[dreg:$0x5] =	wrdreg $0x9  }
0xb3: {  	_ =	task.clear_ibuf [dreg:s8], $0x6FFFF;
	_ =	strace $0x90000049  }
0xb4: {  	s29 =	simm.s32 $0x9;
	_ =	strace $0x8000004B  }
0xb5: {  	_ =	swait.ge [sflag:s29], $0x1  }
0xb6: {  	[sflag:s29] =	ssyncadd.s32 $0xFFFFFFFF  }
0xb7: {  	_ =	strace $0x9000004B  }
0xb8: {  	_ =	sfence  }
0xb9: {  	s30 =	sld [smem:$0x0];
	_ =	sdelay $0x2  }
0xba: {  	s31 =	sshll.u32 s1, $0xD;
	s1 =	sshrl.u32 s1, $0x2  }
0xbb: {  	s3 =	sand.u32 $0x4000, s31;
	s1 =	sadd.s32 s1, s30  }
0xbc: {  	s0 =	sor.u32 s3, s0;
	s1 =	sshll.u32 s1, $0x11  }
0xbd: {  	s0 =	sor.u32 s1, s0  }
0xbe: {  	s0 =	sadd.s32 $0x8F2B, s0  }
0xbf: {  	[sflag:s0] =	ssyncadd.remote.s32 $0x1  }
0xc0: {  	_ =	sfence.sel $0xFFFF  }
0xc1: {  	[dreg:$0x0] =	wrdreg $0xFFFFFFFF;
	(pc) =	sbr.abs _section_cstart, $3  }
0xc2: {  	[dreg:$0x1] =	wrdreg $0xFFFFFFFF  }
0xc3: {  	_ =	task.clear_ibuf [dreg:s8], $0x2FFFF;
	_ =	strace $0x9FFFFFFF  }
0xc4: {  	(tm) =	ssettm $0x7FFFFFFF  }
0xc5: {  	_ =	shalt  }
tec
execute0_lowered:
.L_overlay_start_1:
0x0: {  	(tag) =	ssettag $0x1  }
0x1: {  	s6 =	rddreg [dreg:$0x0]  }
0x2: {  	s2 =	rddreg [dreg:$0x1]  }
0x3: {  	s3 =	rddreg [dreg:$0x2]  }
0x4: {  	s0 =	rddreg [dreg:$0x3]  }
0x5: {  	s5 =	srdreg.scid;
	s1 =	stileid.u32  }
0x6: {  	s4 =	simm.s32 $0x0;
	s13 =	simm.s32 $0x1800;
	s14 =	simm.s32 $0x2000  }
0x7: {  	s15 =	simm.s32 $0x2800;
	s16 =	simm.s32 $0x3000;
	s17 =	simm.s32 $0x3800  }
0x8: {  	s18 =	simm.s32 $0x4000;
	s19 =	simm.s32 $0x4800;
	s20 =	simm.s32 $0x5000  }
0x9: {  	s21 =	simm.s32 $0x5800;
	s22 =	simm.s32 $0x6000;
	s23 =	simm.s32 $0x6800  }
0xa: {  	s24 =	simm.s32 $0x7000;
	s26 =	simm.s32 $0x8080;
	s8 =	smul.u32 $0x2A00, s1  }
0xb: {  	s28 =	simm.s32 $0x0;
	s7 =	sand.u32 $0x1, s5;
	s10 =	smul.u32 $0x54000, s1  }
0xc: {  	[smem:$0x7FF] =	sst s4;
	s5 =	sadd.s32 $0x66E00, s6;
	s9 =	smul.u32 $0x1500, s7  }
0xd: {  	_ =	strace $0x8000004A;
	s29 =	ssub.s32 $0x2, s7;
	s11 =	smul.u32 $0x2A000, s7  }
0xe: {  	s25 =	sor.u32 s1, s7;
	s10 =	sadd.s32 s10, s6;
	s12 =	sshrl.u32 s29, $0x1  }
.Ltmp0:
0xf: {  	p0 =	sne.s32 s25, $0x0;
	s25 =	simm.s32 $0x7800;
	(pc) =	sbr.rel .LBB2_1-.Ltmp0, $4  }
0x10: {  	s8 =	sadd.s32 s9, s8;
	s30 =	ssub.s32 s29, s12;
	s31 =	sadd.s32 s11, s10  }
0x11: {  	v2 =	vlaneseq.u32;
	s9 =	simm.s32 $0x8000;
	s10 =	simm.s32 $0x1;
	s8 =	sshrl.u32 s8, $0x3  }
0x12: {  	vm0 =	vmmov $0xffff;
	v1 =	vshrl.u32 v2, $0x3;
	s11 =	simm.s32 $0x800;
	s12 =	simm.s32 $0x1000;
	s8 =	sadd.s32 s8, s6  }
0x13: {  	v0 =	vand.u32 $0x7, v2;
	v2 =	vor.u32 $0x8, v2;
	v1 =	vmul.u32 $0x8, v1;
	s7 =	sadd.s32 $0xDEE00, s31;
	s6 =	smax.u32 s30, $0x1;
	s8 =	sadd.s32 $0x1E00, s8  }
.LBB2_5:
0x14: {  	s28 =	sadd.s32 $0x1, s28  }
0x15: {  	p1 =	sne.s32 s28, s6  }
.Ltmp1:
0x16: {  	_ = 	snop;
	(pc) =	sbr.rel @!p1 .LBB2_6-.Ltmp1, $1  }
0x17: {  	_ =	sdelay $0x3  }
.LBB2_1:
0x18: {  	s29 =	smov.u32 s7;
	s30 =	simm.s32 $0x0  }
.LBB2_2:
0x19: {  	s31 =	sadd.s32 s30, s8  }
0x1a: {  	[tilespmem:s9], [sflag:$0x1] =	stream.linear.gather [hbm4b:s31+s4], $0x80, $0x38;
	[tilespmem:$0x8100] =	vst v63  }
0x1b: {  	_ =	swait.ge [sflag:s10], $0x80  }
0x1c: {  	[sflag:s10] =	ssyncset.done $0x0  }
0x1d: {  	[sflag:s10] =	ssyncadd.s32 $0xFFFFFF80  }
0x1e: {  	v3 =	vld [tilespmem:$0x8000];
	_ =	sdelay $0x4  }
0x1f: {  	v4 =	vshll.u32 v3, $0x1  }
0x20: {  	v3 =	vand.u32 $0x7, v3;
	v4 =	vand.u32 $0xFFFFFFF0, v4  }
0x21: {  	v3 =	vor.u32 v3, v4  }
0x22: {  	v4 =	vperm.xlane v3, v0;
	_ =	sdelay $0x1  }
0x23: {  	v3 =	vperm.xlane v3, v2;
	v4 =	vadd.s32 v1, v4;
	_ =	sdelay $0x1  }
0x24: {  	v3 =	vadd.s32 v1, v3;
	_ =	sdelay $0x2  }
0x25: {  	[tilespmem:s4], [sflag:$0x1] =	stream.indirect_vreg.gather [hbm4b:s5+s4], $0x80, v4, vm0, $0xb8;
	[tilespmem:$0x8100] =	vst v63  }
0x26: {  	_ = 	snop  }
0x27: {  	[tilespmem:s11], [sflag:$0x1] =	stream.indirect_vreg.gather [hbm4b:s5+s4], $0x80, v3, vm0, $0xb8;
	[tilespmem:$0x8100] =	vst v63  }
0x28: {  	v3 =	vld [tilespmem:$0x8010];
	_ =	sdelay $0x4  }
0x29: {  	v57 =	vshll.u32 v3, $0x1  }
0x2a: {  	v3 =	vand.u32 $0x7, v3;
	v4 =	vand.u32 $0xFFFFFFF0, v57  }
0x2b: {  	v3 =	vor.u32 v3, v4  }
0x2c: {  	v4 =	vperm.xlane v3, v0;
	_ =	sdelay $0x1  }
0x2d: {  	v3 =	vperm.xlane v3, v2;
	v4 =	vadd.s32 v1, v4;
	_ =	sdelay $0x1  }
0x2e: {  	v3 =	vadd.s32 v1, v3;
	_ =	sdelay $0x2  }
0x2f: {  	[tilespmem:s12], [sflag:$0x1] =	stream.indirect_vreg.gather [hbm4b:s5+s4], $0x80, v4, vm0, $0xb8;
	[tilespmem:$0x8100] =	vst v63  }
0x30: {  	_ = 	snop  }
0x31: {  	[tilespmem:s13], [sflag:$0x1] =	stream.indirect_vreg.gather [hbm4b:s5+s4], $0x80, v3, vm0, $0xb8;
	[tilespmem:$0x8100] =	vst v63  }
0x32: {  	v3 =	vld [tilespmem:$0x8020];
	_ =	sdelay $0x4  }
0x33: {  	v58 =	vshll.u32 v3, $0x1  }
0x34: {  	v3 =	vand.u32 $0x7, v3;
	v4 =	vand.u32 $0xFFFFFFF0, v58  }
0x35: {  	v3 =	vor.u32 v3, v4  }
0x36: {  	v4 =	vperm.xlane v3, v0;
	_ =	sdelay $0x1  }
0x37: {  	v3 =	vperm.xlane v3, v2;
	v4 =	vadd.s32 v1, v4;
	_ =	sdelay $0x1  }
0x38: {  	v3 =	vadd.s32 v1, v3;
	_ =	sdelay $0x2  }
0x39: {  	[tilespmem:s14], [sflag:$0x1] =	stream.indirect_vreg.gather [hbm4b:s5+s4], $0x80, v4, vm0, $0xb8;
	[tilespmem:$0x8100] =	vst v63  }
0x3a: {  	_ = 	snop  }
0x3b: {  	[tilespmem:s15], [sflag:$0x1] =	stream.indirect_vreg.gather [hbm4b:s5+s4], $0x80, v3, vm0, $0xb8;
	[tilespmem:$0x8100] =	vst v63  }
0x3c: {  	v3 =	vld [tilespmem:$0x8030];
	_ =	sdelay $0x4  }
0x3d: {  	v59 =	vshll.u32 v3, $0x1  }
0x3e: {  	v3 =	vand.u32 $0x7, v3;
	v4 =	vand.u32 $0xFFFFFFF0, v59  }
0x3f: {  	v3 =	vor.u32 v3, v4  }
0x40: {  	v4 =	vperm.xlane v3, v0;
	_ =	sdelay $0x1  }
0x41: {  	v3 =	vperm.xlane v3, v2;
	v4 =	vadd.s32 v1, v4;
	_ =	sdelay $0x1  }
0x42: {  	v3 =	vadd.s32 v1, v3;
	_ =	sdelay $0x2  }
0x43: {  	[tilespmem:s16], [sflag:$0x1] =	stream.indirect_vreg.gather [hbm4b:s5+s4], $0x80, v4, vm0, $0xb8;
	[tilespmem:$0x8100] =	vst v63  }
0x44: {  	_ = 	snop  }
0x45: {  	[tilespmem:s17], [sflag:$0x1] =	stream.indirect_vreg.gather [hbm4b:s5+s4], $0x80, v3, vm0, $0xb8;
	[tilespmem:$0x8100] =	vst v63  }
0x46: {  	v3 =	vld [tilespmem:$0x8040];
	_ =	sdelay $0x4  }
0x47: {  	v60 =	vshll.u32 v3, $0x1  }
0x48: {  	v3 =	vand.u32 $0x7, v3;
	v4 =	vand.u32 $0xFFFFFFF0, v60  }
0x49: {  	v3 =	vor.u32 v3, v4  }
0x4a: {  	v4 =	vperm.xlane v3, v0;
	_ =	sdelay $0x1  }
0x4b: {  	v3 =	vperm.xlane v3, v2;
	v4 =	vadd.s32 v1, v4;
	_ =	sdelay $0x1  }
0x4c: {  	v3 =	vadd.s32 v1, v3;
	_ =	sdelay $0x2  }
0x4d: {  	[tilespmem:s18], [sflag:$0x1] =	stream.indirect_vreg.gather [hbm4b:s5+s4], $0x80, v4, vm0, $0xb8;
	[tilespmem:$0x8100] =	vst v63  }
0x4e: {  	_ = 	snop  }
0x4f: {  	[tilespmem:s19], [sflag:$0x1] =	stream.indirect_vreg.gather [hbm4b:s5+s4], $0x80, v3, vm0, $0xb8;
	[tilespmem:$0x8100] =	vst v63  }
0x50: {  	v3 =	vld [tilespmem:$0x8050];
	_ =	sdelay $0x4  }
0x51: {  	v61 =	vshll.u32 v3, $0x1  }
0x52: {  	v3 =	vand.u32 $0x7, v3;
	v4 =	vand.u32 $0xFFFFFFF0, v61  }
0x53: {  	v3 =	vor.u32 v3, v4  }
0x54: {  	v4 =	vperm.xlane v3, v0;
	_ =	sdelay $0x1  }
0x55: {  	v3 =	vperm.xlane v3, v2;
	v4 =	vadd.s32 v1, v4;
	_ =	sdelay $0x1  }
0x56: {  	v3 =	vadd.s32 v1, v3;
	_ =	sdelay $0x2  }
0x57: {  	[tilespmem:s20], [sflag:$0x1] =	stream.indirect_vreg.gather [hbm4b:s5+s4], $0x80, v4, vm0, $0xb8;
	[tilespmem:$0x8100] =	vst v63  }
0x58: {  	_ = 	snop  }
0x59: {  	[tilespmem:s21], [sflag:$0x1] =	stream.indirect_vreg.gather [hbm4b:s5+s4], $0x80, v3, vm0, $0xb8;
	[tilespmem:$0x8100] =	vst v63  }
0x5a: {  	v3 =	vld [tilespmem:$0x8060];
	_ =	sdelay $0x4  }
0x5b: {  	v62 =	vshll.u32 v3, $0x1  }
0x5c: {  	v3 =	vand.u32 $0x7, v3;
	v4 =	vand.u32 $0xFFFFFFF0, v62  }
0x5d: {  	v3 =	vor.u32 v3, v4  }
0x5e: {  	v4 =	vperm.xlane v3, v0;
	_ =	sdelay $0x1  }
0x5f: {  	v3 =	vperm.xlane v3, v2;
	v4 =	vadd.s32 v1, v4;
	_ =	sdelay $0x1  }
0x60: {  	v3 =	vadd.s32 v1, v3;
	_ =	sdelay $0x2  }
0x61: {  	[tilespmem:s22], [sflag:$0x1] =	stream.indirect_vreg.gather [hbm4b:s5+s4], $0x80, v4, vm0, $0xb8;
	[tilespmem:$0x8100] =	vst v63  }
0x62: {  	_ = 	snop  }
0x63: {  	[tilespmem:s23], [sflag:$0x1] =	stream.indirect_vreg.gather [hbm4b:s5+s4], $0x80, v3, vm0, $0xb8;
	[tilespmem:$0x8100] =	vst v63  }
0x64: {  	v3 =	vld [tilespmem:$0x8070];
	_ =	sdelay $0x4  }
0x65: {  	v63 =	vshll.u32 v3, $0x1  }
0x66: {  	v3 =	vand.u32 $0x7, v3;
	v4 =	vand.u32 $0xFFFFFFF0, v63  }
0x67: {  	v3 =	vor.u32 v3, v4  }
0x68: {  	v4 =	vperm.xlane v3, v0;
	_ =	sdelay $0x1  }
0x69: {  	v3 =	vperm.xlane v3, v2;
	v4 =	vadd.s32 v1, v4;
	_ =	sdelay $0x1  }
0x6a: {  	v3 =	vadd.s32 v1, v3;
	_ =	sdelay $0x2  }
0x6b: {  	[tilespmem:s24], [sflag:$0x1] =	stream.indirect_vreg.gather [hbm4b:s5+s4], $0x80, v4, vm0, $0xb8;
	[tilespmem:$0x8100] =	vst v63  }
0x6c: {  	_ = 	snop  }
0x6d: {  	[tilespmem:s25], [sflag:$0x1] =	stream.indirect_vreg.gather [hbm4b:s5+s4], $0x80, v3, vm0, $0xb8;
	[tilespmem:$0x8100] =	vst v63  }
0x6e: {  	_ =	swait.ge [sflag:s10], $0x8000  }
0x6f: {  	p1 =	sne.s32 s30, $0x290;
	[sflag:s10] =	ssyncset.done $0x0  }
.Ltmp2:
0x70: {  	[sflag:s10] =	ssyncadd.s32 $0xFFFF8000;
	(pc) =	sbr.rel @p1 .LBB2_2-.Ltmp2, $4  }
0x71: {  	[hbm4b:s29+s4] =	stream.linear.scatter [tilespmem:s4], [sflag:$0x1], $0x8000, $0x38;
	[tilespmem:$0x8100] =	vst v63  }
0x72: {  	_ =	swait.ge [sflag:s10], $0x8000  }
0x73: {  	[sflag:s10] =	ssyncset.done $0x0  }
0x74: {  	s30 =	sadd.s32 $0x10, s30;
	s29 =	sadd.s32 $0x1000, s29;
	[sflag:s10] =	ssyncadd.s32 $0xFFFF8000  }
.Ltmp3:
0x75: {  	(pc) =	sbr.rel @p0 .LBB2_5-.Ltmp3, $1  }
0x76: {  	_ =	sdelay $0x3  }
0x77: {  	[tilespmem:s26], [sflag:$0x1] =	stream.linear.gather [hbm4b:s2+s4], $0x80, $0x38;
	[tilespmem:$0x8100] =	vst v63  }
0x78: {  	_ =	swait.ge [sflag:s10], $0x80  }
0x79: {  	[sflag:s10] =	ssyncset.done $0x0  }
0x7a: {  	[sflag:s10] =	ssyncadd.s32 $0xFFFFFF80  }
0x7b: {  	v3 =	vld [tilespmem:$0x8080];
	_ =	sdelay $0x4  }
0x7c: {  	v4 =	vshll.u32 v3, $0x1  }
0x7d: {  	v3 =	vand.u32 $0x7, v3;
	v4 =	vand.u32 $0xFFFFFFF0, v4  }
0x7e: {  	v3 =	vor.u32 v3, v4  }
0x7f: {  	v4 =	vperm.xlane v3, v0;
	_ =	sdelay $0x1  }
0x80: {  	v3 =	vperm.xlane v3, v2;
	v4 =	vadd.s32 v1, v4;
	_ =	sdelay $0x1  }
0x81: {  	v3 =	vadd.s32 v1, v3;
	_ =	sdelay $0x2  }
0x82: {  	[tilespmem:s4], [sflag:$0x1] =	stream.indirect_vreg.gather [hbm4b:s5+s4], $0x80, v4, vm0, $0xb8;
	[tilespmem:$0x8100] =	vst v63  }
0x83: {  	_ = 	snop  }
0x84: {  	[tilespmem:s11], [sflag:$0x1] =	stream.indirect_vreg.gather [hbm4b:s5+s4], $0x80, v3, vm0, $0xb8;
	[tilespmem:$0x8100] =	vst v63  }
0x85: {  	v3 =	vld [tilespmem:$0x8090];
	_ =	sdelay $0x4  }
0x86: {  	v57 =	vshll.u32 v3, $0x1  }
0x87: {  	v3 =	vand.u32 $0x7, v3;
	v4 =	vand.u32 $0xFFFFFFF0, v57  }
0x88: {  	v3 =	vor.u32 v3, v4  }
0x89: {  	v4 =	vperm.xlane v3, v0;
	_ =	sdelay $0x1  }
0x8a: {  	v3 =	vperm.xlane v3, v2;
	v4 =	vadd.s32 v1, v4;
	_ =	sdelay $0x1  }
0x8b: {  	v3 =	vadd.s32 v1, v3;
	_ =	sdelay $0x2  }
0x8c: {  	[tilespmem:s12], [sflag:$0x1] =	stream.indirect_vreg.gather [hbm4b:s5+s4], $0x80, v4, vm0, $0xb8;
	[tilespmem:$0x8100] =	vst v63  }
0x8d: {  	_ = 	snop  }
0x8e: {  	[tilespmem:s13], [sflag:$0x1] =	stream.indirect_vreg.gather [hbm4b:s5+s4], $0x80, v3, vm0, $0xb8;
	[tilespmem:$0x8100] =	vst v63  }
0x8f: {  	v3 =	vld [tilespmem:$0x80A0];
	_ =	sdelay $0x4  }
0x90: {  	v58 =	vshll.u32 v3, $0x1  }
0x91: {  	v3 =	vand.u32 $0x7, v3;
	v4 =	vand.u32 $0xFFFFFFF0, v58  }
0x92: {  	v3 =	vor.u32 v3, v4  }
0x93: {  	v4 =	vperm.xlane v3, v0;
	_ =	sdelay $0x1  }
0x94: {  	v3 =	vperm.xlane v3, v2;
	v4 =	vadd.s32 v1, v4;
	_ =	sdelay $0x1  }
0x95: {  	v3 =	vadd.s32 v1, v3;
	_ =	sdelay $0x2  }
0x96: {  	[tilespmem:s14], [sflag:$0x1] =	stream.indirect_vreg.gather [hbm4b:s5+s4], $0x80, v4, vm0, $0xb8;
	[tilespmem:$0x8100] =	vst v63  }
0x97: {  	_ = 	snop  }
0x98: {  	[tilespmem:s15], [sflag:$0x1] =	stream.indirect_vreg.gather [hbm4b:s5+s4], $0x80, v3, vm0, $0xb8;
	[tilespmem:$0x8100] =	vst v63  }
0x99: {  	v3 =	vld [tilespmem:$0x80B0];
	_ =	sdelay $0x4  }
0x9a: {  	v59 =	vshll.u32 v3, $0x1  }
0x9b: {  	v3 =	vand.u32 $0x7, v3;
	v4 =	vand.u32 $0xFFFFFFF0, v59  }
0x9c: {  	v3 =	vor.u32 v3, v4  }
0x9d: {  	v4 =	vperm.xlane v3, v0;
	_ =	sdelay $0x1  }
0x9e: {  	v3 =	vperm.xlane v3, v2;
	v4 =	vadd.s32 v1, v4;
	_ =	sdelay $0x1  }
0x9f: {  	v3 =	vadd.s32 v1, v3;
	_ =	sdelay $0x2  }
0xa0: {  	[tilespmem:s16], [sflag:$0x1] =	stream.indirect_vreg.gather [hbm4b:s5+s4], $0x80, v4, vm0, $0xb8;
	[tilespmem:$0x8100] =	vst v63  }
0xa1: {  	_ = 	snop  }
0xa2: {  	[tilespmem:s17], [sflag:$0x1] =	stream.indirect_vreg.gather [hbm4b:s5+s4], $0x80, v3, vm0, $0xb8;
	[tilespmem:$0x8100] =	vst v63  }
0xa3: {  	v3 =	vld [tilespmem:$0x80C0];
	_ =	sdelay $0x4  }
0xa4: {  	v60 =	vshll.u32 v3, $0x1  }
0xa5: {  	v3 =	vand.u32 $0x7, v3;
	v4 =	vand.u32 $0xFFFFFFF0, v60  }
0xa6: {  	v3 =	vor.u32 v3, v4  }
0xa7: {  	v4 =	vperm.xlane v3, v0;
	_ =	sdelay $0x1  }
0xa8: {  	v3 =	vperm.xlane v3, v2;
	v4 =	vadd.s32 v1, v4;
	_ =	sdelay $0x1  }
0xa9: {  	v3 =	vadd.s32 v1, v3;
	_ =	sdelay $0x2  }
0xaa: {  	[tilespmem:s18], [sflag:$0x1] =	stream.indirect_vreg.gather [hbm4b:s5+s4], $0x80, v4, vm0, $0xb8;
	[tilespmem:$0x8100] =	vst v63  }
0xab: {  	_ = 	snop  }
0xac: {  	[tilespmem:s19], [sflag:$0x1] =	stream.indirect_vreg.gather [hbm4b:s5+s4], $0x80, v3, vm0, $0xb8;
	[tilespmem:$0x8100] =	vst v63  }
0xad: {  	v3 =	vld [tilespmem:$0x80D0];
	_ =	sdelay $0x4  }
0xae: {  	v61 =	vshll.u32 v3, $0x1  }
0xaf: {  	v3 =	vand.u32 $0x7, v3;
	v4 =	vand.u32 $0xFFFFFFF0, v61  }
0xb0: {  	v3 =	vor.u32 v3, v4  }
0xb1: {  	v4 =	vperm.xlane v3, v0;
	_ =	sdelay $0x1  }
0xb2: {  	v3 =	vperm.xlane v3, v2;
	v4 =	vadd.s32 v1, v4;
	_ =	sdelay $0x1  }
0xb3: {  	v3 =	vadd.s32 v1, v3;
	_ =	sdelay $0x2  }
0xb4: {  	[tilespmem:s20], [sflag:$0x1] =	stream.indirect_vreg.gather [hbm4b:s5+s4], $0x80, v4, vm0, $0xb8;
	[tilespmem:$0x8100] =	vst v63  }
0xb5: {  	_ = 	snop  }
0xb6: {  	[tilespmem:s21], [sflag:$0x1] =	stream.indirect_vreg.gather [hbm4b:s5+s4], $0x80, v3, vm0, $0xb8;
	[tilespmem:$0x8100] =	vst v63  }
0xb7: {  	v3 =	vld [tilespmem:$0x80E0];
	_ =	sdelay $0x4  }
0xb8: {  	v62 =	vshll.u32 v3, $0x1  }
0xb9: {  	v3 =	vand.u32 $0x7, v3;
	v4 =	vand.u32 $0xFFFFFFF0, v62  }
0xba: {  	v3 =	vor.u32 v3, v4  }
0xbb: {  	v4 =	vperm.xlane v3, v0;
	_ =	sdelay $0x1  }
0xbc: {  	v3 =	vperm.xlane v3, v2;
	v4 =	vadd.s32 v1, v4;
	_ =	sdelay $0x1  }
0xbd: {  	v3 =	vadd.s32 v1, v3;
	_ =	sdelay $0x2  }
0xbe: {  	[tilespmem:s22], [sflag:$0x1] =	stream.indirect_vreg.gather [hbm4b:s5+s4], $0x80, v4, vm0, $0xb8;
	[tilespmem:$0x8100] =	vst v63  }
0xbf: {  	_ = 	snop  }
0xc0: {  	[tilespmem:s23], [sflag:$0x1] =	stream.indirect_vreg.gather [hbm4b:s5+s4], $0x80, v3, vm0, $0xb8;
	[tilespmem:$0x8100] =	vst v63  }
0xc1: {  	v3 =	vld [tilespmem:$0x80F0];
	_ =	sdelay $0x4  }
0xc2: {  	v63 =	vshll.u32 v3, $0x1  }
0xc3: {  	v3 =	vand.u32 $0x7, v3;
	v4 =	vand.u32 $0xFFFFFFF0, v63  }
0xc4: {  	v3 =	vor.u32 v3, v4  }
0xc5: {  	v4 =	vperm.xlane v3, v0;
	_ =	sdelay $0x1  }
0xc6: {  	v3 =	vperm.xlane v3, v2;
	v4 =	vadd.s32 v1, v4;
	_ =	sdelay $0x1  }
0xc7: {  	v3 =	vadd.s32 v1, v3;
	_ =	sdelay $0x2  }
0xc8: {  	[tilespmem:s24], [sflag:$0x1] =	stream.indirect_vreg.gather [hbm4b:s5+s4], $0x80, v4, vm0, $0xb8;
	[tilespmem:$0x8100] =	vst v63  }
0xc9: {  	_ = 	snop  }
0xca: {  	[tilespmem:s25], [sflag:$0x1] =	stream.indirect_vreg.gather [hbm4b:s5+s4], $0x80, v3, vm0, $0xb8;
	[tilespmem:$0x8100] =	vst v63  }
0xcb: {  	_ =	swait.ge [sflag:s10], $0x8000  }
0xcc: {  	[sflag:s10] =	ssyncset.done $0x0  }
.Ltmp4:
0xcd: {  	[sflag:s10] =	ssyncadd.s32 $0xFFFF8000;
	(pc) =	sbr.rel .LBB2_5-.Ltmp4, $4  }
0xce: {  	[hbm4b:s3+s4] =	stream.linear.scatter [tilespmem:s4], [sflag:$0x1], $0x8000, $0x38;
	[tilespmem:$0x8100] =	vst v63  }
0xcf: {  	_ =	swait.ge [sflag:s10], $0x8000  }
0xd0: {  	[sflag:s10] =	ssyncset.done $0x0  }
0xd1: {  	[sflag:s10] =	ssyncadd.s32 $0xFFFF8000  }
.LBB2_6:
0xd2: {  	_ =	sfence.sel $0x180000  }
0xd3: {  	[bflag:$0x0] =	sbarrier.arrive $0xFFFF  }
0xd4: {  	p0 =	sne.s32 s1, $0x0;
	_ =	strace $0x9000004A  }
0xd5: {  	s0 =	sadd.s32 @!p0 $0x100000, s0;
	[bflag:$0x2] =	sbarrier.arrive $0xFFFF  }
0xd6: {  	[sflag:s0] =	ssyncadd.tile.s32 @!p0 $0x1;
	_ =	shalt  }
.Lfunc_end2:
_tile_overlayer_lowered:
.L_overlay_start_2:
0xd7: {  	(tag) =	ssettag $0x2  }
0xd8: {  	s0 =	rddreg [dreg:$0x0];
	s2 =	stileid.u32  }
0xd9: {  	s1 =	rddreg [dreg:$0x1];
	p0 =	sne.s32 s2, $0x0  }
0xda: {  	s3 =	rddreg [dreg:$0x2];
	[bflag:$0x3] =	sbarrier.arrive $0xFFFF;
	s2 =	simm.s32 @!p0 $0x1C01  }
0xdb: {  	[timem:s3], [sflag:s2] =	dma.local @!p0 [hbm:s0], s1  }
0xdc: {  	s0 =	simm.s32 @!p0 $0x1  }
0xdd: {  	_ =	swait.ge @!p0 [sflag:s0], s1  }
0xde: {  	s1 =	ssub.s32 @!p0 $0x0, s1;
	[sflag:s0] =	ssyncset.done @!p0 $0x0  }
0xdf: {  	[sflag:s0] =	ssyncadd.s32 @!p0 s1  }
0xe0: {  	[bflag:$0x3] =	sbarrier.arrive $0xFFFF  }
0xe1: {  	_ =	shalt  }

// kernel: scatter_offload_async_start.1
scs
__scs_entry_jumppad:
0x0: {  	(pc) =	sbr.rel $0x88, $3  }
0x1: {  	(tag) =	ssettag $0x0;
	lr =	simm.s32 $0x1  }
0x2: {  	[smem:$0x3F99] =	sst lr;
	_ =	strace $0xD0000000  }
0x3: {  	_ = 	snop  }
0x4: {  	_ = 	snop  }
0x5: {  	_ = 	snop  }
0x6: {  	_ = 	snop  }
0x7: {  	_ = 	snop  }
__scs_overlays_trampoline_lowered:
0x8: {  	[smem:$0x3FA8] =	sst s0  }
0x9: {  	[smem:$0x3FA9] =	sst s1  }
0xa: {  	[smem:$0x3FAA] =	sst s2  }
0xb: {  	[smem:$0x3FAB] =	sst s3  }
0xc: {  	[smem:$0x3FAC] =	sst s4  }
0xd: {  	[smem:$0x3FAD] =	sst s5  }
0xe: {  	[smem:$0x3FAE] =	sst s6  }
0xf: {  	[smem:$0x3FAF] =	sst s7  }
0x10: {  	[smem:$0x3FB0] =	sst s8  }
0x11: {  	[smem:$0x3FB1] =	sst s9;
	s0 =	simm.s32 @!p0 $0x0  }
0x12: {  	s1 =	sld [smem:$0x3F97];
	s0 =	simm.s32 @p0 $0x1  }
0x13: {  	[smem:$0x3FB2] =	sst s0;
	s0 =	simm.s32 @!p1 $0x0  }
0x14: {  	s2 =	sld [smem:$0x3F96];
	s0 =	simm.s32 @p1 $0x1  }
0x15: {  	[smem:$0x3FB3] =	sst s0;
	s0 =	simm.s32 @!p2 $0x0  }
0x16: {  	s3 =	sld [smem:$0x3FDB];
	s0 =	simm.s32 @p2 $0x1  }
0x17: {  	s4 =	simm.s32 $0x1BF5;
	[smem:$0x3FB5] =	sst s0  }
0x18: {  	s0 =	sld [smem:$0x3F98];
	_ =	swait.ge [sflag:s4], $0x0  }
0x19: {  	s7 =	sld [smem:$0x3F99]  }
0x1a: {  	s8 =	sadd.s32 $0xFFFFE003, lr  }
0x1b: {  	s9 =	sadd.s32 $0xFFFFFEF7, lr;
	s5 =	simm.s32 $0xFFFFFFFF;
	p2 =	slt.u32 s8, $0xFFFFF086  }
0x1c: {  	p1 =	slt.u32 s9, $0xF7A;
	s5 =	simm.s32 @!p2 $0x0  }
0x1d: {  	s5 =	simm.s32 @p1 $0x1;
	p0 =	seq.s32 s7, s2  }
0x1e: {  	s7 =	smul.u32 @!p0 $0xF7A, s2;
	p2 =	seq.s32 @!p0 s5, $0x0  }
0x1f: {  	s9 =	smul.u32 $0xF7A, s1;
	s8 =	simm.s32 @!p0 $0x1BF5;
	p2 =	por !p2, p0  }
0x20: {  	[sflag:s8] =	ssyncset.s32 @!p0 $0xFFFFF086;
	s6 =	sadd.s32 @!p0 s3, s7;
	s7 =	simm.s32 @!p0 $0x108  }
0x21: {  	s3 =	sadd.s32 s3, s9;
	s6 =	sadd.s32 @!p0 $0x88, s6;
	s7 =	simm.s32 @p2 $0x1082  }
0x22: {  	[simem:s7], [sflag:s8] =	dma.local @!p0 [hbm:s6], $0xF7A  }
0x23: {  	s9 =	sor.u32 $0xD0000000, s2;
	s6 =	simm.s32 $0x108;
	_ =	swait.ge @!p0 [sflag:s8], $0x0  }
0x24: {  	s3 =	sadd.s32 $0x88, s3;
	s6 =	simm.s32 @!p1 $0x1082;
	[sflag:s4] =	ssyncset.s32 $0xFFFFF086  }
0x25: {  	[simem:s6], [sflag:s4] =	dma.local [hbm:s3], $0xF7A  }
0x26: {  	[smem:$0x3F99] =	sst s1;
	(tag) =	ssettag s2;
	_ =	strace s9  }
0x27: {  	s1 =	sld [smem:$0x3FA9]  }
0x28: {  	s2 =	sld [smem:$0x3FAA]  }
0x29: {  	s4 =	sld [smem:$0x3FAC]  }
0x2a: {  	p0 =	seq.s32 s5, $0x0;
	s5 =	sld [smem:$0x3FAD]  }
0x2b: {  	s6 =	sld [smem:$0x3FAE]  }
0x2c: {  	s7 =	sld [smem:$0x3FAF]  }
0x2d: {  	s3 =	simm.s32 $0x108;
	s8 =	sld [smem:$0x3FB0]  }
0x2e: {  	s3 =	simm.s32 @!p0 $0x1082;
	s9 =	sld [smem:$0x3FB1]  }
0x2f: {  	lr =	sadd.s32 s0, s3;
	s0 =	sld [smem:$0x3FA8]  }
0x30: {  	s3 =	sld [smem:$0x3FAB]  }
0x31: {  	[smem:$0x3FB4] =	sst s10  }
0x32: {  	s10 =	sld [smem:$0x3FB2];
	_ =	sdelay $0x3  }
0x33: {  	p0 =	seq.s32 s10, $0x1;
	s10 =	sld [smem:$0x3FB4];
	_ =	sdelay $0x3  }
0x34: {  	[smem:$0x3FB4] =	sst s10  }
0x35: {  	s10 =	sld [smem:$0x3FB3];
	_ =	sdelay $0x3  }
0x36: {  	p1 =	seq.s32 s10, $0x1;
	s10 =	sld [smem:$0x3FB4];
	_ =	sdelay $0x3  }
0x37: {  	[smem:$0x3FB4] =	sst s10  }
0x38: {  	s10 =	sld [smem:$0x3FB5]  }
0x39: {  	_ = 	snop;
	(pc) =	sbr.ind lr, $3  }
0x3a: {  	_ = 	snop  }
0x3b: {  	_ = 	snop  }
0x3c: {  	p2 =	seq.s32 s10, $0x1;
	s10 =	sld [smem:$0x3FB4]  }
0x3d: {  	_ =	shalt  }
0x3e: {  	_ =	shalt  }
0x3f: {  	_ =	shalt  }
0x40: {  	_ =	shalt  }
0x41: {  	_ =	shalt  }
0x42: {  	_ =	shalt  }
0x43: {  	_ =	shalt  }
0x44: {  	_ =	shalt  }
0x45: {  	_ =	shalt  }
0x46: {  	_ =	shalt  }
0x47: {  	_ =	shalt  }
0x48: {  	_ =	shalt  }
0x49: {  	_ =	shalt  }
0x4a: {  	_ =	shalt  }
0x4b: {  	_ =	shalt  }
0x4c: {  	_ =	shalt  }
0x4d: {  	_ =	shalt  }
0x4e: {  	_ =	shalt  }
0x4f: {  	_ =	shalt  }
0x50: {  	_ =	shalt  }
0x51: {  	_ =	shalt  }
0x52: {  	_ =	shalt  }
0x53: {  	_ =	shalt  }
0x54: {  	_ =	shalt  }
0x55: {  	_ =	shalt  }
0x56: {  	_ =	shalt  }
0x57: {  	_ =	shalt  }
0x58: {  	_ =	shalt  }
0x59: {  	_ =	shalt  }
0x5a: {  	_ =	shalt  }
0x5b: {  	_ =	shalt  }
0x5c: {  	_ =	shalt  }
0x5d: {  	_ =	shalt  }
0x5e: {  	_ =	shalt  }
0x5f: {  	_ =	shalt  }
0x60: {  	_ =	shalt  }
0x61: {  	_ =	shalt  }
0x62: {  	_ =	shalt  }
0x63: {  	_ =	shalt  }
0x64: {  	_ =	shalt  }
0x65: {  	_ =	shalt  }
0x66: {  	_ =	shalt  }
0x67: {  	_ =	shalt  }
0x68: {  	_ =	shalt  }
0x69: {  	_ =	shalt  }
0x6a: {  	_ =	shalt  }
0x6b: {  	_ =	shalt  }
0x6c: {  	_ =	shalt  }
0x6d: {  	_ =	shalt  }
0x6e: {  	_ =	shalt  }
0x6f: {  	_ =	shalt  }
0x70: {  	_ =	shalt  }
0x71: {  	_ =	shalt  }
0x72: {  	_ =	shalt  }
0x73: {  	_ =	shalt  }
0x74: {  	_ =	shalt  }
0x75: {  	_ =	shalt  }
0x76: {  	_ =	shalt  }
0x77: {  	_ =	shalt  }
0x78: {  	_ =	shalt  }
0x79: {  	_ =	shalt  }
0x7a: {  	_ =	shalt  }
0x7b: {  	_ =	shalt  }
0x7c: {  	_ =	shalt  }
0x7d: {  	_ =	shalt  }
0x7e: {  	_ =	shalt  }
0x7f: {  	_ =	shalt  }
0x80: {  	_ =	shalt  }
0x81: {  	_ =	shalt  }
0x82: {  	_ =	shalt  }
0x83: {  	_ =	shalt  }
0x84: {  	_ =	shalt  }
0x85: {  	_ =	shalt  }
0x86: {  	_ =	shalt  }
0x87: {  	_ =	shalt  }
.Lfunc_end0:
.L_simem_size_0:
called_computation.1_lowered:
.L_overlay_start_0:
0x88: {  	s2 =	sld [smem:$0x3FD9]  }
0x89: {  	s3 =	sld [smem:$0x3FFE];
	_ =	sdelay $0x1  }
0x8a: {  	s1 =	srdreg.scid  }
0x8b: {  	s0 =	sand.u32 $0x1, s1  }
0x8c: {  	s15 =	sshll.u32 s0, $0xA;
	s2 =	sadd.s32 s3, s2  }
0x8d: {  	s2 =	sadd.s32 s2, s15  }
0x8e: {  	[smem:$0x3FC0] =	sst s2  }
0x8f: {  	_ = 	snop  }
0x90: {  	(tm) =	ssettm $0x1  }
0x91: {  	s16 =	sld [smem:$0x3FFB];
	_ =	sdelay $0x3  }
0x92: {  	_ =	strace s16  }
0x93: {  	s2 =	sld [smem:$0x3FFC];
	_ =	sdelay $0x3  }
0x94: {  	_ =	strace s2  }
0x95: {  	s2 =	sld [smem:$0x3FFD];
	_ =	sdelay $0x3  }
0x96: {  	_ =	strace s2  }
0x97: {  	_ =	strace $0x8FFFFFFF  }
0x98: {  	s17 =	sld [smem:$0x3FDB];
	_ =	sdelay $0x1  }
0x99: {  	s18 =	simm.s32 $_scs_section_size  }
0x9a: {  	s4 =	simm.s32 $_size__tile_overlayer_lowered;
	s5 =	simm.s32 $_tile_overlayer_lowered  }
0x9b: {  	s6 =	simm.s32 $0x1BFF;
	s19 =	sshll.u32 s5, $0x1;
	s3 =	sadd.s32 s18, s17  }
0x9c: {  	s20 =	simm.s32 $0x0;
	s4 =	sshll.u32 s4, $0x1;
	s5 =	sadd.s32 s19, s3  }
0x9d: {  	[timem:s20], [sflag:s6] =	dma.local [hbm:s5], s4  }
0x9e: {  	_ =	swait.ge [sflag:s6], s4  }
0x9f: {  	s4 =	ssub.s32 $0x0, s4;
	[sflag:s6] =	ssyncset.done $0x0  }
0xa0: {  	[sflag:s6] =	ssyncadd.s32 s4;
	_ =	sdelay $0x1  }
0xa1: {  	s21 =	simm.s32 $0x1B8B  }
0xa2: {  	_ =	swait.ge [sflag:s21], $0x1  }
0xa3: {  	[sflag:s21] =	ssyncset.done $0x0  }
0xa4: {  	s22 =	sld [smem:$0x3FFE];
	[sflag:s21] =	ssyncadd.s32 $0xFFFFFFFF  }
0xa5: {  	s24 =	simm.s32 $0x1B8E;
	s23 =	sld [smem:$0x0]  }
0xa6: {  	s25 =	simm.s32 $execute0_lowered;
	[smem:$0x3FD2] =	sst s24  }
0xa7: {  	s6 =	sshll.u32 s25, $0x1;
	_ =	strace $0x8000004C;
	[dreg:$0x1] =	wrdreg $0xFFFFFFFF  }
0xa8: {  	s7 =	simm.s32 $_size_execute0_lowered;
	s6 =	sadd.s32 s3, s6;
	[dreg:$0x0] =	wrdreg $0x0  }
0xa9: {  	s7 =	sshll.u32 s7, $0x1;
	[dreg:$0x2] =	wrdreg s6  }
0xaa: {  	[dreg:$0x3] =	wrdreg s7  }
0xab: {  	[dreg:$0x4] =	wrdreg $0xC0  }
0xac: {  	s26 =	simm.s32 $execute1_lowered;
	_ =	task [dreg:s20], $0x5FFFF  }
0xad: {  	s6 =	sshll.u32 s26, $0x1;
	[dreg:$0x1] =	wrdreg $0xFFFFFFFF  }
0xae: {  	s3 =	sadd.s32 s3, s6;
	[dreg:$0x0] =	wrdreg $0x60  }
0xaf: {  	[dreg:$0x2] =	wrdreg s3  }
0xb0: {  	[dreg:$0x3] =	wrdreg s22  }
0xb1: {  	[dreg:$0x4] =	wrdreg $0x9  }
0xb2: {  	_ =	task.clear_ibuf [dreg:s20], $0x5FFFF;
	_ =	strace $0x9000004C  }
0xb3: {  	s28 =	simm.s32 $0x9;
	_ =	strace $0x8000004E  }
0xb4: {  	_ =	swait.ge [sflag:s28], $0x1  }
0xb5: {  	[sflag:s28] =	ssyncadd.s32 $0xFFFFFFFF  }
0xb6: {  	_ =	strace $0x9000004E  }
0xb7: {  	s3 =	sld [smem:$0x0]  }
0xb8: {  	s6 =	sand.u32 $0xFFFFFFFE, s1  }
0xb9: {  	p0 =	sne.s32 s1, s6  }
0xba: {  	s6 =	sshll.u32 @p0 s6, $0xE  }
0xbb: {  	s6 =	sadd.s32 @p0 $0x11BF3, s6;
	s7 =	sshll.u32 @p0 s3, $0x11  }
0xbc: {  	s6 =	sor.u32 @p0 s7, s6  }
0xbd: {  	[sflag:s6] =	ssyncadd.remote.s32 @p0 $0x1;
	_ =	sdelay $0x1  }
0xbe: {  	s6 =	simm.s32 @p0 $0x1BF3  }
0xbf: {  	_ =	swait.eq @p0 [sflag:s6], $0x1  }
0xc0: {  	[sflag:s6] =	ssyncadd.s32 @p0 $0xFFFFFFFF  }
0xc1: {  	s7 =	sshll.u32 @!p0 s1, $0xE  }
0xc2: {  	s7 =	sor.u32 @!p0 $0x4000, s7;
	s6 =	simm.s32 @!p0 $0x1BF3  }
0xc3: {  	s3 =	sshll.u32 @!p0 s3, $0x11;
	s7 =	sadd.s32 @!p0 $0x11BF3, s7;
	_ =	swait.eq @!p0 [sflag:s6], $0x1  }
0xc4: {  	s3 =	sor.u32 @!p0 s3, s7;
	[sflag:s6] =	ssyncadd.s32 @!p0 $0xFFFFFFFF  }
0xc5: {  	[sflag:s3] =	ssyncadd.remote.s32 @!p0 $0x1  }
0xc6: {  	_ =	strace $0x8000004F;
	[dreg:$0x1] =	wrdreg $0xFFFFFFFF  }
0xc7: {  	[dreg:$0x0] =	wrdreg $0x2030  }
0xc8: {  	[dreg:$0x2] =	wrdreg s22  }
0xc9: {  	[dreg:$0x3] =	wrdreg s1  }
0xca: {  	[dreg:$0x4] =	wrdreg s23  }
0xcb: {  	[dreg:$0x5] =	wrdreg $0xA  }
0xcc: {  	_ =	task.clear_ibuf [dreg:s20], $0x6FFFF;
	_ =	strace $0x9000004F  }
0xcd: {  	s29 =	simm.s32 $0xA;
	_ =	strace $0x80000051  }
0xce: {  	_ =	swait.ge [sflag:s29], $0x1  }
0xcf: {  	[sflag:s29] =	ssyncadd.s32 $0xFFFFFFFF  }
0xd0: {  	_ =	strace $0x90000051  }
0xd1: {  	_ =	sfence  }
0xd2: {  	s30 =	sld [smem:$0x0];
	_ =	sdelay $0x2  }
0xd3: {  	s31 =	sshll.u32 s1, $0xD;
	s1 =	sshrl.u32 s1, $0x2  }
0xd4: {  	s4 =	sand.u32 $0x4000, s31;
	s1 =	sadd.s32 s1, s30  }
0xd5: {  	s0 =	sor.u32 s4, s0;
	s1 =	sshll.u32 s1, $0x11  }
0xd6: {  	s0 =	sor.u32 s1, s0  }
0xd7: {  	s0 =	sadd.s32 $0x8F2B, s0  }
0xd8: {  	[sflag:s0] =	ssyncadd.remote.s32 $0x1  }
0xd9: {  	_ =	sfence.sel $0xFFFF  }
0xda: {  	[dreg:$0x0] =	wrdreg $0xFFFFFFFF;
	(pc) =	sbr.abs _section_cstart, $3  }
0xdb: {  	[dreg:$0x1] =	wrdreg $0xFFFFFFFF  }
0xdc: {  	_ =	task.clear_ibuf [dreg:s20], $0x2FFFF;
	_ =	strace $0x9FFFFFFF  }
0xdd: {  	(tm) =	ssettm $0x7FFFFFFF  }
tec
execute0_lowered:
.L_overlay_start_1:
0x0: {  	(tag) =	ssettag $0x1  }
0x1: {  	s2 =	rddreg [dreg:$0x0]  }
0x2: {  	s6 =	rddreg [dreg:$0x1]  }
0x3: {  	s3 =	stileid.u32;
	[bflag:$0x3] =	sbarrier.arrive $0xFFFF;
	s1 =	simm.s32 $_size_execute1_lowered  }
0x4: {  	s29 =	srdreg.scid;
	p0 =	sne.s32 s3, $0x0;
	s0 =	sshll.u32 s1, $0x1  }
0x5: {  	s4 =	simm.s32 @!p0 $0x1C3F;
	s5 =	simm.s32 @!p0 $0x4060;
	[dreg:$0x3] =	wrdreg s0  }
0x6: {  	[timem:s5], [sflag:s4] =	dma.local @!p0 [hbm:s2], s0  }
0x7: {  	s2 =	sshll.u32 s29, $0x6  }
0x8: {  	s3 =	sshll.u32 s3, $0x7;
	s2 =	sand.u32 $0x40, s2  }
0x9: {  	s7 =	simm.s32 $0x1;
	s2 =	sor.u32 s3, s2  }
0xa: {  	s8 =	simm.s32 $0x2;
	s11 =	simm.s32 $0x0;
	s30 =	ssub.s32 $0x2800, s2  }
.Ltmp0:
0xb: {  	s10 =	simm.s32 $0x0;
	s31 =	sand.u32 $0x7C0, s30;
	(pc) =	sbr.rel .LBB2_1-.Ltmp0, $4  }
0xc: {  	s4 =	simm.s32 $0x1;
	_ =	strace $0x8000004D;
	p1 =	sne.s32 s31, $0x0  }
0xd: {  	s3 =	sadd.s32 $0x66E00, s6;
	s5 =	sshrl.u32 s30, $0xB;
	s7 =	simm.s32 @!p1 $0x0  }
0xe: {  	[sflag:s4] =	ssyncpa.u1 $0x0;
	s6 =	sadd.s32 $0x61EE00, s6;
	s5 =	sadd.s32 s7, s5  }
0xf: {  	[sflag:s8] =	ssyncpa.u1 $0x0;
	s9 =	smov.u32 s2;
	s7 =	sadd.s32 $0x1, s5  }
.LBB2_4:
0x10: {  	_ =	sdelay $0x3  }
0x11: {  	[tilespmem:v1+s22+$0x0 ss:$0x1] =	vst.idx.msk $0xffff, v7  }
0x12: {  	s0 =	sor.u32 s24, s23;
	v46 =	vld.idx.msk [tilespmem:v0+s14+$0x0 ss:$0x1], $0xffff;
	[tilespmem:v1+s20+$0x0 ss:$0x1] =	vst.idx.msk $0xffff, v6  }
0x13: {  	v47 =	vld.idx.msk [tilespmem:v0+s13+$0x0 ss:$0x1], $0xffff;
	[tilespmem:v1+s15+$0x0 ss:$0x1] =	vst.idx.msk $0xffff, v4;
	s20 =	sor.u32 $0x410, s0  }
0x14: {  	s1 =	sand.u32 $0x80, s18;
	[tilespmem:v1+s19+$0x0 ss:$0x1] =	vst.idx.msk $0xffff, v3;
	s8 =	sand.u32 $0x3B00, s0;
	s28 =	sor.u32 $0x420, s0;
	v48 =	vld.idx.msk [tilespmem:v0+s20+$0x0 ss:$0x1], $0xffff  }
0x15: {  	[tilespmem:v1+s17+$0x0 ss:$0x1] =	vst.idx.msk $0xffff, v2;
	s1 =	sor.u32 s1, s8;
	v58 =	vld.idx.msk [tilespmem:v0+s28+$0x0 ss:$0x1], $0xffff  }
0x16: {  	[tilespmem:v1+s16+$0x0 ss:$0x1] =	vst.idx.msk $0xffff, v5;
	v49 =	vld.idx.msk [tilespmem:v0+s1+$0x0 ss:$0x1], $0xffff;
	s21 =	sor.u32 $0x10, s1  }
0x17: {  	s22 =	sor.u32 $0x20, s1;
	v51 =	vld.idx.msk [tilespmem:v0+s21+$0x0 ss:$0x1], $0xffff;
	[tilespmem:v1+s14+$0x0 ss:$0x1] =	vst.idx.msk $0xffff, v46  }
0x18: {  	s23 =	sor.u32 $0x30, s1;
	v52 =	vld.idx.msk [tilespmem:v0+s22+$0x0 ss:$0x1], $0xffff;
	[tilespmem:v1+s13+$0x0 ss:$0x1] =	vst.idx.msk $0xffff, v47  }
0x19: {  	s24 =	sor.u32 $0x40, s1;
	v53 =	vld.idx.msk [tilespmem:v0+s23+$0x0 ss:$0x1], $0xffff;
	[tilespmem:v1+s20+$0x0 ss:$0x1] =	vst.idx.msk $0xffff, v48  }
0x1a: {  	s25 =	sor.u32 $0x50, s1;
	v54 =	vld.idx.msk [tilespmem:v0+s24+$0x0 ss:$0x1], $0xffff;
	[tilespmem:v1+s28+$0x0 ss:$0x1] =	vst.idx.msk $0xffff, v58  }
0x1b: {  	s26 =	sor.u32 $0x60, s1;
	v55 =	vld.idx.msk [tilespmem:v0+s25+$0x0 ss:$0x1], $0xffff;
	[tilespmem:v1+s1+$0x0 ss:$0x1] =	vst.idx.msk $0xffff, v49  }
0x1c: {  	s31 =	sor.u32 $0x430, s0;
	v56 =	vld.idx.msk [tilespmem:v0+s26+$0x0 ss:$0x1], $0xffff;
	[tilespmem:v1+s21+$0x0 ss:$0x1] =	vst.idx.msk $0xffff, v51  }
0x1d: {  	s29 =	sshll.u32 s11, $0x8;
	s30 =	sshll.u32 s11, $0x7;
	v59 =	vld.idx.msk [tilespmem:v0+s31+$0x0 ss:$0x1], $0xffff;
	s8 =	sor.u32 $0x400, s1;
	[tilespmem:v1+s22+$0x0 ss:$0x1] =	vst.idx.msk $0xffff, v52  }
0x1e: {  	v50 =	vld.idx.msk [tilespmem:v0+s8+$0x0 ss:$0x1], $0xffff;
	s20 =	sand.u32 $0xFFFFF800, s29;
	s1 =	sor.u32 $0x70, s1;
	[tilespmem:v1+s23+$0x0 ss:$0x1] =	vst.idx.msk $0xffff, v53;
	s21 =	sand.u32 $0x300, s30  }
0x1f: {  	v57 =	vld.idx.msk [tilespmem:v0+s1+$0x0 ss:$0x1], $0xffff;
	s22 =	sor.u32 $0x440, s0;
	[tilespmem:v1+s24+$0x0 ss:$0x1] =	vst.idx.msk $0xffff, v54;
	s23 =	sor.u32 s21, s20  }
0x20: {  	s24 =	sor.u32 $0x450, s0;
	[tilespmem:v1+s25+$0x0 ss:$0x1] =	vst.idx.msk $0xffff, v55;
	v60 =	vld.idx.msk [tilespmem:v0+s22+$0x0 ss:$0x1], $0xffff;
	s13 =	sshrl.u32 s23, $0x8  }
0x21: {  	s25 =	sor.u32 $0x460, s0;
	[tilespmem:v1+s26+$0x0 ss:$0x1] =	vst.idx.msk $0xffff, v56;
	v61 =	vld.idx.msk [tilespmem:v0+s24+$0x0 ss:$0x1], $0xffff;
	s26 =	smulhi.u32 $0xCCCCCD, s13  }
0x22: {  	[tilespmem:v1+s31+$0x0 ss:$0x1] =	vst.idx.msk $0xffff, v59;
	s0 =	sor.u32 $0x470, s0;
	v62 =	vld.idx.msk [tilespmem:v0+s25+$0x0 ss:$0x1], $0xffff  }
0x23: {  	[tilespmem:v1+s8+$0x0 ss:$0x1] =	vst.idx.msk $0xffff, v50;
	v63 =	vld.idx.msk [tilespmem:v0+s0+$0x0 ss:$0x1], $0xffff;
	s28 =	sshrl.u32 s26, $0x5  }
0x24: {  	[tilespmem:v1+s1+$0x0 ss:$0x1] =	vst.idx.msk $0xffff, v57;
	s1 =	smul.u32 $0x2800, s28  }
0x25: {  	s29 =	sshll.u32 s11, $0x4;
	[tilespmem:v1+s22+$0x0 ss:$0x1] =	vst.idx.msk $0xffff, v60  }
0x26: {  	s8 =	sand.u32 $0x10, s29;
	[tilespmem:v1+s24+$0x0 ss:$0x1] =	vst.idx.msk $0xffff, v61;
	s1 =	ssub.s32 s13, s1  }
0x27: {  	s8 =	sadd.s32 s6, s8;
	[tilespmem:v1+s25+$0x0 ss:$0x1] =	vst.idx.msk $0xffff, v62;
	s1 =	sshll.u32 s1, $0x5  }
0x28: {  	s31 =	simm.s32 $0x0;
	[tilespmem:v1+s0+$0x0 ss:$0x1] =	vst.idx.msk $0xffff, v63;
	s30 =	sadd.s32 s1, s8  }
0x29: {  	[hbm4b:s30+s31] =	stream.linear.scatter [tilespmem:s12], [sflag:$0x2], $0x4000, $0x38;
	[tilespmem:$0x10000] =	vst v63  }
.LBB2_5:
0x2a: {  	s1 =	sadd.s32 $0x800, s9  }
0x2b: {  	p2 =	sgt.s32 s1, $0x27FF  }
0x2c: {  	s1 =	smov.u32 @p2 s2;
	p2 =	sne.s32 s10, s7  }
.Ltmp1:
0x2d: {  	p1 =	slt.u32 s10, $0x2;
	(pc) =	sbr.rel @!p2 .LBB2_6-.Ltmp1, $4  }
0x2e: {  	s0 =	simm.s32 @!p1 $0x2  }
0x2f: {  	_ =	swait.ge @!p1 [sflag:s0], $0x4000  }
0x30: {  	s8 =	sadd.s32 $0x1, s10;
	s11 =	smov.u32 s9;
	[sflag:s0] =	ssyncset.done @!p1 $0x0  }
0x31: {  	s10 =	smov.u32 s8;
	s9 =	smov.u32 s1;
	[sflag:s0] =	ssyncadd.s32 @!p1 $0xFFFFC000  }
.LBB2_1:
0x32: {  	p1 =	sge.u32 s10, s5  }
0x33: {  	s12 =	sshll.u32 @!p1 s9, $0x8;
	s13 =	sshll.u32 @!p1 s9, $0x7  }
0x34: {  	s12 =	sand.u32 @!p1 $0xFFFFF800, s12;
	s13 =	sand.u32 @!p1 $0x300, s13  }
0x35: {  	s12 =	sor.u32 @!p1 s13, s12  }
0x36: {  	s12 =	sshrl.u32 @!p1 s12, $0x8  }
0x37: {  	s13 =	smulhi.u32 @!p1 $0xCCCCCD, s12;
	_ =	sdelay $0x1  }
0x38: {  	s13 =	sshrl.u32 @!p1 s13, $0x5  }
0x39: {  	s13 =	smul.u32 @!p1 $0x2800, s13  }
0x3a: {  	s31 =	sadd.s32 $0xFFFFFFFF, s10;
	s14 =	sshll.u32 @!p1 s9, $0x4  }
0x3b: {  	s14 =	sand.u32 @!p1 $0x10, s14;
	s12 =	ssub.s32 @!p1 s12, s13;
	s13 =	sxor.u32 @!p1 $0xFFFFFFFF, s10  }
0x3c: {  	s14 =	sadd.s32 @!p1 s3, s14;
	s13 =	sshll.u32 @!p1 s13, $0xE;
	s12 =	sshll.u32 @!p1 s12, $0x5  }
0x3d: {  	s13 =	sand.u32 @!p1 $0x4000, s13;
	s12 =	sadd.s32 @!p1 s12, s14;
	s14 =	simm.s32 @!p1 $0x0  }
0x3e: {  	[tilespmem:s13], [sflag:$0x1] =	stream.linear.gather @!p1 [hbm4b:s12+s14], $0x4000, $0x38;
	[tilespmem:$0x10000] =	vst v63  }
0x3f: {  	p1 =	sge.u32 s31, s5  }
.Ltmp2:
0x40: {  	_ = 	snop;
	(pc) =	sbr.rel @p1 .LBB2_5-.Ltmp2, $1  }
0x41: {  	_ =	sdelay $0x3  }
0x42: {  	s12 =	sshll.u32 s10, $0xE  }
0x43: {  	s12 =	sand.u32 $0x4000, s12  }
0x44: {  	v0 =	vmov s12  }
0x45: {  	s13 =	simm.s32 $0x0  }
0x46: {  	_ =	swait.ge [sflag:s4], $0x4000;
	s14 =	sand.u32 $0x3800, s13;
	s15 =	sand.u32 $0x380, s13  }
0x47: {  	[sflag:s4] =	ssyncset.done $0x0;
	s13 =	sand.u32 $0x80, s13;
	s18 =	sor.u32 s15, s14  }
0x48: {  	[sflag:s4] =	ssyncadd.s32 $0xFFFFC000;
	s14 =	sand.u32 $0x3B00, s18;
	s15 =	sor.u32 $0x410, s18  }
0x49: {  	s12 =	sor.u32 $0x8000, s12;
	s13 =	sor.u32 s13, s14;
	v2 =	vld.idx.msk [tilespmem:v0+s15+$0x0 ss:$0x1], $0xffff  }
0x4a: {  	v1 =	vmov s12;
	s14 =	sor.u32 $0x400, s13;
	v3 =	vld.idx.msk [tilespmem:v0+s13+$0x0 ss:$0x1], $0xffff  }
0x4b: {  	s16 =	sor.u32 $0x10, s13;
	v4 =	vld.idx.msk [tilespmem:v0+s14+$0x0 ss:$0x1], $0xffff  }
0x4c: {  	s17 =	sor.u32 $0x20, s13;
	v5 =	vld.idx.msk [tilespmem:v0+s16+$0x0 ss:$0x1], $0xffff  }
0x4d: {  	s21 =	sor.u32 $0x30, s13;
	v8 =	vld.idx.msk [tilespmem:v0+s17+$0x0 ss:$0x1], $0xffff  }
0x4e: {  	s23 =	sor.u32 $0x40, s13;
	v9 =	vld.idx.msk [tilespmem:v0+s21+$0x0 ss:$0x1], $0xffff  }
0x4f: {  	s25 =	sor.u32 $0x50, s13;
	v10 =	vld.idx.msk [tilespmem:v0+s23+$0x0 ss:$0x1], $0xffff;
	[tilespmem:v1+s15+$0x0 ss:$0x1] =	vst.idx.msk $0xffff, v2  }
0x50: {  	s22 =	sor.u32 $0x60, s13;
	v11 =	vld.idx.msk [tilespmem:v0+s25+$0x0 ss:$0x1], $0xffff;
	[tilespmem:v1+s13+$0x0 ss:$0x1] =	vst.idx.msk $0xffff, v3  }
0x51: {  	s20 =	sor.u32 $0x70, s13;
	v7 =	vld.idx.msk [tilespmem:v0+s22+$0x0 ss:$0x1], $0xffff;
	[tilespmem:v1+s14+$0x0 ss:$0x1] =	vst.idx.msk $0xffff, v4  }
0x52: {  	s19 =	sor.u32 $0x430, s18;
	v6 =	vld.idx.msk [tilespmem:v0+s20+$0x0 ss:$0x1], $0xffff;
	[tilespmem:v1+s16+$0x0 ss:$0x1] =	vst.idx.msk $0xffff, v5  }
0x53: {  	s15 =	sor.u32 $0x420, s18;
	[tilespmem:v1+s17+$0x0 ss:$0x1] =	vst.idx.msk $0xffff, v8;
	v3 =	vld.idx.msk [tilespmem:v0+s19+$0x0 ss:$0x1], $0xffff  }
0x54: {  	s24 =	simm.s32 $0x100;
	s17 =	sor.u32 $0x440, s18;
	s16 =	sor.u32 $0x450, s18;
	[tilespmem:v1+s21+$0x0 ss:$0x1] =	vst.idx.msk $0xffff, v9;
	v4 =	vld.idx.msk [tilespmem:v0+s15+$0x0 ss:$0x1], $0xffff  }
0x55: {  	s14 =	sor.u32 $0x460, s18;
	s13 =	sor.u32 $0x470, s18;
	[tilespmem:v1+s23+$0x0 ss:$0x1] =	vst.idx.msk $0xffff, v10;
	s18 =	simm.s32 $0x80;
	v2 =	vld.idx.msk [tilespmem:v0+s17+$0x0 ss:$0x1], $0xffff  }
0x56: {  	s23 =	sand.u32 $0x3800, s24;
	s21 =	simm.s32 $0x200;
	[tilespmem:v1+s25+$0x0 ss:$0x1] =	vst.idx.msk $0xffff, v11;
	s24 =	sand.u32 $0x380, s18;
	v5 =	vld.idx.msk [tilespmem:v0+s16+$0x0 ss:$0x1], $0xffff  }
.LBB2_3:
0x57: {  	p1 =	sne.s32 s21, $0x3F00;
	s23 =	sor.u32 s24, s23;
	[tilespmem:v1+s22+$0x0 ss:$0x1] =	vst.idx.msk $0xffff, v7;
	v7 =	vld.idx.msk [tilespmem:v0+s14+$0x0 ss:$0x1], $0xffff  }
0x58: {  	s22 =	sand.u32 $0x80, s18;
	s24 =	sand.u32 $0x3B00, s23;
	s25 =	sor.u32 $0x410, s23;
	[tilespmem:v1+s20+$0x0 ss:$0x1] =	vst.idx.msk $0xffff, v6;
	v6 =	vld.idx.msk [tilespmem:v0+s13+$0x0 ss:$0x1], $0xffff  }
0x59: {  	s26 =	sor.u32 $0x430, s23;
	s24 =	sor.u32 s22, s24;
	v8 =	vld.idx.msk [tilespmem:v0+s25+$0x0 ss:$0x1], $0xffff;
	[tilespmem:v1+s15+$0x0 ss:$0x1] =	vst.idx.msk $0xffff, v4;
	s15 =	sor.u32 $0x420, s23  }
0x5a: {  	v4 =	vld.idx.msk [tilespmem:v0+s24+$0x0 ss:$0x1], $0xffff;
	s28 =	sor.u32 $0x10, s24;
	s29 =	sor.u32 $0x20, s24;
	s30 =	sor.u32 $0x400, s24;
	[tilespmem:v1+s19+$0x0 ss:$0x1] =	vst.idx.msk $0xffff, v3  }
0x5b: {  	s31 =	sor.u32 $0x30, s24;
	s0 =	sor.u32 $0x40, s24;
	s1 =	sor.u32 $0x50, s24;
	v3 =	vld.idx.msk [tilespmem:v0+s30+$0x0 ss:$0x1], $0xffff;
	[tilespmem:v1+s17+$0x0 ss:$0x1] =	vst.idx.msk $0xffff, v2  }
0x5c: {  	s22 =	sor.u32 $0x60, s24;
	s20 =	sor.u32 $0x70, s24;
	s17 =	sor.u32 $0x440, s23;
	v2 =	vld.idx.msk [tilespmem:v0+s28+$0x0 ss:$0x1], $0xffff;
	[tilespmem:v1+s16+$0x0 ss:$0x1] =	vst.idx.msk $0xffff, v5  }
0x5d: {  	s8 =	sor.u32 $0x470, s23;
	s16 =	sor.u32 $0x450, s23;
	v5 =	vld.idx.msk [tilespmem:v0+s29+$0x0 ss:$0x1], $0xffff;
	[tilespmem:v1+s14+$0x0 ss:$0x1] =	vst.idx.msk $0xffff, v7;
	s14 =	sor.u32 $0x460, s23  }
0x5e: {  	s19 =	smov.u32 s26;
	v9 =	vld.idx.msk [tilespmem:v0+s31+$0x0 ss:$0x1], $0xffff;
	[tilespmem:v1+s13+$0x0 ss:$0x1] =	vst.idx.msk $0xffff, v6;
	s13 =	smov.u32 s8  }
0x5f: {  	v10 =	vld.idx.msk [tilespmem:v0+s0+$0x0 ss:$0x1], $0xffff;
	[tilespmem:v1+s25+$0x0 ss:$0x1] =	vst.idx.msk $0xffff, v8  }
0x60: {  	[tilespmem:v1+s24+$0x0 ss:$0x1] =	vst.idx.msk $0xffff, v4;
	v8 =	vld.idx.msk [tilespmem:v0+s1+$0x0 ss:$0x1], $0xffff  }
0x61: {  	v7 =	vld.idx.msk [tilespmem:v0+s22+$0x0 ss:$0x1], $0xffff;
	[tilespmem:v1+s30+$0x0 ss:$0x1] =	vst.idx.msk $0xffff, v3  }
.Ltmp3:
0x62: {  	[tilespmem:v1+s28+$0x0 ss:$0x1] =	vst.idx.msk $0xffff, v2;
	v6 =	vld.idx.msk [tilespmem:v0+s20+$0x0 ss:$0x1], $0xffff;
	(pc) =	sbr.rel @p1 .LBB2_3-.Ltmp3, $4  }
0x63: {  	[tilespmem:v1+s29+$0x0 ss:$0x1] =	vst.idx.msk $0xffff, v5;
	v4 =	vld.idx.msk [tilespmem:v0+s15+$0x0 ss:$0x1], $0xffff  }
0x64: {  	[tilespmem:v1+s31+$0x0 ss:$0x1] =	vst.idx.msk $0xffff, v9;
	v3 =	vld.idx.msk [tilespmem:v0+s19+$0x0 ss:$0x1], $0xffff  }
0x65: {  	s18 =	sadd.s32 $0x80, s18;
	[tilespmem:v1+s0+$0x0 ss:$0x1] =	vst.idx.msk $0xffff, v10;
	v2 =	vld.idx.msk [tilespmem:v0+s17+$0x0 ss:$0x1], $0xffff  }
0x66: {  	s23 =	sand.u32 $0x3800, s21;
	s21 =	sadd.s32 $0x100, s21;
	s24 =	sand.u32 $0x380, s18;
	[tilespmem:v1+s1+$0x0 ss:$0x1] =	vst.idx.msk $0xffff, v8;
	v5 =	vld.idx.msk [tilespmem:v0+s16+$0x0 ss:$0x1], $0xffff  }
.Ltmp4:
0x67: {  	_ = 	snop;
	(pc) =	sbr.rel .LBB2_4-.Ltmp4, $1  }
0x68: {  	_ =	sdelay $0x3  }
.LBB2_6:
0x69: {  	_ =	sfence.sel $0x180000  }
0x6a: {  	s0 =	simm.s32 $0x1;
	[bflag:$0x0] =	sbarrier.arrive $0xFFFF  }
0x6b: {  	s31 =	simm.s32 $0x2;
	[sflag:s0] =	ssyncpa.u1 $0x1  }
0x6c: {  	[sflag:s31] =	ssyncpa.u1 $0x1  }
0x6d: {  	_ =	strace $0x9000004D  }
0x6e: {  	[bflag:$0x2] =	sbarrier.arrive $0xFFFF  }
0x6f: {  	s0 =	rddreg [dreg:$0x2]  }
0x70: {  	s0 =	sadd.s32 @!p0 $0x100000, s0  }
0x71: {  	s1 =	rddreg [dreg:$0x3];
	[sflag:s0] =	ssyncadd.tile.s32 @!p0 $0x1;
	s0 =	simm.s32 @!p0 $0x3F  }
0x72: {  	_ =	swait.ge @!p0 [sflag:s0], s1  }
0x73: {  	s1 =	ssub.s32 @!p0 $0x0, s1;
	[sflag:s0] =	ssyncset.done @!p0 $0x0  }
0x74: {  	[sflag:s0] =	ssyncadd.s32 @!p0 s1  }
0x75: {  	[bflag:$0x3] =	sbarrier.arrive $0xFFFF  }
0x76: {  	_ =	shalt  }
.Lfunc_end2:
execute1_lowered:
.L_overlay_start_2:
0x77: {  	(tag) =	ssettag $0x2  }
0x78: {  	s2 =	rddreg [dreg:$0x0]  }
0x79: {  	s5 =	rddreg [dreg:$0x1];
	_ =	strace $0x80000050;
	s0 =	simm.s32 $0x1  }
0x7a: {  	s3 =	simm.s32 $0x208;
	v0 =	vimm.s32 $0x0;
	[sflag:s0] =	ssyncpa.u1 $0x0  }
0x7b: {  	[tilespmem:s3+$0x70] =	vst v0  }
0x7c: {  	[tilespmem:s3+$0x60] =	vst v0  }
0x7d: {  	[tilespmem:s3+$0x50] =	vst v0  }
0x7e: {  	[tilespmem:s3+$0x40] =	vst v0  }
0x7f: {  	[tilespmem:s3+$0x30] =	vst v0  }
0x80: {  	s1 =	sadd.s32 $0x61EE00, s2;
	s0 =	sadd.s32 $0x7200, s2;
	s6 =	sadd.s32 $0xDEE00, s2;
	[tilespmem:s3+$0x20] =	vst v0  }
0x81: {  	s4 =	sadd.s32 $0xC600, s2;
	s2 =	sand.u32 $0x1, s5;
	s5 =	simm.s32 $0x40;
	[tilespmem:s3+$0x10] =	vst v0  }
.LBB3_1:
0x82: {  	s5 =	sadd.s32 $0x40, s5;
	[tilespmem:s3+$0x0] =	vst v0;
	s3 =	sadd.s32 $0x80, s3  }
0x83: {  	p0 =	slt.u32 s5, $0x3880;
	[tilespmem:s3+$0x70] =	vst v0  }
0x84: {  	[tilespmem:s3+$0x60] =	vst v0  }
.Ltmp5:
0x85: {  	[tilespmem:s3+$0x50] =	vst v0;
	(pc) =	sbr.rel @p0 .LBB3_1-.Ltmp5, $4  }
0x86: {  	[tilespmem:s3+$0x40] =	vst v0  }
0x87: {  	[tilespmem:s3+$0x30] =	vst v0  }
0x88: {  	[tilespmem:s3+$0x20] =	vst v0  }
0x89: {  	[tilespmem:s3+$0x10] =	vst v0  }
0x8a: {  	s29 =	simm.s32 $0x2  }
0x8b: {  	s30 =	stileid.u32;
	s5 =	simm.s32 $0x9;
	s10 =	simm.s32 $0xA  }
0x8c: {  	s11 =	simm.s32 $0xB;
	[dreg:$0x4] =	wrdreg s2;
	s31 =	smul.u32 $0x2A00, s2  }
0x8d: {  	s23 =	simm.s32 $0x0;
	p0 =	por $0x1, $0x1;
	p1 =	por $0x0, $0x0  }
0x8e: {  	s16 =	simm.s32 $0x1;
	s17 =	simm.s32 $0x80;
	s18 =	simm.s32 $0x400  }
.Ltmp6:
0x8f: {  	s19 =	simm.s32 $0xC;
	s21 =	simm.s32 $0x0;
	(pc) =	sbr.rel .LBB3_3-.Ltmp6, $4  }
0x90: {  	[tilespmem:s3+$0x0] =	vst v0;
	v0 =	vimm.s32 $0xFFFFFFFF;
	s20 =	simm.s32 $0x0;
	[sflag:s29] =	ssyncpa.u1 $0x0;
	s9 =	smul.u32 $0x1500, s30  }
0x91: {  	s15 =	sshll.u32 s30, $0x9;
	[tilespmem:$0xE408] =	vst v0;
	[sflag:s5] =	ssyncpa.u1 $0x0;
	s13 =	sadd.s32 s31, s4  }
0x92: {  	s0 =	sadd.s32 s31, s0;
	[sflag:s10] =	ssyncpa.u1 $0x0;
	s12 =	sadd.s32 $0x1500, s9  }
0x93: {  	v0 =	vlaneseq.u32;
	[dreg:$0x5] =	wrdreg s0;
	s22 =	smov.u32 s9;
	[sflag:s11] =	ssyncpa.u1 $0x0  }
.LBB3_34:
0x94: {  	s0 =	sshrl.u32 s0, $0x2  }
.LBB3_36:
0x95: {  	_ =	swait.ge [sflag:s19], s0  }
0x96: {  	s30 =	ssub.s32 $0x0, s0;
	v1 =	vmov s26;
	vm0 =	veq.s32 v0, $0x0;
	[sflag:s19] =	ssyncset.done $0x0  }
0x97: {  	vm15 =	veq.s32 v0, $0x2;
	v1 =	vsel vm0, s31, v1;
	[sflag:s19] =	ssyncadd.s32 s30  }
0x98: {  	v1 =	vsel vm15, s23, v1;
	[sflag:s19] =	ssyncpa.u1 $0x1  }
0x99: {  	[tilespmem:$0xE408] =	vst v1  }
.LBB3_37:
0x9a: {  	s0 =	sadd.s32 $0x70, s22  }
0x9b: {  	s2 =	smov.u32 s9;
	s20 =	sadd.s32 $0x1, s20;
	p2 =	slt.s32 s0, s12  }
0x9c: {  	s2 =	smov.u32 @p2 s0;
	p2 =	sne.s32 s20, $0x32  }
.Ltmp7:
0x9d: {  	_ = 	snop;
	(pc) =	sbr.rel @!p2 .LBB3_38-.Ltmp7, $3  }
0x9e: {  	_ =	sdelay $0x1  }
0x9f: {  	s23 =	smov.u32 s21;
	s21 =	smov.u32 s22  }
0xa0: {  	p0 =	por !p0, !p0;
	p1 =	por !p1, !p1;
	s22 =	smov.u32 s2  }
.LBB3_3:
0xa1: {  	p2 =	sgt.u32 s20, $0x2F  }
0xa2: {  	s0 =	smul.u32 @!p2 $0xAB, s20;
	_ =	sdelay $0x1  }
0xa3: {  	s0 =	sshrl.u32 @!p2 s0, $0x9  }
0xa4: {  	s2 =	smov.u32 s22;
	p3 =	sgt.s32 @!p2 s22, $0x14F90;
	s0 =	sand.u32 @!p2 $0x7F, s0  }
0xa5: {  	s3 =	sshra.s32 @!p2 s22, $0x1F;
	p3 =	por !p3, p2;
	s0 =	smul.u32 @!p2 $0x3, s0  }
0xa6: {  	s3 =	sand.u32 @!p2 s3, s22;
	s2 =	simm.s32 @p3 $0x14F90  }
0xa7: {  	s2 =	ssub.s32 @!p2 s2, s3;
	s0 =	ssub.s32 @!p2 s20, s0  }
0xa8: {  	s2 =	sadd.s32 @!p2 $0xFFFEB070, s2;
	s0 =	sand.u32 @!p2 $0xFF, s0  }
0xa9: {  	s3 =	sshll.u32 @!p2 s2, $0x2;
	p3 =	sgt.s32 @!p2 s2, $0x6F;
	s0 =	smul.u32 @!p2 $0x1C0, s0  }
0xaa: {  	s4 =	sand.u32 @!p2 $0x7, s22;
	s2 =	ssub.s32 @!p2 $0x1C0, s3;
	p3 =	por !p3, p2  }
0xab: {  	s3 =	sshrl.u32 @!p2 s22, $0x3;
	s2 =	sshrl.u32 @!p2 s2, $0x2;
	s0 =	sshrl.u32 @!p2 s0, $0x2  }
0xac: {  	s3 =	sadd.s32 @!p2 s3, s13;
	s2 =	simm.s32 @!p3 $0x0;
	s0 =	sadd.s32 @!p2 $0x10448, s0  }
0xad: {  	[tilespmem:s0], [sflag:$0xA] =	stream.linear.gather @!p2 [hbm4b:s3+s4], s2, $0x38;
	[tilespmem:$0x1E678] =	vst v63  }
0xae: {  	s0 =	sadd.s32 $0xFFFFFFFF, s20  }
0xaf: {  	p2 =	sgt.u32 s0, $0x2F  }
.Ltmp8:
0xb0: {  	_ = 	snop;
	(pc) =	sbr.rel @p2 .LBB3_19-.Ltmp8, $1  }
0xb1: {  	_ =	sdelay $0x3  }
0xb2: {  	p2 =	sgt.s32 s21, $0x14F90  }
0xb3: {  	s3 =	smov.u32 s21;
	s4 =	sshra.s32 s21, $0x1F;
	s5 =	smul.u32 $0xAB, s0  }
0xb4: {  	s3 =	simm.s32 @!p2 $0x14F90;
	s4 =	sand.u32 s4, s21  }
0xb5: {  	s3 =	ssub.s32 s3, s4;
	s7 =	sshrl.u32 s5, $0x9  }
0xb6: {  	s3 =	sadd.s32 $0xFFFEB070, s3;
	s4 =	sand.u32 $0x7F, s7  }
0xb7: {  	s14 =	sand.u32 $0x1, s0;
	s8 =	sshll.u32 s3, $0x2;
	s4 =	smul.u32 $0x3, s4  }
0xb8: {  	s31 =	smul.u32 $0x1C0, s14;
	s14 =	sshrl.u32 s21, $0x3;
	s5 =	ssub.s32 $0x1C0, s8  }
0xb9: {  	p2 =	sgt.s32 s3, $0x6F;
	s3 =	sshrl.u32 s5, $0x2;
	s26 =	ssub.s32 s0, s4  }
0xba: {  	s4 =	sshrl.u32 s31, $0x2;
	s3 =	simm.s32 @p2 $0x0;
	s0 =	sand.u32 $0xFF, s26  }
0xbb: {  	s4 =	sadd.s32 $0x10598, s4;
	s26 =	sand.u32 $0x7, s21;
	_ =	swait.ge [sflag:s10], s3  }
0xbc: {  	s7 =	ssub.s32 $0x0, s3;
	[sflag:s10] =	ssyncset.done $0x0;
	s8 =	rddreg [dreg:$0x5]  }
0xbd: {  	s0 =	smul.u32 $0x1C0, s0;
	[sflag:s10] =	ssyncadd.s32 s7;
	s5 =	sadd.s32 s14, s8  }
0xbe: {  	[tilespmem:s4], [sflag:$0xB] =	stream.linear.gather [hbm4b:s5+s26], s3, $0x38;
	[tilespmem:$0x1E678] =	vst v63  }
0xbf: {  	s26 =	sshrl.u32 s0, $0x2  }
0xc0: {  	v1 =	vld.msk [tilespmem:s26+$0x10448], $0xffff;
	_ =	sdelay $0x3  }
0xc1: {  	s31 =	simm.s32 $0x0  }
0xc2: {  	(v2sf) =	vpush v1, s31;
	_ =	sdelay $0x5  }
0xc3: {  	s3 =	simm.s32 $0x1  }
0xc4: {  	(v2sf) =	vpush v1, s3;
	_ =	sdelay $0x3  }
0xc5: {  	s2 =	simm.s32 $0x1  }
0xc6: {  	s2 =	simm.s32 @!p0 $0x0;
	s8 =	simm.s32 $0x2  }
0xc7: {  	s2 =	smul.u32 $0x1C000, s2;
	(v2sf) =	vpush v1, s8  }
0xc8: {  	s14 =	simm.s32 $0x3  }
0xc9: {  	s2 =	sshrl.u32 s2, $0x2;
	s5 =	spop (v2sf);
	(v2sf) =	vpush v1, s14  }
0xca: {  	s24 =	sadd.s32 $0x16678, s2;
	s25 =	sadd.s32 $0x15678, s2;
	s28 =	sadd.s32 $0x14678, s2  }
0xcb: {  	s29 =	sadd.s32 $0x13678, s2;
	s30 =	sadd.s32 $0x12678, s2;
	s0 =	sadd.s32 $0x11678, s2  }
0xcc: {  	s4 =	sor.u32 $0x10678, s2;
	s7 =	sshll.u32 s5, $0x8;
	s2 =	sshll.u32 s5, $0x7  }
0xcd: {  	s3 =	sand.u32 $0xFFFFF800, s7;
	s2 =	sand.u32 $0x380, s2  }
0xce: {  	s2 =	sor.u32 s2, s3  }
0xcf: {  	s2 =	sshrl.u32 s2, $0x3  }
0xd0: {  	s31 =	spop (v2sf);
	s2 =	sadd.s32 s6, s2  }
0xd1: {  	[tilespmem:s4], [sflag:$0x9] =	stream.strided.gather [hbm4b:s2+s17], $0x100, s18, s17, $0x38;
	[tilespmem:$0x1E678] =	vst v63  }
0xd2: {  	s5 =	simm.s32 $0x4;
	s3 =	sshll.u32 s31, $0x7;
	s2 =	sshll.u32 s31, $0x8  }
.LBB3_5:
0xd3: {  	(v2sf) =	vpush v1, s5;
	s2 =	sand.u32 $0xFFFFF800, s2;
	s3 =	sand.u32 $0x380, s3;
	p2 =	seq.s32 s5, $0xF  }
.Ltmp9:
0xd4: {  	s5 =	sadd.s32 $0x1, s5;
	s2 =	sor.u32 s3, s2;
	(pc) =	sbr.rel @!p2 .LBB3_5-.Ltmp9, $4  }
0xd5: {  	s2 =	sshrl.u32 s2, $0x3  }
0xd6: {  	s4 =	sadd.s32 $0x100, s4;
	s3 =	spop (v2sf);
	s2 =	sadd.s32 s6, s2  }
0xd7: {  	[tilespmem:s4], [sflag:$0x9] =	stream.strided.gather [hbm4b:s2+s17], $0x100, s18, s17, $0x38;
	[tilespmem:$0x1E678] =	vst v63  }
0xd8: {  	s2 =	sshll.u32 s3, $0x8;
	s3 =	sshll.u32 s3, $0x7  }
0xd9: {  	s2 =	sand.u32 $0xFFFFF800, s2;
	s3 =	sand.u32 $0x380, s3  }
0xda: {  	s2 =	sor.u32 s3, s2  }
0xdb: {  	s5 =	spop (v2sf);
	s4 =	sadd.s32 $0x100, s4;
	s2 =	sshrl.u32 s2, $0x3  }
0xdc: {  	s7 =	sshll.u32 s5, $0x8;
	s3 =	sshll.u32 s5, $0x7;
	s2 =	sadd.s32 s6, s2  }
0xdd: {  	[tilespmem:s4], [sflag:$0x9] =	stream.strided.gather [hbm4b:s2+s17], $0x100, s18, s17, $0x38;
	[tilespmem:$0x1E678] =	vst v63  }
0xde: {  	s3 =	sand.u32 $0x380, s3;
	s2 =	sand.u32 $0xFFFFF800, s7  }
0xdf: {  	s2 =	sor.u32 s3, s2  }
0xe0: {  	s2 =	sshrl.u32 s2, $0x3  }
0xe1: {  	s4 =	sadd.s32 $0x100, s4;
	s2 =	sadd.s32 s6, s2  }
0xe2: {  	[tilespmem:s4], [sflag:$0x9] =	stream.strided.gather [hbm4b:s2+s17], $0x100, s18, s17, $0x38;
	[tilespmem:$0x1E678] =	vst v63  }
0xe3: {  	s8 =	spop (v2sf)  }
0xe4: {  	s14 =	sshll.u32 s8, $0x8;
	s3 =	sshll.u32 s8, $0x7  }
0xe5: {  	s2 =	sand.u32 $0xFFFFF800, s14;
	s3 =	sand.u32 $0x380, s3  }
0xe6: {  	s2 =	sor.u32 s3, s2  }
0xe7: {  	s2 =	sshrl.u32 s2, $0x3  }
0xe8: {  	s31 =	sadd.s32 $0x100, s4;
	s2 =	sadd.s32 s6, s2  }
0xe9: {  	[tilespmem:s31], [sflag:$0x9] =	stream.strided.gather [hbm4b:s2+s17], $0x100, s18, s17, $0x38;
	[tilespmem:$0x1E678] =	vst v63  }
0xea: {  	v1 =	vld.msk [tilespmem:s26+$0x10458], $0xffff;
	_ =	sdelay $0x3  }
0xeb: {  	s3 =	simm.s32 $0x0  }
0xec: {  	(v2sf) =	vpush v1, s3;
	_ =	sdelay $0x7  }
0xed: {  	s4 =	simm.s32 $0x1  }
0xee: {  	(v2sf) =	vpush v1, s4;
	_ =	sdelay $0x4  }
0xef: {  	s8 =	simm.s32 $0x2  }
0xf0: {  	s5 =	spop (v2sf);
	(v2sf) =	vpush v1, s8  }
0xf1: {  	s14 =	simm.s32 $0x3  }
0xf2: {  	(v2sf) =	vpush v1, s14;
	_ =	sdelay $0x2  }
0xf3: {  	s7 =	sshll.u32 s5, $0x8;
	s2 =	sshll.u32 s5, $0x7  }
0xf4: {  	s3 =	sand.u32 $0xFFFFF800, s7;
	s2 =	sand.u32 $0x380, s2  }
0xf5: {  	s2 =	sor.u32 s2, s3  }
0xf6: {  	s2 =	sshrl.u32 s2, $0x3  }
0xf7: {  	s31 =	spop (v2sf);
	s2 =	sadd.s32 s6, s2  }
0xf8: {  	[tilespmem:s0], [sflag:$0x9] =	stream.strided.gather [hbm4b:s2+s17], $0x100, s18, s17, $0x38;
	[tilespmem:$0x1E678] =	vst v63  }
0xf9: {  	s4 =	simm.s32 $0x4;
	s3 =	sshll.u32 s31, $0x7;
	s2 =	sshll.u32 s31, $0x8  }
.LBB3_7:
0xfa: {  	(v2sf) =	vpush v1, s4;
	s2 =	sand.u32 $0xFFFFF800, s2;
	s3 =	sand.u32 $0x380, s3;
	p2 =	sne.s32 s4, $0xF  }
.Ltmp10:
0xfb: {  	s4 =	sadd.s32 $0x1, s4;
	s2 =	sor.u32 s3, s2;
	(pc) =	sbr.rel @p2 .LBB3_7-.Ltmp10, $4  }
0xfc: {  	s2 =	sshrl.u32 s2, $0x3  }
0xfd: {  	s0 =	sadd.s32 $0x100, s0;
	s3 =	spop (v2sf);
	s2 =	sadd.s32 s6, s2  }
0xfe: {  	[tilespmem:s0], [sflag:$0x9] =	stream.strided.gather [hbm4b:s2+s17], $0x100, s18, s17, $0x38;
	[tilespmem:$0x1E678] =	vst v63  }
0xff: {  	s2 =	sshll.u32 s3, $0x8;
	s3 =	sshll.u32 s3, $0x7  }
0x100: {  	s2 =	sand.u32 $0xFFFFF800, s2;
	s3 =	sand.u32 $0x380, s3  }
0x101: {  	s2 =	sor.u32 s3, s2  }
0x102: {  	s7 =	spop (v2sf);
	s0 =	sadd.s32 $0x100, s0;
	s2 =	sshrl.u32 s2, $0x3  }
0x103: {  	s8 =	sshll.u32 s7, $0x8;
	s3 =	sshll.u32 s7, $0x7;
	s2 =	sadd.s32 s6, s2  }
0x104: {  	[tilespmem:s0], [sflag:$0x9] =	stream.strided.gather [hbm4b:s2+s17], $0x100, s18, s17, $0x38;
	[tilespmem:$0x1E678] =	vst v63  }
0x105: {  	s3 =	sand.u32 $0x380, s3;
	s2 =	sand.u32 $0xFFFFF800, s8  }
0x106: {  	s2 =	sor.u32 s3, s2  }
0x107: {  	s2 =	sshrl.u32 s2, $0x3  }
0x108: {  	s0 =	sadd.s32 $0x100, s0;
	s2 =	sadd.s32 s6, s2  }
0x109: {  	[tilespmem:s0], [sflag:$0x9] =	stream.strided.gather [hbm4b:s2+s17], $0x100, s18, s17, $0x38;
	[tilespmem:$0x1E678] =	vst v63  }
0x10a: {  	s14 =	spop (v2sf)  }
0x10b: {  	s31 =	sshll.u32 s14, $0x8;
	s3 =	sshll.u32 s14, $0x7  }
0x10c: {  	s2 =	sand.u32 $0xFFFFF800, s31;
	s3 =	sand.u32 $0x380, s3  }
0x10d: {  	s2 =	sor.u32 s3, s2  }
0x10e: {  	s2 =	sshrl.u32 s2, $0x3  }
0x10f: {  	s0 =	sadd.s32 $0x100, s0;
	s2 =	sadd.s32 s6, s2  }
0x110: {  	[tilespmem:s0], [sflag:$0x9] =	stream.strided.gather [hbm4b:s2+s17], $0x100, s18, s17, $0x38;
	[tilespmem:$0x1E678] =	vst v63  }
0x111: {  	v1 =	vld.msk [tilespmem:s26+$0x10468], $0xffff;
	_ =	sdelay $0x3  }
0x112: {  	s3 =	simm.s32 $0x0  }
0x113: {  	(v2sf) =	vpush v1, s3;
	_ =	sdelay $0x7  }
0x114: {  	s4 =	simm.s32 $0x1  }
0x115: {  	(v2sf) =	vpush v1, s4;
	_ =	sdelay $0x4  }
0x116: {  	s8 =	simm.s32 $0x2  }
0x117: {  	s5 =	spop (v2sf);
	(v2sf) =	vpush v1, s8  }
0x118: {  	s14 =	simm.s32 $0x3  }
0x119: {  	(v2sf) =	vpush v1, s14;
	_ =	sdelay $0x2  }
0x11a: {  	s7 =	sshll.u32 s5, $0x8;
	s0 =	sshll.u32 s5, $0x7  }
0x11b: {  	s2 =	sand.u32 $0xFFFFF800, s7;
	s0 =	sand.u32 $0x380, s0  }
0x11c: {  	s0 =	sor.u32 s0, s2  }
0x11d: {  	s0 =	sshrl.u32 s0, $0x3  }
0x11e: {  	s31 =	spop (v2sf);
	s0 =	sadd.s32 s6, s0  }
0x11f: {  	[tilespmem:s30], [sflag:$0x9] =	stream.strided.gather [hbm4b:s0+s17], $0x100, s18, s17, $0x38;
	[tilespmem:$0x1E678] =	vst v63  }
0x120: {  	s3 =	sshll.u32 s31, $0x7;
	s2 =	sshll.u32 s31, $0x8;
	s0 =	simm.s32 $0x4  }
.LBB3_9:
0x121: {  	(v2sf) =	vpush v1, s0;
	s2 =	sand.u32 $0xFFFFF800, s2;
	s3 =	sand.u32 $0x380, s3;
	p2 =	sne.s32 s0, $0xF  }
.Ltmp11:
0x122: {  	s0 =	sadd.s32 $0x1, s0;
	s2 =	sor.u32 s3, s2;
	(pc) =	sbr.rel @p2 .LBB3_9-.Ltmp11, $4  }
0x123: {  	s2 =	sshrl.u32 s2, $0x3  }
0x124: {  	s30 =	sadd.s32 $0x100, s30;
	s3 =	spop (v2sf);
	s2 =	sadd.s32 s6, s2  }
0x125: {  	[tilespmem:s30], [sflag:$0x9] =	stream.strided.gather [hbm4b:s2+s17], $0x100, s18, s17, $0x38;
	[tilespmem:$0x1E678] =	vst v63  }
0x126: {  	s2 =	sshll.u32 s3, $0x8;
	s3 =	sshll.u32 s3, $0x7  }
0x127: {  	s0 =	sand.u32 $0xFFFFF800, s2;
	s5 =	sand.u32 $0x380, s3  }
0x128: {  	s0 =	sor.u32 s5, s0  }
0x129: {  	s7 =	spop (v2sf);
	s8 =	sadd.s32 $0x100, s30;
	s0 =	sshrl.u32 s0, $0x3  }
0x12a: {  	s14 =	sshll.u32 s7, $0x8;
	s2 =	sshll.u32 s7, $0x7;
	s0 =	sadd.s32 s6, s0  }
0x12b: {  	[tilespmem:s8], [sflag:$0x9] =	stream.strided.gather [hbm4b:s0+s17], $0x100, s18, s17, $0x38;
	[tilespmem:$0x1E678] =	vst v63  }
0x12c: {  	s2 =	sand.u32 $0x380, s2;
	s0 =	sand.u32 $0xFFFFF800, s14  }
0x12d: {  	s0 =	sor.u32 s2, s0  }
0x12e: {  	s0 =	sshrl.u32 s0, $0x3  }
0x12f: {  	s3 =	sadd.s32 $0x100, s8;
	s0 =	sadd.s32 s6, s0  }
0x130: {  	[tilespmem:s3], [sflag:$0x9] =	stream.strided.gather [hbm4b:s0+s17], $0x100, s18, s17, $0x38;
	[tilespmem:$0x1E678] =	vst v63  }
0x131: {  	s30 =	spop (v2sf)  }
0x132: {  	s31 =	sshll.u32 s30, $0x8;
	s2 =	sshll.u32 s30, $0x7  }
0x133: {  	s0 =	sand.u32 $0xFFFFF800, s31;
	s2 =	sand.u32 $0x380, s2  }
0x134: {  	s0 =	sor.u32 s2, s0  }
0x135: {  	s0 =	sshrl.u32 s0, $0x3  }
0x136: {  	s3 =	sadd.s32 $0x100, s3;
	s0 =	sadd.s32 s6, s0  }
0x137: {  	[tilespmem:s3], [sflag:$0x9] =	stream.strided.gather [hbm4b:s0+s17], $0x100, s18, s17, $0x38;
	[tilespmem:$0x1E678] =	vst v63  }
0x138: {  	v1 =	vld.msk [tilespmem:s26+$0x10478], $0xffff;
	_ =	sdelay $0x3  }
0x139: {  	s4 =	simm.s32 $0x0  }
0x13a: {  	(v2sf) =	vpush v1, s4;
	_ =	sdelay $0x7  }
0x13b: {  	s5 =	simm.s32 $0x1  }
0x13c: {  	(v2sf) =	vpush v1, s5;
	_ =	sdelay $0x4  }
0x13d: {  	s14 =	simm.s32 $0x2  }
0x13e: {  	s7 =	spop (v2sf);
	(v2sf) =	vpush v1, s14  }
0x13f: {  	s30 =	simm.s32 $0x3  }
0x140: {  	(v2sf) =	vpush v1, s30;
	_ =	sdelay $0x2  }
0x141: {  	s8 =	sshll.u32 s7, $0x8;
	s0 =	sshll.u32 s7, $0x7  }
0x142: {  	s2 =	sand.u32 $0xFFFFF800, s8;
	s0 =	sand.u32 $0x380, s0  }
0x143: {  	s0 =	sor.u32 s0, s2  }
0x144: {  	s0 =	sshrl.u32 s0, $0x3  }
0x145: {  	s31 =	spop (v2sf);
	s0 =	sadd.s32 s6, s0  }
0x146: {  	[tilespmem:s29], [sflag:$0x9] =	stream.strided.gather [hbm4b:s0+s17], $0x100, s18, s17, $0x38;
	[tilespmem:$0x1E678] =	vst v63  }
0x147: {  	s3 =	sshll.u32 s31, $0x7;
	s2 =	sshll.u32 s31, $0x8;
	s0 =	simm.s32 $0x4  }
.LBB3_11:
0x148: {  	(v2sf) =	vpush v1, s0;
	s2 =	sand.u32 $0xFFFFF800, s2;
	s3 =	sand.u32 $0x380, s3;
	p2 =	sne.s32 s0, $0xF  }
.Ltmp12:
0x149: {  	s0 =	sadd.s32 $0x1, s0;
	s2 =	sor.u32 s3, s2;
	(pc) =	sbr.rel @p2 .LBB3_11-.Ltmp12, $4  }
0x14a: {  	s2 =	sshrl.u32 s2, $0x3  }
0x14b: {  	s29 =	sadd.s32 $0x100, s29;
	s3 =	spop (v2sf);
	s2 =	sadd.s32 s6, s2  }
0x14c: {  	[tilespmem:s29], [sflag:$0x9] =	stream.strided.gather [hbm4b:s2+s17], $0x100, s18, s17, $0x38;
	[tilespmem:$0x1E678] =	vst v63  }
0x14d: {  	s2 =	sshll.u32 s3, $0x8;
	s3 =	sshll.u32 s3, $0x7  }
0x14e: {  	s0 =	sand.u32 $0xFFFFF800, s2;
	s7 =	sand.u32 $0x380, s3  }
0x14f: {  	s0 =	sor.u32 s7, s0  }
0x150: {  	s8 =	spop (v2sf);
	s14 =	sadd.s32 $0x100, s29;
	s0 =	sshrl.u32 s0, $0x3  }
0x151: {  	s29 =	sshll.u32 s8, $0x8;
	s2 =	sshll.u32 s8, $0x7;
	s0 =	sadd.s32 s6, s0  }
0x152: {  	[tilespmem:s14], [sflag:$0x9] =	stream.strided.gather [hbm4b:s0+s17], $0x100, s18, s17, $0x38;
	[tilespmem:$0x1E678] =	vst v63  }
0x153: {  	s2 =	sand.u32 $0x380, s2;
	s0 =	sand.u32 $0xFFFFF800, s29  }
0x154: {  	s0 =	sor.u32 s2, s0  }
0x155: {  	s0 =	sshrl.u32 s0, $0x3  }
0x156: {  	s3 =	sadd.s32 $0x100, s14;
	s0 =	sadd.s32 s6, s0  }
0x157: {  	[tilespmem:s3], [sflag:$0x9] =	stream.strided.gather [hbm4b:s0+s17], $0x100, s18, s17, $0x38;
	[tilespmem:$0x1E678] =	vst v63  }
0x158: {  	s30 =	spop (v2sf)  }
0x159: {  	s31 =	sshll.u32 s30, $0x8;
	s2 =	sshll.u32 s30, $0x7  }
0x15a: {  	s0 =	sand.u32 $0xFFFFF800, s31;
	s2 =	sand.u32 $0x380, s2  }
0x15b: {  	s0 =	sor.u32 s2, s0  }
0x15c: {  	s0 =	sshrl.u32 s0, $0x3  }
0x15d: {  	s4 =	sadd.s32 $0x100, s3;
	s0 =	sadd.s32 s6, s0  }
0x15e: {  	[tilespmem:s4], [sflag:$0x9] =	stream.strided.gather [hbm4b:s0+s17], $0x100, s18, s17, $0x38;
	[tilespmem:$0x1E678] =	vst v63  }
0x15f: {  	v1 =	vld.msk [tilespmem:s26+$0x10488], $0xffff;
	_ =	sdelay $0x3  }
0x160: {  	s5 =	simm.s32 $0x0  }
0x161: {  	(v2sf) =	vpush v1, s5;
	_ =	sdelay $0x7  }
0x162: {  	s7 =	simm.s32 $0x1  }
0x163: {  	(v2sf) =	vpush v1, s7;
	_ =	sdelay $0x4  }
0x164: {  	s29 =	simm.s32 $0x2  }
0x165: {  	s8 =	spop (v2sf);
	(v2sf) =	vpush v1, s29  }
0x166: {  	s30 =	simm.s32 $0x3  }
0x167: {  	(v2sf) =	vpush v1, s30;
	_ =	sdelay $0x2  }
0x168: {  	s14 =	sshll.u32 s8, $0x8;
	s0 =	sshll.u32 s8, $0x7  }
0x169: {  	s2 =	sand.u32 $0xFFFFF800, s14;
	s0 =	sand.u32 $0x380, s0  }
0x16a: {  	s0 =	sor.u32 s0, s2  }
0x16b: {  	s0 =	sshrl.u32 s0, $0x3  }
0x16c: {  	s31 =	spop (v2sf);
	s0 =	sadd.s32 s6, s0  }
0x16d: {  	[tilespmem:s28], [sflag:$0x9] =	stream.strided.gather [hbm4b:s0+s17], $0x100, s18, s17, $0x38;
	[tilespmem:$0x1E678] =	vst v63  }
0x16e: {  	s3 =	sshll.u32 s31, $0x7;
	s2 =	sshll.u32 s31, $0x8;
	s0 =	simm.s32 $0x4  }
.LBB3_13:
0x16f: {  	(v2sf) =	vpush v1, s0;
	s2 =	sand.u32 $0xFFFFF800, s2;
	s3 =	sand.u32 $0x380, s3;
	p2 =	sne.s32 s0, $0xF  }
.Ltmp13:
0x170: {  	s0 =	sadd.s32 $0x1, s0;
	s2 =	sor.u32 s3, s2;
	(pc) =	sbr.rel @p2 .LBB3_13-.Ltmp13, $4  }
0x171: {  	s2 =	sshrl.u32 s2, $0x3  }
0x172: {  	s28 =	sadd.s32 $0x100, s28;
	s3 =	spop (v2sf);
	s2 =	sadd.s32 s6, s2  }
0x173: {  	[tilespmem:s28], [sflag:$0x9] =	stream.strided.gather [hbm4b:s2+s17], $0x100, s18, s17, $0x38;
	[tilespmem:$0x1E678] =	vst v63  }
0x174: {  	s2 =	sshll.u32 s3, $0x8;
	s3 =	sshll.u32 s3, $0x7  }
0x175: {  	s0 =	sand.u32 $0xFFFFF800, s2;
	s8 =	sand.u32 $0x380, s3  }
0x176: {  	s0 =	sor.u32 s8, s0  }
0x177: {  	s14 =	spop (v2sf);
	s29 =	sadd.s32 $0x100, s28;
	s0 =	sshrl.u32 s0, $0x3  }
0x178: {  	s30 =	sshll.u32 s14, $0x8;
	s2 =	sshll.u32 s14, $0x7;
	s0 =	sadd.s32 s6, s0  }
0x179: {  	[tilespmem:s29], [sflag:$0x9] =	stream.strided.gather [hbm4b:s0+s17], $0x100, s18, s17, $0x38;
	[tilespmem:$0x1E678] =	vst v63  }
0x17a: {  	s2 =	sand.u32 $0x380, s2;
	s0 =	sand.u32 $0xFFFFF800, s30  }
0x17b: {  	s0 =	sor.u32 s2, s0  }
0x17c: {  	s0 =	sshrl.u32 s0, $0x3  }
0x17d: {  	s3 =	sadd.s32 $0x100, s29;
	s0 =	sadd.s32 s6, s0  }
0x17e: {  	[tilespmem:s3], [sflag:$0x9] =	stream.strided.gather [hbm4b:s0+s17], $0x100, s18, s17, $0x38;
	[tilespmem:$0x1E678] =	vst v63  }
0x17f: {  	s31 =	spop (v2sf)  }
0x180: {  	s4 =	sshll.u32 s31, $0x8;
	s2 =	sshll.u32 s31, $0x7  }
0x181: {  	s0 =	sand.u32 $0xFFFFF800, s4;
	s2 =	sand.u32 $0x380, s2  }
0x182: {  	s0 =	sor.u32 s2, s0  }
0x183: {  	s0 =	sshrl.u32 s0, $0x3  }
0x184: {  	s5 =	sadd.s32 $0x100, s3;
	s0 =	sadd.s32 s6, s0  }
0x185: {  	[tilespmem:s5], [sflag:$0x9] =	stream.strided.gather [hbm4b:s0+s17], $0x100, s18, s17, $0x38;
	[tilespmem:$0x1E678] =	vst v63  }
0x186: {  	v1 =	vld.msk [tilespmem:s26+$0x10498], $0xffff;
	_ =	sdelay $0x3  }
0x187: {  	s7 =	simm.s32 $0x0  }
0x188: {  	(v2sf) =	vpush v1, s7;
	_ =	sdelay $0x7  }
0x189: {  	s8 =	simm.s32 $0x1  }
0x18a: {  	(v2sf) =	vpush v1, s8;
	_ =	sdelay $0x4  }
0x18b: {  	s29 =	simm.s32 $0x2  }
0x18c: {  	s14 =	spop (v2sf);
	(v2sf) =	vpush v1, s29  }
0x18d: {  	s30 =	simm.s32 $0x3  }
0x18e: {  	(v2sf) =	vpush v1, s30;
	_ =	sdelay $0x2  }
0x18f: {  	s28 =	sshll.u32 s14, $0x8;
	s0 =	sshll.u32 s14, $0x7  }
0x190: {  	s2 =	sand.u32 $0xFFFFF800, s28;
	s0 =	sand.u32 $0x380, s0  }
0x191: {  	s0 =	sor.u32 s0, s2  }
0x192: {  	s0 =	sshrl.u32 s0, $0x3  }
0x193: {  	s31 =	spop (v2sf);
	s0 =	sadd.s32 s6, s0  }
0x194: {  	[tilespmem:s25], [sflag:$0x9] =	stream.strided.gather [hbm4b:s0+s17], $0x100, s18, s17, $0x38;
	[tilespmem:$0x1E678] =	vst v63  }
0x195: {  	s3 =	sshll.u32 s31, $0x7;
	s2 =	sshll.u32 s31, $0x8;
	s0 =	simm.s32 $0x4  }
.LBB3_15:
0x196: {  	(v2sf) =	vpush v1, s0;
	s2 =	sand.u32 $0xFFFFF800, s2;
	s3 =	sand.u32 $0x380, s3;
	p2 =	sne.s32 s0, $0xF  }
.Ltmp14:
0x197: {  	s0 =	sadd.s32 $0x1, s0;
	s2 =	sor.u32 s3, s2;
	(pc) =	sbr.rel @p2 .LBB3_15-.Ltmp14, $4  }
0x198: {  	s2 =	sshrl.u32 s2, $0x3  }
0x199: {  	s25 =	sadd.s32 $0x100, s25;
	s3 =	spop (v2sf);
	s2 =	sadd.s32 s6, s2  }
0x19a: {  	[tilespmem:s25], [sflag:$0x9] =	stream.strided.gather [hbm4b:s2+s17], $0x100, s18, s17, $0x38;
	[tilespmem:$0x1E678] =	vst v63  }
0x19b: {  	s2 =	sshll.u32 s3, $0x8;
	s3 =	sshll.u32 s3, $0x7  }
0x19c: {  	s0 =	sand.u32 $0xFFFFF800, s2;
	s29 =	sand.u32 $0x380, s3  }
0x19d: {  	s0 =	sor.u32 s29, s0  }
0x19e: {  	s30 =	spop (v2sf);
	s31 =	sadd.s32 $0x100, s25;
	s0 =	sshrl.u32 s0, $0x3  }
0x19f: {  	s4 =	sshll.u32 s30, $0x8;
	s2 =	sshll.u32 s30, $0x7;
	s0 =	sadd.s32 s6, s0  }
0x1a0: {  	[tilespmem:s31], [sflag:$0x9] =	stream.strided.gather [hbm4b:s0+s17], $0x100, s18, s17, $0x38;
	[tilespmem:$0x1E678] =	vst v63  }
0x1a1: {  	s2 =	sand.u32 $0x380, s2;
	s0 =	sand.u32 $0xFFFFF800, s4  }
0x1a2: {  	s0 =	sor.u32 s2, s0  }
0x1a3: {  	s0 =	sshrl.u32 s0, $0x3  }
0x1a4: {  	s3 =	sadd.s32 $0x100, s31;
	s0 =	sadd.s32 s6, s0  }
0x1a5: {  	[tilespmem:s3], [sflag:$0x9] =	stream.strided.gather [hbm4b:s0+s17], $0x100, s18, s17, $0x38;
	[tilespmem:$0x1E678] =	vst v63  }
0x1a6: {  	s5 =	spop (v2sf)  }
0x1a7: {  	s7 =	sshll.u32 s5, $0x8;
	s2 =	sshll.u32 s5, $0x7  }
0x1a8: {  	s0 =	sand.u32 $0xFFFFF800, s7;
	s2 =	sand.u32 $0x380, s2  }
0x1a9: {  	s0 =	sor.u32 s2, s0  }
0x1aa: {  	s0 =	sshrl.u32 s0, $0x3  }
0x1ab: {  	s8 =	sadd.s32 $0x100, s3;
	s0 =	sadd.s32 s6, s0  }
0x1ac: {  	[tilespmem:s8], [sflag:$0x9] =	stream.strided.gather [hbm4b:s0+s17], $0x100, s18, s17, $0x38;
	[tilespmem:$0x1E678] =	vst v63  }
0x1ad: {  	v1 =	vld.msk [tilespmem:s26+$0x104A8], $0xffff;
	_ =	sdelay $0x3  }
0x1ae: {  	s14 =	simm.s32 $0x0  }
0x1af: {  	(v2sf) =	vpush v1, s14;
	_ =	sdelay $0x7  }
0x1b0: {  	s25 =	simm.s32 $0x1  }
0x1b1: {  	(v2sf) =	vpush v1, s25;
	_ =	sdelay $0x4  }
0x1b2: {  	s29 =	simm.s32 $0x2  }
0x1b3: {  	s26 =	spop (v2sf);
	(v2sf) =	vpush v1, s29  }
0x1b4: {  	s30 =	simm.s32 $0x3  }
0x1b5: {  	(v2sf) =	vpush v1, s30;
	_ =	sdelay $0x2  }
0x1b6: {  	s28 =	sshll.u32 s26, $0x8;
	s0 =	sshll.u32 s26, $0x7  }
0x1b7: {  	s2 =	sand.u32 $0xFFFFF800, s28;
	s0 =	sand.u32 $0x380, s0  }
0x1b8: {  	s0 =	sor.u32 s0, s2  }
0x1b9: {  	s0 =	sshrl.u32 s0, $0x3  }
0x1ba: {  	s31 =	spop (v2sf);
	s0 =	sadd.s32 s6, s0  }
0x1bb: {  	[tilespmem:s24], [sflag:$0x9] =	stream.strided.gather [hbm4b:s0+s17], $0x100, s18, s17, $0x38;
	[tilespmem:$0x1E678] =	vst v63  }
0x1bc: {  	s3 =	sshll.u32 s31, $0x7;
	s2 =	sshll.u32 s31, $0x8;
	s0 =	simm.s32 $0x4  }
.LBB3_17:
0x1bd: {  	(v2sf) =	vpush v1, s0;
	s2 =	sand.u32 $0xFFFFF800, s2;
	s3 =	sand.u32 $0x380, s3;
	p2 =	seq.s32 s0, $0xF  }
.Ltmp15:
0x1be: {  	s0 =	sadd.s32 $0x1, s0;
	s2 =	sor.u32 s3, s2;
	(pc) =	sbr.rel @!p2 .LBB3_17-.Ltmp15, $4  }
0x1bf: {  	s2 =	sshrl.u32 s2, $0x3  }
0x1c0: {  	s24 =	sadd.s32 $0x100, s24;
	s3 =	spop (v2sf);
	s2 =	sadd.s32 s6, s2  }
0x1c1: {  	[tilespmem:s24], [sflag:$0x9] =	stream.strided.gather [hbm4b:s2+s17], $0x100, s18, s17, $0x38;
	[tilespmem:$0x1E678] =	vst v63  }
0x1c2: {  	s2 =	sshll.u32 s3, $0x8;
	s3 =	sshll.u32 s3, $0x7  }
0x1c3: {  	s0 =	sand.u32 $0xFFFFF800, s2;
	s14 =	sand.u32 $0x380, s3  }
0x1c4: {  	s0 =	sor.u32 s14, s0  }
0x1c5: {  	s25 =	spop (v2sf);
	s26 =	sadd.s32 $0x100, s24;
	s0 =	sshrl.u32 s0, $0x3  }
0x1c6: {  	s28 =	sshll.u32 s25, $0x8;
	s2 =	sshll.u32 s25, $0x7;
	s0 =	sadd.s32 s6, s0  }
0x1c7: {  	[tilespmem:s26], [sflag:$0x9] =	stream.strided.gather [hbm4b:s0+s17], $0x100, s18, s17, $0x38;
	[tilespmem:$0x1E678] =	vst v63  }
0x1c8: {  	s2 =	sand.u32 $0x380, s2;
	s0 =	sand.u32 $0xFFFFF800, s28  }
0x1c9: {  	s0 =	sor.u32 s2, s0  }
0x1ca: {  	s0 =	sshrl.u32 s0, $0x3  }
0x1cb: {  	s3 =	sadd.s32 $0x100, s26;
	s0 =	sadd.s32 s6, s0  }
0x1cc: {  	[tilespmem:s3], [sflag:$0x9] =	stream.strided.gather [hbm4b:s0+s17], $0x100, s18, s17, $0x38;
	[tilespmem:$0x1E678] =	vst v63  }
0x1cd: {  	s29 =	spop (v2sf)  }
0x1ce: {  	s30 =	sshll.u32 s29, $0x8;
	s2 =	sshll.u32 s29, $0x7  }
0x1cf: {  	s0 =	sand.u32 $0xFFFFF800, s30;
	s2 =	sand.u32 $0x380, s2  }
0x1d0: {  	s0 =	sor.u32 s2, s0  }
0x1d1: {  	s0 =	sshrl.u32 s0, $0x3  }
0x1d2: {  	s31 =	sadd.s32 $0x100, s3;
	s0 =	sadd.s32 s6, s0  }
0x1d3: {  	[tilespmem:s31], [sflag:$0x9] =	stream.strided.gather [hbm4b:s0+s17], $0x100, s18, s17, $0x38;
	[tilespmem:$0x1E678] =	vst v63  }
.LBB3_19:
0x1d4: {  	p2 =	slt.u32 s20, $0x2  }
.Ltmp16:
0x1d5: {  	_ = 	snop;
	(pc) =	sbr.rel @p2 .LBB3_37-.Ltmp16, $1  }
0x1d6: {  	_ =	sdelay $0x3  }
0x1d7: {  	p2 =	sgt.s32 s23, $0x14F90;
	s0 =	smov.u32 s23;
	s2 =	sshra.s32 s23, $0x1F  }
0x1d8: {  	s0 =	simm.s32 @!p2 $0x14F90;
	s2 =	sand.u32 s2, s23  }
0x1d9: {  	s0 =	ssub.s32 s0, s2  }
0x1da: {  	s0 =	sadd.s32 $0xFFFEB070, s0  }
0x1db: {  	s3 =	simm.s32 $0x9;
	s30 =	sshll.u32 s0, $0x2  }
0x1dc: {  	_ =	swait.ge [sflag:s3], $0x7000;
	s2 =	ssub.s32 $0x1C0, s30  }
0x1dd: {  	[sflag:s3] =	ssyncset.done $0x0;
	p2 =	sgt.s32 s0, $0x6F;
	s0 =	sshrl.u32 s2, $0x2  }
0x1de: {  	[sflag:s3] =	ssyncadd.s32 $0xFFFF9000;
	s0 =	simm.s32 @p2 $0x0  }
0x1df: {  	_ =	swait.ge [sflag:s11], s0  }
0x1e0: {  	s0 =	ssub.s32 $0x0, s0;
	[sflag:s11] =	ssyncset.done $0x0  }
0x1e1: {  	[sflag:s11] =	ssyncadd.s32 s0  }
0x1e2: {  	v1 =	vld [tilespmem:$0xE408];
	_ =	sdelay $0x4  }
0x1e3: {  	(v2sf) =	vpush v1, $0x0  }
0x1e4: {  	(v2sf) =	vpush v1, $0x1  }
0x1e5: {  	(v2sf) =	vpush v1, $0x2;
	_ =	sdelay $0x3  }
0x1e6: {  	s2 =	sadd.s32 $0x70, s23  }
0x1e7: {  	s3 =	ssub.s32 $0x2A000, s23;
	p2 =	slt.s32 s12, s2  }
0x1e8: {  	s2 =	smov.u32 @p2 s12;
	p2 =	sgt.s32 s3, $0x0  }
0x1e9: {  	s24 =	ssub.s32 s2, s23;
	s3 =	simm.s32 @!p2 $0x0  }
0x1ea: {  	p2 =	slt.s32 s3, s24  }
0x1eb: {  	s24 =	smov.u32 @p2 s3  }
0x1ec: {  	s0 =	simm.s32 $0x1;
	p2 =	slt.s32 s24, $0x1  }
.Ltmp17:
0x1ed: {  	s0 =	simm.s32 @!p1 $0x0;
	(pc) =	sbr.rel @p2 .LBB3_24-.Ltmp17, $4  }
0x1ee: {  	s31 =	smul.u32 $0x1C0, s0  }
0x1ef: {  	s4 =	spop (v2sf)  }
0x1f0: {  	s2 =	sshrl.u32 s31, $0x2;
	s28 =	spop (v2sf)  }
0x1f1: {  	s25 =	sadd.s32 $0x10598, s2;
	s23 =	spop (v2sf)  }
0x1f2: {  	s2 =	smin.u32 s24, $0x10  }
0x1f3: {  	v1 =	vmov s2  }
0x1f4: {  	vm1 =	vgt.u32 v1, v0  }
0x1f5: {  	p3 =	sgt.s32 s24, $0x10  }
.Ltmp18:
0x1f6: {  	_ = 	snop;
	(pc) =	sbr.rel @!p3 .LBB3_23-.Ltmp18, $2  }
0x1f7: {  	_ =	sdelay $0x2  }
0x1f8: {  	s26 =	simm.s32 $0x10;
	s29 =	sadd.s32 $0xFFFFFFF0, s24;
	s5 =	smov.u32 s25;
	vm0 =	vmmov vm1;
	v1 =	vld.msk [tilespmem:s25+$0x0 ss:$0x1], vm1  }
.LBB3_22:
0x1f9: {  	s2 =	smin.u32 s29, $0x10;
	s26 =	sadd.s32 $0x10, s26  }
0x1fa: {  	v2 =	vmov s2;
	p3 =	slt.s32 s26, s24  }
0x1fb: {  	vm1 =	vgt.u32 v2, v0;
	_ =	sdelay $0x1  }
0x1fc: {  	v2 =	vshll.u32 v1, $0x5;
	v1 =	vshll.u32 v1, $0x4  }
.Ltmp19:
0x1fd: {  	v2 =	vand.u32 $0xFFFFFF00, v2;
	v1 =	vand.u32 $0x70, v1;
	(pc) =	sbr.rel @p3 .LBB3_22-.Ltmp19, $4  }
0x1fe: {  	v1 =	vor.u32 v1, v2  }
0x1ff: {  	[tilespmem:s5+$0x0] =	vst.msk vm0, v1;
	s5 =	sadd.s32 $0x10, s5;
	vm0 =	vmmov vm1  }
0x200: {  	v1 =	vld.msk [tilespmem:s5+$0x0 ss:$0x1], vm1  }
0x201: {  	s29 =	sadd.s32 $0xFFFFFFF0, s29  }
.LBB3_23:
0x202: {  	_ =	sdelay $0x3  }
0x203: {  	v2 =	vshll.u32 v1, $0x5;
	v1 =	vshll.u32 v1, $0x4  }
0x204: {  	v2 =	vand.u32 $0xFFFFFF00, v2;
	v1 =	vand.u32 $0x70, v1  }
0x205: {  	v1 =	vor.u32 v1, v2  }
0x206: {  	[tilespmem:s5+$0x0] =	vst.msk vm0, v1  }
.LBB3_24:
0x207: {  	s2 =	sand.u32 $0x1, s20  }
0x208: {  	s2 =	smul.u32 $0x70, s2  }
0x209: {  	p3 =	sne.s32 s28, $0xFFFFFFFF  }
0x20a: {  	v1 =	vld.msk @!p3 [tilespmem:s2+$0x10598], $0x1;
	_ =	sdelay $0x4  }
0x20b: {  	(v2sf) =	vpush @!p3 v1, $0x0;
	_ =	sdelay $0xc  }
.Ltmp20:
0x20c: {  	_ = 	snop;
	(pc) =	sbr.rel @p2 .LBB3_35-.Ltmp20, $4  }
0x20d: {  	_ = 	snop  }
0x20e: {  	s30 =	spop @!p3 (v2sf)  }
0x20f: {  	s23 =	simm.s32 @!p3 $0x0;
	s26 =	smov.u32 s30  }
0x210: {  	[sflag:s19] =	ssyncpa.u1 $0x0;
	s30 =	smov.u32 @p3 s4;
	s26 =	smov.u32 @p3 s28  }
0x211: {  	v1 =	vld.msk [tilespmem:s25+$0x0], $0x1;
	_ =	sdelay $0x4  }
0x212: {  	(v2sf) =	vpush v1, $0x0;
	_ =	sdelay $0xe  }
0x213: {  	s4 =	spop (v2sf)  }
0x214: {  	s0 =	smul.u32 $0x1C000, s0;
	p2 =	seq.s32 s30, s4  }
0x215: {  	s2 =	smov.u32 s30;
	p3 =	sgt.s32 @!p2 s30, $0x0  }
0x216: {  	s29 =	simm.s32 $0x0;
	s0 =	sshrl.u32 s0, $0x2;
	p3 =	por !p3, p2  }
0x217: {  	s28 =	sor.u32 $0x106F8, s0;
	s0 =	sadd.s32 $0xFFFFFFFF, s24;
	s2 =	simm.s32 @p3 $0x0  }
0x218: {  	s5 =	simm.s32 @!p2 $0x1;
	p3 =	sne.s32 s0, $0x0;
	s2 =	smin.u32 @!p2 s2, $0x4FF70  }
.Ltmp21:
0x219: {  	s3 =	simm.s32 @!p2 $0x7308;
	s14 =	sand.u32 @!p2 $0x7FFF8, s2;
	(pc) =	sbr.rel @!p3 .LBB3_27-.Ltmp21, $4  }
0x21a: {  	s31 =	sadd.s32 @!p2 $0x80, s2;
	s2 =	sand.u32 @!p2 $0x7, s2;
	s14 =	sadd.s32 @!p2 s1, s14  }
0x21b: {  	[tilespmem:s3], [sflag:$0x2] =	stream.linear.gather @!p2 [hbm4b:s14+s2], $0x80, $0x38;
	[tilespmem:$0x1E678] =	vst v63  }
0x21c: {  	s5 =	smov.u32 @p2 s29;
	s14 =	sand.u32 @!p2 $0xFFFF8, s31  }
0x21d: {  	s3 =	simm.s32 @!p2 $0x7388;
	s31 =	sadd.s32 $0x1, s25;
	s14 =	sadd.s32 @!p2 s1, s14  }
.LBB3_26:
0x21e: {  	s7 =	smov.u32 s5  }
0x21f: {  	[tilespmem:s3], [sflag:$0x2] =	stream.linear.gather @!p2 [hbm4b:s14+s2], $0x80, $0x38;
	[tilespmem:$0x1E678] =	vst v63  }
0x220: {  	s0 =	sadd.s32 $0xFFFFFFFF, s0;
	s2 =	smov.u32 s4;
	v1 =	vld.msk [tilespmem:s31+$0x0], $0x1  }
0x221: {  	p3 =	sne.s32 s0, $0x0;
	_ =	sdelay $0x3  }
0x222: {  	(v2sf) =	vpush v1, $0x0;
	_ =	sdelay $0xe  }
0x223: {  	s4 =	spop (v2sf)  }
0x224: {  	p2 =	seq.s32 s2, s4  }
0x225: {  	p4 =	sgt.s32 @!p2 s2, $0x0;
	s3 =	sshll.u32 @!p2 s5, $0xA;
	s5 =	sadd.s32 @!p2 $0x1, s5  }
0x226: {  	p4 =	por !p4, p2;
	s3 =	sshra.s32 @!p2 s3, $0x2;
	s5 =	smov.u32 @p2 s7  }
0x227: {  	s2 =	simm.s32 @p4 $0x0;
	s7 =	sadd.s32 @!p2 $0x7308, s3;
	s3 =	sadd.s32 @!p2 $0x7388, s3  }
.Ltmp22:
0x228: {  	s2 =	smin.u32 @!p2 s2, $0x4FF70;
	(pc) =	sbr.rel @p3 .LBB3_26-.Ltmp22, $4  }
0x229: {  	s14 =	sand.u32 @!p2 $0x7FFF8, s2;
	s8 =	sadd.s32 @!p2 $0x80, s2  }
0x22a: {  	s2 =	sand.u32 @!p2 $0x7, s2;
	s14 =	sadd.s32 @!p2 s1, s14;
	s8 =	sand.u32 @!p2 $0xFFFF8, s8  }
0x22b: {  	[tilespmem:s7], [sflag:$0x2] =	stream.linear.gather @!p2 [hbm4b:s14+s2], $0x80, $0x38;
	[tilespmem:$0x1E678] =	vst v63  }
0x22c: {  	s31 =	sadd.s32 $0x1, s31;
	s14 =	sadd.s32 @!p2 s1, s8  }
.LBB3_27:
0x22d: {  	[tilespmem:s3], [sflag:$0x2] =	stream.linear.gather @!p2 [hbm4b:s14+s2], $0x80, $0x38;
	[tilespmem:$0x1E678] =	vst v63  }
.Ltmp23:
0x22e: {  	s0 =	sshll.u32 s5, $0x8;
	(pc) =	sbr.rel .LBB3_28-.Ltmp23, $4  }
0x22f: {  	s31 =	simm.s32 $0x2;
	s0 =	sand.u32 $0x3FFFFF00, s0  }
0x230: {  	_ =	swait.ge [sflag:s31], s0  }
0x231: {  	s0 =	ssub.s32 $0x0, s0;
	[sflag:s31] =	ssyncset.done $0x0  }
0x232: {  	[sflag:s31] =	ssyncadd.s32 s0;
	s0 =	simm.s32 $0x0  }
.LBB3_29:
0x233: {  	v1 =	vld [tilespmem:s28+$0xFFFFFF80];
	_ =	sdelay $0x4  }
0x234: {  	[tilespmem:s4+$0x208] =	vst.add.f32.msk $0xffff, v1  }
0x235: {  	v1 =	vld [tilespmem:s28+$0xFFFFFF90];
	_ =	sdelay $0x4  }
0x236: {  	[tilespmem:s4+$0x218] =	vst.add.f32.msk $0xffff, v1  }
0x237: {  	v1 =	vld [tilespmem:s28+$0xFFFFFFA0];
	_ =	sdelay $0x4  }
0x238: {  	[tilespmem:s4+$0x228] =	vst.add.f32.msk $0xffff, v1  }
0x239: {  	v1 =	vld [tilespmem:s28+$0xFFFFFFB0];
	_ =	sdelay $0x4  }
0x23a: {  	[tilespmem:s4+$0x238] =	vst.add.f32.msk $0xffff, v1  }
0x23b: {  	v1 =	vld [tilespmem:s28+$0xFFFFFFC0];
	_ =	sdelay $0x4  }
0x23c: {  	[tilespmem:s4+$0x248] =	vst.add.f32.msk $0xffff, v1  }
0x23d: {  	v1 =	vld [tilespmem:s28+$0xFFFFFFD0];
	_ =	sdelay $0x4  }
0x23e: {  	[tilespmem:s4+$0x258] =	vst.add.f32.msk $0xffff, v1  }
0x23f: {  	v1 =	vld [tilespmem:s28+$0xFFFFFFE0];
	_ =	sdelay $0x4  }
0x240: {  	[tilespmem:s4+$0x268] =	vst.add.f32.msk $0xffff, v1  }
0x241: {  	v1 =	vld [tilespmem:s28+$0xFFFFFFF0];
	_ =	sdelay $0x4  }
0x242: {  	[tilespmem:s4+$0x278] =	vst.add.f32.msk $0xffff, v1  }
0x243: {  	v1 =	vld [tilespmem:s28+$0x0];
	_ =	sdelay $0x4  }
0x244: {  	[tilespmem:s4+$0x288] =	vst.add.f32.msk $0xffff, v1  }
0x245: {  	v1 =	vld [tilespmem:s28+$0x10];
	_ =	sdelay $0x4  }
0x246: {  	[tilespmem:s4+$0x298] =	vst.add.f32.msk $0xffff, v1  }
0x247: {  	v1 =	vld [tilespmem:s28+$0x20];
	_ =	sdelay $0x4  }
0x248: {  	[tilespmem:s4+$0x2A8] =	vst.add.f32.msk $0xffff, v1  }
0x249: {  	v1 =	vld [tilespmem:s28+$0x30];
	_ =	sdelay $0x4  }
0x24a: {  	[tilespmem:s4+$0x2B8] =	vst.add.f32.msk $0xffff, v1  }
0x24b: {  	v1 =	vld [tilespmem:s28+$0x40];
	_ =	sdelay $0x4  }
0x24c: {  	[tilespmem:s4+$0x2C8] =	vst.add.f32.msk $0xffff, v1  }
0x24d: {  	v1 =	vld [tilespmem:s28+$0x50];
	_ =	sdelay $0x4  }
0x24e: {  	[tilespmem:s4+$0x2D8] =	vst.add.f32.msk $0xffff, v1  }
0x24f: {  	v1 =	vld [tilespmem:s28+$0x60];
	_ =	sdelay $0x4  }
0x250: {  	[tilespmem:s4+$0x2E8] =	vst.add.f32.msk $0xffff, v1  }
0x251: {  	v1 =	vld [tilespmem:s28+$0x70];
	_ =	sdelay $0x4  }
0x252: {  	[tilespmem:s4+$0x2F8] =	vst.add.f32.msk $0xffff, v1  }
.LBB3_33:
0x253: {  	s24 =	sadd.s32 $0xFFFFFFFF, s24  }
0x254: {  	p2 =	sne.s32 s24, $0x0  }
.Ltmp24:
0x255: {  	_ = 	snop;
	(pc) =	sbr.rel @!p2 .LBB3_34-.Ltmp24, $2  }
0x256: {  	_ =	sdelay $0x2  }
0x257: {  	s25 =	sadd.s32 $0x1, s25;
	s28 =	sadd.s32 $0x100, s28;
	s30 =	smov.u32 s31  }
.LBB3_28:
0x258: {  	v1 =	vld.msk [tilespmem:s25+$0x0], $0x1;
	_ =	sdelay $0x4  }
0x259: {  	(v2sf) =	vpush v1, $0x0;
	_ =	sdelay $0xe  }
0x25a: {  	s31 =	spop (v2sf)  }
0x25b: {  	p2 =	sne.s32 s30, s31  }
.Ltmp25:
0x25c: {  	_ = 	snop;
	(pc) =	sbr.rel @!p2 .LBB3_29-.Ltmp25, $3  }
0x25d: {  	_ =	sdelay $0x1  }
0x25e: {  	s2 =	sshll.u32 s23, $0xA  }
0x25f: {  	s4 =	sshra.s32 s2, $0x2  }
0x260: {  	p2 =	seq.s32 s30, s26  }
.Ltmp26:
0x261: {  	_ = 	snop;
	(pc) =	sbr.rel @!p2 .LBB3_31-.Ltmp26, $1  }
0x262: {  	_ =	sdelay $0x3  }
.Ltmp27:
0x263: {  	s2 =	sadd.s32 $0x208, s4;
	(pc) =	sbr.rel .LBB3_32-.Ltmp27, $4  }
0x264: {  	[spmem:s15] =	stream.linear.scatter [tilespmem:s2], [sflag:$0x1], $0x100, $0x38;
	[tilespmem:$0x1E678] =	vst v63  }
0x265: {  	_ =	swait.ge [sflag:s16], $0x100  }
0x266: {  	[sflag:s16] =	ssyncset.done $0x0  }
0x267: {  	[sflag:s16] =	ssyncadd.s32 $0xFFFFFF00  }
.LBB3_31:
0x268: {  	s2 =	sshll.u32 s29, $0xA  }
0x269: {  	s2 =	sshra.s32 s2, $0x2  }
0x26a: {  	v1 =	vld [tilespmem:s2+$0x7308];
	_ =	sdelay $0x4  }
0x26b: {  	[tilespmem:s4+$0x208] =	vst.add.f32.msk $0xffff, v1  }
0x26c: {  	v1 =	vld [tilespmem:s2+$0x7318];
	_ =	sdelay $0x4  }
0x26d: {  	[tilespmem:s4+$0x218] =	vst.add.f32.msk $0xffff, v1  }
0x26e: {  	v1 =	vld [tilespmem:s2+$0x7328];
	_ =	sdelay $0x4  }
0x26f: {  	[tilespmem:s4+$0x228] =	vst.add.f32.msk $0xffff, v1  }
0x270: {  	v1 =	vld [tilespmem:s2+$0x7338];
	_ =	sdelay $0x4  }
0x271: {  	[tilespmem:s4+$0x238] =	vst.add.f32.msk $0xffff, v1  }
0x272: {  	v1 =	vld [tilespmem:s2+$0x7348];
	_ =	sdelay $0x4  }
0x273: {  	[tilespmem:s4+$0x248] =	vst.add.f32.msk $0xffff, v1  }
0x274: {  	v1 =	vld [tilespmem:s2+$0x7358];
	_ =	sdelay $0x4  }
0x275: {  	[tilespmem:s4+$0x258] =	vst.add.f32.msk $0xffff, v1  }
0x276: {  	v1 =	vld [tilespmem:s2+$0x7368];
	_ =	sdelay $0x4  }
0x277: {  	[tilespmem:s4+$0x268] =	vst.add.f32.msk $0xffff, v1  }
0x278: {  	v1 =	vld [tilespmem:s2+$0x7378];
	_ =	sdelay $0x4  }
0x279: {  	[tilespmem:s4+$0x278] =	vst.add.f32.msk $0xffff, v1  }
0x27a: {  	v1 =	vld [tilespmem:s2+$0x7388];
	_ =	sdelay $0x4  }
0x27b: {  	[tilespmem:s4+$0x288] =	vst.add.f32.msk $0xffff, v1  }
0x27c: {  	v1 =	vld [tilespmem:s2+$0x7398];
	_ =	sdelay $0x4  }
0x27d: {  	[tilespmem:s4+$0x298] =	vst.add.f32.msk $0xffff, v1  }
0x27e: {  	v1 =	vld [tilespmem:s2+$0x73A8];
	_ =	sdelay $0x4  }
0x27f: {  	[tilespmem:s4+$0x2A8] =	vst.add.f32.msk $0xffff, v1  }
0x280: {  	v1 =	vld [tilespmem:s2+$0x73B8];
	_ =	sdelay $0x4  }
0x281: {  	[tilespmem:s4+$0x2B8] =	vst.add.f32.msk $0xffff, v1  }
0x282: {  	v1 =	vld [tilespmem:s2+$0x73C8];
	_ =	sdelay $0x4  }
0x283: {  	[tilespmem:s4+$0x2C8] =	vst.add.f32.msk $0xffff, v1  }
0x284: {  	v1 =	vld [tilespmem:s2+$0x73D8];
	_ =	sdelay $0x4  }
0x285: {  	[tilespmem:s4+$0x2D8] =	vst.add.f32.msk $0xffff, v1  }
0x286: {  	v1 =	vld [tilespmem:s2+$0x73E8];
	_ =	sdelay $0x4  }
0x287: {  	[tilespmem:s4+$0x2E8] =	vst.add.f32.msk $0xffff, v1  }
0x288: {  	v1 =	vld [tilespmem:s2+$0x73F8];
	_ =	sdelay $0x2  }
0x289: {  	p2 =	sgt.u32 s30, $0x4FF70  }
0x28a: {  	s2 =	sand.u32 @!p2 $0x7FFF8, s30  }
0x28b: {  	s3 =	sadd.s32 $0x208, s4;
	s5 =	sand.u32 @!p2 $0x7, s30;
	s2 =	sadd.s32 @!p2 s1, s2;
	[tilespmem:s4+$0x2F8] =	vst.add.f32.msk $0xffff, v1  }
0x28c: {  	[hbm4b:s2+s5] =	stream.linear.scatter @!p2 [tilespmem:s3], [sflag:$0xC], $0x80, $0x38;
	[tilespmem:$0x1E678] =	vst v63  }
0x28d: {  	s2 =	sadd.s32 @!p2 $0x80, s30  }
0x28e: {  	s2 =	sand.u32 @!p2 $0xFFFF8, s2  }
0x28f: {  	s3 =	sadd.s32 $0x288, s4;
	s2 =	sadd.s32 @!p2 s1, s2  }
0x290: {  	[hbm4b:s2+s5] =	stream.linear.scatter @!p2 [tilespmem:s3], [sflag:$0xC], $0x80, $0x38;
	[tilespmem:$0x1E678] =	vst v63  }
0x291: {  	s2 =	simm.s32 $0x0  }
0x292: {  	s2 =	simm.s32 @!p2 $0x400  }
0x293: {  	s0 =	sadd.s32 s2, s0  }
.LBB3_32:
0x294: {  	s2 =	sadd.s32 $0x1, s23  }
0x295: {  	s3 =	sshrl.u32 s2, $0x4  }
0x296: {  	s3 =	smulhi.u32 $0x24924925, s3  }
0x297: {  	v1 =	vld [tilespmem:s28+$0xFFFFFF80]  }
0x298: {  	s3 =	smul.u32 $0x70, s3;
	_ =	sdelay $0x1  }
0x299: {  	s23 =	ssub.s32 s2, s3  }
0x29a: {  	s2 =	sshll.u32 s23, $0x8  }
0x29b: {  	[tilespmem:s2+$0x208] =	vst v1  }
0x29c: {  	v1 =	vld [tilespmem:s28+$0xFFFFFF90];
	_ =	sdelay $0x4  }
0x29d: {  	[tilespmem:s2+$0x218] =	vst v1  }
0x29e: {  	v1 =	vld [tilespmem:s28+$0xFFFFFFA0];
	_ =	sdelay $0x4  }
0x29f: {  	[tilespmem:s2+$0x228] =	vst v1  }
0x2a0: {  	v1 =	vld [tilespmem:s28+$0xFFFFFFB0];
	_ =	sdelay $0x4  }
0x2a1: {  	[tilespmem:s2+$0x238] =	vst v1  }
0x2a2: {  	v1 =	vld [tilespmem:s28+$0xFFFFFFC0];
	_ =	sdelay $0x4  }
0x2a3: {  	[tilespmem:s2+$0x248] =	vst v1  }
0x2a4: {  	v1 =	vld [tilespmem:s28+$0xFFFFFFD0];
	_ =	sdelay $0x4  }
0x2a5: {  	[tilespmem:s2+$0x258] =	vst v1  }
0x2a6: {  	v1 =	vld [tilespmem:s28+$0xFFFFFFE0];
	_ =	sdelay $0x4  }
0x2a7: {  	[tilespmem:s2+$0x268] =	vst v1  }
0x2a8: {  	v1 =	vld [tilespmem:s28+$0xFFFFFFF0];
	_ =	sdelay $0x4  }
0x2a9: {  	[tilespmem:s2+$0x278] =	vst v1  }
0x2aa: {  	v1 =	vld [tilespmem:s28+$0x0];
	_ =	sdelay $0x4  }
0x2ab: {  	[tilespmem:s2+$0x288] =	vst v1  }
0x2ac: {  	v1 =	vld [tilespmem:s28+$0x10];
	_ =	sdelay $0x4  }
0x2ad: {  	[tilespmem:s2+$0x298] =	vst v1  }
0x2ae: {  	v1 =	vld [tilespmem:s28+$0x20];
	_ =	sdelay $0x4  }
0x2af: {  	[tilespmem:s2+$0x2A8] =	vst v1  }
0x2b0: {  	v1 =	vld [tilespmem:s28+$0x30];
	_ =	sdelay $0x4  }
0x2b1: {  	[tilespmem:s2+$0x2B8] =	vst v1  }
0x2b2: {  	v1 =	vld [tilespmem:s28+$0x40];
	_ =	sdelay $0x4  }
0x2b3: {  	[tilespmem:s2+$0x2C8] =	vst v1  }
0x2b4: {  	v1 =	vld [tilespmem:s28+$0x50];
	_ =	sdelay $0x4  }
0x2b5: {  	[tilespmem:s2+$0x2D8] =	vst v1  }
0x2b6: {  	v1 =	vld [tilespmem:s28+$0x60];
	_ =	sdelay $0x4  }
0x2b7: {  	[tilespmem:s2+$0x2E8] =	vst v1  }
0x2b8: {  	v1 =	vld [tilespmem:s28+$0x70]  }
.Ltmp28:
0x2b9: {  	_ = 	snop;
	(pc) =	sbr.rel .LBB3_33-.Ltmp28, $2  }
0x2ba: {  	_ =	sdelay $0x2  }
0x2bb: {  	s29 =	sadd.s32 $0x1, s29;
	[tilespmem:s2+$0x2F8] =	vst v1  }
.LBB3_35:
.Ltmp29:
0x2bc: {  	(pc) =	sbr.rel .LBB3_36-.Ltmp29, $4  }
0x2bd: {  	_ = 	snop  }
0x2be: {  	s0 =	simm.s32 $0x2  }
0x2bf: {  	_ =	swait.ge [sflag:s0], $0x0  }
0x2c0: {  	s31 =	smov.u32 s30;
	[sflag:s0] =	ssyncset.done $0x0;
	s0 =	simm.s32 $0x0  }
.LBB3_38:
0x2c1: {  	_ =	sfence.sel $0x180000  }
0x2c2: {  	s0 =	simm.s32 $0x9;
	[bflag:$0x0] =	sbarrier.arrive $0xFFFF  }
0x2c3: {  	s24 =	simm.s32 $0xA;
	[sflag:s0] =	ssyncpa.u1 $0x1  }
0x2c4: {  	s25 =	simm.s32 $0xB;
	[sflag:s24] =	ssyncpa.u1 $0x1  }
0x2c5: {  	s26 =	simm.s32 $0x2;
	[sflag:s25] =	ssyncpa.u1 $0x1  }
0x2c6: {  	[sflag:s26] =	ssyncpa.u1 $0x1  }
0x2c7: {  	v0 =	vld [tilespmem:$0xE408];
	_ =	sdelay $0x4  }
0x2c8: {  	(v2sf) =	vpush v0, $0x0  }
0x2c9: {  	(v2sf) =	vpush v0, $0x1;
	_ =	sdelay $0x1  }
0x2ca: {  	(v2sf) =	vpush v0, $0x2;
	_ =	sdelay $0xb  }
0x2cb: {  	s0 =	spop (v2sf)  }
0x2cc: {  	s2 =	spop (v2sf)  }
0x2cd: {  	s3 =	smov.u32 s0;
	p0 =	sne.s32 s0, s2  }
0x2ce: {  	s4 =	spop (v2sf);
	s3 =	simm.s32 @!p0 $0xFFFFFFFF  }
0x2cf: {  	v2 =	vimm.s32 $0x1;
	v3 =	vlaneseq.u32;
	p0 =	seq.s32 s4, $0xFFFFFFFF;
	v1 =	vmov s3  }
0x2d0: {  	s16 =	stileid.u32;
	v0 =	vperm.xlane v0, v2;
	p1 =	sne.s32 @!p0 s0, s2;
	v1 =	vperm.xlane v1, v3  }
0x2d1: {  	vm0 =	vcmask $0x3F04;
	s6 =	simm.s32 $0xE408;
	s0 =	simm.s32 @!p0 $0x1;
	p1 =	por !p1, p0  }
0x2d2: {  	s3 =	sshll.u32 s16, $0x1;
	s2 =	sshll.u32 @!p0 s4, $0xA;
	s0 =	simm.s32 @p1 $0x0;
	v0 =	vsel vm0, v1, v0  }
0x2d3: {  	s5 =	sor.u32 $0x2000, s3;
	s2 =	sshra.s32 @!p0 s2, $0x2;
	s0 =	sor.u32 @!p0 s0, s3;
	[tilespmem:$0xE408] =	vst v0  }
0x2d4: {  	[spmem:s5] =	stream.linear.scatter [tilespmem:s6], [sflag:$0x1], $0x2, $0x38;
	[tilespmem:$0x1E678] =	vst v63  }
0x2d5: {  	s2 =	sadd.s32 @!p0 $0x208, s2;
	s0 =	sshll.u32 @!p0 s0, $0x8  }
0x2d6: {  	[spmem:s0] =	stream.linear.scatter @!p0 [tilespmem:s2], [sflag:$0x1], $0x100, $0x38;
	[tilespmem:$0x1E678] =	vst v63  }
0x2d7: {  	s0 =	simm.s32 @!p0 $0x102  }
0x2d8: {  	s28 =	simm.s32 $0x1;
	s0 =	simm.s32 @p0 $0x2  }
0x2d9: {  	_ =	swait.ge [sflag:s28], s0  }
0x2da: {  	s0 =	ssub.s32 $0x0, s0;
	[sflag:s28] =	ssyncset.done $0x0  }
0x2db: {  	p0 =	sne.s32 s16, $0x0;
	[sflag:s28] =	ssyncadd.s32 s0  }
.Ltmp30:
0x2dc: {  	_ =	sfence.stream.spmem;
	(pc) =	sbr.rel @p0 .LBB3_55-.Ltmp30, $4  }
0x2dd: {  	s29 =	simm.s32 $0x3;
	[bflag:$0x0] =	sbarrier.arrive $0xFFFF  }
0x2de: {  	s30 =	simm.s32 $0x4;
	[sflag:s29] =	ssyncpa.u1 $0x1  }
0x2df: {  	s31 =	simm.s32 $0x3C;
	[sflag:s30] =	ssyncpa.u1 $0x1  }
0x2e0: {  	s15 =	rddreg [dreg:$0x4];
	[sflag:s31] =	ssyncpa.u1 $0x1  }
0x2e1: {  	_ =	sfence.stream.spmem;
	s0 =	simm.s32 $0x5  }
0x2e2: {  	s2 =	simm.s32 $0x2000;
	s3 =	simm.s32 $0xE418;
	[sflag:s0] =	ssyncpa.u1 $0x0  }
0x2e3: {  	[tilespmem:s3], [sflag:$0x5] =	stream.linear.gather [spmem:s2], $0x20, $0x38;
	[tilespmem:$0x1E678] =	vst v63  }
0x2e4: {  	s26 =	simm.s32 $0x0;
	s28 =	simm.s32 $0xE438  }
0x2e5: {  	[tilespmem:s28], [sflag:$0x5] =	stream.linear.gather [spmem:s26], $0x2000, $0x38;
	[tilespmem:$0x1E678] =	vst v63  }
0x2e6: {  	_ =	swait.ge [sflag:s0], $0x2020  }
0x2e7: {  	[sflag:s0] =	ssyncset.done $0x0  }
0x2e8: {  	s29 =	simm.s32 $0x0;
	[sflag:s0] =	ssyncadd.s32 $0xFFFFDFE0  }
0x2e9: {  	v0 =	vld.msk [tilespmem:s29+$0xE418], $0x1;
	_ =	sdelay $0x1  }
0x2ea: {  	s30 =	simm.s32 $0x1  }
0x2eb: {  	v1 =	vld.msk [tilespmem:s30+$0xE418], $0x1;
	_ =	sdelay $0x1  }
0x2ec: {  	(v2sf) =	vpush v0, $0x0;
	_ =	sdelay $0x2  }
0x2ed: {  	(v2sf) =	vpush v1, $0x0;
	_ =	sdelay $0x2  }
0x2ee: {  	s31 =	simm.s32 $0x2  }
0x2ef: {  	v0 =	vld.msk [tilespmem:s31+$0xE418], $0x1;
	_ =	sdelay $0x2  }
0x2f0: {  	s2 =	simm.s32 $0xFFFFFFFF;
	s3 =	simm.s32 $0xFFFFFFFF;
	s0 =	simm.s32 $0xC  }
.LBB3_40:
0x2f1: {  	s4 =	smov.u32 s3;
	s5 =	smov.u32 s2  }
0x2f2: {  	s2 =	sshra.s32 s0, $0x2;
	p1 =	sne.s32 s0, $0x7C;
	s0 =	sadd.s32 $0x4, s0;
	(v2sf) =	vpush v0, $0x0  }
0x2f3: {  	v0 =	vld.msk [tilespmem:s2+$0xE418], $0x1  }
.Ltmp31:
0x2f4: {  	(pc) =	sbr.rel @p1 .LBB3_40-.Ltmp31, $4  }
0x2f5: {  	s3 =	spop (v2sf)  }
0x2f6: {  	p2 =	sne.s32 s5, $0xFFFFFFFF;
	s2 =	smov.u32 s3  }
0x2f7: {  	p3 =	seq.s32 s3, $0xFFFFFFFF;
	s2 =	smov.u32 @p2 s5  }
0x2f8: {  	s3 =	smov.u32 @p3 s4;
	s2 =	smov.u32 @p3 s5  }
0x2f9: {  	(v2sf) =	vpush v0, $0x0;
	_ =	sdelay $0x8  }
0x2fa: {  	s0 =	spop (v2sf)  }
0x2fb: {  	p1 =	sne.s32 s2, $0xFFFFFFFF;
	s9 =	simm.s32 $0x6;
	s4 =	smov.u32 s0  }
0x2fc: {  	s6 =	simm.s32 $0x0;
	p2 =	seq.s32 s0, $0xFFFFFFFF;
	s4 =	smov.u32 @p1 s2  }
0x2fd: {  	s10 =	simm.s32 $0xE308;
	s4 =	smov.u32 @p2 s2;
	s2 =	spop (v2sf)  }
0x2fe: {  	s0 =	smov.u32 @p2 s3;
	p1 =	sne.s32 s4, $0xFFFFFFFF;
	s5 =	smov.u32 s2  }
.Ltmp32:
0x2ff: {  	p2 =	seq.s32 s2, $0xFFFFFFFF;
	s5 =	smov.u32 @p1 s4;
	(pc) =	sbr.rel .LBB3_42-.Ltmp32, $4  }
0x300: {  	s11 =	simm.s32 $0xE388;
	s5 =	smov.u32 @p2 s4;
	s7 =	spop (v2sf)  }
0x301: {  	s12 =	simm.s32 $0x0;
	p1 =	sne.s32 s5, $0xFFFFFFFF;
	s8 =	smov.u32 s7  }
0x302: {  	s2 =	smov.u32 @p2 s0;
	p2 =	seq.s32 s7, $0xFFFFFFFF;
	s8 =	smov.u32 @p1 s5  }
0x303: {  	[sflag:s9] =	ssyncpa.u1 $0x0;
	s7 =	smov.u32 @p2 s2;
	s8 =	smov.u32 @p2 s5  }
.LBB3_48:
0x304: {  	p1 =	sgt.u32 s0, $0x4FF70  }
0x305: {  	p2 =	seq.s32 @!p1 s0, s8  }
0x306: {  	p1 =	por p1, p2  }
0x307: {  	p2 =	sne.s32 @!p1 s0, s7  }
0x308: {  	p1 =	por p1, !p2  }
0x309: {  	s0 =	sshll.u32 @p1 s12, $0xA  }
0x30a: {  	s2 =	sand.u32 @!p1 $0x7FFF8, s0;
	s3 =	sand.u32 @!p1 $0x7, s0;
	s0 =	sadd.s32 @!p1 $0x80, s0  }
0x30b: {  	s2 =	sadd.s32 @!p1 s1, s2;
	s0 =	sand.u32 @!p1 $0xFFFF8, s0  }
0x30c: {  	[tilespmem:s10], [sflag:$0x6] =	stream.linear.gather @!p1 [hbm4b:s2+s3], $0x80, $0x38;
	[tilespmem:$0x1E678] =	vst v63  }
0x30d: {  	s0 =	sadd.s32 @!p1 s1, s0  }
0x30e: {  	[tilespmem:s11], [sflag:$0x6] =	stream.linear.gather @!p1 [hbm4b:s0+s3], $0x80, $0x38;
	[tilespmem:$0x1E678] =	vst v63  }
0x30f: {  	_ =	swait.ge @!p1 [sflag:s9], $0x100  }
0x310: {  	[sflag:s9] =	ssyncset.done @!p1 $0x0  }
0x311: {  	[sflag:s9] =	ssyncadd.s32 @!p1 $0xFFFFFF00  }
0x312: {  	v1 =	vld @!p1 [tilespmem:$0xE308];
	_ =	sdelay $0x2  }
0x313: {  	s0 =	sshll.u32 @!p1 s12, $0xA  }
0x314: {  	s2 =	sshrl.u32 @!p1 s0, $0x2  }
0x315: {  	[tilespmem:s2+$0xE438] =	vst.add.f32.msk @!p1 $0xffff, v1  }
0x316: {  	v1 =	vld @!p1 [tilespmem:$0xE318];
	_ =	sdelay $0x4  }
0x317: {  	[tilespmem:s2+$0xE448] =	vst.add.f32.msk @!p1 $0xffff, v1  }
0x318: {  	v1 =	vld @!p1 [tilespmem:$0xE328];
	_ =	sdelay $0x4  }
0x319: {  	[tilespmem:s2+$0xE458] =	vst.add.f32.msk @!p1 $0xffff, v1  }
0x31a: {  	v1 =	vld @!p1 [tilespmem:$0xE338];
	_ =	sdelay $0x4  }
0x31b: {  	[tilespmem:s2+$0xE468] =	vst.add.f32.msk @!p1 $0xffff, v1  }
0x31c: {  	v1 =	vld @!p1 [tilespmem:$0xE348];
	_ =	sdelay $0x4  }
0x31d: {  	[tilespmem:s2+$0xE478] =	vst.add.f32.msk @!p1 $0xffff, v1  }
0x31e: {  	v1 =	vld @!p1 [tilespmem:$0xE358];
	_ =	sdelay $0x4  }
0x31f: {  	[tilespmem:s2+$0xE488] =	vst.add.f32.msk @!p1 $0xffff, v1  }
0x320: {  	v1 =	vld @!p1 [tilespmem:$0xE368];
	_ =	sdelay $0x4  }
0x321: {  	[tilespmem:s2+$0xE498] =	vst.add.f32.msk @!p1 $0xffff, v1  }
0x322: {  	v1 =	vld @!p1 [tilespmem:$0xE378];
	_ =	sdelay $0x4  }
0x323: {  	[tilespmem:s2+$0xE4A8] =	vst.add.f32.msk @!p1 $0xffff, v1  }
0x324: {  	v1 =	vld @!p1 [tilespmem:$0xE388];
	_ =	sdelay $0x4  }
0x325: {  	[tilespmem:s2+$0xE4B8] =	vst.add.f32.msk @!p1 $0xffff, v1  }
0x326: {  	v1 =	vld @!p1 [tilespmem:$0xE398];
	_ =	sdelay $0x4  }
0x327: {  	[tilespmem:s2+$0xE4C8] =	vst.add.f32.msk @!p1 $0xffff, v1  }
0x328: {  	v1 =	vld @!p1 [tilespmem:$0xE3A8];
	_ =	sdelay $0x4  }
0x329: {  	[tilespmem:s2+$0xE4D8] =	vst.add.f32.msk @!p1 $0xffff, v1  }
0x32a: {  	v1 =	vld @!p1 [tilespmem:$0xE3B8];
	_ =	sdelay $0x4  }
0x32b: {  	[tilespmem:s2+$0xE4E8] =	vst.add.f32.msk @!p1 $0xffff, v1  }
0x32c: {  	v1 =	vld @!p1 [tilespmem:$0xE3C8];
	_ =	sdelay $0x4  }
0x32d: {  	[tilespmem:s2+$0xE4F8] =	vst.add.f32.msk @!p1 $0xffff, v1  }
0x32e: {  	v1 =	vld @!p1 [tilespmem:$0xE3D8];
	_ =	sdelay $0x4  }
0x32f: {  	[tilespmem:s2+$0xE508] =	vst.add.f32.msk @!p1 $0xffff, v1  }
0x330: {  	v1 =	vld @!p1 [tilespmem:$0xE3E8];
	_ =	sdelay $0x4  }
0x331: {  	[tilespmem:s2+$0xE518] =	vst.add.f32.msk @!p1 $0xffff, v1  }
0x332: {  	v1 =	vld @!p1 [tilespmem:$0xE3F8];
	_ =	sdelay $0x4  }
0x333: {  	[tilespmem:s2+$0xE528] =	vst.add.f32.msk @!p1 $0xffff, v1  }
0x334: {  	s0 =	sshrl.u32 s0, $0x2;
	[tilespmem:s6+$0xE418] =	vst.msk $0x1, v0  }
0x335: {  	v0 =	vld [tilespmem:s0+$0xE438];
	_ =	sdelay $0x2  }
0x336: {  	s31 =	sshll.u32 s6, $0xA  }
0x337: {  	s2 =	sshra.s32 s31, $0x2  }
0x338: {  	[tilespmem:s2+$0xE438] =	vst v0  }
0x339: {  	v0 =	vld [tilespmem:s0+$0xE448];
	_ =	sdelay $0x4  }
0x33a: {  	[tilespmem:s2+$0xE448] =	vst v0  }
0x33b: {  	v0 =	vld [tilespmem:s0+$0xE458];
	_ =	sdelay $0x4  }
0x33c: {  	[tilespmem:s2+$0xE458] =	vst v0  }
0x33d: {  	v0 =	vld [tilespmem:s0+$0xE468];
	_ =	sdelay $0x4  }
0x33e: {  	[tilespmem:s2+$0xE468] =	vst v0  }
0x33f: {  	v0 =	vld [tilespmem:s0+$0xE478];
	_ =	sdelay $0x4  }
0x340: {  	[tilespmem:s2+$0xE478] =	vst v0  }
0x341: {  	v0 =	vld [tilespmem:s0+$0xE488];
	_ =	sdelay $0x4  }
0x342: {  	[tilespmem:s2+$0xE488] =	vst v0  }
0x343: {  	v0 =	vld [tilespmem:s0+$0xE498];
	_ =	sdelay $0x4  }
0x344: {  	[tilespmem:s2+$0xE498] =	vst v0  }
0x345: {  	v0 =	vld [tilespmem:s0+$0xE4A8];
	_ =	sdelay $0x4  }
0x346: {  	[tilespmem:s2+$0xE4A8] =	vst v0  }
0x347: {  	v0 =	vld [tilespmem:s0+$0xE4B8];
	_ =	sdelay $0x4  }
0x348: {  	[tilespmem:s2+$0xE4B8] =	vst v0  }
0x349: {  	v0 =	vld [tilespmem:s0+$0xE4C8];
	_ =	sdelay $0x4  }
0x34a: {  	[tilespmem:s2+$0xE4C8] =	vst v0  }
0x34b: {  	v0 =	vld [tilespmem:s0+$0xE4D8];
	_ =	sdelay $0x4  }
0x34c: {  	[tilespmem:s2+$0xE4D8] =	vst v0  }
0x34d: {  	v0 =	vld [tilespmem:s0+$0xE4E8];
	_ =	sdelay $0x4  }
0x34e: {  	[tilespmem:s2+$0xE4E8] =	vst v0  }
0x34f: {  	v0 =	vld [tilespmem:s0+$0xE4F8];
	_ =	sdelay $0x4  }
0x350: {  	[tilespmem:s2+$0xE4F8] =	vst v0  }
0x351: {  	v0 =	vld [tilespmem:s0+$0xE508];
	_ =	sdelay $0x4  }
0x352: {  	[tilespmem:s2+$0xE508] =	vst v0  }
0x353: {  	v0 =	vld [tilespmem:s0+$0xE518];
	_ =	sdelay $0x4  }
0x354: {  	[tilespmem:s2+$0xE518] =	vst v0  }
0x355: {  	v0 =	vld [tilespmem:s0+$0xE528];
	_ =	sdelay $0x4  }
0x356: {  	s6 =	sadd.s32 $0x1, s6;
	[tilespmem:s2+$0xE528] =	vst v0  }
.LBB3_49:
0x357: {  	s12 =	sadd.s32 $0x1, s12  }
0x358: {  	p1 =	sne.s32 s12, $0x20  }
.Ltmp33:
0x359: {  	_ = 	snop;
	(pc) =	sbr.rel @!p1 .LBB3_50-.Ltmp33, $1  }
0x35a: {  	_ =	sdelay $0x3  }
.LBB3_42:
0x35b: {  	v0 =	vld.msk [tilespmem:s12+$0xE418], $0x1;
	_ =	sdelay $0x4  }
0x35c: {  	(v2sf) =	vpush v0, $0x0;
	_ =	sdelay $0xe  }
0x35d: {  	s0 =	spop (v2sf)  }
0x35e: {  	p1 =	seq.s32 s0, $0xFFFFFFFF  }
.Ltmp34:
0x35f: {  	_ = 	snop;
	(pc) =	sbr.rel @p1 .LBB3_49-.Ltmp34, $1  }
0x360: {  	_ =	sdelay $0x3  }
0x361: {  	p1 =	slt.s32 s6, $0x1  }
.Ltmp35:
0x362: {  	_ = 	snop;
	(pc) =	sbr.rel @p1 .LBB3_48-.Ltmp35, $1  }
0x363: {  	_ =	sdelay $0x3  }
0x364: {  	s4 =	simm.s32 $0xE418;
	p1 =	por $0x0, $0x0  }
0x365: {  	v1 =	vld.msk @!p1 [tilespmem:s4+$0x0], $0x1;
	_ =	sdelay $0x4  }
0x366: {  	(v2sf) =	vpush @!p1 v1, $0x0;
	_ =	sdelay $0xd  }
0x367: {  	p3 =	sne.s32 s6, $0x1  }
.Ltmp36:
0x368: {  	s2 =	spop @!p1 (v2sf);
	(pc) =	sbr.rel @!p3 .LBB3_46-.Ltmp36, $4  }
0x369: {  	p2 =	seq.s32 @!p1 s0, s2  }
0x36a: {  	s13 =	simm.s32 $0x0;
	p2 =	por !p2, p1  }
0x36b: {  	s2 =	simm.s32 $0xFFFFFFFF;
	s13 =	simm.s32 @p2 $0xFFFFFFFF  }
0x36c: {  	s14 =	simm.s32 $0x1;
	s13 =	smov.u32 @p1 s2  }
.LBB3_45:
0x36d: {  	s2 =	smov.u32 s13;
	p1 =	sne.s32 s13, $0xFFFFFFFF  }
0x36e: {  	s4 =	sadd.s32 $0x1, s4;
	s13 =	smov.u32 s14;
	s14 =	sadd.s32 $0x1, s14  }
0x36f: {  	p2 =	sne.s32 s6, s14;
	v1 =	vld.msk @!p1 [tilespmem:s4+$0x0], $0x1;
	_ =	sdelay $0x4  }
0x370: {  	(v2sf) =	vpush @!p1 v1, $0x0;
	_ =	sdelay $0xe  }
.Ltmp37:
0x371: {  	s3 =	spop @!p1 (v2sf);
	(pc) =	sbr.rel @p2 .LBB3_45-.Ltmp37, $4  }
0x372: {  	p3 =	seq.s32 @!p1 s0, s3  }
0x373: {  	p3 =	por !p3, p1  }
0x374: {  	s13 =	simm.s32 @p3 $0xFFFFFFFF  }
0x375: {  	s13 =	smov.u32 @p1 s2  }
.LBB3_46:
0x376: {  	p1 =	seq.s32 s13, $0xFFFFFFFF  }
.Ltmp38:
0x377: {  	_ = 	snop;
	(pc) =	sbr.rel @p1 .LBB3_48-.Ltmp38, $1  }
0x378: {  	_ =	sdelay $0x3  }
0x379: {  	s0 =	sshll.u32 s12, $0x8  }
0x37a: {  	s0 =	sand.u32 $0x3FFFFF00, s0  }
0x37b: {  	v0 =	vld [tilespmem:s0+$0xE438];
	_ =	sdelay $0x2  }
0x37c: {  	s2 =	sshll.u32 s13, $0xA  }
0x37d: {  	s2 =	sshra.s32 s2, $0x2  }
0x37e: {  	[tilespmem:s2+$0xE438] =	vst.add.f32.msk $0xffff, v0  }
0x37f: {  	v0 =	vld [tilespmem:s0+$0xE448];
	_ =	sdelay $0x4  }
0x380: {  	[tilespmem:s2+$0xE448] =	vst.add.f32.msk $0xffff, v0  }
0x381: {  	v0 =	vld [tilespmem:s0+$0xE458];
	_ =	sdelay $0x4  }
0x382: {  	[tilespmem:s2+$0xE458] =	vst.add.f32.msk $0xffff, v0  }
0x383: {  	v0 =	vld [tilespmem:s0+$0xE468];
	_ =	sdelay $0x4  }
0x384: {  	[tilespmem:s2+$0xE468] =	vst.add.f32.msk $0xffff, v0  }
0x385: {  	v0 =	vld [tilespmem:s0+$0xE478];
	_ =	sdelay $0x4  }
0x386: {  	[tilespmem:s2+$0xE478] =	vst.add.f32.msk $0xffff, v0  }
0x387: {  	v0 =	vld [tilespmem:s0+$0xE488];
	_ =	sdelay $0x4  }
0x388: {  	[tilespmem:s2+$0xE488] =	vst.add.f32.msk $0xffff, v0  }
0x389: {  	v0 =	vld [tilespmem:s0+$0xE498];
	_ =	sdelay $0x4  }
0x38a: {  	[tilespmem:s2+$0xE498] =	vst.add.f32.msk $0xffff, v0  }
0x38b: {  	v0 =	vld [tilespmem:s0+$0xE4A8];
	_ =	sdelay $0x4  }
0x38c: {  	[tilespmem:s2+$0xE4A8] =	vst.add.f32.msk $0xffff, v0  }
0x38d: {  	v0 =	vld [tilespmem:s0+$0xE4B8];
	_ =	sdelay $0x4  }
0x38e: {  	[tilespmem:s2+$0xE4B8] =	vst.add.f32.msk $0xffff, v0  }
0x38f: {  	v0 =	vld [tilespmem:s0+$0xE4C8];
	_ =	sdelay $0x4  }
0x390: {  	[tilespmem:s2+$0xE4C8] =	vst.add.f32.msk $0xffff, v0  }
0x391: {  	v0 =	vld [tilespmem:s0+$0xE4D8];
	_ =	sdelay $0x4  }
0x392: {  	[tilespmem:s2+$0xE4D8] =	vst.add.f32.msk $0xffff, v0  }
0x393: {  	v0 =	vld [tilespmem:s0+$0xE4E8];
	_ =	sdelay $0x4  }
0x394: {  	[tilespmem:s2+$0xE4E8] =	vst.add.f32.msk $0xffff, v0  }
0x395: {  	v0 =	vld [tilespmem:s0+$0xE4F8];
	_ =	sdelay $0x4  }
0x396: {  	[tilespmem:s2+$0xE4F8] =	vst.add.f32.msk $0xffff, v0  }
0x397: {  	v0 =	vld [tilespmem:s0+$0xE508];
	_ =	sdelay $0x4  }
0x398: {  	[tilespmem:s2+$0xE508] =	vst.add.f32.msk $0xffff, v0  }
0x399: {  	v0 =	vld [tilespmem:s0+$0xE518];
	_ =	sdelay $0x4  }
0x39a: {  	[tilespmem:s2+$0xE518] =	vst.add.f32.msk $0xffff, v0  }
0x39b: {  	v0 =	vld [tilespmem:s0+$0xE528]  }
.Ltmp39:
0x39c: {  	_ = 	snop;
	(pc) =	sbr.rel .LBB3_49-.Ltmp39, $2  }
0x39d: {  	_ =	sdelay $0x2  }
0x39e: {  	[tilespmem:s2+$0xE528] =	vst.add.f32.msk $0xffff, v0  }
.LBB3_50:
0x39f: {  	s0 =	simm.s32 $0x6;
	p1 =	seq.s32 s6, $0x0  }
0x3a0: {  	[sflag:s0] =	ssyncpa.u1 $0x1;
	v0 =	vimm.s32 @p1 $0xFFFFFFFF  }
0x3a1: {  	s0 =	sadd.s32 $0xFFFFFFFF, s6;
	[tilespmem:$0x10438] =	vst @p1 v0  }
0x3a2: {  	v0 =	vld.msk @!p1 [tilespmem:s0+$0xE418], $0x1;
	_ =	sdelay $0x1  }
0x3a3: {  	v1 =	vld.msk @!p1 [tilespmem:$0xE418], $0x1;
	_ =	sdelay $0x2  }
0x3a4: {  	p2 =	seq.s32 @!p1 s0, $0x0;
	v0 =	vbroadcast @!p1 v0, $0x0  }
0x3a5: {  	vm0 =	vmmov @!p1 $0x1;
	p2 =	por !p2, p1  }
0x3a6: {  	v1 =	vnsel @!p1 vm0, $0xFFFFFFFF, v1;
	vm0 =	vcmask @!p1 $0x308;
	v0 =	vpsel !p2, $0xFFFFFFFF, v0  }
0x3a7: {  	p2 =	sne.s32 @!p1 s8, s7;
	v0 =	vsel @!p1 vm0, v1, v0  }
0x3a8: {  	s2 =	simm.s32 @!p1 $0xE438;
	s3 =	simm.s32 @!p1 $0x0;
	p3 =	por !p2, p1;
	[tilespmem:$0x10438] =	vst @!p1 v0  }
0x3a9: {  	[spmem:s3] =	stream.linear.scatter @!p1 [tilespmem:s2], [sflag:$0x1], $0x100, $0x38;
	[tilespmem:$0x1E678] =	vst v63  }
0x3aa: {  	s2 =	sshll.u32 @!p3 s0, $0xA  }
0x3ab: {  	s2 =	sshra.s32 @!p3 s2, $0x2  }
0x3ac: {  	s3 =	simm.s32 @!p3 $0x100;
	s2 =	sadd.s32 @!p3 $0xE438, s2  }
0x3ad: {  	[spmem:s3] =	stream.linear.scatter @!p3 [tilespmem:s2], [sflag:$0x1], $0x100, $0x38;
	[tilespmem:$0x1E678] =	vst v63  }
0x3ae: {  	s2 =	simm.s32 @!p3 $0x1  }
0x3af: {  	_ =	swait.ge @!p3 [sflag:s2], $0x200  }
0x3b0: {  	p1 =	por p2, p1;
	[sflag:s2] =	ssyncset.done @!p3 $0x0  }
0x3b1: {  	[sflag:s2] =	ssyncadd.s32 @!p3 $0xFFFFFE00;
	s2 =	simm.s32 @!p1 $0x1  }
0x3b2: {  	_ =	swait.ge @!p1 [sflag:s2], $0x100  }
0x3b3: {  	s29 =	simm.s32 $0x10438;
	[sflag:s2] =	ssyncset.done @!p1 $0x0  }
0x3b4: {  	s30 =	simm.s32 $0x2000;
	s31 =	simm.s32 $0x1;
	[sflag:s2] =	ssyncadd.s32 @!p1 $0xFFFFFF00  }
0x3b5: {  	[spmem:s30] =	stream.linear.scatter [tilespmem:s29], [sflag:$0x1], $0x10, $0x38;
	[tilespmem:$0x1E678] =	vst v63  }
0x3b6: {  	_ =	swait.ge [sflag:s31], $0x10  }
0x3b7: {  	[sflag:s31] =	ssyncset.done $0x0  }
0x3b8: {  	p1 =	seq.s32 s15, $0x0;
	s9 =	rddreg [dreg:$0x1];
	[sflag:s31] =	ssyncadd.s32 $0xFFFFFFF0  }
0x3b9: {  	s3 =	sshll.u32 @p1 s9, $0xE;
	s8 =	rddreg [dreg:$0x2]  }
0x3ba: {  	s2 =	sadd.s32 @p1 $0x15C3C, s3;
	s3 =	sshll.u32 @p1 s8, $0x11  }
0x3bb: {  	_ =	sfence.stream.spmem;
	s2 =	sor.u32 @p1 s3, s2  }
0x3bc: {  	[sflag:s2] =	ssyncadd.remote.s32 @p1 $0x1;
	s2 =	simm.s32 @p1 $0x4  }
0x3bd: {  	s4 =	simm.s32 @!p1 $0x3C;
	s3 =	sand.u32 $0xFFFFFFFE, s9;
	_ =	swait.ge @p1 [sflag:s2], $0x42  }
0x3be: {  	s5 =	simm.s32 @!p1 $0x0;
	s3 =	sadd.s32 @!p1 $0x4, s3;
	[sflag:s2] =	ssyncset.done @p1 $0x0  }
0x3bf: {  	s7 =	simm.s32 @!p1 $0x200;
	[sflag:s2] =	ssyncadd.s32 @p1 $0xFFFFFFBE;
	s2 =	sshll.u32 @!p1 s3, $0x1A  }
0x3c0: {  	s3 =	sshll.u32 @!p1 s3, $0xD;
	s2 =	sor.u32 @!p1 s2, s8;
	_ =	swait.eq @!p1 [sflag:s4], $0x1  }
0x3c1: {  	s3 =	sor.u32 @!p1 $0x1C04, s3;
	s4 =	simm.s32 @!p1 $0x1C03;
	s2 =	sor.u32 @!p1 $0x80004000, s2  }
0x3c2: {  	[spmem:s7], [sflag:s3] =	dma.general @!p1 [spmem:s5], [sflag:s4], length:$0x40, [dreg:$0x0], stride_count:$0x0, ici_dest:s2, dma_misc:DstOpCode:WRITE  }
0x3c3: {  	p2 =	slt.s32 s0, $0x2;
	s5 =	simm.s32 @!p1 $0x400;
	s7 =	simm.s32 @!p1 $0x402  }
0x3c4: {  	[spmem:s7], [sflag:s3] =	dma.general @!p1 [spmem:s5], [sflag:s4], length:$0x2, [dreg:$0x0], stride_count:$0x0, ici_dest:s2, dma_misc:DstOpCode:WRITE  }
.Ltmp40:
0x3c5: {  	s2 =	simm.s32 @!p1 $0x3;
	(pc) =	sbr.rel @p2 .LBB3_54-.Ltmp40, $4  }
0x3c6: {  	s3 =	sshll.u32 @!p1 s9, $0xE;
	_ =	swait.ge @!p1 [sflag:s2], $0x42  }
0x3c7: {  	s4 =	sshll.u32 @!p1 s8, $0x11;
	s3 =	sadd.s32 @!p1 $0x11C3C, s3;
	[sflag:s2] =	ssyncset.done @!p1 $0x0  }
0x3c8: {  	[sflag:s2] =	ssyncadd.s32 @!p1 $0xFFFFFFBE;
	s2 =	sor.u32 @!p1 s4, s3  }
0x3c9: {  	s0 =	simm.s32 $0x0;
	[sflag:s2] =	ssyncadd.remote.s32 @!p1 $0xFFFFFFFF  }
0x3ca: {  	s0 =	simm.s32 $0xE419  }
0x3cb: {  	v0 =	vld.msk [tilespmem:s0+$0x0], $0x1;
	_ =	sdelay $0x4  }
0x3cc: {  	(v2sf) =	vpush v0, $0x0;
	_ =	sdelay $0xd  }
0x3cd: {  	s31 =	sadd.s32 $0xFFFFFFFE, s6  }
0x3ce: {  	s6 =	simm.s32 $0x0;
	s0 =	sadd.s32 $0xFFFFFFFF, s31;
	s2 =	spop (v2sf)  }
0x3cf: {  	s3 =	simm.s32 $0xE538;
	p1 =	sne.s32 s0, $0x0;
	p2 =	sgt.u32 s2, $0x4FF70  }
.Ltmp41:
0x3d0: {  	s4 =	simm.s32 $0xE638;
	s5 =	sand.u32 @!p2 $0x7FFF8, s2;
	(pc) =	sbr.rel @!p1 .LBB3_53-.Ltmp41, $4  }
0x3d1: {  	s7 =	sadd.s32 @!p2 $0x80, s2;
	s2 =	sand.u32 @!p2 $0x7, s2;
	s6 =	simm.s32 @!p2 $0x400  }
0x3d2: {  	s5 =	sadd.s32 @!p2 s1, s5;
	s7 =	sand.u32 @!p2 $0xFFFF8, s7;
	s6 =	sadd.s32 $0x0, s6  }
0x3d3: {  	[hbm4b:s5+s2] =	stream.linear.scatter @!p2 [tilespmem:s3], [sflag:$0x5], $0x80, $0x38;
	[tilespmem:$0x1E678] =	vst v63  }
0x3d4: {  	s5 =	simm.s32 $0xE41A;
	s3 =	simm.s32 @!p2 $0xE5B8;
	s7 =	sadd.s32 @!p2 s1, s7  }
.LBB3_52:
0x3d5: {  	[hbm4b:s7+s2] =	stream.linear.scatter @!p2 [tilespmem:s3], [sflag:$0x5], $0x80, $0x38;
	[tilespmem:$0x1E678] =	vst v63  }
0x3d6: {  	s0 =	sadd.s32 $0xFFFFFFFF, s0;
	s3 =	smov.u32 s4;
	v0 =	vld.msk [tilespmem:s5+$0x0], $0x1  }
0x3d7: {  	p1 =	sne.s32 s0, $0x0;
	_ =	sdelay $0x3  }
0x3d8: {  	(v2sf) =	vpush v0, $0x0;
	_ =	sdelay $0xe  }
0x3d9: {  	s4 =	sadd.s32 $0x100, s4;
	s8 =	simm.s32 $0x0;
	s2 =	spop (v2sf)  }
.Ltmp42:
0x3da: {  	s5 =	sadd.s32 $0x1, s5;
	p2 =	sgt.u32 s2, $0x4FF70;
	(pc) =	sbr.rel @p1 .LBB3_52-.Ltmp42, $4  }
0x3db: {  	s8 =	simm.s32 @!p2 $0x400;
	s7 =	sand.u32 @!p2 $0x7FFF8, s2;
	s9 =	sadd.s32 @!p2 $0x80, s2  }
0x3dc: {  	s2 =	sand.u32 @!p2 $0x7, s2;
	s7 =	sadd.s32 @!p2 s1, s7;
	s9 =	sand.u32 @!p2 $0xFFFF8, s9  }
0x3dd: {  	[hbm4b:s7+s2] =	stream.linear.scatter @!p2 [tilespmem:s3], [sflag:$0x5], $0x80, $0x38;
	[tilespmem:$0x1E678] =	vst v63  }
0x3de: {  	s6 =	sadd.s32 s6, s8;
	s3 =	sadd.s32 @!p2 $0x80, s3;
	s7 =	sadd.s32 @!p2 s1, s9  }
.LBB3_53:
0x3df: {  	[hbm4b:s7+s2] =	stream.linear.scatter @!p2 [tilespmem:s3], [sflag:$0x5], $0x80, $0x38;
	[tilespmem:$0x1E678] =	vst v63  }
0x3e0: {  	s0 =	sshrl.u32 s6, $0x2  }
.LBB3_54:
0x3e1: {  	s2 =	simm.s32 $0x5  }
0x3e2: {  	_ =	swait.ge [sflag:s2], s0  }
0x3e3: {  	s31 =	ssub.s32 $0x0, s0;
	[sflag:s2] =	ssyncset.done $0x0  }
0x3e4: {  	[sflag:s2] =	ssyncadd.s32 s31  }
0x3e5: {  	[sflag:s2] =	ssyncpa.u1 $0x1  }
.LBB3_55:
0x3e6: {  	s0 =	sor.u32 s15, s16  }
0x3e7: {  	p1 =	sne.s32 s0, $0x0  }
.Ltmp43:
0x3e8: {  	_ = 	snop;
	(pc) =	sbr.rel @p1 .LBB3_70-.Ltmp43, $3  }
0x3e9: {  	_ =	sdelay $0x1  }
0x3ea: {  	[bflag:$0x0] =	sbarrier.arrive $0xFFFF  }
0x3eb: {  	_ =	sfence  }
0x3ec: {  	s0 =	simm.s32 $0x7  }
0x3ed: {  	s2 =	simm.s32 $0x2000;
	s3 =	simm.s32 $0xE418;
	[sflag:s0] =	ssyncpa.u1 $0x0  }
0x3ee: {  	[tilespmem:s3], [sflag:$0x7] =	stream.linear.gather [spmem:s2], $0x20, $0x38;
	[tilespmem:$0x1E678] =	vst v63  }
0x3ef: {  	s30 =	simm.s32 $0xE438;
	s2 =	simm.s32 $0x0  }
0x3f0: {  	[tilespmem:s30], [sflag:$0x7] =	stream.linear.gather [spmem:s2], $0x2000, $0x38;
	[tilespmem:$0x1E678] =	vst v63  }
.Ltmp44:
0x3f1: {  	_ = 	snop;
	(pc) =	sbr.rel .LBB3_57-.Ltmp44, $4  }
0x3f2: {  	_ =	swait.ge [sflag:s0], $0x2020  }
0x3f3: {  	[sflag:s0] =	ssyncset.done $0x0  }
0x3f4: {  	s31 =	simm.s32 $0x8;
	[sflag:s0] =	ssyncadd.s32 $0xFFFFDFE0  }
0x3f5: {  	s3 =	simm.s32 $0x0;
	[sflag:s31] =	ssyncpa.u1 $0x0  }
.LBB3_63:
0x3f6: {  	p1 =	slt.u32 s0, $0x4FF71  }
0x3f7: {  	s4 =	sand.u32 @p1 $0x7FFF8, s0;
	s5 =	sand.u32 @p1 $0x7, s0;
	s0 =	sadd.s32 @p1 $0x80, s0  }
0x3f8: {  	s6 =	simm.s32 @p1 $0xE308;
	s4 =	sadd.s32 @p1 s1, s4;
	s0 =	sand.u32 @p1 $0xFFFF8, s0  }
0x3f9: {  	[tilespmem:s6], [sflag:$0x8] =	stream.linear.gather @p1 [hbm4b:s4+s5], $0x80, $0x38;
	[tilespmem:$0x1E678] =	vst v63  }
0x3fa: {  	s0 =	sadd.s32 @p1 s1, s0;
	s4 =	simm.s32 @p1 $0xE388  }
0x3fb: {  	[tilespmem:s4], [sflag:$0x8] =	stream.linear.gather @p1 [hbm4b:s0+s5], $0x80, $0x38;
	[tilespmem:$0x1E678] =	vst v63  }
0x3fc: {  	s0 =	simm.s32 @p1 $0x8  }
0x3fd: {  	_ =	swait.ge @p1 [sflag:s0], $0x100  }
0x3fe: {  	[sflag:s0] =	ssyncset.done @p1 $0x0  }
0x3ff: {  	[sflag:s0] =	ssyncadd.s32 @p1 $0xFFFFFF00  }
0x400: {  	v1 =	vld @p1 [tilespmem:$0xE308];
	_ =	sdelay $0x2  }
0x401: {  	s0 =	sshll.u32 @p1 s3, $0xA  }
0x402: {  	s4 =	sshrl.u32 @p1 s0, $0x2  }
0x403: {  	[tilespmem:s4+$0xE438] =	vst.add.f32.msk @p1 $0xffff, v1  }
0x404: {  	v1 =	vld @p1 [tilespmem:$0xE318];
	_ =	sdelay $0x4  }
0x405: {  	[tilespmem:s4+$0xE448] =	vst.add.f32.msk @p1 $0xffff, v1  }
0x406: {  	v1 =	vld @p1 [tilespmem:$0xE328];
	_ =	sdelay $0x4  }
0x407: {  	[tilespmem:s4+$0xE458] =	vst.add.f32.msk @p1 $0xffff, v1  }
0x408: {  	v1 =	vld @p1 [tilespmem:$0xE338];
	_ =	sdelay $0x4  }
0x409: {  	[tilespmem:s4+$0xE468] =	vst.add.f32.msk @p1 $0xffff, v1  }
0x40a: {  	v1 =	vld @p1 [tilespmem:$0xE348];
	_ =	sdelay $0x4  }
0x40b: {  	[tilespmem:s4+$0xE478] =	vst.add.f32.msk @p1 $0xffff, v1  }
0x40c: {  	v1 =	vld @p1 [tilespmem:$0xE358];
	_ =	sdelay $0x4  }
0x40d: {  	[tilespmem:s4+$0xE488] =	vst.add.f32.msk @p1 $0xffff, v1  }
0x40e: {  	v1 =	vld @p1 [tilespmem:$0xE368];
	_ =	sdelay $0x4  }
0x40f: {  	[tilespmem:s4+$0xE498] =	vst.add.f32.msk @p1 $0xffff, v1  }
0x410: {  	v1 =	vld @p1 [tilespmem:$0xE378];
	_ =	sdelay $0x4  }
0x411: {  	[tilespmem:s4+$0xE4A8] =	vst.add.f32.msk @p1 $0xffff, v1  }
0x412: {  	v1 =	vld @p1 [tilespmem:$0xE388];
	_ =	sdelay $0x4  }
0x413: {  	[tilespmem:s4+$0xE4B8] =	vst.add.f32.msk @p1 $0xffff, v1  }
0x414: {  	v1 =	vld @p1 [tilespmem:$0xE398];
	_ =	sdelay $0x4  }
0x415: {  	[tilespmem:s4+$0xE4C8] =	vst.add.f32.msk @p1 $0xffff, v1  }
0x416: {  	v1 =	vld @p1 [tilespmem:$0xE3A8];
	_ =	sdelay $0x4  }
0x417: {  	[tilespmem:s4+$0xE4D8] =	vst.add.f32.msk @p1 $0xffff, v1  }
0x418: {  	v1 =	vld @p1 [tilespmem:$0xE3B8];
	_ =	sdelay $0x4  }
0x419: {  	[tilespmem:s4+$0xE4E8] =	vst.add.f32.msk @p1 $0xffff, v1  }
0x41a: {  	v1 =	vld @p1 [tilespmem:$0xE3C8];
	_ =	sdelay $0x4  }
0x41b: {  	[tilespmem:s4+$0xE4F8] =	vst.add.f32.msk @p1 $0xffff, v1  }
0x41c: {  	v1 =	vld @p1 [tilespmem:$0xE3D8];
	_ =	sdelay $0x4  }
0x41d: {  	[tilespmem:s4+$0xE508] =	vst.add.f32.msk @p1 $0xffff, v1  }
0x41e: {  	v1 =	vld @p1 [tilespmem:$0xE3E8];
	_ =	sdelay $0x4  }
0x41f: {  	[tilespmem:s4+$0xE518] =	vst.add.f32.msk @p1 $0xffff, v1  }
0x420: {  	v1 =	vld @p1 [tilespmem:$0xE3F8];
	_ =	sdelay $0x3  }
0x421: {  	s5 =	sshll.u32 @!p1 s3, $0xA  }
0x422: {  	s5 =	smov.u32 @p1 s0;
	[tilespmem:s4+$0xE528] =	vst.add.f32.msk @p1 $0xffff, v1  }
0x423: {  	s0 =	sshrl.u32 s5, $0x2;
	[tilespmem:s2+$0xE418] =	vst.msk $0x1, v0  }
0x424: {  	v0 =	vld [tilespmem:s0+$0xE438];
	_ =	sdelay $0x2  }
0x425: {  	s31 =	sshll.u32 s2, $0xA  }
0x426: {  	s4 =	sshra.s32 s31, $0x2  }
0x427: {  	[tilespmem:s4+$0xE438] =	vst v0  }
0x428: {  	v0 =	vld [tilespmem:s0+$0xE448];
	_ =	sdelay $0x4  }
0x429: {  	[tilespmem:s4+$0xE448] =	vst v0  }
0x42a: {  	v0 =	vld [tilespmem:s0+$0xE458];
	_ =	sdelay $0x4  }
0x42b: {  	[tilespmem:s4+$0xE458] =	vst v0  }
0x42c: {  	v0 =	vld [tilespmem:s0+$0xE468];
	_ =	sdelay $0x4  }
0x42d: {  	[tilespmem:s4+$0xE468] =	vst v0  }
0x42e: {  	v0 =	vld [tilespmem:s0+$0xE478];
	_ =	sdelay $0x4  }
0x42f: {  	[tilespmem:s4+$0xE478] =	vst v0  }
0x430: {  	v0 =	vld [tilespmem:s0+$0xE488];
	_ =	sdelay $0x4  }
0x431: {  	[tilespmem:s4+$0xE488] =	vst v0  }
0x432: {  	v0 =	vld [tilespmem:s0+$0xE498];
	_ =	sdelay $0x4  }
0x433: {  	[tilespmem:s4+$0xE498] =	vst v0  }
0x434: {  	v0 =	vld [tilespmem:s0+$0xE4A8];
	_ =	sdelay $0x4  }
0x435: {  	[tilespmem:s4+$0xE4A8] =	vst v0  }
0x436: {  	v0 =	vld [tilespmem:s0+$0xE4B8];
	_ =	sdelay $0x4  }
0x437: {  	[tilespmem:s4+$0xE4B8] =	vst v0  }
0x438: {  	v0 =	vld [tilespmem:s0+$0xE4C8];
	_ =	sdelay $0x4  }
0x439: {  	[tilespmem:s4+$0xE4C8] =	vst v0  }
0x43a: {  	v0 =	vld [tilespmem:s0+$0xE4D8];
	_ =	sdelay $0x4  }
0x43b: {  	[tilespmem:s4+$0xE4D8] =	vst v0  }
0x43c: {  	v0 =	vld [tilespmem:s0+$0xE4E8];
	_ =	sdelay $0x4  }
0x43d: {  	[tilespmem:s4+$0xE4E8] =	vst v0  }
0x43e: {  	v0 =	vld [tilespmem:s0+$0xE4F8];
	_ =	sdelay $0x4  }
0x43f: {  	[tilespmem:s4+$0xE4F8] =	vst v0  }
0x440: {  	v0 =	vld [tilespmem:s0+$0xE508];
	_ =	sdelay $0x4  }
0x441: {  	[tilespmem:s4+$0xE508] =	vst v0  }
0x442: {  	v0 =	vld [tilespmem:s0+$0xE518];
	_ =	sdelay $0x4  }
0x443: {  	[tilespmem:s4+$0xE518] =	vst v0  }
0x444: {  	v0 =	vld [tilespmem:s0+$0xE528];
	_ =	sdelay $0x4  }
0x445: {  	s2 =	sadd.s32 $0x1, s2;
	[tilespmem:s4+$0xE528] =	vst v0  }
.LBB3_64:
0x446: {  	s3 =	sadd.s32 $0x1, s3  }
0x447: {  	p1 =	sne.s32 s3, $0x20  }
.Ltmp45:
0x448: {  	_ = 	snop;
	(pc) =	sbr.rel @!p1 .LBB3_65-.Ltmp45, $1  }
0x449: {  	_ =	sdelay $0x3  }
.LBB3_57:
0x44a: {  	v0 =	vld.msk [tilespmem:s3+$0xE418], $0x1;
	_ =	sdelay $0x4  }
0x44b: {  	(v2sf) =	vpush v0, $0x0;
	_ =	sdelay $0xe  }
0x44c: {  	s0 =	spop (v2sf)  }
0x44d: {  	p1 =	seq.s32 s0, $0xFFFFFFFF  }
.Ltmp46:
0x44e: {  	_ = 	snop;
	(pc) =	sbr.rel @p1 .LBB3_64-.Ltmp46, $1  }
0x44f: {  	_ =	sdelay $0x3  }
0x450: {  	p1 =	slt.s32 s2, $0x1  }
.Ltmp47:
0x451: {  	_ = 	snop;
	(pc) =	sbr.rel @p1 .LBB3_63-.Ltmp47, $1  }
0x452: {  	_ =	sdelay $0x3  }
0x453: {  	s4 =	simm.s32 $0xE418;
	p1 =	por $0x0, $0x0  }
0x454: {  	v1 =	vld.msk @!p1 [tilespmem:s4+$0x0], $0x1;
	_ =	sdelay $0x4  }
0x455: {  	(v2sf) =	vpush @!p1 v1, $0x0;
	_ =	sdelay $0xd  }
0x456: {  	p3 =	sne.s32 s2, $0x1  }
.Ltmp48:
0x457: {  	s5 =	spop @!p1 (v2sf);
	(pc) =	sbr.rel @!p3 .LBB3_61-.Ltmp48, $4  }
0x458: {  	p2 =	seq.s32 @!p1 s0, s5  }
0x459: {  	s5 =	simm.s32 $0x0;
	p2 =	por !p2, p1  }
0x45a: {  	s7 =	simm.s32 $0xFFFFFFFF;
	s5 =	simm.s32 @p2 $0xFFFFFFFF  }
0x45b: {  	s6 =	simm.s32 $0x1;
	s5 =	smov.u32 @p1 s7  }
.LBB3_60:
0x45c: {  	s7 =	smov.u32 s5;
	p1 =	sne.s32 s5, $0xFFFFFFFF  }
0x45d: {  	s4 =	sadd.s32 $0x1, s4;
	s5 =	smov.u32 s6;
	s6 =	sadd.s32 $0x1, s6  }
0x45e: {  	p2 =	sne.s32 s2, s6;
	v1 =	vld.msk @!p1 [tilespmem:s4+$0x0], $0x1;
	_ =	sdelay $0x4  }
0x45f: {  	(v2sf) =	vpush @!p1 v1, $0x0;
	_ =	sdelay $0xe  }
.Ltmp49:
0x460: {  	s8 =	spop @!p1 (v2sf);
	(pc) =	sbr.rel @p2 .LBB3_60-.Ltmp49, $4  }
0x461: {  	p3 =	seq.s32 @!p1 s0, s8  }
0x462: {  	p3 =	por !p3, p1  }
0x463: {  	s5 =	simm.s32 @p3 $0xFFFFFFFF  }
0x464: {  	s5 =	smov.u32 @p1 s7  }
.LBB3_61:
0x465: {  	p1 =	seq.s32 s5, $0xFFFFFFFF  }
.Ltmp50:
0x466: {  	_ = 	snop;
	(pc) =	sbr.rel @p1 .LBB3_63-.Ltmp50, $1  }
0x467: {  	_ =	sdelay $0x3  }
0x468: {  	s0 =	sshll.u32 s3, $0x8  }
0x469: {  	s0 =	sand.u32 $0x3FFFFF00, s0  }
0x46a: {  	v0 =	vld [tilespmem:s0+$0xE438];
	_ =	sdelay $0x2  }
0x46b: {  	s4 =	sshll.u32 s5, $0xA  }
0x46c: {  	s4 =	sshra.s32 s4, $0x2  }
0x46d: {  	[tilespmem:s4+$0xE438] =	vst.add.f32.msk $0xffff, v0  }
0x46e: {  	v0 =	vld [tilespmem:s0+$0xE448];
	_ =	sdelay $0x4  }
0x46f: {  	[tilespmem:s4+$0xE448] =	vst.add.f32.msk $0xffff, v0  }
0x470: {  	v0 =	vld [tilespmem:s0+$0xE458];
	_ =	sdelay $0x4  }
0x471: {  	[tilespmem:s4+$0xE458] =	vst.add.f32.msk $0xffff, v0  }
0x472: {  	v0 =	vld [tilespmem:s0+$0xE468];
	_ =	sdelay $0x4  }
0x473: {  	[tilespmem:s4+$0xE468] =	vst.add.f32.msk $0xffff, v0  }
0x474: {  	v0 =	vld [tilespmem:s0+$0xE478];
	_ =	sdelay $0x4  }
0x475: {  	[tilespmem:s4+$0xE478] =	vst.add.f32.msk $0xffff, v0  }
0x476: {  	v0 =	vld [tilespmem:s0+$0xE488];
	_ =	sdelay $0x4  }
0x477: {  	[tilespmem:s4+$0xE488] =	vst.add.f32.msk $0xffff, v0  }
0x478: {  	v0 =	vld [tilespmem:s0+$0xE498];
	_ =	sdelay $0x4  }
0x479: {  	[tilespmem:s4+$0xE498] =	vst.add.f32.msk $0xffff, v0  }
0x47a: {  	v0 =	vld [tilespmem:s0+$0xE4A8];
	_ =	sdelay $0x4  }
0x47b: {  	[tilespmem:s4+$0xE4A8] =	vst.add.f32.msk $0xffff, v0  }
0x47c: {  	v0 =	vld [tilespmem:s0+$0xE4B8];
	_ =	sdelay $0x4  }
0x47d: {  	[tilespmem:s4+$0xE4B8] =	vst.add.f32.msk $0xffff, v0  }
0x47e: {  	v0 =	vld [tilespmem:s0+$0xE4C8];
	_ =	sdelay $0x4  }
0x47f: {  	[tilespmem:s4+$0xE4C8] =	vst.add.f32.msk $0xffff, v0  }
0x480: {  	v0 =	vld [tilespmem:s0+$0xE4D8];
	_ =	sdelay $0x4  }
0x481: {  	[tilespmem:s4+$0xE4D8] =	vst.add.f32.msk $0xffff, v0  }
0x482: {  	v0 =	vld [tilespmem:s0+$0xE4E8];
	_ =	sdelay $0x4  }
0x483: {  	[tilespmem:s4+$0xE4E8] =	vst.add.f32.msk $0xffff, v0  }
0x484: {  	v0 =	vld [tilespmem:s0+$0xE4F8];
	_ =	sdelay $0x4  }
0x485: {  	[tilespmem:s4+$0xE4F8] =	vst.add.f32.msk $0xffff, v0  }
0x486: {  	v0 =	vld [tilespmem:s0+$0xE508];
	_ =	sdelay $0x4  }
0x487: {  	[tilespmem:s4+$0xE508] =	vst.add.f32.msk $0xffff, v0  }
0x488: {  	v0 =	vld [tilespmem:s0+$0xE518];
	_ =	sdelay $0x4  }
0x489: {  	[tilespmem:s4+$0xE518] =	vst.add.f32.msk $0xffff, v0  }
0x48a: {  	v0 =	vld [tilespmem:s0+$0xE528]  }
.Ltmp51:
0x48b: {  	_ = 	snop;
	(pc) =	sbr.rel .LBB3_64-.Ltmp51, $2  }
0x48c: {  	_ =	sdelay $0x2  }
0x48d: {  	[tilespmem:s4+$0xE528] =	vst.add.f32.msk $0xffff, v0  }
.LBB3_65:
0x48e: {  	p1 =	slt.s32 s2, $0x1  }
.Ltmp52:
0x48f: {  	_ = 	snop;
	(pc) =	sbr.rel @p1 .LBB3_69-.Ltmp52, $3  }
0x490: {  	_ =	sdelay $0x1  }
0x491: {  	s0 =	simm.s32 $0x8  }
0x492: {  	s4 =	simm.s32 $0x0;
	[sflag:s0] =	ssyncpa.u1 $0x1  }
0x493: {  	s0 =	simm.s32 $0xE418  }
0x494: {  	v0 =	vld.msk [tilespmem:s0+$0x0], $0x1;
	_ =	sdelay $0x4  }
0x495: {  	(v2sf) =	vpush v0, $0x0;
	_ =	sdelay $0xe  }
0x496: {  	s0 =	sadd.s32 $0xFFFFFFFF, s2;
	s3 =	spop (v2sf)  }
0x497: {  	s6 =	simm.s32 $0xE438;
	p1 =	sne.s32 s0, $0x0;
	p2 =	sgt.u32 s3, $0x4FF70  }
.Ltmp53:
0x498: {  	s2 =	simm.s32 $0xE538;
	s5 =	sand.u32 @!p2 $0x7FFF8, s3;
	(pc) =	sbr.rel @!p1 .LBB3_68-.Ltmp53, $4  }
0x499: {  	s7 =	sadd.s32 @!p2 $0x80, s3;
	s4 =	simm.s32 @!p2 $0x400;
	s8 =	sadd.s32 @!p2 s1, s5  }
0x49a: {  	s5 =	sand.u32 @!p2 $0x7, s3;
	s3 =	simm.s32 $0xE419;
	s7 =	sand.u32 @!p2 $0xFFFF8, s7  }
0x49b: {  	[hbm4b:s8+s5] =	stream.linear.scatter @!p2 [tilespmem:s6], [sflag:$0x7], $0x80, $0x38;
	[tilespmem:$0x1E678] =	vst v63  }
0x49c: {  	s4 =	sadd.s32 $0x0, s4;
	s6 =	simm.s32 @!p2 $0xE4B8;
	s7 =	sadd.s32 @!p2 s1, s7  }
.LBB3_67:
0x49d: {  	[hbm4b:s7+s5] =	stream.linear.scatter @!p2 [tilespmem:s6], [sflag:$0x7], $0x80, $0x38;
	[tilespmem:$0x1E678] =	vst v63  }
0x49e: {  	s0 =	sadd.s32 $0xFFFFFFFF, s0;
	s6 =	smov.u32 s2;
	v0 =	vld.msk [tilespmem:s3+$0x0], $0x1  }
0x49f: {  	p1 =	sne.s32 s0, $0x0;
	_ =	sdelay $0x3  }
0x4a0: {  	(v2sf) =	vpush v0, $0x0;
	_ =	sdelay $0xe  }
0x4a1: {  	s2 =	sadd.s32 $0x100, s2;
	s8 =	simm.s32 $0x0;
	s5 =	spop (v2sf)  }
.Ltmp54:
0x4a2: {  	s3 =	sadd.s32 $0x1, s3;
	p2 =	sgt.u32 s5, $0x4FF70;
	(pc) =	sbr.rel @p1 .LBB3_67-.Ltmp54, $4  }
0x4a3: {  	s8 =	simm.s32 @!p2 $0x400;
	s7 =	sand.u32 @!p2 $0x7FFF8, s5;
	s9 =	sadd.s32 @!p2 $0x80, s5  }
0x4a4: {  	s5 =	sand.u32 @!p2 $0x7, s5;
	s7 =	sadd.s32 @!p2 s1, s7;
	s9 =	sand.u32 @!p2 $0xFFFF8, s9  }
0x4a5: {  	[hbm4b:s7+s5] =	stream.linear.scatter @!p2 [tilespmem:s6], [sflag:$0x7], $0x80, $0x38;
	[tilespmem:$0x1E678] =	vst v63  }
0x4a6: {  	s4 =	sadd.s32 s4, s8;
	s6 =	sadd.s32 @!p2 $0x80, s6;
	s7 =	sadd.s32 @!p2 s1, s9  }
.LBB3_68:
0x4a7: {  	[hbm4b:s7+s5] =	stream.linear.scatter @!p2 [tilespmem:s6], [sflag:$0x7], $0x80, $0x38;
	[tilespmem:$0x1E678] =	vst v63  }
0x4a8: {  	s4 =	sshrl.u32 s4, $0x2  }
.LBB3_69:
0x4a9: {  	s0 =	simm.s32 $0x7  }
0x4aa: {  	_ =	swait.ge [sflag:s0], s4  }
0x4ab: {  	s1 =	ssub.s32 $0x0, s4;
	[sflag:s0] =	ssyncset.done $0x0  }
0x4ac: {  	[sflag:s0] =	ssyncadd.s32 s1  }
0x4ad: {  	[sflag:s0] =	ssyncpa.u1 $0x1  }
.LBB3_70:
0x4ae: {  	_ =	sfence;
	s0 =	simm.s32 $0x1  }
0x4af: {  	[sflag:s0] =	ssyncpa.u1 $0x1  }
0x4b0: {  	_ =	strace $0x90000050  }
0x4b1: {  	[bflag:$0x2] =	sbarrier.arrive $0xFFFF  }
0x4b2: {  	s0 =	rddreg [dreg:$0x3]  }
0x4b3: {  	s0 =	sadd.s32 @!p0 $0x100000, s0  }
0x4b4: {  	[sflag:s0] =	ssyncadd.tile.s32 @!p0 $0x1;
	_ =	shalt  }
.Lfunc_end3:
_tile_overlayer_lowered:
.L_overlay_start_3:
0x4b5: {  	(tag) =	ssettag $0x3  }
0x4b6: {  	s0 =	rddreg [dreg:$0x0];
	s2 =	stileid.u32  }
0x4b7: {  	s1 =	rddreg [dreg:$0x1];
	p0 =	sne.s32 s2, $0x0  }
0x4b8: {  	s3 =	rddreg [dreg:$0x2];
	[bflag:$0x3] =	sbarrier.arrive $0xFFFF;
	s2 =	simm.s32 @!p0 $0x1C01  }
0x4b9: {  	[timem:s3], [sflag:s2] =	dma.local @!p0 [hbm:s0], s1  }
0x4ba: {  	s0 =	simm.s32 @!p0 $0x1  }
0x4bb: {  	_ =	swait.ge @!p0 [sflag:s0], s1  }
0x4bc: {  	s1 =	ssub.s32 @!p0 $0x0, s1;
	[sflag:s0] =	ssyncset.done @!p0 $0x0  }
0x4bd: {  	[sflag:s0] =	ssyncadd.s32 @!p0 s1  }
0x4be: {  	[bflag:$0x3] =	sbarrier.arrive $0xFFFF  }
0x4bf: {  	_ =	shalt  }

// kernel: scatter_offload_async_start.2
scs
__scs_entry_jumppad:
0x0: {  	(pc) =	sbr.rel $0x88, $3  }
0x1: {  	(tag) =	ssettag $0x0;
	lr =	simm.s32 $0x1  }
0x2: {  	[smem:$0x3F99] =	sst lr;
	_ =	strace $0xD0000000  }
0x3: {  	_ = 	snop  }
0x4: {  	_ = 	snop  }
0x5: {  	_ = 	snop  }
0x6: {  	_ = 	snop  }
0x7: {  	_ = 	snop  }
__scs_overlays_trampoline_lowered:
0x8: {  	[smem:$0x3FA8] =	sst s0  }
0x9: {  	[smem:$0x3FA9] =	sst s1  }
0xa: {  	[smem:$0x3FAA] =	sst s2  }
0xb: {  	[smem:$0x3FAB] =	sst s3  }
0xc: {  	[smem:$0x3FAC] =	sst s4  }
0xd: {  	[smem:$0x3FAD] =	sst s5  }
0xe: {  	[smem:$0x3FAE] =	sst s6  }
0xf: {  	[smem:$0x3FAF] =	sst s7  }
0x10: {  	[smem:$0x3FB0] =	sst s8  }
0x11: {  	[smem:$0x3FB1] =	sst s9;
	s0 =	simm.s32 @!p0 $0x0  }
0x12: {  	s1 =	sld [smem:$0x3F97];
	s0 =	simm.s32 @p0 $0x1  }
0x13: {  	[smem:$0x3FB2] =	sst s0;
	s0 =	simm.s32 @!p1 $0x0  }
0x14: {  	s2 =	sld [smem:$0x3F96];
	s0 =	simm.s32 @p1 $0x1  }
0x15: {  	[smem:$0x3FB3] =	sst s0;
	s0 =	simm.s32 @!p2 $0x0  }
0x16: {  	s3 =	sld [smem:$0x3FDB];
	s0 =	simm.s32 @p2 $0x1  }
0x17: {  	s4 =	simm.s32 $0x1BF5;
	[smem:$0x3FB5] =	sst s0  }
0x18: {  	s0 =	sld [smem:$0x3F98];
	_ =	swait.ge [sflag:s4], $0x0  }
0x19: {  	s7 =	sld [smem:$0x3F99]  }
0x1a: {  	s8 =	sadd.s32 $0xFFFFE003, lr  }
0x1b: {  	s9 =	sadd.s32 $0xFFFFFEF7, lr;
	s5 =	simm.s32 $0xFFFFFFFF;
	p2 =	slt.u32 s8, $0xFFFFF086  }
0x1c: {  	p1 =	slt.u32 s9, $0xF7A;
	s5 =	simm.s32 @!p2 $0x0  }
0x1d: {  	s5 =	simm.s32 @p1 $0x1;
	p0 =	seq.s32 s7, s2  }
0x1e: {  	s7 =	smul.u32 @!p0 $0xF7A, s2;
	p2 =	seq.s32 @!p0 s5, $0x0  }
0x1f: {  	s9 =	smul.u32 $0xF7A, s1;
	s8 =	simm.s32 @!p0 $0x1BF5;
	p2 =	por !p2, p0  }
0x20: {  	[sflag:s8] =	ssyncset.s32 @!p0 $0xFFFFF086;
	s6 =	sadd.s32 @!p0 s3, s7;
	s7 =	simm.s32 @!p0 $0x108  }
0x21: {  	s3 =	sadd.s32 s3, s9;
	s6 =	sadd.s32 @!p0 $0x88, s6;
	s7 =	simm.s32 @p2 $0x1082  }
0x22: {  	[simem:s7], [sflag:s8] =	dma.local @!p0 [hbm:s6], $0xF7A  }
0x23: {  	s9 =	sor.u32 $0xD0000000, s2;
	s6 =	simm.s32 $0x108;
	_ =	swait.ge @!p0 [sflag:s8], $0x0  }
0x24: {  	s3 =	sadd.s32 $0x88, s3;
	s6 =	simm.s32 @!p1 $0x1082;
	[sflag:s4] =	ssyncset.s32 $0xFFFFF086  }
0x25: {  	[simem:s6], [sflag:s4] =	dma.local [hbm:s3], $0xF7A  }
0x26: {  	[smem:$0x3F99] =	sst s1;
	(tag) =	ssettag s2;
	_ =	strace s9  }
0x27: {  	s1 =	sld [smem:$0x3FA9]  }
0x28: {  	s2 =	sld [smem:$0x3FAA]  }
0x29: {  	s4 =	sld [smem:$0x3FAC]  }
0x2a: {  	p0 =	seq.s32 s5, $0x0;
	s5 =	sld [smem:$0x3FAD]  }
0x2b: {  	s6 =	sld [smem:$0x3FAE]  }
0x2c: {  	s7 =	sld [smem:$0x3FAF]  }
0x2d: {  	s3 =	simm.s32 $0x108;
	s8 =	sld [smem:$0x3FB0]  }
0x2e: {  	s3 =	simm.s32 @!p0 $0x1082;
	s9 =	sld [smem:$0x3FB1]  }
0x2f: {  	lr =	sadd.s32 s0, s3;
	s0 =	sld [smem:$0x3FA8]  }
0x30: {  	s3 =	sld [smem:$0x3FAB]  }
0x31: {  	[smem:$0x3FB4] =	sst s10  }
0x32: {  	s10 =	sld [smem:$0x3FB2];
	_ =	sdelay $0x3  }
0x33: {  	p0 =	seq.s32 s10, $0x1;
	s10 =	sld [smem:$0x3FB4];
	_ =	sdelay $0x3  }
0x34: {  	[smem:$0x3FB4] =	sst s10  }
0x35: {  	s10 =	sld [smem:$0x3FB3];
	_ =	sdelay $0x3  }
0x36: {  	p1 =	seq.s32 s10, $0x1;
	s10 =	sld [smem:$0x3FB4];
	_ =	sdelay $0x3  }
0x37: {  	[smem:$0x3FB4] =	sst s10  }
0x38: {  	s10 =	sld [smem:$0x3FB5]  }
0x39: {  	_ = 	snop;
	(pc) =	sbr.ind lr, $3  }
0x3a: {  	_ = 	snop  }
0x3b: {  	_ = 	snop  }
0x3c: {  	p2 =	seq.s32 s10, $0x1;
	s10 =	sld [smem:$0x3FB4]  }
0x3d: {  	_ =	shalt  }
0x3e: {  	_ =	shalt  }
0x3f: {  	_ =	shalt  }
0x40: {  	_ =	shalt  }
0x41: {  	_ =	shalt  }
0x42: {  	_ =	shalt  }
0x43: {  	_ =	shalt  }
0x44: {  	_ =	shalt  }
0x45: {  	_ =	shalt  }
0x46: {  	_ =	shalt  }
0x47: {  	_ =	shalt  }
0x48: {  	_ =	shalt  }
0x49: {  	_ =	shalt  }
0x4a: {  	_ =	shalt  }
0x4b: {  	_ =	shalt  }
0x4c: {  	_ =	shalt  }
0x4d: {  	_ =	shalt  }
0x4e: {  	_ =	shalt  }
0x4f: {  	_ =	shalt  }
0x50: {  	_ =	shalt  }
0x51: {  	_ =	shalt  }
0x52: {  	_ =	shalt  }
0x53: {  	_ =	shalt  }
0x54: {  	_ =	shalt  }
0x55: {  	_ =	shalt  }
0x56: {  	_ =	shalt  }
0x57: {  	_ =	shalt  }
0x58: {  	_ =	shalt  }
0x59: {  	_ =	shalt  }
0x5a: {  	_ =	shalt  }
0x5b: {  	_ =	shalt  }
0x5c: {  	_ =	shalt  }
0x5d: {  	_ =	shalt  }
0x5e: {  	_ =	shalt  }
0x5f: {  	_ =	shalt  }
0x60: {  	_ =	shalt  }
0x61: {  	_ =	shalt  }
0x62: {  	_ =	shalt  }
0x63: {  	_ =	shalt  }
0x64: {  	_ =	shalt  }
0x65: {  	_ =	shalt  }
0x66: {  	_ =	shalt  }
0x67: {  	_ =	shalt  }
0x68: {  	_ =	shalt  }
0x69: {  	_ =	shalt  }
0x6a: {  	_ =	shalt  }
0x6b: {  	_ =	shalt  }
0x6c: {  	_ =	shalt  }
0x6d: {  	_ =	shalt  }
0x6e: {  	_ =	shalt  }
0x6f: {  	_ =	shalt  }
0x70: {  	_ =	shalt  }
0x71: {  	_ =	shalt  }
0x72: {  	_ =	shalt  }
0x73: {  	_ =	shalt  }
0x74: {  	_ =	shalt  }
0x75: {  	_ =	shalt  }
0x76: {  	_ =	shalt  }
0x77: {  	_ =	shalt  }
0x78: {  	_ =	shalt  }
0x79: {  	_ =	shalt  }
0x7a: {  	_ =	shalt  }
0x7b: {  	_ =	shalt  }
0x7c: {  	_ =	shalt  }
0x7d: {  	_ =	shalt  }
0x7e: {  	_ =	shalt  }
0x7f: {  	_ =	shalt  }
0x80: {  	_ =	shalt  }
0x81: {  	_ =	shalt  }
0x82: {  	_ =	shalt  }
0x83: {  	_ =	shalt  }
0x84: {  	_ =	shalt  }
0x85: {  	_ =	shalt  }
0x86: {  	_ =	shalt  }
0x87: {  	_ =	shalt  }
.Lfunc_end0:
.L_simem_size_0:
called_computation.2_lowered:
.L_overlay_start_0:
0x88: {  	s2 =	sld [smem:$0x3FD9]  }
0x89: {  	s3 =	sld [smem:$0x3FFE];
	_ =	sdelay $0x1  }
0x8a: {  	s1 =	srdreg.scid  }
0x8b: {  	s0 =	sand.u32 $0x1, s1  }
0x8c: {  	s15 =	sshll.u32 s0, $0xA;
	s2 =	sadd.s32 s3, s2  }
0x8d: {  	s2 =	sadd.s32 s2, s15  }
0x8e: {  	[smem:$0x3FC0] =	sst s2  }
0x8f: {  	_ = 	snop  }
0x90: {  	(tm) =	ssettm $0x1  }
0x91: {  	s16 =	sld [smem:$0x3FFB];
	_ =	sdelay $0x3  }
0x92: {  	_ =	strace s16  }
0x93: {  	s2 =	sld [smem:$0x3FFC];
	_ =	sdelay $0x3  }
0x94: {  	_ =	strace s2  }
0x95: {  	s2 =	sld [smem:$0x3FFD];
	_ =	sdelay $0x3  }
0x96: {  	_ =	strace s2  }
0x97: {  	_ =	strace $0x8FFFFFFF  }
0x98: {  	s17 =	sld [smem:$0x3FDB];
	_ =	sdelay $0x1  }
0x99: {  	s18 =	simm.s32 $_scs_section_size  }
0x9a: {  	s4 =	simm.s32 $_size__tile_overlayer_lowered;
	s5 =	simm.s32 $_tile_overlayer_lowered  }
0x9b: {  	s21 =	simm.s32 $0x1BFF;
	s20 =	sshll.u32 s5, $0x1;
	s2 =	sadd.s32 s18, s17  }
0x9c: {  	s6 =	simm.s32 $0x0;
	s19 =	sshll.u32 s4, $0x1;
	s4 =	sadd.s32 s20, s2  }
0x9d: {  	[timem:s6], [sflag:s21] =	dma.local [hbm:s4], s19  }
0x9e: {  	_ =	swait.ge [sflag:s21], s19  }
0x9f: {  	s3 =	ssub.s32 $0x0, s19;
	[sflag:s21] =	ssyncset.done $0x0  }
0xa0: {  	[sflag:s21] =	ssyncadd.s32 s3;
	_ =	sdelay $0x1  }
0xa1: {  	s22 =	simm.s32 $0x1B8B  }
0xa2: {  	_ =	swait.ge [sflag:s22], $0x1  }
0xa3: {  	[sflag:s22] =	ssyncset.done $0x0  }
0xa4: {  	s23 =	sld [smem:$0x3FFE];
	[sflag:s22] =	ssyncadd.s32 $0xFFFFFFFF  }
0xa5: {  	s25 =	simm.s32 $0x1B8E;
	s24 =	sld [smem:$0x0]  }
0xa6: {  	s26 =	simm.s32 $execute0_lowered;
	[smem:$0x3FD2] =	sst s25  }
0xa7: {  	s5 =	sshll.u32 s26, $0x1;
	_ =	strace $0x80000055;
	[dreg:$0x1] =	wrdreg $0xFFFFFFFF  }
0xa8: {  	s28 =	simm.s32 $_size_execute0_lowered;
	s2 =	sadd.s32 s2, s5;
	[dreg:$0x0] =	wrdreg $0x0  }
0xa9: {  	s5 =	sshll.u32 s28, $0x1;
	[dreg:$0x2] =	wrdreg s2  }
0xaa: {  	[dreg:$0x3] =	wrdreg s5  }
0xab: {  	[dreg:$0x4] =	wrdreg $0xC0  }
0xac: {  	_ =	task [dreg:s6], $0x5FFFF  }
0xad: {  	[dreg:$0x1] =	wrdreg $0xFFFFFFFF  }
0xae: {  	[dreg:$0x0] =	wrdreg $0x60  }
0xaf: {  	[dreg:$0x2] =	wrdreg s23  }
0xb0: {  	[dreg:$0x3] =	wrdreg s1  }
0xb1: {  	[dreg:$0x4] =	wrdreg s24  }
0xb2: {  	[dreg:$0x5] =	wrdreg $0x9  }
0xb3: {  	_ =	task.clear_ibuf [dreg:s6], $0x6FFFF;
	_ =	strace $0x90000055  }
0xb4: {  	s29 =	simm.s32 $0x9;
	_ =	strace $0x80000057  }
0xb5: {  	_ =	swait.ge [sflag:s29], $0x1  }
0xb6: {  	[sflag:s29] =	ssyncadd.s32 $0xFFFFFFFF  }
0xb7: {  	_ =	strace $0x90000057  }
0xb8: {  	_ =	sfence  }
0xb9: {  	s30 =	sld [smem:$0x0];
	_ =	sdelay $0x2  }
0xba: {  	s31 =	sshll.u32 s1, $0xD;
	s1 =	sshrl.u32 s1, $0x2  }
0xbb: {  	s3 =	sand.u32 $0x4000, s31;
	s1 =	sadd.s32 s1, s30  }
0xbc: {  	s0 =	sor.u32 s3, s0;
	s1 =	sshll.u32 s1, $0x11  }
0xbd: {  	s0 =	sor.u32 s1, s0  }
0xbe: {  	s0 =	sadd.s32 $0x8F2B, s0  }
0xbf: {  	[sflag:s0] =	ssyncadd.remote.s32 $0x1  }
0xc0: {  	_ =	sfence.sel $0xFFFF  }
0xc1: {  	[dreg:$0x0] =	wrdreg $0xFFFFFFFF;
	(pc) =	sbr.abs _section_cstart, $3  }
0xc2: {  	[dreg:$0x1] =	wrdreg $0xFFFFFFFF  }
0xc3: {  	_ =	task.clear_ibuf [dreg:s6], $0x2FFFF;
	_ =	strace $0x9FFFFFFF  }
0xc4: {  	(tm) =	ssettm $0x7FFFFFFF  }
0xc5: {  	_ =	shalt  }
tec
execute0_lowered:
.L_overlay_start_1:
0x0: {  	(tag) =	ssettag $0x1  }
0x1: {  	s2 =	rddreg [dreg:$0x0]  }
0x2: {  	s5 =	rddreg [dreg:$0x1];
	_ =	strace $0x80000056;
	s0 =	simm.s32 $0x1  }
0x3: {  	s3 =	simm.s32 $0x208;
	v0 =	vimm.s32 $0x0;
	[sflag:s0] =	ssyncpa.u1 $0x0  }
0x4: {  	[tilespmem:s3+$0x70] =	vst v0  }
0x5: {  	[tilespmem:s3+$0x60] =	vst v0  }
0x6: {  	[tilespmem:s3+$0x50] =	vst v0  }
0x7: {  	[tilespmem:s3+$0x40] =	vst v0  }
0x8: {  	[tilespmem:s3+$0x30] =	vst v0  }
0x9: {  	s1 =	sadd.s32 $0x66E00, s2;
	s0 =	sadd.s32 $0x7200, s2;
	s6 =	sadd.s32 $0x12EE00, s2;
	[tilespmem:s3+$0x20] =	vst v0  }
0xa: {  	s4 =	sadd.s32 $0xC600, s2;
	s2 =	sand.u32 $0x1, s5;
	s5 =	simm.s32 $0x40;
	[tilespmem:s3+$0x10] =	vst v0  }
.LBB2_1:
0xb: {  	s5 =	sadd.s32 $0x40, s5;
	[tilespmem:s3+$0x0] =	vst v0;
	s3 =	sadd.s32 $0x80, s3  }
0xc: {  	p0 =	slt.u32 s5, $0x3880;
	[tilespmem:s3+$0x70] =	vst v0  }
0xd: {  	[tilespmem:s3+$0x60] =	vst v0  }
.Ltmp0:
0xe: {  	[tilespmem:s3+$0x50] =	vst v0;
	(pc) =	sbr.rel @p0 .LBB2_1-.Ltmp0, $4  }
0xf: {  	[tilespmem:s3+$0x40] =	vst v0  }
0x10: {  	[tilespmem:s3+$0x30] =	vst v0  }
0x11: {  	[tilespmem:s3+$0x20] =	vst v0  }
0x12: {  	[tilespmem:s3+$0x10] =	vst v0  }
0x13: {  	s29 =	simm.s32 $0x2  }
0x14: {  	s30 =	stileid.u32;
	s5 =	simm.s32 $0x9;
	s10 =	simm.s32 $0xA  }
0x15: {  	s11 =	simm.s32 $0xB;
	[dreg:$0x4] =	wrdreg s2;
	s31 =	smul.u32 $0x2A00, s2  }
0x16: {  	s23 =	simm.s32 $0x0;
	p0 =	por $0x1, $0x1;
	p1 =	por $0x0, $0x0  }
0x17: {  	s16 =	simm.s32 $0x1;
	s17 =	simm.s32 $0x80;
	s18 =	simm.s32 $0x400  }
.Ltmp1:
0x18: {  	s19 =	simm.s32 $0xC;
	s21 =	simm.s32 $0x0;
	(pc) =	sbr.rel .LBB2_3-.Ltmp1, $4  }
0x19: {  	[tilespmem:s3+$0x0] =	vst v0;
	v0 =	vimm.s32 $0xFFFFFFFF;
	s20 =	simm.s32 $0x0;
	[sflag:s29] =	ssyncpa.u1 $0x0;
	s9 =	smul.u32 $0x1500, s30  }
0x1a: {  	s15 =	sshll.u32 s30, $0x9;
	[tilespmem:$0xE408] =	vst v0;
	[sflag:s5] =	ssyncpa.u1 $0x0;
	s13 =	sadd.s32 s31, s4  }
0x1b: {  	s0 =	sadd.s32 s31, s0;
	[sflag:s10] =	ssyncpa.u1 $0x0;
	s12 =	sadd.s32 $0x1500, s9  }
0x1c: {  	v0 =	vlaneseq.u32;
	[dreg:$0x5] =	wrdreg s0;
	s22 =	smov.u32 s9;
	[sflag:s11] =	ssyncpa.u1 $0x0  }
.LBB2_34:
0x1d: {  	s0 =	sshrl.u32 s0, $0x2  }
.LBB2_36:
0x1e: {  	_ =	swait.ge [sflag:s19], s0  }
0x1f: {  	s30 =	ssub.s32 $0x0, s0;
	v1 =	vmov s26;
	vm0 =	veq.s32 v0, $0x0;
	[sflag:s19] =	ssyncset.done $0x0  }
0x20: {  	vm15 =	veq.s32 v0, $0x2;
	v1 =	vsel vm0, s31, v1;
	[sflag:s19] =	ssyncadd.s32 s30  }
0x21: {  	v1 =	vsel vm15, s23, v1;
	[sflag:s19] =	ssyncpa.u1 $0x1  }
0x22: {  	[tilespmem:$0xE408] =	vst v1  }
.LBB2_37:
0x23: {  	s0 =	sadd.s32 $0x70, s22  }
0x24: {  	s2 =	smov.u32 s9;
	s20 =	sadd.s32 $0x1, s20;
	p2 =	slt.s32 s0, s12  }
0x25: {  	s2 =	smov.u32 @p2 s0;
	p2 =	sne.s32 s20, $0x32  }
.Ltmp2:
0x26: {  	_ = 	snop;
	(pc) =	sbr.rel @!p2 .LBB2_38-.Ltmp2, $3  }
0x27: {  	_ =	sdelay $0x1  }
0x28: {  	s23 =	smov.u32 s21;
	s21 =	smov.u32 s22  }
0x29: {  	p0 =	por !p0, !p0;
	p1 =	por !p1, !p1;
	s22 =	smov.u32 s2  }
.LBB2_3:
0x2a: {  	p2 =	sgt.u32 s20, $0x2F  }
0x2b: {  	s0 =	smul.u32 @!p2 $0xAB, s20;
	_ =	sdelay $0x1  }
0x2c: {  	s0 =	sshrl.u32 @!p2 s0, $0x9  }
0x2d: {  	s2 =	smov.u32 s22;
	p3 =	sgt.s32 @!p2 s22, $0x14F90;
	s0 =	sand.u32 @!p2 $0x7F, s0  }
0x2e: {  	s3 =	sshra.s32 @!p2 s22, $0x1F;
	p3 =	por !p3, p2;
	s0 =	smul.u32 @!p2 $0x3, s0  }
0x2f: {  	s3 =	sand.u32 @!p2 s3, s22;
	s2 =	simm.s32 @p3 $0x14F90  }
0x30: {  	s2 =	ssub.s32 @!p2 s2, s3;
	s0 =	ssub.s32 @!p2 s20, s0  }
0x31: {  	s2 =	sadd.s32 @!p2 $0xFFFEB070, s2;
	s0 =	sand.u32 @!p2 $0xFF, s0  }
0x32: {  	s3 =	sshll.u32 @!p2 s2, $0x2;
	p3 =	sgt.s32 @!p2 s2, $0x6F;
	s0 =	smul.u32 @!p2 $0x1C0, s0  }
0x33: {  	s4 =	sand.u32 @!p2 $0x7, s22;
	s2 =	ssub.s32 @!p2 $0x1C0, s3;
	p3 =	por !p3, p2  }
0x34: {  	s3 =	sshrl.u32 @!p2 s22, $0x3;
	s2 =	sshrl.u32 @!p2 s2, $0x2;
	s0 =	sshrl.u32 @!p2 s0, $0x2  }
0x35: {  	s3 =	sadd.s32 @!p2 s3, s13;
	s2 =	simm.s32 @!p3 $0x0;
	s0 =	sadd.s32 @!p2 $0x10448, s0  }
0x36: {  	[tilespmem:s0], [sflag:$0xA] =	stream.linear.gather @!p2 [hbm4b:s3+s4], s2, $0x38;
	[tilespmem:$0x1E678] =	vst v63  }
0x37: {  	s0 =	sadd.s32 $0xFFFFFFFF, s20  }
0x38: {  	p2 =	sgt.u32 s0, $0x2F  }
.Ltmp3:
0x39: {  	_ = 	snop;
	(pc) =	sbr.rel @p2 .LBB2_19-.Ltmp3, $1  }
0x3a: {  	_ =	sdelay $0x3  }
0x3b: {  	p2 =	sgt.s32 s21, $0x14F90  }
0x3c: {  	s3 =	smov.u32 s21;
	s4 =	sshra.s32 s21, $0x1F;
	s5 =	smul.u32 $0xAB, s0  }
0x3d: {  	s3 =	simm.s32 @!p2 $0x14F90;
	s4 =	sand.u32 s4, s21  }
0x3e: {  	s3 =	ssub.s32 s3, s4;
	s7 =	sshrl.u32 s5, $0x9  }
0x3f: {  	s3 =	sadd.s32 $0xFFFEB070, s3;
	s4 =	sand.u32 $0x7F, s7  }
0x40: {  	s14 =	sand.u32 $0x1, s0;
	s8 =	sshll.u32 s3, $0x2;
	s4 =	smul.u32 $0x3, s4  }
0x41: {  	s31 =	smul.u32 $0x1C0, s14;
	s14 =	sshrl.u32 s21, $0x3;
	s5 =	ssub.s32 $0x1C0, s8  }
0x42: {  	p2 =	sgt.s32 s3, $0x6F;
	s3 =	sshrl.u32 s5, $0x2;
	s26 =	ssub.s32 s0, s4  }
0x43: {  	s4 =	sshrl.u32 s31, $0x2;
	s3 =	simm.s32 @p2 $0x0;
	s0 =	sand.u32 $0xFF, s26  }
0x44: {  	s4 =	sadd.s32 $0x10598, s4;
	s26 =	sand.u32 $0x7, s21;
	_ =	swait.ge [sflag:s10], s3  }
0x45: {  	s7 =	ssub.s32 $0x0, s3;
	[sflag:s10] =	ssyncset.done $0x0;
	s8 =	rddreg [dreg:$0x5]  }
0x46: {  	s0 =	smul.u32 $0x1C0, s0;
	[sflag:s10] =	ssyncadd.s32 s7;
	s5 =	sadd.s32 s14, s8  }
0x47: {  	[tilespmem:s4], [sflag:$0xB] =	stream.linear.gather [hbm4b:s5+s26], s3, $0x38;
	[tilespmem:$0x1E678] =	vst v63  }
0x48: {  	s26 =	sshrl.u32 s0, $0x2  }
0x49: {  	v1 =	vld.msk [tilespmem:s26+$0x10448], $0xffff;
	_ =	sdelay $0x3  }
0x4a: {  	s31 =	simm.s32 $0x0  }
0x4b: {  	(v2sf) =	vpush v1, s31;
	_ =	sdelay $0x5  }
0x4c: {  	s3 =	simm.s32 $0x1  }
0x4d: {  	(v2sf) =	vpush v1, s3;
	_ =	sdelay $0x3  }
0x4e: {  	s2 =	simm.s32 $0x1  }
0x4f: {  	s2 =	simm.s32 @!p0 $0x0;
	s8 =	simm.s32 $0x2  }
0x50: {  	s2 =	smul.u32 $0x1C000, s2;
	(v2sf) =	vpush v1, s8  }
0x51: {  	s14 =	simm.s32 $0x3  }
0x52: {  	s2 =	sshrl.u32 s2, $0x2;
	s5 =	spop (v2sf);
	(v2sf) =	vpush v1, s14  }
0x53: {  	s24 =	sadd.s32 $0x16678, s2;
	s25 =	sadd.s32 $0x15678, s2;
	s28 =	sadd.s32 $0x14678, s2  }
0x54: {  	s29 =	sadd.s32 $0x13678, s2;
	s30 =	sadd.s32 $0x12678, s2;
	s0 =	sadd.s32 $0x11678, s2  }
0x55: {  	s4 =	sor.u32 $0x10678, s2;
	s7 =	sshll.u32 s5, $0x8;
	s2 =	sshll.u32 s5, $0x7  }
0x56: {  	s3 =	sand.u32 $0xFFFFF800, s7;
	s2 =	sand.u32 $0x380, s2  }
0x57: {  	s2 =	sor.u32 s2, s3  }
0x58: {  	s2 =	sshrl.u32 s2, $0x3  }
0x59: {  	s31 =	spop (v2sf);
	s2 =	sadd.s32 s6, s2  }
0x5a: {  	[tilespmem:s4], [sflag:$0x9] =	stream.strided.gather [hbm4b:s2+s17], $0x100, s18, s17, $0x38;
	[tilespmem:$0x1E678] =	vst v63  }
0x5b: {  	s5 =	simm.s32 $0x4;
	s3 =	sshll.u32 s31, $0x7;
	s2 =	sshll.u32 s31, $0x8  }
.LBB2_5:
0x5c: {  	(v2sf) =	vpush v1, s5;
	s2 =	sand.u32 $0xFFFFF800, s2;
	s3 =	sand.u32 $0x380, s3;
	p2 =	seq.s32 s5, $0xF  }
.Ltmp4:
0x5d: {  	s5 =	sadd.s32 $0x1, s5;
	s2 =	sor.u32 s3, s2;
	(pc) =	sbr.rel @!p2 .LBB2_5-.Ltmp4, $4  }
0x5e: {  	s2 =	sshrl.u32 s2, $0x3  }
0x5f: {  	s4 =	sadd.s32 $0x100, s4;
	s3 =	spop (v2sf);
	s2 =	sadd.s32 s6, s2  }
0x60: {  	[tilespmem:s4], [sflag:$0x9] =	stream.strided.gather [hbm4b:s2+s17], $0x100, s18, s17, $0x38;
	[tilespmem:$0x1E678] =	vst v63  }
0x61: {  	s2 =	sshll.u32 s3, $0x8;
	s3 =	sshll.u32 s3, $0x7  }
0x62: {  	s2 =	sand.u32 $0xFFFFF800, s2;
	s3 =	sand.u32 $0x380, s3  }
0x63: {  	s2 =	sor.u32 s3, s2  }
0x64: {  	s5 =	spop (v2sf);
	s4 =	sadd.s32 $0x100, s4;
	s2 =	sshrl.u32 s2, $0x3  }
0x65: {  	s7 =	sshll.u32 s5, $0x8;
	s3 =	sshll.u32 s5, $0x7;
	s2 =	sadd.s32 s6, s2  }
0x66: {  	[tilespmem:s4], [sflag:$0x9] =	stream.strided.gather [hbm4b:s2+s17], $0x100, s18, s17, $0x38;
	[tilespmem:$0x1E678] =	vst v63  }
0x67: {  	s3 =	sand.u32 $0x380, s3;
	s2 =	sand.u32 $0xFFFFF800, s7  }
0x68: {  	s2 =	sor.u32 s3, s2  }
0x69: {  	s2 =	sshrl.u32 s2, $0x3  }
0x6a: {  	s4 =	sadd.s32 $0x100, s4;
	s2 =	sadd.s32 s6, s2  }
0x6b: {  	[tilespmem:s4], [sflag:$0x9] =	stream.strided.gather [hbm4b:s2+s17], $0x100, s18, s17, $0x38;
	[tilespmem:$0x1E678] =	vst v63  }
0x6c: {  	s8 =	spop (v2sf)  }
0x6d: {  	s14 =	sshll.u32 s8, $0x8;
	s3 =	sshll.u32 s8, $0x7  }
0x6e: {  	s2 =	sand.u32 $0xFFFFF800, s14;
	s3 =	sand.u32 $0x380, s3  }
0x6f: {  	s2 =	sor.u32 s3, s2  }
0x70: {  	s2 =	sshrl.u32 s2, $0x3  }
0x71: {  	s31 =	sadd.s32 $0x100, s4;
	s2 =	sadd.s32 s6, s2  }
0x72: {  	[tilespmem:s31], [sflag:$0x9] =	stream.strided.gather [hbm4b:s2+s17], $0x100, s18, s17, $0x38;
	[tilespmem:$0x1E678] =	vst v63  }
0x73: {  	v1 =	vld.msk [tilespmem:s26+$0x10458], $0xffff;
	_ =	sdelay $0x3  }
0x74: {  	s3 =	simm.s32 $0x0  }
0x75: {  	(v2sf) =	vpush v1, s3;
	_ =	sdelay $0x7  }
0x76: {  	s4 =	simm.s32 $0x1  }
0x77: {  	(v2sf) =	vpush v1, s4;
	_ =	sdelay $0x4  }
0x78: {  	s8 =	simm.s32 $0x2  }
0x79: {  	s5 =	spop (v2sf);
	(v2sf) =	vpush v1, s8  }
0x7a: {  	s14 =	simm.s32 $0x3  }
0x7b: {  	(v2sf) =	vpush v1, s14;
	_ =	sdelay $0x2  }
0x7c: {  	s7 =	sshll.u32 s5, $0x8;
	s2 =	sshll.u32 s5, $0x7  }
0x7d: {  	s3 =	sand.u32 $0xFFFFF800, s7;
	s2 =	sand.u32 $0x380, s2  }
0x7e: {  	s2 =	sor.u32 s2, s3  }
0x7f: {  	s2 =	sshrl.u32 s2, $0x3  }
0x80: {  	s31 =	spop (v2sf);
	s2 =	sadd.s32 s6, s2  }
0x81: {  	[tilespmem:s0], [sflag:$0x9] =	stream.strided.gather [hbm4b:s2+s17], $0x100, s18, s17, $0x38;
	[tilespmem:$0x1E678] =	vst v63  }
0x82: {  	s4 =	simm.s32 $0x4;
	s3 =	sshll.u32 s31, $0x7;
	s2 =	sshll.u32 s31, $0x8  }
.LBB2_7:
0x83: {  	(v2sf) =	vpush v1, s4;
	s2 =	sand.u32 $0xFFFFF800, s2;
	s3 =	sand.u32 $0x380, s3;
	p2 =	sne.s32 s4, $0xF  }
.Ltmp5:
0x84: {  	s4 =	sadd.s32 $0x1, s4;
	s2 =	sor.u32 s3, s2;
	(pc) =	sbr.rel @p2 .LBB2_7-.Ltmp5, $4  }
0x85: {  	s2 =	sshrl.u32 s2, $0x3  }
0x86: {  	s0 =	sadd.s32 $0x100, s0;
	s3 =	spop (v2sf);
	s2 =	sadd.s32 s6, s2  }
0x87: {  	[tilespmem:s0], [sflag:$0x9] =	stream.strided.gather [hbm4b:s2+s17], $0x100, s18, s17, $0x38;
	[tilespmem:$0x1E678] =	vst v63  }
0x88: {  	s2 =	sshll.u32 s3, $0x8;
	s3 =	sshll.u32 s3, $0x7  }
0x89: {  	s2 =	sand.u32 $0xFFFFF800, s2;
	s3 =	sand.u32 $0x380, s3  }
0x8a: {  	s2 =	sor.u32 s3, s2  }
0x8b: {  	s7 =	spop (v2sf);
	s0 =	sadd.s32 $0x100, s0;
	s2 =	sshrl.u32 s2, $0x3  }
0x8c: {  	s8 =	sshll.u32 s7, $0x8;
	s3 =	sshll.u32 s7, $0x7;
	s2 =	sadd.s32 s6, s2  }
0x8d: {  	[tilespmem:s0], [sflag:$0x9] =	stream.strided.gather [hbm4b:s2+s17], $0x100, s18, s17, $0x38;
	[tilespmem:$0x1E678] =	vst v63  }
0x8e: {  	s3 =	sand.u32 $0x380, s3;
	s2 =	sand.u32 $0xFFFFF800, s8  }
0x8f: {  	s2 =	sor.u32 s3, s2  }
0x90: {  	s2 =	sshrl.u32 s2, $0x3  }
0x91: {  	s0 =	sadd.s32 $0x100, s0;
	s2 =	sadd.s32 s6, s2  }
0x92: {  	[tilespmem:s0], [sflag:$0x9] =	stream.strided.gather [hbm4b:s2+s17], $0x100, s18, s17, $0x38;
	[tilespmem:$0x1E678] =	vst v63  }
0x93: {  	s14 =	spop (v2sf)  }
0x94: {  	s31 =	sshll.u32 s14, $0x8;
	s3 =	sshll.u32 s14, $0x7  }
0x95: {  	s2 =	sand.u32 $0xFFFFF800, s31;
	s3 =	sand.u32 $0x380, s3  }
0x96: {  	s2 =	sor.u32 s3, s2  }
0x97: {  	s2 =	sshrl.u32 s2, $0x3  }
0x98: {  	s0 =	sadd.s32 $0x100, s0;
	s2 =	sadd.s32 s6, s2  }
0x99: {  	[tilespmem:s0], [sflag:$0x9] =	stream.strided.gather [hbm4b:s2+s17], $0x100, s18, s17, $0x38;
	[tilespmem:$0x1E678] =	vst v63  }
0x9a: {  	v1 =	vld.msk [tilespmem:s26+$0x10468], $0xffff;
	_ =	sdelay $0x3  }
0x9b: {  	s3 =	simm.s32 $0x0  }
0x9c: {  	(v2sf) =	vpush v1, s3;
	_ =	sdelay $0x7  }
0x9d: {  	s4 =	simm.s32 $0x1  }
0x9e: {  	(v2sf) =	vpush v1, s4;
	_ =	sdelay $0x4  }
0x9f: {  	s8 =	simm.s32 $0x2  }
0xa0: {  	s5 =	spop (v2sf);
	(v2sf) =	vpush v1, s8  }
0xa1: {  	s14 =	simm.s32 $0x3  }
0xa2: {  	(v2sf) =	vpush v1, s14;
	_ =	sdelay $0x2  }
0xa3: {  	s7 =	sshll.u32 s5, $0x8;
	s0 =	sshll.u32 s5, $0x7  }
0xa4: {  	s2 =	sand.u32 $0xFFFFF800, s7;
	s0 =	sand.u32 $0x380, s0  }
0xa5: {  	s0 =	sor.u32 s0, s2  }
0xa6: {  	s0 =	sshrl.u32 s0, $0x3  }
0xa7: {  	s31 =	spop (v2sf);
	s0 =	sadd.s32 s6, s0  }
0xa8: {  	[tilespmem:s30], [sflag:$0x9] =	stream.strided.gather [hbm4b:s0+s17], $0x100, s18, s17, $0x38;
	[tilespmem:$0x1E678] =	vst v63  }
0xa9: {  	s3 =	sshll.u32 s31, $0x7;
	s2 =	sshll.u32 s31, $0x8;
	s0 =	simm.s32 $0x4  }
.LBB2_9:
0xaa: {  	(v2sf) =	vpush v1, s0;
	s2 =	sand.u32 $0xFFFFF800, s2;
	s3 =	sand.u32 $0x380, s3;
	p2 =	sne.s32 s0, $0xF  }
.Ltmp6:
0xab: {  	s0 =	sadd.s32 $0x1, s0;
	s2 =	sor.u32 s3, s2;
	(pc) =	sbr.rel @p2 .LBB2_9-.Ltmp6, $4  }
0xac: {  	s2 =	sshrl.u32 s2, $0x3  }
0xad: {  	s30 =	sadd.s32 $0x100, s30;
	s3 =	spop (v2sf);
	s2 =	sadd.s32 s6, s2  }
0xae: {  	[tilespmem:s30], [sflag:$0x9] =	stream.strided.gather [hbm4b:s2+s17], $0x100, s18, s17, $0x38;
	[tilespmem:$0x1E678] =	vst v63  }
0xaf: {  	s2 =	sshll.u32 s3, $0x8;
	s3 =	sshll.u32 s3, $0x7  }
0xb0: {  	s0 =	sand.u32 $0xFFFFF800, s2;
	s5 =	sand.u32 $0x380, s3  }
0xb1: {  	s0 =	sor.u32 s5, s0  }
0xb2: {  	s7 =	spop (v2sf);
	s8 =	sadd.s32 $0x100, s30;
	s0 =	sshrl.u32 s0, $0x3  }
0xb3: {  	s14 =	sshll.u32 s7, $0x8;
	s2 =	sshll.u32 s7, $0x7;
	s0 =	sadd.s32 s6, s0  }
0xb4: {  	[tilespmem:s8], [sflag:$0x9] =	stream.strided.gather [hbm4b:s0+s17], $0x100, s18, s17, $0x38;
	[tilespmem:$0x1E678] =	vst v63  }
0xb5: {  	s2 =	sand.u32 $0x380, s2;
	s0 =	sand.u32 $0xFFFFF800, s14  }
0xb6: {  	s0 =	sor.u32 s2, s0  }
0xb7: {  	s0 =	sshrl.u32 s0, $0x3  }
0xb8: {  	s3 =	sadd.s32 $0x100, s8;
	s0 =	sadd.s32 s6, s0  }
0xb9: {  	[tilespmem:s3], [sflag:$0x9] =	stream.strided.gather [hbm4b:s0+s17], $0x100, s18, s17, $0x38;
	[tilespmem:$0x1E678] =	vst v63  }
0xba: {  	s30 =	spop (v2sf)  }
0xbb: {  	s31 =	sshll.u32 s30, $0x8;
	s2 =	sshll.u32 s30, $0x7  }
0xbc: {  	s0 =	sand.u32 $0xFFFFF800, s31;
	s2 =	sand.u32 $0x380, s2  }
0xbd: {  	s0 =	sor.u32 s2, s0  }
0xbe: {  	s0 =	sshrl.u32 s0, $0x3  }
0xbf: {  	s3 =	sadd.s32 $0x100, s3;
	s0 =	sadd.s32 s6, s0  }
0xc0: {  	[tilespmem:s3], [sflag:$0x9] =	stream.strided.gather [hbm4b:s0+s17], $0x100, s18, s17, $0x38;
	[tilespmem:$0x1E678] =	vst v63  }
0xc1: {  	v1 =	vld.msk [tilespmem:s26+$0x10478], $0xffff;
	_ =	sdelay $0x3  }
0xc2: {  	s4 =	simm.s32 $0x0  }
0xc3: {  	(v2sf) =	vpush v1, s4;
	_ =	sdelay $0x7  }
0xc4: {  	s5 =	simm.s32 $0x1  }
0xc5: {  	(v2sf) =	vpush v1, s5;
	_ =	sdelay $0x4  }
0xc6: {  	s14 =	simm.s32 $0x2  }
0xc7: {  	s7 =	spop (v2sf);
	(v2sf) =	vpush v1, s14  }
0xc8: {  	s30 =	simm.s32 $0x3  }
0xc9: {  	(v2sf) =	vpush v1, s30;
	_ =	sdelay $0x2  }
0xca: {  	s8 =	sshll.u32 s7, $0x8;
	s0 =	sshll.u32 s7, $0x7  }
0xcb: {  	s2 =	sand.u32 $0xFFFFF800, s8;
	s0 =	sand.u32 $0x380, s0  }
0xcc: {  	s0 =	sor.u32 s0, s2  }
0xcd: {  	s0 =	sshrl.u32 s0, $0x3  }
0xce: {  	s31 =	spop (v2sf);
	s0 =	sadd.s32 s6, s0  }
0xcf: {  	[tilespmem:s29], [sflag:$0x9] =	stream.strided.gather [hbm4b:s0+s17], $0x100, s18, s17, $0x38;
	[tilespmem:$0x1E678] =	vst v63  }
0xd0: {  	s3 =	sshll.u32 s31, $0x7;
	s2 =	sshll.u32 s31, $0x8;
	s0 =	simm.s32 $0x4  }
.LBB2_11:
0xd1: {  	(v2sf) =	vpush v1, s0;
	s2 =	sand.u32 $0xFFFFF800, s2;
	s3 =	sand.u32 $0x380, s3;
	p2 =	sne.s32 s0, $0xF  }
.Ltmp7:
0xd2: {  	s0 =	sadd.s32 $0x1, s0;
	s2 =	sor.u32 s3, s2;
	(pc) =	sbr.rel @p2 .LBB2_11-.Ltmp7, $4  }
0xd3: {  	s2 =	sshrl.u32 s2, $0x3  }
0xd4: {  	s29 =	sadd.s32 $0x100, s29;
	s3 =	spop (v2sf);
	s2 =	sadd.s32 s6, s2  }
0xd5: {  	[tilespmem:s29], [sflag:$0x9] =	stream.strided.gather [hbm4b:s2+s17], $0x100, s18, s17, $0x38;
	[tilespmem:$0x1E678] =	vst v63  }
0xd6: {  	s2 =	sshll.u32 s3, $0x8;
	s3 =	sshll.u32 s3, $0x7  }
0xd7: {  	s0 =	sand.u32 $0xFFFFF800, s2;
	s7 =	sand.u32 $0x380, s3  }
0xd8: {  	s0 =	sor.u32 s7, s0  }
0xd9: {  	s8 =	spop (v2sf);
	s14 =	sadd.s32 $0x100, s29;
	s0 =	sshrl.u32 s0, $0x3  }
0xda: {  	s29 =	sshll.u32 s8, $0x8;
	s2 =	sshll.u32 s8, $0x7;
	s0 =	sadd.s32 s6, s0  }
0xdb: {  	[tilespmem:s14], [sflag:$0x9] =	stream.strided.gather [hbm4b:s0+s17], $0x100, s18, s17, $0x38;
	[tilespmem:$0x1E678] =	vst v63  }
0xdc: {  	s2 =	sand.u32 $0x380, s2;
	s0 =	sand.u32 $0xFFFFF800, s29  }
0xdd: {  	s0 =	sor.u32 s2, s0  }
0xde: {  	s0 =	sshrl.u32 s0, $0x3  }
0xdf: {  	s3 =	sadd.s32 $0x100, s14;
	s0 =	sadd.s32 s6, s0  }
0xe0: {  	[tilespmem:s3], [sflag:$0x9] =	stream.strided.gather [hbm4b:s0+s17], $0x100, s18, s17, $0x38;
	[tilespmem:$0x1E678] =	vst v63  }
0xe1: {  	s30 =	spop (v2sf)  }
0xe2: {  	s31 =	sshll.u32 s30, $0x8;
	s2 =	sshll.u32 s30, $0x7  }
0xe3: {  	s0 =	sand.u32 $0xFFFFF800, s31;
	s2 =	sand.u32 $0x380, s2  }
0xe4: {  	s0 =	sor.u32 s2, s0  }
0xe5: {  	s0 =	sshrl.u32 s0, $0x3  }
0xe6: {  	s4 =	sadd.s32 $0x100, s3;
	s0 =	sadd.s32 s6, s0  }
0xe7: {  	[tilespmem:s4], [sflag:$0x9] =	stream.strided.gather [hbm4b:s0+s17], $0x100, s18, s17, $0x38;
	[tilespmem:$0x1E678] =	vst v63  }
0xe8: {  	v1 =	vld.msk [tilespmem:s26+$0x10488], $0xffff;
	_ =	sdelay $0x3  }
0xe9: {  	s5 =	simm.s32 $0x0  }
0xea: {  	(v2sf) =	vpush v1, s5;
	_ =	sdelay $0x7  }
0xeb: {  	s7 =	simm.s32 $0x1  }
0xec: {  	(v2sf) =	vpush v1, s7;
	_ =	sdelay $0x4  }
0xed: {  	s29 =	simm.s32 $0x2  }
0xee: {  	s8 =	spop (v2sf);
	(v2sf) =	vpush v1, s29  }
0xef: {  	s30 =	simm.s32 $0x3  }
0xf0: {  	(v2sf) =	vpush v1, s30;
	_ =	sdelay $0x2  }
0xf1: {  	s14 =	sshll.u32 s8, $0x8;
	s0 =	sshll.u32 s8, $0x7  }
0xf2: {  	s2 =	sand.u32 $0xFFFFF800, s14;
	s0 =	sand.u32 $0x380, s0  }
0xf3: {  	s0 =	sor.u32 s0, s2  }
0xf4: {  	s0 =	sshrl.u32 s0, $0x3  }
0xf5: {  	s31 =	spop (v2sf);
	s0 =	sadd.s32 s6, s0  }
0xf6: {  	[tilespmem:s28], [sflag:$0x9] =	stream.strided.gather [hbm4b:s0+s17], $0x100, s18, s17, $0x38;
	[tilespmem:$0x1E678] =	vst v63  }
0xf7: {  	s3 =	sshll.u32 s31, $0x7;
	s2 =	sshll.u32 s31, $0x8;
	s0 =	simm.s32 $0x4  }
.LBB2_13:
0xf8: {  	(v2sf) =	vpush v1, s0;
	s2 =	sand.u32 $0xFFFFF800, s2;
	s3 =	sand.u32 $0x380, s3;
	p2 =	sne.s32 s0, $0xF  }
.Ltmp8:
0xf9: {  	s0 =	sadd.s32 $0x1, s0;
	s2 =	sor.u32 s3, s2;
	(pc) =	sbr.rel @p2 .LBB2_13-.Ltmp8, $4  }
0xfa: {  	s2 =	sshrl.u32 s2, $0x3  }
0xfb: {  	s28 =	sadd.s32 $0x100, s28;
	s3 =	spop (v2sf);
	s2 =	sadd.s32 s6, s2  }
0xfc: {  	[tilespmem:s28], [sflag:$0x9] =	stream.strided.gather [hbm4b:s2+s17], $0x100, s18, s17, $0x38;
	[tilespmem:$0x1E678] =	vst v63  }
0xfd: {  	s2 =	sshll.u32 s3, $0x8;
	s3 =	sshll.u32 s3, $0x7  }
0xfe: {  	s0 =	sand.u32 $0xFFFFF800, s2;
	s8 =	sand.u32 $0x380, s3  }
0xff: {  	s0 =	sor.u32 s8, s0  }
0x100: {  	s14 =	spop (v2sf);
	s29 =	sadd.s32 $0x100, s28;
	s0 =	sshrl.u32 s0, $0x3  }
0x101: {  	s30 =	sshll.u32 s14, $0x8;
	s2 =	sshll.u32 s14, $0x7;
	s0 =	sadd.s32 s6, s0  }
0x102: {  	[tilespmem:s29], [sflag:$0x9] =	stream.strided.gather [hbm4b:s0+s17], $0x100, s18, s17, $0x38;
	[tilespmem:$0x1E678] =	vst v63  }
0x103: {  	s2 =	sand.u32 $0x380, s2;
	s0 =	sand.u32 $0xFFFFF800, s30  }
0x104: {  	s0 =	sor.u32 s2, s0  }
0x105: {  	s0 =	sshrl.u32 s0, $0x3  }
0x106: {  	s3 =	sadd.s32 $0x100, s29;
	s0 =	sadd.s32 s6, s0  }
0x107: {  	[tilespmem:s3], [sflag:$0x9] =	stream.strided.gather [hbm4b:s0+s17], $0x100, s18, s17, $0x38;
	[tilespmem:$0x1E678] =	vst v63  }
0x108: {  	s31 =	spop (v2sf)  }
0x109: {  	s4 =	sshll.u32 s31, $0x8;
	s2 =	sshll.u32 s31, $0x7  }
0x10a: {  	s0 =	sand.u32 $0xFFFFF800, s4;
	s2 =	sand.u32 $0x380, s2  }
0x10b: {  	s0 =	sor.u32 s2, s0  }
0x10c: {  	s0 =	sshrl.u32 s0, $0x3  }
0x10d: {  	s5 =	sadd.s32 $0x100, s3;
	s0 =	sadd.s32 s6, s0  }
0x10e: {  	[tilespmem:s5], [sflag:$0x9] =	stream.strided.gather [hbm4b:s0+s17], $0x100, s18, s17, $0x38;
	[tilespmem:$0x1E678] =	vst v63  }
0x10f: {  	v1 =	vld.msk [tilespmem:s26+$0x10498], $0xffff;
	_ =	sdelay $0x3  }
0x110: {  	s7 =	simm.s32 $0x0  }
0x111: {  	(v2sf) =	vpush v1, s7;
	_ =	sdelay $0x7  }
0x112: {  	s8 =	simm.s32 $0x1  }
0x113: {  	(v2sf) =	vpush v1, s8;
	_ =	sdelay $0x4  }
0x114: {  	s29 =	simm.s32 $0x2  }
0x115: {  	s14 =	spop (v2sf);
	(v2sf) =	vpush v1, s29  }
0x116: {  	s30 =	simm.s32 $0x3  }
0x117: {  	(v2sf) =	vpush v1, s30;
	_ =	sdelay $0x2  }
0x118: {  	s28 =	sshll.u32 s14, $0x8;
	s0 =	sshll.u32 s14, $0x7  }
0x119: {  	s2 =	sand.u32 $0xFFFFF800, s28;
	s0 =	sand.u32 $0x380, s0  }
0x11a: {  	s0 =	sor.u32 s0, s2  }
0x11b: {  	s0 =	sshrl.u32 s0, $0x3  }
0x11c: {  	s31 =	spop (v2sf);
	s0 =	sadd.s32 s6, s0  }
0x11d: {  	[tilespmem:s25], [sflag:$0x9] =	stream.strided.gather [hbm4b:s0+s17], $0x100, s18, s17, $0x38;
	[tilespmem:$0x1E678] =	vst v63  }
0x11e: {  	s3 =	sshll.u32 s31, $0x7;
	s2 =	sshll.u32 s31, $0x8;
	s0 =	simm.s32 $0x4  }
.LBB2_15:
0x11f: {  	(v2sf) =	vpush v1, s0;
	s2 =	sand.u32 $0xFFFFF800, s2;
	s3 =	sand.u32 $0x380, s3;
	p2 =	sne.s32 s0, $0xF  }
.Ltmp9:
0x120: {  	s0 =	sadd.s32 $0x1, s0;
	s2 =	sor.u32 s3, s2;
	(pc) =	sbr.rel @p2 .LBB2_15-.Ltmp9, $4  }
0x121: {  	s2 =	sshrl.u32 s2, $0x3  }
0x122: {  	s25 =	sadd.s32 $0x100, s25;
	s3 =	spop (v2sf);
	s2 =	sadd.s32 s6, s2  }
0x123: {  	[tilespmem:s25], [sflag:$0x9] =	stream.strided.gather [hbm4b:s2+s17], $0x100, s18, s17, $0x38;
	[tilespmem:$0x1E678] =	vst v63  }
0x124: {  	s2 =	sshll.u32 s3, $0x8;
	s3 =	sshll.u32 s3, $0x7  }
0x125: {  	s0 =	sand.u32 $0xFFFFF800, s2;
	s29 =	sand.u32 $0x380, s3  }
0x126: {  	s0 =	sor.u32 s29, s0  }
0x127: {  	s30 =	spop (v2sf);
	s31 =	sadd.s32 $0x100, s25;
	s0 =	sshrl.u32 s0, $0x3  }
0x128: {  	s4 =	sshll.u32 s30, $0x8;
	s2 =	sshll.u32 s30, $0x7;
	s0 =	sadd.s32 s6, s0  }
0x129: {  	[tilespmem:s31], [sflag:$0x9] =	stream.strided.gather [hbm4b:s0+s17], $0x100, s18, s17, $0x38;
	[tilespmem:$0x1E678] =	vst v63  }
0x12a: {  	s2 =	sand.u32 $0x380, s2;
	s0 =	sand.u32 $0xFFFFF800, s4  }
0x12b: {  	s0 =	sor.u32 s2, s0  }
0x12c: {  	s0 =	sshrl.u32 s0, $0x3  }
0x12d: {  	s3 =	sadd.s32 $0x100, s31;
	s0 =	sadd.s32 s6, s0  }
0x12e: {  	[tilespmem:s3], [sflag:$0x9] =	stream.strided.gather [hbm4b:s0+s17], $0x100, s18, s17, $0x38;
	[tilespmem:$0x1E678] =	vst v63  }
0x12f: {  	s5 =	spop (v2sf)  }
0x130: {  	s7 =	sshll.u32 s5, $0x8;
	s2 =	sshll.u32 s5, $0x7  }
0x131: {  	s0 =	sand.u32 $0xFFFFF800, s7;
	s2 =	sand.u32 $0x380, s2  }
0x132: {  	s0 =	sor.u32 s2, s0  }
0x133: {  	s0 =	sshrl.u32 s0, $0x3  }
0x134: {  	s8 =	sadd.s32 $0x100, s3;
	s0 =	sadd.s32 s6, s0  }
0x135: {  	[tilespmem:s8], [sflag:$0x9] =	stream.strided.gather [hbm4b:s0+s17], $0x100, s18, s17, $0x38;
	[tilespmem:$0x1E678] =	vst v63  }
0x136: {  	v1 =	vld.msk [tilespmem:s26+$0x104A8], $0xffff;
	_ =	sdelay $0x3  }
0x137: {  	s14 =	simm.s32 $0x0  }
0x138: {  	(v2sf) =	vpush v1, s14;
	_ =	sdelay $0x7  }
0x139: {  	s25 =	simm.s32 $0x1  }
0x13a: {  	(v2sf) =	vpush v1, s25;
	_ =	sdelay $0x4  }
0x13b: {  	s29 =	simm.s32 $0x2  }
0x13c: {  	s26 =	spop (v2sf);
	(v2sf) =	vpush v1, s29  }
0x13d: {  	s30 =	simm.s32 $0x3  }
0x13e: {  	(v2sf) =	vpush v1, s30;
	_ =	sdelay $0x2  }
0x13f: {  	s28 =	sshll.u32 s26, $0x8;
	s0 =	sshll.u32 s26, $0x7  }
0x140: {  	s2 =	sand.u32 $0xFFFFF800, s28;
	s0 =	sand.u32 $0x380, s0  }
0x141: {  	s0 =	sor.u32 s0, s2  }
0x142: {  	s0 =	sshrl.u32 s0, $0x3  }
0x143: {  	s31 =	spop (v2sf);
	s0 =	sadd.s32 s6, s0  }
0x144: {  	[tilespmem:s24], [sflag:$0x9] =	stream.strided.gather [hbm4b:s0+s17], $0x100, s18, s17, $0x38;
	[tilespmem:$0x1E678] =	vst v63  }
0x145: {  	s3 =	sshll.u32 s31, $0x7;
	s2 =	sshll.u32 s31, $0x8;
	s0 =	simm.s32 $0x4  }
.LBB2_17:
0x146: {  	(v2sf) =	vpush v1, s0;
	s2 =	sand.u32 $0xFFFFF800, s2;
	s3 =	sand.u32 $0x380, s3;
	p2 =	seq.s32 s0, $0xF  }
.Ltmp10:
0x147: {  	s0 =	sadd.s32 $0x1, s0;
	s2 =	sor.u32 s3, s2;
	(pc) =	sbr.rel @!p2 .LBB2_17-.Ltmp10, $4  }
0x148: {  	s2 =	sshrl.u32 s2, $0x3  }
0x149: {  	s24 =	sadd.s32 $0x100, s24;
	s3 =	spop (v2sf);
	s2 =	sadd.s32 s6, s2  }
0x14a: {  	[tilespmem:s24], [sflag:$0x9] =	stream.strided.gather [hbm4b:s2+s17], $0x100, s18, s17, $0x38;
	[tilespmem:$0x1E678] =	vst v63  }
0x14b: {  	s2 =	sshll.u32 s3, $0x8;
	s3 =	sshll.u32 s3, $0x7  }
0x14c: {  	s0 =	sand.u32 $0xFFFFF800, s2;
	s14 =	sand.u32 $0x380, s3  }
0x14d: {  	s0 =	sor.u32 s14, s0  }
0x14e: {  	s25 =	spop (v2sf);
	s26 =	sadd.s32 $0x100, s24;
	s0 =	sshrl.u32 s0, $0x3  }
0x14f: {  	s28 =	sshll.u32 s25, $0x8;
	s2 =	sshll.u32 s25, $0x7;
	s0 =	sadd.s32 s6, s0  }
0x150: {  	[tilespmem:s26], [sflag:$0x9] =	stream.strided.gather [hbm4b:s0+s17], $0x100, s18, s17, $0x38;
	[tilespmem:$0x1E678] =	vst v63  }
0x151: {  	s2 =	sand.u32 $0x380, s2;
	s0 =	sand.u32 $0xFFFFF800, s28  }
0x152: {  	s0 =	sor.u32 s2, s0  }
0x153: {  	s0 =	sshrl.u32 s0, $0x3  }
0x154: {  	s3 =	sadd.s32 $0x100, s26;
	s0 =	sadd.s32 s6, s0  }
0x155: {  	[tilespmem:s3], [sflag:$0x9] =	stream.strided.gather [hbm4b:s0+s17], $0x100, s18, s17, $0x38;
	[tilespmem:$0x1E678] =	vst v63  }
0x156: {  	s29 =	spop (v2sf)  }
0x157: {  	s30 =	sshll.u32 s29, $0x8;
	s2 =	sshll.u32 s29, $0x7  }
0x158: {  	s0 =	sand.u32 $0xFFFFF800, s30;
	s2 =	sand.u32 $0x380, s2  }
0x159: {  	s0 =	sor.u32 s2, s0  }
0x15a: {  	s0 =	sshrl.u32 s0, $0x3  }
0x15b: {  	s31 =	sadd.s32 $0x100, s3;
	s0 =	sadd.s32 s6, s0  }
0x15c: {  	[tilespmem:s31], [sflag:$0x9] =	stream.strided.gather [hbm4b:s0+s17], $0x100, s18, s17, $0x38;
	[tilespmem:$0x1E678] =	vst v63  }
.LBB2_19:
0x15d: {  	p2 =	slt.u32 s20, $0x2  }
.Ltmp11:
0x15e: {  	_ = 	snop;
	(pc) =	sbr.rel @p2 .LBB2_37-.Ltmp11, $1  }
0x15f: {  	_ =	sdelay $0x3  }
0x160: {  	p2 =	sgt.s32 s23, $0x14F90;
	s0 =	smov.u32 s23;
	s2 =	sshra.s32 s23, $0x1F  }
0x161: {  	s0 =	simm.s32 @!p2 $0x14F90;
	s2 =	sand.u32 s2, s23  }
0x162: {  	s0 =	ssub.s32 s0, s2  }
0x163: {  	s0 =	sadd.s32 $0xFFFEB070, s0  }
0x164: {  	s3 =	simm.s32 $0x9;
	s30 =	sshll.u32 s0, $0x2  }
0x165: {  	_ =	swait.ge [sflag:s3], $0x7000;
	s2 =	ssub.s32 $0x1C0, s30  }
0x166: {  	[sflag:s3] =	ssyncset.done $0x0;
	p2 =	sgt.s32 s0, $0x6F;
	s0 =	sshrl.u32 s2, $0x2  }
0x167: {  	[sflag:s3] =	ssyncadd.s32 $0xFFFF9000;
	s0 =	simm.s32 @p2 $0x0  }
0x168: {  	_ =	swait.ge [sflag:s11], s0  }
0x169: {  	s0 =	ssub.s32 $0x0, s0;
	[sflag:s11] =	ssyncset.done $0x0  }
0x16a: {  	[sflag:s11] =	ssyncadd.s32 s0  }
0x16b: {  	v1 =	vld [tilespmem:$0xE408];
	_ =	sdelay $0x4  }
0x16c: {  	(v2sf) =	vpush v1, $0x0  }
0x16d: {  	(v2sf) =	vpush v1, $0x1  }
0x16e: {  	(v2sf) =	vpush v1, $0x2;
	_ =	sdelay $0x3  }
0x16f: {  	s2 =	sadd.s32 $0x70, s23  }
0x170: {  	s3 =	ssub.s32 $0x2A000, s23;
	p2 =	slt.s32 s12, s2  }
0x171: {  	s2 =	smov.u32 @p2 s12;
	p2 =	sgt.s32 s3, $0x0  }
0x172: {  	s24 =	ssub.s32 s2, s23;
	s3 =	simm.s32 @!p2 $0x0  }
0x173: {  	p2 =	slt.s32 s3, s24  }
0x174: {  	s24 =	smov.u32 @p2 s3  }
0x175: {  	s0 =	simm.s32 $0x1;
	p2 =	slt.s32 s24, $0x1  }
.Ltmp12:
0x176: {  	s0 =	simm.s32 @!p1 $0x0;
	(pc) =	sbr.rel @p2 .LBB2_24-.Ltmp12, $4  }
0x177: {  	s31 =	smul.u32 $0x1C0, s0  }
0x178: {  	s4 =	spop (v2sf)  }
0x179: {  	s2 =	sshrl.u32 s31, $0x2;
	s28 =	spop (v2sf)  }
0x17a: {  	s25 =	sadd.s32 $0x10598, s2;
	s23 =	spop (v2sf)  }
0x17b: {  	s2 =	smin.u32 s24, $0x10  }
0x17c: {  	v1 =	vmov s2  }
0x17d: {  	vm1 =	vgt.u32 v1, v0  }
0x17e: {  	p3 =	sgt.s32 s24, $0x10  }
.Ltmp13:
0x17f: {  	_ = 	snop;
	(pc) =	sbr.rel @!p3 .LBB2_23-.Ltmp13, $2  }
0x180: {  	_ =	sdelay $0x2  }
0x181: {  	s26 =	simm.s32 $0x10;
	s29 =	sadd.s32 $0xFFFFFFF0, s24;
	s5 =	smov.u32 s25;
	vm0 =	vmmov vm1;
	v1 =	vld.msk [tilespmem:s25+$0x0 ss:$0x1], vm1  }
.LBB2_22:
0x182: {  	s2 =	smin.u32 s29, $0x10;
	s26 =	sadd.s32 $0x10, s26  }
0x183: {  	v2 =	vmov s2;
	p3 =	slt.s32 s26, s24  }
0x184: {  	vm1 =	vgt.u32 v2, v0;
	_ =	sdelay $0x1  }
0x185: {  	v2 =	vshll.u32 v1, $0x5;
	v1 =	vshll.u32 v1, $0x4  }
.Ltmp14:
0x186: {  	v2 =	vand.u32 $0xFFFFFF00, v2;
	v1 =	vand.u32 $0x70, v1;
	(pc) =	sbr.rel @p3 .LBB2_22-.Ltmp14, $4  }
0x187: {  	v1 =	vor.u32 v1, v2  }
0x188: {  	[tilespmem:s5+$0x0] =	vst.msk vm0, v1;
	s5 =	sadd.s32 $0x10, s5;
	vm0 =	vmmov vm1  }
0x189: {  	v1 =	vld.msk [tilespmem:s5+$0x0 ss:$0x1], vm1  }
0x18a: {  	s29 =	sadd.s32 $0xFFFFFFF0, s29  }
.LBB2_23:
0x18b: {  	_ =	sdelay $0x3  }
0x18c: {  	v2 =	vshll.u32 v1, $0x5;
	v1 =	vshll.u32 v1, $0x4  }
0x18d: {  	v2 =	vand.u32 $0xFFFFFF00, v2;
	v1 =	vand.u32 $0x70, v1  }
0x18e: {  	v1 =	vor.u32 v1, v2  }
0x18f: {  	[tilespmem:s5+$0x0] =	vst.msk vm0, v1  }
.LBB2_24:
0x190: {  	s2 =	sand.u32 $0x1, s20  }
0x191: {  	s2 =	smul.u32 $0x70, s2  }
0x192: {  	p3 =	sne.s32 s28, $0xFFFFFFFF  }
0x193: {  	v1 =	vld.msk @!p3 [tilespmem:s2+$0x10598], $0x1;
	_ =	sdelay $0x4  }
0x194: {  	(v2sf) =	vpush @!p3 v1, $0x0;
	_ =	sdelay $0xc  }
.Ltmp15:
0x195: {  	_ = 	snop;
	(pc) =	sbr.rel @p2 .LBB2_35-.Ltmp15, $4  }
0x196: {  	_ = 	snop  }
0x197: {  	s30 =	spop @!p3 (v2sf)  }
0x198: {  	s23 =	simm.s32 @!p3 $0x0;
	s26 =	smov.u32 s30  }
0x199: {  	[sflag:s19] =	ssyncpa.u1 $0x0;
	s30 =	smov.u32 @p3 s4;
	s26 =	smov.u32 @p3 s28  }
0x19a: {  	v1 =	vld.msk [tilespmem:s25+$0x0], $0x1;
	_ =	sdelay $0x4  }
0x19b: {  	(v2sf) =	vpush v1, $0x0;
	_ =	sdelay $0xe  }
0x19c: {  	s4 =	spop (v2sf)  }
0x19d: {  	s0 =	smul.u32 $0x1C000, s0;
	p2 =	seq.s32 s30, s4  }
0x19e: {  	s2 =	smov.u32 s30;
	p3 =	sgt.s32 @!p2 s30, $0x0  }
0x19f: {  	s29 =	simm.s32 $0x0;
	s0 =	sshrl.u32 s0, $0x2;
	p3 =	por !p3, p2  }
0x1a0: {  	s28 =	sor.u32 $0x106F8, s0;
	s0 =	sadd.s32 $0xFFFFFFFF, s24;
	s2 =	simm.s32 @p3 $0x0  }
0x1a1: {  	s5 =	simm.s32 @!p2 $0x1;
	p3 =	sne.s32 s0, $0x0;
	s2 =	smin.u32 @!p2 s2, $0x4FF70  }
.Ltmp16:
0x1a2: {  	s3 =	simm.s32 @!p2 $0x7308;
	s14 =	sand.u32 @!p2 $0x7FFF8, s2;
	(pc) =	sbr.rel @!p3 .LBB2_27-.Ltmp16, $4  }
0x1a3: {  	s31 =	sadd.s32 @!p2 $0x80, s2;
	s2 =	sand.u32 @!p2 $0x7, s2;
	s14 =	sadd.s32 @!p2 s1, s14  }
0x1a4: {  	[tilespmem:s3], [sflag:$0x2] =	stream.linear.gather @!p2 [hbm4b:s14+s2], $0x80, $0x38;
	[tilespmem:$0x1E678] =	vst v63  }
0x1a5: {  	s5 =	smov.u32 @p2 s29;
	s14 =	sand.u32 @!p2 $0xFFFF8, s31  }
0x1a6: {  	s3 =	simm.s32 @!p2 $0x7388;
	s31 =	sadd.s32 $0x1, s25;
	s14 =	sadd.s32 @!p2 s1, s14  }
.LBB2_26:
0x1a7: {  	s7 =	smov.u32 s5  }
0x1a8: {  	[tilespmem:s3], [sflag:$0x2] =	stream.linear.gather @!p2 [hbm4b:s14+s2], $0x80, $0x38;
	[tilespmem:$0x1E678] =	vst v63  }
0x1a9: {  	s0 =	sadd.s32 $0xFFFFFFFF, s0;
	s2 =	smov.u32 s4;
	v1 =	vld.msk [tilespmem:s31+$0x0], $0x1  }
0x1aa: {  	p3 =	sne.s32 s0, $0x0;
	_ =	sdelay $0x3  }
0x1ab: {  	(v2sf) =	vpush v1, $0x0;
	_ =	sdelay $0xe  }
0x1ac: {  	s4 =	spop (v2sf)  }
0x1ad: {  	p2 =	seq.s32 s2, s4  }
0x1ae: {  	p4 =	sgt.s32 @!p2 s2, $0x0;
	s3 =	sshll.u32 @!p2 s5, $0xA;
	s5 =	sadd.s32 @!p2 $0x1, s5  }
0x1af: {  	p4 =	por !p4, p2;
	s3 =	sshra.s32 @!p2 s3, $0x2;
	s5 =	smov.u32 @p2 s7  }
0x1b0: {  	s2 =	simm.s32 @p4 $0x0;
	s7 =	sadd.s32 @!p2 $0x7308, s3;
	s3 =	sadd.s32 @!p2 $0x7388, s3  }
.Ltmp17:
0x1b1: {  	s2 =	smin.u32 @!p2 s2, $0x4FF70;
	(pc) =	sbr.rel @p3 .LBB2_26-.Ltmp17, $4  }
0x1b2: {  	s14 =	sand.u32 @!p2 $0x7FFF8, s2;
	s8 =	sadd.s32 @!p2 $0x80, s2  }
0x1b3: {  	s2 =	sand.u32 @!p2 $0x7, s2;
	s14 =	sadd.s32 @!p2 s1, s14;
	s8 =	sand.u32 @!p2 $0xFFFF8, s8  }
0x1b4: {  	[tilespmem:s7], [sflag:$0x2] =	stream.linear.gather @!p2 [hbm4b:s14+s2], $0x80, $0x38;
	[tilespmem:$0x1E678] =	vst v63  }
0x1b5: {  	s31 =	sadd.s32 $0x1, s31;
	s14 =	sadd.s32 @!p2 s1, s8  }
.LBB2_27:
0x1b6: {  	[tilespmem:s3], [sflag:$0x2] =	stream.linear.gather @!p2 [hbm4b:s14+s2], $0x80, $0x38;
	[tilespmem:$0x1E678] =	vst v63  }
.Ltmp18:
0x1b7: {  	s0 =	sshll.u32 s5, $0x8;
	(pc) =	sbr.rel .LBB2_28-.Ltmp18, $4  }
0x1b8: {  	s31 =	simm.s32 $0x2;
	s0 =	sand.u32 $0x3FFFFF00, s0  }
0x1b9: {  	_ =	swait.ge [sflag:s31], s0  }
0x1ba: {  	s0 =	ssub.s32 $0x0, s0;
	[sflag:s31] =	ssyncset.done $0x0  }
0x1bb: {  	[sflag:s31] =	ssyncadd.s32 s0;
	s0 =	simm.s32 $0x0  }
.LBB2_29:
0x1bc: {  	v1 =	vld [tilespmem:s28+$0xFFFFFF80];
	_ =	sdelay $0x4  }
0x1bd: {  	[tilespmem:s4+$0x208] =	vst.add.f32.msk $0xffff, v1  }
0x1be: {  	v1 =	vld [tilespmem:s28+$0xFFFFFF90];
	_ =	sdelay $0x4  }
0x1bf: {  	[tilespmem:s4+$0x218] =	vst.add.f32.msk $0xffff, v1  }
0x1c0: {  	v1 =	vld [tilespmem:s28+$0xFFFFFFA0];
	_ =	sdelay $0x4  }
0x1c1: {  	[tilespmem:s4+$0x228] =	vst.add.f32.msk $0xffff, v1  }
0x1c2: {  	v1 =	vld [tilespmem:s28+$0xFFFFFFB0];
	_ =	sdelay $0x4  }
0x1c3: {  	[tilespmem:s4+$0x238] =	vst.add.f32.msk $0xffff, v1  }
0x1c4: {  	v1 =	vld [tilespmem:s28+$0xFFFFFFC0];
	_ =	sdelay $0x4  }
0x1c5: {  	[tilespmem:s4+$0x248] =	vst.add.f32.msk $0xffff, v1  }
0x1c6: {  	v1 =	vld [tilespmem:s28+$0xFFFFFFD0];
	_ =	sdelay $0x4  }
0x1c7: {  	[tilespmem:s4+$0x258] =	vst.add.f32.msk $0xffff, v1  }
0x1c8: {  	v1 =	vld [tilespmem:s28+$0xFFFFFFE0];
	_ =	sdelay $0x4  }
0x1c9: {  	[tilespmem:s4+$0x268] =	vst.add.f32.msk $0xffff, v1  }
0x1ca: {  	v1 =	vld [tilespmem:s28+$0xFFFFFFF0];
	_ =	sdelay $0x4  }
0x1cb: {  	[tilespmem:s4+$0x278] =	vst.add.f32.msk $0xffff, v1  }
0x1cc: {  	v1 =	vld [tilespmem:s28+$0x0];
	_ =	sdelay $0x4  }
0x1cd: {  	[tilespmem:s4+$0x288] =	vst.add.f32.msk $0xffff, v1  }
0x1ce: {  	v1 =	vld [tilespmem:s28+$0x10];
	_ =	sdelay $0x4  }
0x1cf: {  	[tilespmem:s4+$0x298] =	vst.add.f32.msk $0xffff, v1  }
0x1d0: {  	v1 =	vld [tilespmem:s28+$0x20];
	_ =	sdelay $0x4  }
0x1d1: {  	[tilespmem:s4+$0x2A8] =	vst.add.f32.msk $0xffff, v1  }
0x1d2: {  	v1 =	vld [tilespmem:s28+$0x30];
	_ =	sdelay $0x4  }
0x1d3: {  	[tilespmem:s4+$0x2B8] =	vst.add.f32.msk $0xffff, v1  }
0x1d4: {  	v1 =	vld [tilespmem:s28+$0x40];
	_ =	sdelay $0x4  }
0x1d5: {  	[tilespmem:s4+$0x2C8] =	vst.add.f32.msk $0xffff, v1  }
0x1d6: {  	v1 =	vld [tilespmem:s28+$0x50];
	_ =	sdelay $0x4  }
0x1d7: {  	[tilespmem:s4+$0x2D8] =	vst.add.f32.msk $0xffff, v1  }
0x1d8: {  	v1 =	vld [tilespmem:s28+$0x60];
	_ =	sdelay $0x4  }
0x1d9: {  	[tilespmem:s4+$0x2E8] =	vst.add.f32.msk $0xffff, v1  }
0x1da: {  	v1 =	vld [tilespmem:s28+$0x70];
	_ =	sdelay $0x4  }
0x1db: {  	[tilespmem:s4+$0x2F8] =	vst.add.f32.msk $0xffff, v1  }
.LBB2_33:
0x1dc: {  	s24 =	sadd.s32 $0xFFFFFFFF, s24  }
0x1dd: {  	p2 =	sne.s32 s24, $0x0  }
.Ltmp19:
0x1de: {  	_ = 	snop;
	(pc) =	sbr.rel @!p2 .LBB2_34-.Ltmp19, $2  }
0x1df: {  	_ =	sdelay $0x2  }
0x1e0: {  	s25 =	sadd.s32 $0x1, s25;
	s28 =	sadd.s32 $0x100, s28;
	s30 =	smov.u32 s31  }
.LBB2_28:
0x1e1: {  	v1 =	vld.msk [tilespmem:s25+$0x0], $0x1;
	_ =	sdelay $0x4  }
0x1e2: {  	(v2sf) =	vpush v1, $0x0;
	_ =	sdelay $0xe  }
0x1e3: {  	s31 =	spop (v2sf)  }
0x1e4: {  	p2 =	sne.s32 s30, s31  }
.Ltmp20:
0x1e5: {  	_ = 	snop;
	(pc) =	sbr.rel @!p2 .LBB2_29-.Ltmp20, $3  }
0x1e6: {  	_ =	sdelay $0x1  }
0x1e7: {  	s2 =	sshll.u32 s23, $0xA  }
0x1e8: {  	s4 =	sshra.s32 s2, $0x2  }
0x1e9: {  	p2 =	seq.s32 s30, s26  }
.Ltmp21:
0x1ea: {  	_ = 	snop;
	(pc) =	sbr.rel @!p2 .LBB2_31-.Ltmp21, $1  }
0x1eb: {  	_ =	sdelay $0x3  }
.Ltmp22:
0x1ec: {  	s2 =	sadd.s32 $0x208, s4;
	(pc) =	sbr.rel .LBB2_32-.Ltmp22, $4  }
0x1ed: {  	[spmem:s15] =	stream.linear.scatter [tilespmem:s2], [sflag:$0x1], $0x100, $0x38;
	[tilespmem:$0x1E678] =	vst v63  }
0x1ee: {  	_ =	swait.ge [sflag:s16], $0x100  }
0x1ef: {  	[sflag:s16] =	ssyncset.done $0x0  }
0x1f0: {  	[sflag:s16] =	ssyncadd.s32 $0xFFFFFF00  }
.LBB2_31:
0x1f1: {  	s2 =	sshll.u32 s29, $0xA  }
0x1f2: {  	s2 =	sshra.s32 s2, $0x2  }
0x1f3: {  	v1 =	vld [tilespmem:s2+$0x7308];
	_ =	sdelay $0x4  }
0x1f4: {  	[tilespmem:s4+$0x208] =	vst.add.f32.msk $0xffff, v1  }
0x1f5: {  	v1 =	vld [tilespmem:s2+$0x7318];
	_ =	sdelay $0x4  }
0x1f6: {  	[tilespmem:s4+$0x218] =	vst.add.f32.msk $0xffff, v1  }
0x1f7: {  	v1 =	vld [tilespmem:s2+$0x7328];
	_ =	sdelay $0x4  }
0x1f8: {  	[tilespmem:s4+$0x228] =	vst.add.f32.msk $0xffff, v1  }
0x1f9: {  	v1 =	vld [tilespmem:s2+$0x7338];
	_ =	sdelay $0x4  }
0x1fa: {  	[tilespmem:s4+$0x238] =	vst.add.f32.msk $0xffff, v1  }
0x1fb: {  	v1 =	vld [tilespmem:s2+$0x7348];
	_ =	sdelay $0x4  }
0x1fc: {  	[tilespmem:s4+$0x248] =	vst.add.f32.msk $0xffff, v1  }
0x1fd: {  	v1 =	vld [tilespmem:s2+$0x7358];
	_ =	sdelay $0x4  }
0x1fe: {  	[tilespmem:s4+$0x258] =	vst.add.f32.msk $0xffff, v1  }
0x1ff: {  	v1 =	vld [tilespmem:s2+$0x7368];
	_ =	sdelay $0x4  }
0x200: {  	[tilespmem:s4+$0x268] =	vst.add.f32.msk $0xffff, v1  }
0x201: {  	v1 =	vld [tilespmem:s2+$0x7378];
	_ =	sdelay $0x4  }
0x202: {  	[tilespmem:s4+$0x278] =	vst.add.f32.msk $0xffff, v1  }
0x203: {  	v1 =	vld [tilespmem:s2+$0x7388];
	_ =	sdelay $0x4  }
0x204: {  	[tilespmem:s4+$0x288] =	vst.add.f32.msk $0xffff, v1  }
0x205: {  	v1 =	vld [tilespmem:s2+$0x7398];
	_ =	sdelay $0x4  }
0x206: {  	[tilespmem:s4+$0x298] =	vst.add.f32.msk $0xffff, v1  }
0x207: {  	v1 =	vld [tilespmem:s2+$0x73A8];
	_ =	sdelay $0x4  }
0x208: {  	[tilespmem:s4+$0x2A8] =	vst.add.f32.msk $0xffff, v1  }
0x209: {  	v1 =	vld [tilespmem:s2+$0x73B8];
	_ =	sdelay $0x4  }
0x20a: {  	[tilespmem:s4+$0x2B8] =	vst.add.f32.msk $0xffff, v1  }
0x20b: {  	v1 =	vld [tilespmem:s2+$0x73C8];
	_ =	sdelay $0x4  }
0x20c: {  	[tilespmem:s4+$0x2C8] =	vst.add.f32.msk $0xffff, v1  }
0x20d: {  	v1 =	vld [tilespmem:s2+$0x73D8];
	_ =	sdelay $0x4  }
0x20e: {  	[tilespmem:s4+$0x2D8] =	vst.add.f32.msk $0xffff, v1  }
0x20f: {  	v1 =	vld [tilespmem:s2+$0x73E8];
	_ =	sdelay $0x4  }
0x210: {  	[tilespmem:s4+$0x2E8] =	vst.add.f32.msk $0xffff, v1  }
0x211: {  	v1 =	vld [tilespmem:s2+$0x73F8];
	_ =	sdelay $0x2  }
0x212: {  	p2 =	sgt.u32 s30, $0x4FF70  }
0x213: {  	s2 =	sand.u32 @!p2 $0x7FFF8, s30  }
0x214: {  	s3 =	sadd.s32 $0x208, s4;
	s5 =	sand.u32 @!p2 $0x7, s30;
	s2 =	sadd.s32 @!p2 s1, s2;
	[tilespmem:s4+$0x2F8] =	vst.add.f32.msk $0xffff, v1  }
0x215: {  	[hbm4b:s2+s5] =	stream.linear.scatter @!p2 [tilespmem:s3], [sflag:$0xC], $0x80, $0x38;
	[tilespmem:$0x1E678] =	vst v63  }
0x216: {  	s2 =	sadd.s32 @!p2 $0x80, s30  }
0x217: {  	s2 =	sand.u32 @!p2 $0xFFFF8, s2  }
0x218: {  	s3 =	sadd.s32 $0x288, s4;
	s2 =	sadd.s32 @!p2 s1, s2  }
0x219: {  	[hbm4b:s2+s5] =	stream.linear.scatter @!p2 [tilespmem:s3], [sflag:$0xC], $0x80, $0x38;
	[tilespmem:$0x1E678] =	vst v63  }
0x21a: {  	s2 =	simm.s32 $0x0  }
0x21b: {  	s2 =	simm.s32 @!p2 $0x400  }
0x21c: {  	s0 =	sadd.s32 s2, s0  }
.LBB2_32:
0x21d: {  	s2 =	sadd.s32 $0x1, s23  }
0x21e: {  	s3 =	sshrl.u32 s2, $0x4  }
0x21f: {  	s3 =	smulhi.u32 $0x24924925, s3  }
0x220: {  	v1 =	vld [tilespmem:s28+$0xFFFFFF80]  }
0x221: {  	s3 =	smul.u32 $0x70, s3;
	_ =	sdelay $0x1  }
0x222: {  	s23 =	ssub.s32 s2, s3  }
0x223: {  	s2 =	sshll.u32 s23, $0x8  }
0x224: {  	[tilespmem:s2+$0x208] =	vst v1  }
0x225: {  	v1 =	vld [tilespmem:s28+$0xFFFFFF90];
	_ =	sdelay $0x4  }
0x226: {  	[tilespmem:s2+$0x218] =	vst v1  }
0x227: {  	v1 =	vld [tilespmem:s28+$0xFFFFFFA0];
	_ =	sdelay $0x4  }
0x228: {  	[tilespmem:s2+$0x228] =	vst v1  }
0x229: {  	v1 =	vld [tilespmem:s28+$0xFFFFFFB0];
	_ =	sdelay $0x4  }
0x22a: {  	[tilespmem:s2+$0x238] =	vst v1  }
0x22b: {  	v1 =	vld [tilespmem:s28+$0xFFFFFFC0];
	_ =	sdelay $0x4  }
0x22c: {  	[tilespmem:s2+$0x248] =	vst v1  }
0x22d: {  	v1 =	vld [tilespmem:s28+$0xFFFFFFD0];
	_ =	sdelay $0x4  }
0x22e: {  	[tilespmem:s2+$0x258] =	vst v1  }
0x22f: {  	v1 =	vld [tilespmem:s28+$0xFFFFFFE0];
	_ =	sdelay $0x4  }
0x230: {  	[tilespmem:s2+$0x268] =	vst v1  }
0x231: {  	v1 =	vld [tilespmem:s28+$0xFFFFFFF0];
	_ =	sdelay $0x4  }
0x232: {  	[tilespmem:s2+$0x278] =	vst v1  }
0x233: {  	v1 =	vld [tilespmem:s28+$0x0];
	_ =	sdelay $0x4  }
0x234: {  	[tilespmem:s2+$0x288] =	vst v1  }
0x235: {  	v1 =	vld [tilespmem:s28+$0x10];
	_ =	sdelay $0x4  }
0x236: {  	[tilespmem:s2+$0x298] =	vst v1  }
0x237: {  	v1 =	vld [tilespmem:s28+$0x20];
	_ =	sdelay $0x4  }
0x238: {  	[tilespmem:s2+$0x2A8] =	vst v1  }
0x239: {  	v1 =	vld [tilespmem:s28+$0x30];
	_ =	sdelay $0x4  }
0x23a: {  	[tilespmem:s2+$0x2B8] =	vst v1  }
0x23b: {  	v1 =	vld [tilespmem:s28+$0x40];
	_ =	sdelay $0x4  }
0x23c: {  	[tilespmem:s2+$0x2C8] =	vst v1  }
0x23d: {  	v1 =	vld [tilespmem:s28+$0x50];
	_ =	sdelay $0x4  }
0x23e: {  	[tilespmem:s2+$0x2D8] =	vst v1  }
0x23f: {  	v1 =	vld [tilespmem:s28+$0x60];
	_ =	sdelay $0x4  }
0x240: {  	[tilespmem:s2+$0x2E8] =	vst v1  }
0x241: {  	v1 =	vld [tilespmem:s28+$0x70]  }
.Ltmp23:
0x242: {  	_ = 	snop;
	(pc) =	sbr.rel .LBB2_33-.Ltmp23, $2  }
0x243: {  	_ =	sdelay $0x2  }
0x244: {  	s29 =	sadd.s32 $0x1, s29;
	[tilespmem:s2+$0x2F8] =	vst v1  }
.LBB2_35:
.Ltmp24:
0x245: {  	(pc) =	sbr.rel .LBB2_36-.Ltmp24, $4  }
0x246: {  	_ = 	snop  }
0x247: {  	s0 =	simm.s32 $0x2  }
0x248: {  	_ =	swait.ge [sflag:s0], $0x0  }
0x249: {  	s31 =	smov.u32 s30;
	[sflag:s0] =	ssyncset.done $0x0;
	s0 =	simm.s32 $0x0  }
.LBB2_38:
0x24a: {  	_ =	sfence.sel $0x180000  }
0x24b: {  	s0 =	simm.s32 $0x9;
	[bflag:$0x0] =	sbarrier.arrive $0xFFFF  }
0x24c: {  	s24 =	simm.s32 $0xA;
	[sflag:s0] =	ssyncpa.u1 $0x1  }
0x24d: {  	s25 =	simm.s32 $0xB;
	[sflag:s24] =	ssyncpa.u1 $0x1  }
0x24e: {  	s26 =	simm.s32 $0x2;
	[sflag:s25] =	ssyncpa.u1 $0x1  }
0x24f: {  	[sflag:s26] =	ssyncpa.u1 $0x1  }
0x250: {  	v0 =	vld [tilespmem:$0xE408];
	_ =	sdelay $0x4  }
0x251: {  	(v2sf) =	vpush v0, $0x0  }
0x252: {  	(v2sf) =	vpush v0, $0x1;
	_ =	sdelay $0x1  }
0x253: {  	(v2sf) =	vpush v0, $0x2;
	_ =	sdelay $0xb  }
0x254: {  	s0 =	spop (v2sf)  }
0x255: {  	s2 =	spop (v2sf)  }
0x256: {  	s3 =	smov.u32 s0;
	p0 =	sne.s32 s0, s2  }
0x257: {  	s4 =	spop (v2sf);
	s3 =	simm.s32 @!p0 $0xFFFFFFFF  }
0x258: {  	v2 =	vimm.s32 $0x1;
	v3 =	vlaneseq.u32;
	p0 =	seq.s32 s4, $0xFFFFFFFF;
	v1 =	vmov s3  }
0x259: {  	s16 =	stileid.u32;
	v0 =	vperm.xlane v0, v2;
	p1 =	sne.s32 @!p0 s0, s2;
	v1 =	vperm.xlane v1, v3  }
0x25a: {  	vm0 =	vcmask $0x3F04;
	s6 =	simm.s32 $0xE408;
	s0 =	simm.s32 @!p0 $0x1;
	p1 =	por !p1, p0  }
0x25b: {  	s3 =	sshll.u32 s16, $0x1;
	s2 =	sshll.u32 @!p0 s4, $0xA;
	s0 =	simm.s32 @p1 $0x0;
	v0 =	vsel vm0, v1, v0  }
0x25c: {  	s5 =	sor.u32 $0x2000, s3;
	s2 =	sshra.s32 @!p0 s2, $0x2;
	s0 =	sor.u32 @!p0 s0, s3;
	[tilespmem:$0xE408] =	vst v0  }
0x25d: {  	[spmem:s5] =	stream.linear.scatter [tilespmem:s6], [sflag:$0x1], $0x2, $0x38;
	[tilespmem:$0x1E678] =	vst v63  }
0x25e: {  	s2 =	sadd.s32 @!p0 $0x208, s2;
	s0 =	sshll.u32 @!p0 s0, $0x8  }
0x25f: {  	[spmem:s0] =	stream.linear.scatter @!p0 [tilespmem:s2], [sflag:$0x1], $0x100, $0x38;
	[tilespmem:$0x1E678] =	vst v63  }
0x260: {  	s0 =	simm.s32 @!p0 $0x102  }
0x261: {  	s28 =	simm.s32 $0x1;
	s0 =	simm.s32 @p0 $0x2  }
0x262: {  	_ =	swait.ge [sflag:s28], s0  }
0x263: {  	s0 =	ssub.s32 $0x0, s0;
	[sflag:s28] =	ssyncset.done $0x0  }
0x264: {  	p0 =	sne.s32 s16, $0x0;
	[sflag:s28] =	ssyncadd.s32 s0  }
.Ltmp25:
0x265: {  	_ =	sfence.stream.spmem;
	(pc) =	sbr.rel @p0 .LBB2_55-.Ltmp25, $4  }
0x266: {  	s29 =	simm.s32 $0x3;
	[bflag:$0x0] =	sbarrier.arrive $0xFFFF  }
0x267: {  	s30 =	simm.s32 $0x4;
	[sflag:s29] =	ssyncpa.u1 $0x1  }
0x268: {  	s31 =	simm.s32 $0x3C;
	[sflag:s30] =	ssyncpa.u1 $0x1  }
0x269: {  	s15 =	rddreg [dreg:$0x4];
	[sflag:s31] =	ssyncpa.u1 $0x1  }
0x26a: {  	_ =	sfence.stream.spmem;
	s0 =	simm.s32 $0x5  }
0x26b: {  	s2 =	simm.s32 $0x2000;
	s3 =	simm.s32 $0xE418;
	[sflag:s0] =	ssyncpa.u1 $0x0  }
0x26c: {  	[tilespmem:s3], [sflag:$0x5] =	stream.linear.gather [spmem:s2], $0x20, $0x38;
	[tilespmem:$0x1E678] =	vst v63  }
0x26d: {  	s26 =	simm.s32 $0x0;
	s28 =	simm.s32 $0xE438  }
0x26e: {  	[tilespmem:s28], [sflag:$0x5] =	stream.linear.gather [spmem:s26], $0x2000, $0x38;
	[tilespmem:$0x1E678] =	vst v63  }
0x26f: {  	_ =	swait.ge [sflag:s0], $0x2020  }
0x270: {  	[sflag:s0] =	ssyncset.done $0x0  }
0x271: {  	s29 =	simm.s32 $0x0;
	[sflag:s0] =	ssyncadd.s32 $0xFFFFDFE0  }
0x272: {  	v0 =	vld.msk [tilespmem:s29+$0xE418], $0x1;
	_ =	sdelay $0x1  }
0x273: {  	s30 =	simm.s32 $0x1  }
0x274: {  	v1 =	vld.msk [tilespmem:s30+$0xE418], $0x1;
	_ =	sdelay $0x1  }
0x275: {  	(v2sf) =	vpush v0, $0x0;
	_ =	sdelay $0x2  }
0x276: {  	(v2sf) =	vpush v1, $0x0;
	_ =	sdelay $0x2  }
0x277: {  	s31 =	simm.s32 $0x2  }
0x278: {  	v0 =	vld.msk [tilespmem:s31+$0xE418], $0x1;
	_ =	sdelay $0x2  }
0x279: {  	s2 =	simm.s32 $0xFFFFFFFF;
	s3 =	simm.s32 $0xFFFFFFFF;
	s0 =	simm.s32 $0xC  }
.LBB2_40:
0x27a: {  	s4 =	smov.u32 s3;
	s5 =	smov.u32 s2  }
0x27b: {  	s2 =	sshra.s32 s0, $0x2;
	p1 =	sne.s32 s0, $0x7C;
	s0 =	sadd.s32 $0x4, s0;
	(v2sf) =	vpush v0, $0x0  }
0x27c: {  	v0 =	vld.msk [tilespmem:s2+$0xE418], $0x1  }
.Ltmp26:
0x27d: {  	(pc) =	sbr.rel @p1 .LBB2_40-.Ltmp26, $4  }
0x27e: {  	s3 =	spop (v2sf)  }
0x27f: {  	p2 =	sne.s32 s5, $0xFFFFFFFF;
	s2 =	smov.u32 s3  }
0x280: {  	p3 =	seq.s32 s3, $0xFFFFFFFF;
	s2 =	smov.u32 @p2 s5  }
0x281: {  	s3 =	smov.u32 @p3 s4;
	s2 =	smov.u32 @p3 s5  }
0x282: {  	(v2sf) =	vpush v0, $0x0;
	_ =	sdelay $0x8  }
0x283: {  	s0 =	spop (v2sf)  }
0x284: {  	p1 =	sne.s32 s2, $0xFFFFFFFF;
	s9 =	simm.s32 $0x6;
	s4 =	smov.u32 s0  }
0x285: {  	s6 =	simm.s32 $0x0;
	p2 =	seq.s32 s0, $0xFFFFFFFF;
	s4 =	smov.u32 @p1 s2  }
0x286: {  	s10 =	simm.s32 $0xE308;
	s4 =	smov.u32 @p2 s2;
	s2 =	spop (v2sf)  }
0x287: {  	s0 =	smov.u32 @p2 s3;
	p1 =	sne.s32 s4, $0xFFFFFFFF;
	s5 =	smov.u32 s2  }
.Ltmp27:
0x288: {  	p2 =	seq.s32 s2, $0xFFFFFFFF;
	s5 =	smov.u32 @p1 s4;
	(pc) =	sbr.rel .LBB2_42-.Ltmp27, $4  }
0x289: {  	s11 =	simm.s32 $0xE388;
	s5 =	smov.u32 @p2 s4;
	s7 =	spop (v2sf)  }
0x28a: {  	s12 =	simm.s32 $0x0;
	p1 =	sne.s32 s5, $0xFFFFFFFF;
	s8 =	smov.u32 s7  }
0x28b: {  	s2 =	smov.u32 @p2 s0;
	p2 =	seq.s32 s7, $0xFFFFFFFF;
	s8 =	smov.u32 @p1 s5  }
0x28c: {  	[sflag:s9] =	ssyncpa.u1 $0x0;
	s7 =	smov.u32 @p2 s2;
	s8 =	smov.u32 @p2 s5  }
.LBB2_48:
0x28d: {  	p1 =	sgt.u32 s0, $0x4FF70  }
0x28e: {  	p2 =	seq.s32 @!p1 s0, s8  }
0x28f: {  	p1 =	por p1, p2  }
0x290: {  	p2 =	sne.s32 @!p1 s0, s7  }
0x291: {  	p1 =	por p1, !p2  }
0x292: {  	s0 =	sshll.u32 @p1 s12, $0xA  }
0x293: {  	s2 =	sand.u32 @!p1 $0x7FFF8, s0;
	s3 =	sand.u32 @!p1 $0x7, s0;
	s0 =	sadd.s32 @!p1 $0x80, s0  }
0x294: {  	s2 =	sadd.s32 @!p1 s1, s2;
	s0 =	sand.u32 @!p1 $0xFFFF8, s0  }
0x295: {  	[tilespmem:s10], [sflag:$0x6] =	stream.linear.gather @!p1 [hbm4b:s2+s3], $0x80, $0x38;
	[tilespmem:$0x1E678] =	vst v63  }
0x296: {  	s0 =	sadd.s32 @!p1 s1, s0  }
0x297: {  	[tilespmem:s11], [sflag:$0x6] =	stream.linear.gather @!p1 [hbm4b:s0+s3], $0x80, $0x38;
	[tilespmem:$0x1E678] =	vst v63  }
0x298: {  	_ =	swait.ge @!p1 [sflag:s9], $0x100  }
0x299: {  	[sflag:s9] =	ssyncset.done @!p1 $0x0  }
0x29a: {  	[sflag:s9] =	ssyncadd.s32 @!p1 $0xFFFFFF00  }
0x29b: {  	v1 =	vld @!p1 [tilespmem:$0xE308];
	_ =	sdelay $0x2  }
0x29c: {  	s0 =	sshll.u32 @!p1 s12, $0xA  }
0x29d: {  	s2 =	sshrl.u32 @!p1 s0, $0x2  }
0x29e: {  	[tilespmem:s2+$0xE438] =	vst.add.f32.msk @!p1 $0xffff, v1  }
0x29f: {  	v1 =	vld @!p1 [tilespmem:$0xE318];
	_ =	sdelay $0x4  }
0x2a0: {  	[tilespmem:s2+$0xE448] =	vst.add.f32.msk @!p1 $0xffff, v1  }
0x2a1: {  	v1 =	vld @!p1 [tilespmem:$0xE328];
	_ =	sdelay $0x4  }
0x2a2: {  	[tilespmem:s2+$0xE458] =	vst.add.f32.msk @!p1 $0xffff, v1  }
0x2a3: {  	v1 =	vld @!p1 [tilespmem:$0xE338];
	_ =	sdelay $0x4  }
0x2a4: {  	[tilespmem:s2+$0xE468] =	vst.add.f32.msk @!p1 $0xffff, v1  }
0x2a5: {  	v1 =	vld @!p1 [tilespmem:$0xE348];
	_ =	sdelay $0x4  }
0x2a6: {  	[tilespmem:s2+$0xE478] =	vst.add.f32.msk @!p1 $0xffff, v1  }
0x2a7: {  	v1 =	vld @!p1 [tilespmem:$0xE358];
	_ =	sdelay $0x4  }
0x2a8: {  	[tilespmem:s2+$0xE488] =	vst.add.f32.msk @!p1 $0xffff, v1  }
0x2a9: {  	v1 =	vld @!p1 [tilespmem:$0xE368];
	_ =	sdelay $0x4  }
0x2aa: {  	[tilespmem:s2+$0xE498] =	vst.add.f32.msk @!p1 $0xffff, v1  }
0x2ab: {  	v1 =	vld @!p1 [tilespmem:$0xE378];
	_ =	sdelay $0x4  }
0x2ac: {  	[tilespmem:s2+$0xE4A8] =	vst.add.f32.msk @!p1 $0xffff, v1  }
0x2ad: {  	v1 =	vld @!p1 [tilespmem:$0xE388];
	_ =	sdelay $0x4  }
0x2ae: {  	[tilespmem:s2+$0xE4B8] =	vst.add.f32.msk @!p1 $0xffff, v1  }
0x2af: {  	v1 =	vld @!p1 [tilespmem:$0xE398];
	_ =	sdelay $0x4  }
0x2b0: {  	[tilespmem:s2+$0xE4C8] =	vst.add.f32.msk @!p1 $0xffff, v1  }
0x2b1: {  	v1 =	vld @!p1 [tilespmem:$0xE3A8];
	_ =	sdelay $0x4  }
0x2b2: {  	[tilespmem:s2+$0xE4D8] =	vst.add.f32.msk @!p1 $0xffff, v1  }
0x2b3: {  	v1 =	vld @!p1 [tilespmem:$0xE3B8];
	_ =	sdelay $0x4  }
0x2b4: {  	[tilespmem:s2+$0xE4E8] =	vst.add.f32.msk @!p1 $0xffff, v1  }
0x2b5: {  	v1 =	vld @!p1 [tilespmem:$0xE3C8];
	_ =	sdelay $0x4  }
0x2b6: {  	[tilespmem:s2+$0xE4F8] =	vst.add.f32.msk @!p1 $0xffff, v1  }
0x2b7: {  	v1 =	vld @!p1 [tilespmem:$0xE3D8];
	_ =	sdelay $0x4  }
0x2b8: {  	[tilespmem:s2+$0xE508] =	vst.add.f32.msk @!p1 $0xffff, v1  }
0x2b9: {  	v1 =	vld @!p1 [tilespmem:$0xE3E8];
	_ =	sdelay $0x4  }
0x2ba: {  	[tilespmem:s2+$0xE518] =	vst.add.f32.msk @!p1 $0xffff, v1  }
0x2bb: {  	v1 =	vld @!p1 [tilespmem:$0xE3F8];
	_ =	sdelay $0x4  }
0x2bc: {  	[tilespmem:s2+$0xE528] =	vst.add.f32.msk @!p1 $0xffff, v1  }
0x2bd: {  	s0 =	sshrl.u32 s0, $0x2;
	[tilespmem:s6+$0xE418] =	vst.msk $0x1, v0  }
0x2be: {  	v0 =	vld [tilespmem:s0+$0xE438];
	_ =	sdelay $0x2  }
0x2bf: {  	s31 =	sshll.u32 s6, $0xA  }
0x2c0: {  	s2 =	sshra.s32 s31, $0x2  }
0x2c1: {  	[tilespmem:s2+$0xE438] =	vst v0  }
0x2c2: {  	v0 =	vld [tilespmem:s0+$0xE448];
	_ =	sdelay $0x4  }
0x2c3: {  	[tilespmem:s2+$0xE448] =	vst v0  }
0x2c4: {  	v0 =	vld [tilespmem:s0+$0xE458];
	_ =	sdelay $0x4  }
0x2c5: {  	[tilespmem:s2+$0xE458] =	vst v0  }
0x2c6: {  	v0 =	vld [tilespmem:s0+$0xE468];
	_ =	sdelay $0x4  }
0x2c7: {  	[tilespmem:s2+$0xE468] =	vst v0  }
0x2c8: {  	v0 =	vld [tilespmem:s0+$0xE478];
	_ =	sdelay $0x4  }
0x2c9: {  	[tilespmem:s2+$0xE478] =	vst v0  }
0x2ca: {  	v0 =	vld [tilespmem:s0+$0xE488];
	_ =	sdelay $0x4  }
0x2cb: {  	[tilespmem:s2+$0xE488] =	vst v0  }
0x2cc: {  	v0 =	vld [tilespmem:s0+$0xE498];
	_ =	sdelay $0x4  }
0x2cd: {  	[tilespmem:s2+$0xE498] =	vst v0  }
0x2ce: {  	v0 =	vld [tilespmem:s0+$0xE4A8];
	_ =	sdelay $0x4  }
0x2cf: {  	[tilespmem:s2+$0xE4A8] =	vst v0  }
0x2d0: {  	v0 =	vld [tilespmem:s0+$0xE4B8];
	_ =	sdelay $0x4  }
0x2d1: {  	[tilespmem:s2+$0xE4B8] =	vst v0  }
0x2d2: {  	v0 =	vld [tilespmem:s0+$0xE4C8];
	_ =	sdelay $0x4  }
0x2d3: {  	[tilespmem:s2+$0xE4C8] =	vst v0  }
0x2d4: {  	v0 =	vld [tilespmem:s0+$0xE4D8];
	_ =	sdelay $0x4  }
0x2d5: {  	[tilespmem:s2+$0xE4D8] =	vst v0  }
0x2d6: {  	v0 =	vld [tilespmem:s0+$0xE4E8];
	_ =	sdelay $0x4  }
0x2d7: {  	[tilespmem:s2+$0xE4E8] =	vst v0  }
0x2d8: {  	v0 =	vld [tilespmem:s0+$0xE4F8];
	_ =	sdelay $0x4  }
0x2d9: {  	[tilespmem:s2+$0xE4F8] =	vst v0  }
0x2da: {  	v0 =	vld [tilespmem:s0+$0xE508];
	_ =	sdelay $0x4  }
0x2db: {  	[tilespmem:s2+$0xE508] =	vst v0  }
0x2dc: {  	v0 =	vld [tilespmem:s0+$0xE518];
	_ =	sdelay $0x4  }
0x2dd: {  	[tilespmem:s2+$0xE518] =	vst v0  }
0x2de: {  	v0 =	vld [tilespmem:s0+$0xE528];
	_ =	sdelay $0x4  }
0x2df: {  	s6 =	sadd.s32 $0x1, s6;
	[tilespmem:s2+$0xE528] =	vst v0  }
.LBB2_49:
0x2e0: {  	s12 =	sadd.s32 $0x1, s12  }
0x2e1: {  	p1 =	sne.s32 s12, $0x20  }
.Ltmp28:
0x2e2: {  	_ = 	snop;
	(pc) =	sbr.rel @!p1 .LBB2_50-.Ltmp28, $1  }
0x2e3: {  	_ =	sdelay $0x3  }
.LBB2_42:
0x2e4: {  	v0 =	vld.msk [tilespmem:s12+$0xE418], $0x1;
	_ =	sdelay $0x4  }
0x2e5: {  	(v2sf) =	vpush v0, $0x0;
	_ =	sdelay $0xe  }
0x2e6: {  	s0 =	spop (v2sf)  }
0x2e7: {  	p1 =	seq.s32 s0, $0xFFFFFFFF  }
.Ltmp29:
0x2e8: {  	_ = 	snop;
	(pc) =	sbr.rel @p1 .LBB2_49-.Ltmp29, $1  }
0x2e9: {  	_ =	sdelay $0x3  }
0x2ea: {  	p1 =	slt.s32 s6, $0x1  }
.Ltmp30:
0x2eb: {  	_ = 	snop;
	(pc) =	sbr.rel @p1 .LBB2_48-.Ltmp30, $1  }
0x2ec: {  	_ =	sdelay $0x3  }
0x2ed: {  	s4 =	simm.s32 $0xE418;
	p1 =	por $0x0, $0x0  }
0x2ee: {  	v1 =	vld.msk @!p1 [tilespmem:s4+$0x0], $0x1;
	_ =	sdelay $0x4  }
0x2ef: {  	(v2sf) =	vpush @!p1 v1, $0x0;
	_ =	sdelay $0xd  }
0x2f0: {  	p3 =	sne.s32 s6, $0x1  }
.Ltmp31:
0x2f1: {  	s2 =	spop @!p1 (v2sf);
	(pc) =	sbr.rel @!p3 .LBB2_46-.Ltmp31, $4  }
0x2f2: {  	p2 =	seq.s32 @!p1 s0, s2  }
0x2f3: {  	s13 =	simm.s32 $0x0;
	p2 =	por !p2, p1  }
0x2f4: {  	s2 =	simm.s32 $0xFFFFFFFF;
	s13 =	simm.s32 @p2 $0xFFFFFFFF  }
0x2f5: {  	s14 =	simm.s32 $0x1;
	s13 =	smov.u32 @p1 s2  }
.LBB2_45:
0x2f6: {  	s2 =	smov.u32 s13;
	p1 =	sne.s32 s13, $0xFFFFFFFF  }
0x2f7: {  	s4 =	sadd.s32 $0x1, s4;
	s13 =	smov.u32 s14;
	s14 =	sadd.s32 $0x1, s14  }
0x2f8: {  	p2 =	sne.s32 s6, s14;
	v1 =	vld.msk @!p1 [tilespmem:s4+$0x0], $0x1;
	_ =	sdelay $0x4  }
0x2f9: {  	(v2sf) =	vpush @!p1 v1, $0x0;
	_ =	sdelay $0xe  }
.Ltmp32:
0x2fa: {  	s3 =	spop @!p1 (v2sf);
	(pc) =	sbr.rel @p2 .LBB2_45-.Ltmp32, $4  }
0x2fb: {  	p3 =	seq.s32 @!p1 s0, s3  }
0x2fc: {  	p3 =	por !p3, p1  }
0x2fd: {  	s13 =	simm.s32 @p3 $0xFFFFFFFF  }
0x2fe: {  	s13 =	smov.u32 @p1 s2  }
.LBB2_46:
0x2ff: {  	p1 =	seq.s32 s13, $0xFFFFFFFF  }
.Ltmp33:
0x300: {  	_ = 	snop;
	(pc) =	sbr.rel @p1 .LBB2_48-.Ltmp33, $1  }
0x301: {  	_ =	sdelay $0x3  }
0x302: {  	s0 =	sshll.u32 s12, $0x8  }
0x303: {  	s0 =	sand.u32 $0x3FFFFF00, s0  }
0x304: {  	v0 =	vld [tilespmem:s0+$0xE438];
	_ =	sdelay $0x2  }
0x305: {  	s2 =	sshll.u32 s13, $0xA  }
0x306: {  	s2 =	sshra.s32 s2, $0x2  }
0x307: {  	[tilespmem:s2+$0xE438] =	vst.add.f32.msk $0xffff, v0  }
0x308: {  	v0 =	vld [tilespmem:s0+$0xE448];
	_ =	sdelay $0x4  }
0x309: {  	[tilespmem:s2+$0xE448] =	vst.add.f32.msk $0xffff, v0  }
0x30a: {  	v0 =	vld [tilespmem:s0+$0xE458];
	_ =	sdelay $0x4  }
0x30b: {  	[tilespmem:s2+$0xE458] =	vst.add.f32.msk $0xffff, v0  }
0x30c: {  	v0 =	vld [tilespmem:s0+$0xE468];
	_ =	sdelay $0x4  }
0x30d: {  	[tilespmem:s2+$0xE468] =	vst.add.f32.msk $0xffff, v0  }
0x30e: {  	v0 =	vld [tilespmem:s0+$0xE478];
	_ =	sdelay $0x4  }
0x30f: {  	[tilespmem:s2+$0xE478] =	vst.add.f32.msk $0xffff, v0  }
0x310: {  	v0 =	vld [tilespmem:s0+$0xE488];
	_ =	sdelay $0x4  }
0x311: {  	[tilespmem:s2+$0xE488] =	vst.add.f32.msk $0xffff, v0  }
0x312: {  	v0 =	vld [tilespmem:s0+$0xE498];
	_ =	sdelay $0x4  }
0x313: {  	[tilespmem:s2+$0xE498] =	vst.add.f32.msk $0xffff, v0  }
0x314: {  	v0 =	vld [tilespmem:s0+$0xE4A8];
	_ =	sdelay $0x4  }
0x315: {  	[tilespmem:s2+$0xE4A8] =	vst.add.f32.msk $0xffff, v0  }
0x316: {  	v0 =	vld [tilespmem:s0+$0xE4B8];
	_ =	sdelay $0x4  }
0x317: {  	[tilespmem:s2+$0xE4B8] =	vst.add.f32.msk $0xffff, v0  }
0x318: {  	v0 =	vld [tilespmem:s0+$0xE4C8];
	_ =	sdelay $0x4  }
0x319: {  	[tilespmem:s2+$0xE4C8] =	vst.add.f32.msk $0xffff, v0  }
0x31a: {  	v0 =	vld [tilespmem:s0+$0xE4D8];
	_ =	sdelay $0x4  }
0x31b: {  	[tilespmem:s2+$0xE4D8] =	vst.add.f32.msk $0xffff, v0  }
0x31c: {  	v0 =	vld [tilespmem:s0+$0xE4E8];
	_ =	sdelay $0x4  }
0x31d: {  	[tilespmem:s2+$0xE4E8] =	vst.add.f32.msk $0xffff, v0  }
0x31e: {  	v0 =	vld [tilespmem:s0+$0xE4F8];
	_ =	sdelay $0x4  }
0x31f: {  	[tilespmem:s2+$0xE4F8] =	vst.add.f32.msk $0xffff, v0  }
0x320: {  	v0 =	vld [tilespmem:s0+$0xE508];
	_ =	sdelay $0x4  }
0x321: {  	[tilespmem:s2+$0xE508] =	vst.add.f32.msk $0xffff, v0  }
0x322: {  	v0 =	vld [tilespmem:s0+$0xE518];
	_ =	sdelay $0x4  }
0x323: {  	[tilespmem:s2+$0xE518] =	vst.add.f32.msk $0xffff, v0  }
0x324: {  	v0 =	vld [tilespmem:s0+$0xE528]  }
.Ltmp34:
0x325: {  	_ = 	snop;
	(pc) =	sbr.rel .LBB2_49-.Ltmp34, $2  }
0x326: {  	_ =	sdelay $0x2  }
0x327: {  	[tilespmem:s2+$0xE528] =	vst.add.f32.msk $0xffff, v0  }
.LBB2_50:
0x328: {  	s0 =	simm.s32 $0x6;
	p1 =	seq.s32 s6, $0x0  }
0x329: {  	[sflag:s0] =	ssyncpa.u1 $0x1;
	v0 =	vimm.s32 @p1 $0xFFFFFFFF  }
0x32a: {  	s0 =	sadd.s32 $0xFFFFFFFF, s6;
	[tilespmem:$0x10438] =	vst @p1 v0  }
0x32b: {  	v0 =	vld.msk @!p1 [tilespmem:s0+$0xE418], $0x1;
	_ =	sdelay $0x1  }
0x32c: {  	v1 =	vld.msk @!p1 [tilespmem:$0xE418], $0x1;
	_ =	sdelay $0x2  }
0x32d: {  	p2 =	seq.s32 @!p1 s0, $0x0;
	v0 =	vbroadcast @!p1 v0, $0x0  }
0x32e: {  	vm0 =	vmmov @!p1 $0x1;
	p2 =	por !p2, p1  }
0x32f: {  	v1 =	vnsel @!p1 vm0, $0xFFFFFFFF, v1;
	vm0 =	vcmask @!p1 $0x308;
	v0 =	vpsel !p2, $0xFFFFFFFF, v0  }
0x330: {  	p2 =	sne.s32 @!p1 s8, s7;
	v0 =	vsel @!p1 vm0, v1, v0  }
0x331: {  	s2 =	simm.s32 @!p1 $0xE438;
	s3 =	simm.s32 @!p1 $0x0;
	p3 =	por !p2, p1;
	[tilespmem:$0x10438] =	vst @!p1 v0  }
0x332: {  	[spmem:s3] =	stream.linear.scatter @!p1 [tilespmem:s2], [sflag:$0x1], $0x100, $0x38;
	[tilespmem:$0x1E678] =	vst v63  }
0x333: {  	s2 =	sshll.u32 @!p3 s0, $0xA  }
0x334: {  	s2 =	sshra.s32 @!p3 s2, $0x2  }
0x335: {  	s3 =	simm.s32 @!p3 $0x100;
	s2 =	sadd.s32 @!p3 $0xE438, s2  }
0x336: {  	[spmem:s3] =	stream.linear.scatter @!p3 [tilespmem:s2], [sflag:$0x1], $0x100, $0x38;
	[tilespmem:$0x1E678] =	vst v63  }
0x337: {  	s2 =	simm.s32 @!p3 $0x1  }
0x338: {  	_ =	swait.ge @!p3 [sflag:s2], $0x200  }
0x339: {  	p1 =	por p2, p1;
	[sflag:s2] =	ssyncset.done @!p3 $0x0  }
0x33a: {  	[sflag:s2] =	ssyncadd.s32 @!p3 $0xFFFFFE00;
	s2 =	simm.s32 @!p1 $0x1  }
0x33b: {  	_ =	swait.ge @!p1 [sflag:s2], $0x100  }
0x33c: {  	s29 =	simm.s32 $0x10438;
	[sflag:s2] =	ssyncset.done @!p1 $0x0  }
0x33d: {  	s30 =	simm.s32 $0x2000;
	s31 =	simm.s32 $0x1;
	[sflag:s2] =	ssyncadd.s32 @!p1 $0xFFFFFF00  }
0x33e: {  	[spmem:s30] =	stream.linear.scatter [tilespmem:s29], [sflag:$0x1], $0x10, $0x38;
	[tilespmem:$0x1E678] =	vst v63  }
0x33f: {  	_ =	swait.ge [sflag:s31], $0x10  }
0x340: {  	[sflag:s31] =	ssyncset.done $0x0  }
0x341: {  	p1 =	seq.s32 s15, $0x0;
	s9 =	rddreg [dreg:$0x1];
	[sflag:s31] =	ssyncadd.s32 $0xFFFFFFF0  }
0x342: {  	s3 =	sshll.u32 @p1 s9, $0xE;
	s8 =	rddreg [dreg:$0x2]  }
0x343: {  	s2 =	sadd.s32 @p1 $0x15C3C, s3;
	s3 =	sshll.u32 @p1 s8, $0x11  }
0x344: {  	_ =	sfence.stream.spmem;
	s2 =	sor.u32 @p1 s3, s2  }
0x345: {  	[sflag:s2] =	ssyncadd.remote.s32 @p1 $0x1;
	s2 =	simm.s32 @p1 $0x4  }
0x346: {  	s4 =	simm.s32 @!p1 $0x3C;
	s3 =	sand.u32 $0xFFFFFFFE, s9;
	_ =	swait.ge @p1 [sflag:s2], $0x42  }
0x347: {  	s5 =	simm.s32 @!p1 $0x0;
	s3 =	sadd.s32 @!p1 $0x4, s3;
	[sflag:s2] =	ssyncset.done @p1 $0x0  }
0x348: {  	s7 =	simm.s32 @!p1 $0x200;
	[sflag:s2] =	ssyncadd.s32 @p1 $0xFFFFFFBE;
	s2 =	sshll.u32 @!p1 s3, $0x1A  }
0x349: {  	s3 =	sshll.u32 @!p1 s3, $0xD;
	s2 =	sor.u32 @!p1 s2, s8;
	_ =	swait.eq @!p1 [sflag:s4], $0x1  }
0x34a: {  	s3 =	sor.u32 @!p1 $0x1C04, s3;
	s4 =	simm.s32 @!p1 $0x1C03;
	s2 =	sor.u32 @!p1 $0x80004000, s2  }
0x34b: {  	[spmem:s7], [sflag:s3] =	dma.general @!p1 [spmem:s5], [sflag:s4], length:$0x40, [dreg:$0x0], stride_count:$0x0, ici_dest:s2, dma_misc:DstOpCode:WRITE  }
0x34c: {  	p2 =	slt.s32 s0, $0x2;
	s5 =	simm.s32 @!p1 $0x400;
	s7 =	simm.s32 @!p1 $0x402  }
0x34d: {  	[spmem:s7], [sflag:s3] =	dma.general @!p1 [spmem:s5], [sflag:s4], length:$0x2, [dreg:$0x0], stride_count:$0x0, ici_dest:s2, dma_misc:DstOpCode:WRITE  }
.Ltmp35:
0x34e: {  	s2 =	simm.s32 @!p1 $0x3;
	(pc) =	sbr.rel @p2 .LBB2_54-.Ltmp35, $4  }
0x34f: {  	s3 =	sshll.u32 @!p1 s9, $0xE;
	_ =	swait.ge @!p1 [sflag:s2], $0x42  }
0x350: {  	s4 =	sshll.u32 @!p1 s8, $0x11;
	s3 =	sadd.s32 @!p1 $0x11C3C, s3;
	[sflag:s2] =	ssyncset.done @!p1 $0x0  }
0x351: {  	[sflag:s2] =	ssyncadd.s32 @!p1 $0xFFFFFFBE;
	s2 =	sor.u32 @!p1 s4, s3  }
0x352: {  	s0 =	simm.s32 $0x0;
	[sflag:s2] =	ssyncadd.remote.s32 @!p1 $0xFFFFFFFF  }
0x353: {  	s0 =	simm.s32 $0xE419  }
0x354: {  	v0 =	vld.msk [tilespmem:s0+$0x0], $0x1;
	_ =	sdelay $0x4  }
0x355: {  	(v2sf) =	vpush v0, $0x0;
	_ =	sdelay $0xd  }
0x356: {  	s31 =	sadd.s32 $0xFFFFFFFE, s6  }
0x357: {  	s6 =	simm.s32 $0x0;
	s0 =	sadd.s32 $0xFFFFFFFF, s31;
	s2 =	spop (v2sf)  }
0x358: {  	s3 =	simm.s32 $0xE538;
	p1 =	sne.s32 s0, $0x0;
	p2 =	sgt.u32 s2, $0x4FF70  }
.Ltmp36:
0x359: {  	s4 =	simm.s32 $0xE638;
	s5 =	sand.u32 @!p2 $0x7FFF8, s2;
	(pc) =	sbr.rel @!p1 .LBB2_53-.Ltmp36, $4  }
0x35a: {  	s7 =	sadd.s32 @!p2 $0x80, s2;
	s2 =	sand.u32 @!p2 $0x7, s2;
	s6 =	simm.s32 @!p2 $0x400  }
0x35b: {  	s5 =	sadd.s32 @!p2 s1, s5;
	s7 =	sand.u32 @!p2 $0xFFFF8, s7;
	s6 =	sadd.s32 $0x0, s6  }
0x35c: {  	[hbm4b:s5+s2] =	stream.linear.scatter @!p2 [tilespmem:s3], [sflag:$0x5], $0x80, $0x38;
	[tilespmem:$0x1E678] =	vst v63  }
0x35d: {  	s5 =	simm.s32 $0xE41A;
	s3 =	simm.s32 @!p2 $0xE5B8;
	s7 =	sadd.s32 @!p2 s1, s7  }
.LBB2_52:
0x35e: {  	[hbm4b:s7+s2] =	stream.linear.scatter @!p2 [tilespmem:s3], [sflag:$0x5], $0x80, $0x38;
	[tilespmem:$0x1E678] =	vst v63  }
0x35f: {  	s0 =	sadd.s32 $0xFFFFFFFF, s0;
	s3 =	smov.u32 s4;
	v0 =	vld.msk [tilespmem:s5+$0x0], $0x1  }
0x360: {  	p1 =	sne.s32 s0, $0x0;
	_ =	sdelay $0x3  }
0x361: {  	(v2sf) =	vpush v0, $0x0;
	_ =	sdelay $0xe  }
0x362: {  	s4 =	sadd.s32 $0x100, s4;
	s8 =	simm.s32 $0x0;
	s2 =	spop (v2sf)  }
.Ltmp37:
0x363: {  	s5 =	sadd.s32 $0x1, s5;
	p2 =	sgt.u32 s2, $0x4FF70;
	(pc) =	sbr.rel @p1 .LBB2_52-.Ltmp37, $4  }
0x364: {  	s8 =	simm.s32 @!p2 $0x400;
	s7 =	sand.u32 @!p2 $0x7FFF8, s2;
	s9 =	sadd.s32 @!p2 $0x80, s2  }
0x365: {  	s2 =	sand.u32 @!p2 $0x7, s2;
	s7 =	sadd.s32 @!p2 s1, s7;
	s9 =	sand.u32 @!p2 $0xFFFF8, s9  }
0x366: {  	[hbm4b:s7+s2] =	stream.linear.scatter @!p2 [tilespmem:s3], [sflag:$0x5], $0x80, $0x38;
	[tilespmem:$0x1E678] =	vst v63  }
0x367: {  	s6 =	sadd.s32 s6, s8;
	s3 =	sadd.s32 @!p2 $0x80, s3;
	s7 =	sadd.s32 @!p2 s1, s9  }
.LBB2_53:
0x368: {  	[hbm4b:s7+s2] =	stream.linear.scatter @!p2 [tilespmem:s3], [sflag:$0x5], $0x80, $0x38;
	[tilespmem:$0x1E678] =	vst v63  }
0x369: {  	s0 =	sshrl.u32 s6, $0x2  }
.LBB2_54:
0x36a: {  	s2 =	simm.s32 $0x5  }
0x36b: {  	_ =	swait.ge [sflag:s2], s0  }
0x36c: {  	s31 =	ssub.s32 $0x0, s0;
	[sflag:s2] =	ssyncset.done $0x0  }
0x36d: {  	[sflag:s2] =	ssyncadd.s32 s31  }
0x36e: {  	[sflag:s2] =	ssyncpa.u1 $0x1  }
.LBB2_55:
0x36f: {  	s0 =	sor.u32 s15, s16  }
0x370: {  	p1 =	sne.s32 s0, $0x0  }
.Ltmp38:
0x371: {  	_ = 	snop;
	(pc) =	sbr.rel @p1 .LBB2_70-.Ltmp38, $3  }
0x372: {  	_ =	sdelay $0x1  }
0x373: {  	[bflag:$0x0] =	sbarrier.arrive $0xFFFF  }
0x374: {  	_ =	sfence  }
0x375: {  	s0 =	simm.s32 $0x7  }
0x376: {  	s2 =	simm.s32 $0x2000;
	s3 =	simm.s32 $0xE418;
	[sflag:s0] =	ssyncpa.u1 $0x0  }
0x377: {  	[tilespmem:s3], [sflag:$0x7] =	stream.linear.gather [spmem:s2], $0x20, $0x38;
	[tilespmem:$0x1E678] =	vst v63  }
0x378: {  	s30 =	simm.s32 $0xE438;
	s2 =	simm.s32 $0x0  }
0x379: {  	[tilespmem:s30], [sflag:$0x7] =	stream.linear.gather [spmem:s2], $0x2000, $0x38;
	[tilespmem:$0x1E678] =	vst v63  }
.Ltmp39:
0x37a: {  	_ = 	snop;
	(pc) =	sbr.rel .LBB2_57-.Ltmp39, $4  }
0x37b: {  	_ =	swait.ge [sflag:s0], $0x2020  }
0x37c: {  	[sflag:s0] =	ssyncset.done $0x0  }
0x37d: {  	s31 =	simm.s32 $0x8;
	[sflag:s0] =	ssyncadd.s32 $0xFFFFDFE0  }
0x37e: {  	s3 =	simm.s32 $0x0;
	[sflag:s31] =	ssyncpa.u1 $0x0  }
.LBB2_63:
0x37f: {  	p1 =	slt.u32 s0, $0x4FF71  }
0x380: {  	s4 =	sand.u32 @p1 $0x7FFF8, s0;
	s5 =	sand.u32 @p1 $0x7, s0;
	s0 =	sadd.s32 @p1 $0x80, s0  }
0x381: {  	s6 =	simm.s32 @p1 $0xE308;
	s4 =	sadd.s32 @p1 s1, s4;
	s0 =	sand.u32 @p1 $0xFFFF8, s0  }
0x382: {  	[tilespmem:s6], [sflag:$0x8] =	stream.linear.gather @p1 [hbm4b:s4+s5], $0x80, $0x38;
	[tilespmem:$0x1E678] =	vst v63  }
0x383: {  	s0 =	sadd.s32 @p1 s1, s0;
	s4 =	simm.s32 @p1 $0xE388  }
0x384: {  	[tilespmem:s4], [sflag:$0x8] =	stream.linear.gather @p1 [hbm4b:s0+s5], $0x80, $0x38;
	[tilespmem:$0x1E678] =	vst v63  }
0x385: {  	s0 =	simm.s32 @p1 $0x8  }
0x386: {  	_ =	swait.ge @p1 [sflag:s0], $0x100  }
0x387: {  	[sflag:s0] =	ssyncset.done @p1 $0x0  }
0x388: {  	[sflag:s0] =	ssyncadd.s32 @p1 $0xFFFFFF00  }
0x389: {  	v1 =	vld @p1 [tilespmem:$0xE308];
	_ =	sdelay $0x2  }
0x38a: {  	s0 =	sshll.u32 @p1 s3, $0xA  }
0x38b: {  	s4 =	sshrl.u32 @p1 s0, $0x2  }
0x38c: {  	[tilespmem:s4+$0xE438] =	vst.add.f32.msk @p1 $0xffff, v1  }
0x38d: {  	v1 =	vld @p1 [tilespmem:$0xE318];
	_ =	sdelay $0x4  }
0x38e: {  	[tilespmem:s4+$0xE448] =	vst.add.f32.msk @p1 $0xffff, v1  }
0x38f: {  	v1 =	vld @p1 [tilespmem:$0xE328];
	_ =	sdelay $0x4  }
0x390: {  	[tilespmem:s4+$0xE458] =	vst.add.f32.msk @p1 $0xffff, v1  }
0x391: {  	v1 =	vld @p1 [tilespmem:$0xE338];
	_ =	sdelay $0x4  }
0x392: {  	[tilespmem:s4+$0xE468] =	vst.add.f32.msk @p1 $0xffff, v1  }
0x393: {  	v1 =	vld @p1 [tilespmem:$0xE348];
	_ =	sdelay $0x4  }
0x394: {  	[tilespmem:s4+$0xE478] =	vst.add.f32.msk @p1 $0xffff, v1  }
0x395: {  	v1 =	vld @p1 [tilespmem:$0xE358];
	_ =	sdelay $0x4  }
0x396: {  	[tilespmem:s4+$0xE488] =	vst.add.f32.msk @p1 $0xffff, v1  }
0x397: {  	v1 =	vld @p1 [tilespmem:$0xE368];
	_ =	sdelay $0x4  }
0x398: {  	[tilespmem:s4+$0xE498] =	vst.add.f32.msk @p1 $0xffff, v1  }
0x399: {  	v1 =	vld @p1 [tilespmem:$0xE378];
	_ =	sdelay $0x4  }
0x39a: {  	[tilespmem:s4+$0xE4A8] =	vst.add.f32.msk @p1 $0xffff, v1  }
0x39b: {  	v1 =	vld @p1 [tilespmem:$0xE388];
	_ =	sdelay $0x4  }
0x39c: {  	[tilespmem:s4+$0xE4B8] =	vst.add.f32.msk @p1 $0xffff, v1  }
0x39d: {  	v1 =	vld @p1 [tilespmem:$0xE398];
	_ =	sdelay $0x4  }
0x39e: {  	[tilespmem:s4+$0xE4C8] =	vst.add.f32.msk @p1 $0xffff, v1  }
0x39f: {  	v1 =	vld @p1 [tilespmem:$0xE3A8];
	_ =	sdelay $0x4  }
0x3a0: {  	[tilespmem:s4+$0xE4D8] =	vst.add.f32.msk @p1 $0xffff, v1  }
0x3a1: {  	v1 =	vld @p1 [tilespmem:$0xE3B8];
	_ =	sdelay $0x4  }
0x3a2: {  	[tilespmem:s4+$0xE4E8] =	vst.add.f32.msk @p1 $0xffff, v1  }
0x3a3: {  	v1 =	vld @p1 [tilespmem:$0xE3C8];
	_ =	sdelay $0x4  }
0x3a4: {  	[tilespmem:s4+$0xE4F8] =	vst.add.f32.msk @p1 $0xffff, v1  }
0x3a5: {  	v1 =	vld @p1 [tilespmem:$0xE3D8];
	_ =	sdelay $0x4  }
0x3a6: {  	[tilespmem:s4+$0xE508] =	vst.add.f32.msk @p1 $0xffff, v1  }
0x3a7: {  	v1 =	vld @p1 [tilespmem:$0xE3E8];
	_ =	sdelay $0x4  }
0x3a8: {  	[tilespmem:s4+$0xE518] =	vst.add.f32.msk @p1 $0xffff, v1  }
0x3a9: {  	v1 =	vld @p1 [tilespmem:$0xE3F8];
	_ =	sdelay $0x3  }
0x3aa: {  	s5 =	sshll.u32 @!p1 s3, $0xA  }
0x3ab: {  	s5 =	smov.u32 @p1 s0;
	[tilespmem:s4+$0xE528] =	vst.add.f32.msk @p1 $0xffff, v1  }
0x3ac: {  	s0 =	sshrl.u32 s5, $0x2;
	[tilespmem:s2+$0xE418] =	vst.msk $0x1, v0  }
0x3ad: {  	v0 =	vld [tilespmem:s0+$0xE438];
	_ =	sdelay $0x2  }
0x3ae: {  	s31 =	sshll.u32 s2, $0xA  }
0x3af: {  	s4 =	sshra.s32 s31, $0x2  }
0x3b0: {  	[tilespmem:s4+$0xE438] =	vst v0  }
0x3b1: {  	v0 =	vld [tilespmem:s0+$0xE448];
	_ =	sdelay $0x4  }
0x3b2: {  	[tilespmem:s4+$0xE448] =	vst v0  }
0x3b3: {  	v0 =	vld [tilespmem:s0+$0xE458];
	_ =	sdelay $0x4  }
0x3b4: {  	[tilespmem:s4+$0xE458] =	vst v0  }
0x3b5: {  	v0 =	vld [tilespmem:s0+$0xE468];
	_ =	sdelay $0x4  }
0x3b6: {  	[tilespmem:s4+$0xE468] =	vst v0  }
0x3b7: {  	v0 =	vld [tilespmem:s0+$0xE478];
	_ =	sdelay $0x4  }
0x3b8: {  	[tilespmem:s4+$0xE478] =	vst v0  }
0x3b9: {  	v0 =	vld [tilespmem:s0+$0xE488];
	_ =	sdelay $0x4  }
0x3ba: {  	[tilespmem:s4+$0xE488] =	vst v0  }
0x3bb: {  	v0 =	vld [tilespmem:s0+$0xE498];
	_ =	sdelay $0x4  }
0x3bc: {  	[tilespmem:s4+$0xE498] =	vst v0  }
0x3bd: {  	v0 =	vld [tilespmem:s0+$0xE4A8];
	_ =	sdelay $0x4  }
0x3be: {  	[tilespmem:s4+$0xE4A8] =	vst v0  }
0x3bf: {  	v0 =	vld [tilespmem:s0+$0xE4B8];
	_ =	sdelay $0x4  }
0x3c0: {  	[tilespmem:s4+$0xE4B8] =	vst v0  }
0x3c1: {  	v0 =	vld [tilespmem:s0+$0xE4C8];
	_ =	sdelay $0x4  }
0x3c2: {  	[tilespmem:s4+$0xE4C8] =	vst v0  }
0x3c3: {  	v0 =	vld [tilespmem:s0+$0xE4D8];
	_ =	sdelay $0x4  }
0x3c4: {  	[tilespmem:s4+$0xE4D8] =	vst v0  }
0x3c5: {  	v0 =	vld [tilespmem:s0+$0xE4E8];
	_ =	sdelay $0x4  }
0x3c6: {  	[tilespmem:s4+$0xE4E8] =	vst v0  }
0x3c7: {  	v0 =	vld [tilespmem:s0+$0xE4F8];
	_ =	sdelay $0x4  }
0x3c8: {  	[tilespmem:s4+$0xE4F8] =	vst v0  }
0x3c9: {  	v0 =	vld [tilespmem:s0+$0xE508];
	_ =	sdelay $0x4  }
0x3ca: {  	[tilespmem:s4+$0xE508] =	vst v0  }
0x3cb: {  	v0 =	vld [tilespmem:s0+$0xE518];
	_ =	sdelay $0x4  }
0x3cc: {  	[tilespmem:s4+$0xE518] =	vst v0  }
0x3cd: {  	v0 =	vld [tilespmem:s0+$0xE528];
	_ =	sdelay $0x4  }
0x3ce: {  	s2 =	sadd.s32 $0x1, s2;
	[tilespmem:s4+$0xE528] =	vst v0  }
.LBB2_64:
0x3cf: {  	s3 =	sadd.s32 $0x1, s3  }
0x3d0: {  	p1 =	sne.s32 s3, $0x20  }
.Ltmp40:
0x3d1: {  	_ = 	snop;
	(pc) =	sbr.rel @!p1 .LBB2_65-.Ltmp40, $1  }
0x3d2: {  	_ =	sdelay $0x3  }
.LBB2_57:
0x3d3: {  	v0 =	vld.msk [tilespmem:s3+$0xE418], $0x1;
	_ =	sdelay $0x4  }
0x3d4: {  	(v2sf) =	vpush v0, $0x0;
	_ =	sdelay $0xe  }
0x3d5: {  	s0 =	spop (v2sf)  }
0x3d6: {  	p1 =	seq.s32 s0, $0xFFFFFFFF  }
.Ltmp41:
0x3d7: {  	_ = 	snop;
	(pc) =	sbr.rel @p1 .LBB2_64-.Ltmp41, $1  }
0x3d8: {  	_ =	sdelay $0x3  }
0x3d9: {  	p1 =	slt.s32 s2, $0x1  }
.Ltmp42:
0x3da: {  	_ = 	snop;
	(pc) =	sbr.rel @p1 .LBB2_63-.Ltmp42, $1  }
0x3db: {  	_ =	sdelay $0x3  }
0x3dc: {  	s4 =	simm.s32 $0xE418;
	p1 =	por $0x0, $0x0  }
0x3dd: {  	v1 =	vld.msk @!p1 [tilespmem:s4+$0x0], $0x1;
	_ =	sdelay $0x4  }
0x3de: {  	(v2sf) =	vpush @!p1 v1, $0x0;
	_ =	sdelay $0xd  }
0x3df: {  	p3 =	sne.s32 s2, $0x1  }
.Ltmp43:
0x3e0: {  	s5 =	spop @!p1 (v2sf);
	(pc) =	sbr.rel @!p3 .LBB2_61-.Ltmp43, $4  }
0x3e1: {  	p2 =	seq.s32 @!p1 s0, s5  }
0x3e2: {  	s5 =	simm.s32 $0x0;
	p2 =	por !p2, p1  }
0x3e3: {  	s7 =	simm.s32 $0xFFFFFFFF;
	s5 =	simm.s32 @p2 $0xFFFFFFFF  }
0x3e4: {  	s6 =	simm.s32 $0x1;
	s5 =	smov.u32 @p1 s7  }
.LBB2_60:
0x3e5: {  	s7 =	smov.u32 s5;
	p1 =	sne.s32 s5, $0xFFFFFFFF  }
0x3e6: {  	s4 =	sadd.s32 $0x1, s4;
	s5 =	smov.u32 s6;
	s6 =	sadd.s32 $0x1, s6  }
0x3e7: {  	p2 =	sne.s32 s2, s6;
	v1 =	vld.msk @!p1 [tilespmem:s4+$0x0], $0x1;
	_ =	sdelay $0x4  }
0x3e8: {  	(v2sf) =	vpush @!p1 v1, $0x0;
	_ =	sdelay $0xe  }
.Ltmp44:
0x3e9: {  	s8 =	spop @!p1 (v2sf);
	(pc) =	sbr.rel @p2 .LBB2_60-.Ltmp44, $4  }
0x3ea: {  	p3 =	seq.s32 @!p1 s0, s8  }
0x3eb: {  	p3 =	por !p3, p1  }
0x3ec: {  	s5 =	simm.s32 @p3 $0xFFFFFFFF  }
0x3ed: {  	s5 =	smov.u32 @p1 s7  }
.LBB2_61:
0x3ee: {  	p1 =	seq.s32 s5, $0xFFFFFFFF  }
.Ltmp45:
0x3ef: {  	_ = 	snop;
	(pc) =	sbr.rel @p1 .LBB2_63-.Ltmp45, $1  }
0x3f0: {  	_ =	sdelay $0x3  }
0x3f1: {  	s0 =	sshll.u32 s3, $0x8  }
0x3f2: {  	s0 =	sand.u32 $0x3FFFFF00, s0  }
0x3f3: {  	v0 =	vld [tilespmem:s0+$0xE438];
	_ =	sdelay $0x2  }
0x3f4: {  	s4 =	sshll.u32 s5, $0xA  }
0x3f5: {  	s4 =	sshra.s32 s4, $0x2  }
0x3f6: {  	[tilespmem:s4+$0xE438] =	vst.add.f32.msk $0xffff, v0  }
0x3f7: {  	v0 =	vld [tilespmem:s0+$0xE448];
	_ =	sdelay $0x4  }
0x3f8: {  	[tilespmem:s4+$0xE448] =	vst.add.f32.msk $0xffff, v0  }
0x3f9: {  	v0 =	vld [tilespmem:s0+$0xE458];
	_ =	sdelay $0x4  }
0x3fa: {  	[tilespmem:s4+$0xE458] =	vst.add.f32.msk $0xffff, v0  }
0x3fb: {  	v0 =	vld [tilespmem:s0+$0xE468];
	_ =	sdelay $0x4  }
0x3fc: {  	[tilespmem:s4+$0xE468] =	vst.add.f32.msk $0xffff, v0  }
0x3fd: {  	v0 =	vld [tilespmem:s0+$0xE478];
	_ =	sdelay $0x4  }
0x3fe: {  	[tilespmem:s4+$0xE478] =	vst.add.f32.msk $0xffff, v0  }
0x3ff: {  	v0 =	vld [tilespmem:s0+$0xE488];
	_ =	sdelay $0x4  }
0x400: {  	[tilespmem:s4+$0xE488] =	vst.add.f32.msk $0xffff, v0  }
0x401: {  	v0 =	vld [tilespmem:s0+$0xE498];
	_ =	sdelay $0x4  }
0x402: {  	[tilespmem:s4+$0xE498] =	vst.add.f32.msk $0xffff, v0  }
0x403: {  	v0 =	vld [tilespmem:s0+$0xE4A8];
	_ =	sdelay $0x4  }
0x404: {  	[tilespmem:s4+$0xE4A8] =	vst.add.f32.msk $0xffff, v0  }
0x405: {  	v0 =	vld [tilespmem:s0+$0xE4B8];
	_ =	sdelay $0x4  }
0x406: {  	[tilespmem:s4+$0xE4B8] =	vst.add.f32.msk $0xffff, v0  }
0x407: {  	v0 =	vld [tilespmem:s0+$0xE4C8];
	_ =	sdelay $0x4  }
0x408: {  	[tilespmem:s4+$0xE4C8] =	vst.add.f32.msk $0xffff, v0  }
0x409: {  	v0 =	vld [tilespmem:s0+$0xE4D8];
	_ =	sdelay $0x4  }
0x40a: {  	[tilespmem:s4+$0xE4D8] =	vst.add.f32.msk $0xffff, v0  }
0x40b: {  	v0 =	vld [tilespmem:s0+$0xE4E8];
	_ =	sdelay $0x4  }
0x40c: {  	[tilespmem:s4+$0xE4E8] =	vst.add.f32.msk $0xffff, v0  }
0x40d: {  	v0 =	vld [tilespmem:s0+$0xE4F8];
	_ =	sdelay $0x4  }
0x40e: {  	[tilespmem:s4+$0xE4F8] =	vst.add.f32.msk $0xffff, v0  }
0x40f: {  	v0 =	vld [tilespmem:s0+$0xE508];
	_ =	sdelay $0x4  }
0x410: {  	[tilespmem:s4+$0xE508] =	vst.add.f32.msk $0xffff, v0  }
0x411: {  	v0 =	vld [tilespmem:s0+$0xE518];
	_ =	sdelay $0x4  }
0x412: {  	[tilespmem:s4+$0xE518] =	vst.add.f32.msk $0xffff, v0  }
0x413: {  	v0 =	vld [tilespmem:s0+$0xE528]  }
.Ltmp46:
0x414: {  	_ = 	snop;
	(pc) =	sbr.rel .LBB2_64-.Ltmp46, $2  }
0x415: {  	_ =	sdelay $0x2  }
0x416: {  	[tilespmem:s4+$0xE528] =	vst.add.f32.msk $0xffff, v0  }
.LBB2_65:
0x417: {  	p1 =	slt.s32 s2, $0x1  }
.Ltmp47:
0x418: {  	_ = 	snop;
	(pc) =	sbr.rel @p1 .LBB2_69-.Ltmp47, $3  }
0x419: {  	_ =	sdelay $0x1  }
0x41a: {  	s0 =	simm.s32 $0x8  }
0x41b: {  	s4 =	simm.s32 $0x0;
	[sflag:s0] =	ssyncpa.u1 $0x1  }
0x41c: {  	s0 =	simm.s32 $0xE418  }
0x41d: {  	v0 =	vld.msk [tilespmem:s0+$0x0], $0x1;
	_ =	sdelay $0x4  }
0x41e: {  	(v2sf) =	vpush v0, $0x0;
	_ =	sdelay $0xe  }
0x41f: {  	s0 =	sadd.s32 $0xFFFFFFFF, s2;
	s3 =	spop (v2sf)  }
0x420: {  	s6 =	simm.s32 $0xE438;
	p1 =	sne.s32 s0, $0x0;
	p2 =	sgt.u32 s3, $0x4FF70  }
.Ltmp48:
0x421: {  	s2 =	simm.s32 $0xE538;
	s5 =	sand.u32 @!p2 $0x7FFF8, s3;
	(pc) =	sbr.rel @!p1 .LBB2_68-.Ltmp48, $4  }
0x422: {  	s7 =	sadd.s32 @!p2 $0x80, s3;
	s4 =	simm.s32 @!p2 $0x400;
	s8 =	sadd.s32 @!p2 s1, s5  }
0x423: {  	s5 =	sand.u32 @!p2 $0x7, s3;
	s3 =	simm.s32 $0xE419;
	s7 =	sand.u32 @!p2 $0xFFFF8, s7  }
0x424: {  	[hbm4b:s8+s5] =	stream.linear.scatter @!p2 [tilespmem:s6], [sflag:$0x7], $0x80, $0x38;
	[tilespmem:$0x1E678] =	vst v63  }
0x425: {  	s4 =	sadd.s32 $0x0, s4;
	s6 =	simm.s32 @!p2 $0xE4B8;
	s7 =	sadd.s32 @!p2 s1, s7  }
.LBB2_67:
0x426: {  	[hbm4b:s7+s5] =	stream.linear.scatter @!p2 [tilespmem:s6], [sflag:$0x7], $0x80, $0x38;
	[tilespmem:$0x1E678] =	vst v63  }
0x427: {  	s0 =	sadd.s32 $0xFFFFFFFF, s0;
	s6 =	smov.u32 s2;
	v0 =	vld.msk [tilespmem:s3+$0x0], $0x1  }
0x428: {  	p1 =	sne.s32 s0, $0x0;
	_ =	sdelay $0x3  }
0x429: {  	(v2sf) =	vpush v0, $0x0;
	_ =	sdelay $0xe  }
0x42a: {  	s2 =	sadd.s32 $0x100, s2;
	s8 =	simm.s32 $0x0;
	s5 =	spop (v2sf)  }
.Ltmp49:
0x42b: {  	s3 =	sadd.s32 $0x1, s3;
	p2 =	sgt.u32 s5, $0x4FF70;
	(pc) =	sbr.rel @p1 .LBB2_67-.Ltmp49, $4  }
0x42c: {  	s8 =	simm.s32 @!p2 $0x400;
	s7 =	sand.u32 @!p2 $0x7FFF8, s5;
	s9 =	sadd.s32 @!p2 $0x80, s5  }
0x42d: {  	s5 =	sand.u32 @!p2 $0x7, s5;
	s7 =	sadd.s32 @!p2 s1, s7;
	s9 =	sand.u32 @!p2 $0xFFFF8, s9  }
0x42e: {  	[hbm4b:s7+s5] =	stream.linear.scatter @!p2 [tilespmem:s6], [sflag:$0x7], $0x80, $0x38;
	[tilespmem:$0x1E678] =	vst v63  }
0x42f: {  	s4 =	sadd.s32 s4, s8;
	s6 =	sadd.s32 @!p2 $0x80, s6;
	s7 =	sadd.s32 @!p2 s1, s9  }
.LBB2_68:
0x430: {  	[hbm4b:s7+s5] =	stream.linear.scatter @!p2 [tilespmem:s6], [sflag:$0x7], $0x80, $0x38;
	[tilespmem:$0x1E678] =	vst v63  }
0x431: {  	s4 =	sshrl.u32 s4, $0x2  }
.LBB2_69:
0x432: {  	s0 =	simm.s32 $0x7  }
0x433: {  	_ =	swait.ge [sflag:s0], s4  }
0x434: {  	s1 =	ssub.s32 $0x0, s4;
	[sflag:s0] =	ssyncset.done $0x0  }
0x435: {  	[sflag:s0] =	ssyncadd.s32 s1  }
0x436: {  	[sflag:s0] =	ssyncpa.u1 $0x1  }
.LBB2_70:
0x437: {  	_ =	sfence;
	s0 =	simm.s32 $0x1  }
0x438: {  	[sflag:s0] =	ssyncpa.u1 $0x1  }
0x439: {  	_ =	strace $0x90000056  }
0x43a: {  	[bflag:$0x2] =	sbarrier.arrive $0xFFFF  }
0x43b: {  	s0 =	rddreg [dreg:$0x3]  }
0x43c: {  	s0 =	sadd.s32 @!p0 $0x100000, s0  }
0x43d: {  	[sflag:s0] =	ssyncadd.tile.s32 @!p0 $0x1;
	_ =	shalt  }
.Lfunc_end2:
_tile_overlayer_lowered:
.L_overlay_start_2:
0x43e: {  	(tag) =	ssettag $0x2  }
0x43f: {  	s0 =	rddreg [dreg:$0x0];
	s2 =	stileid.u32  }
0x440: {  	s1 =	rddreg [dreg:$0x1];
	p0 =	sne.s32 s2, $0x0  }
0x441: {  	s3 =	rddreg [dreg:$0x2];
	[bflag:$0x3] =	sbarrier.arrive $0xFFFF;
	s2 =	simm.s32 @!p0 $0x1C01  }
0x442: {  	[timem:s3], [sflag:s2] =	dma.local @!p0 [hbm:s0], s1  }
0x443: {  	s0 =	simm.s32 @!p0 $0x1  }
0x444: {  	_ =	swait.ge @!p0 [sflag:s0], s1  }
0x445: {  	s1 =	ssub.s32 @!p0 $0x0, s1;
	[sflag:s0] =	ssyncset.done @!p0 $0x0  }
0x446: {  	[sflag:s0] =	ssyncadd.s32 @!p0 s1  }
0x447: {  	[bflag:$0x3] =	sbarrier.arrive $0xFFFF  }
0x448: {  	_ =	shalt  }

// kernel: scatter_offload_async_start
scs
__scs_entry_jumppad:
0x0: {  	(pc) =	sbr.rel $0x88, $3  }
0x1: {  	(tag) =	ssettag $0x0;
	lr =	simm.s32 $0x1  }
0x2: {  	[smem:$0x3F99] =	sst lr;
	_ =	strace $0xD0000000  }
0x3: {  	_ = 	snop  }
0x4: {  	_ = 	snop  }
0x5: {  	_ = 	snop  }
0x6: {  	_ = 	snop  }
0x7: {  	_ = 	snop  }
__scs_overlays_trampoline_lowered:
0x8: {  	[smem:$0x3FA8] =	sst s0  }
0x9: {  	[smem:$0x3FA9] =	sst s1  }
0xa: {  	[smem:$0x3FAA] =	sst s2  }
0xb: {  	[smem:$0x3FAB] =	sst s3  }
0xc: {  	[smem:$0x3FAC] =	sst s4  }
0xd: {  	[smem:$0x3FAD] =	sst s5  }
0xe: {  	[smem:$0x3FAE] =	sst s6  }
0xf: {  	[smem:$0x3FAF] =	sst s7  }
0x10: {  	[smem:$0x3FB0] =	sst s8  }
0x11: {  	[smem:$0x3FB1] =	sst s9;
	s0 =	simm.s32 @!p0 $0x0  }
0x12: {  	s1 =	sld [smem:$0x3F97];
	s0 =	simm.s32 @p0 $0x1  }
0x13: {  	[smem:$0x3FB2] =	sst s0;
	s0 =	simm.s32 @!p1 $0x0  }
0x14: {  	s2 =	sld [smem:$0x3F96];
	s0 =	simm.s32 @p1 $0x1  }
0x15: {  	[smem:$0x3FB3] =	sst s0;
	s0 =	simm.s32 @!p2 $0x0  }
0x16: {  	s3 =	sld [smem:$0x3FDB];
	s0 =	simm.s32 @p2 $0x1  }
0x17: {  	s4 =	simm.s32 $0x1BF5;
	[smem:$0x3FB5] =	sst s0  }
0x18: {  	s0 =	sld [smem:$0x3F98];
	_ =	swait.ge [sflag:s4], $0x0  }
0x19: {  	s7 =	sld [smem:$0x3F99]  }
0x1a: {  	s8 =	sadd.s32 $0xFFFFE003, lr  }
0x1b: {  	s9 =	sadd.s32 $0xFFFFFEF7, lr;
	s5 =	simm.s32 $0xFFFFFFFF;
	p2 =	slt.u32 s8, $0xFFFFF086  }
0x1c: {  	p1 =	slt.u32 s9, $0xF7A;
	s5 =	simm.s32 @!p2 $0x0  }
0x1d: {  	s5 =	simm.s32 @p1 $0x1;
	p0 =	seq.s32 s7, s2  }
0x1e: {  	s7 =	smul.u32 @!p0 $0xF7A, s2;
	p2 =	seq.s32 @!p0 s5, $0x0  }
0x1f: {  	s9 =	smul.u32 $0xF7A, s1;
	s8 =	simm.s32 @!p0 $0x1BF5;
	p2 =	por !p2, p0  }
0x20: {  	[sflag:s8] =	ssyncset.s32 @!p0 $0xFFFFF086;
	s6 =	sadd.s32 @!p0 s3, s7;
	s7 =	simm.s32 @!p0 $0x108  }
0x21: {  	s3 =	sadd.s32 s3, s9;
	s6 =	sadd.s32 @!p0 $0x88, s6;
	s7 =	simm.s32 @p2 $0x1082  }
0x22: {  	[simem:s7], [sflag:s8] =	dma.local @!p0 [hbm:s6], $0xF7A  }
0x23: {  	s9 =	sor.u32 $0xD0000000, s2;
	s6 =	simm.s32 $0x108;
	_ =	swait.ge @!p0 [sflag:s8], $0x0  }
0x24: {  	s3 =	sadd.s32 $0x88, s3;
	s6 =	simm.s32 @!p1 $0x1082;
	[sflag:s4] =	ssyncset.s32 $0xFFFFF086  }
0x25: {  	[simem:s6], [sflag:s4] =	dma.local [hbm:s3], $0xF7A  }
0x26: {  	[smem:$0x3F99] =	sst s1;
	(tag) =	ssettag s2;
	_ =	strace s9  }
0x27: {  	s1 =	sld [smem:$0x3FA9]  }
0x28: {  	s2 =	sld [smem:$0x3FAA]  }
0x29: {  	s4 =	sld [smem:$0x3FAC]  }
0x2a: {  	p0 =	seq.s32 s5, $0x0;
	s5 =	sld [smem:$0x3FAD]  }
0x2b: {  	s6 =	sld [smem:$0x3FAE]  }
0x2c: {  	s7 =	sld [smem:$0x3FAF]  }
0x2d: {  	s3 =	simm.s32 $0x108;
	s8 =	sld [smem:$0x3FB0]  }
0x2e: {  	s3 =	simm.s32 @!p0 $0x1082;
	s9 =	sld [smem:$0x3FB1]  }
0x2f: {  	lr =	sadd.s32 s0, s3;
	s0 =	sld [smem:$0x3FA8]  }
0x30: {  	s3 =	sld [smem:$0x3FAB]  }
0x31: {  	[smem:$0x3FB4] =	sst s10  }
0x32: {  	s10 =	sld [smem:$0x3FB2];
	_ =	sdelay $0x3  }
0x33: {  	p0 =	seq.s32 s10, $0x1;
	s10 =	sld [smem:$0x3FB4];
	_ =	sdelay $0x3  }
0x34: {  	[smem:$0x3FB4] =	sst s10  }
0x35: {  	s10 =	sld [smem:$0x3FB3];
	_ =	sdelay $0x3  }
0x36: {  	p1 =	seq.s32 s10, $0x1;
	s10 =	sld [smem:$0x3FB4];
	_ =	sdelay $0x3  }
0x37: {  	[smem:$0x3FB4] =	sst s10  }
0x38: {  	s10 =	sld [smem:$0x3FB5]  }
0x39: {  	_ = 	snop;
	(pc) =	sbr.ind lr, $3  }
0x3a: {  	_ = 	snop  }
0x3b: {  	_ = 	snop  }
0x3c: {  	p2 =	seq.s32 s10, $0x1;
	s10 =	sld [smem:$0x3FB4]  }
0x3d: {  	_ =	shalt  }
0x3e: {  	_ =	shalt  }
0x3f: {  	_ =	shalt  }
0x40: {  	_ =	shalt  }
0x41: {  	_ =	shalt  }
0x42: {  	_ =	shalt  }
0x43: {  	_ =	shalt  }
0x44: {  	_ =	shalt  }
0x45: {  	_ =	shalt  }
0x46: {  	_ =	shalt  }
0x47: {  	_ =	shalt  }
0x48: {  	_ =	shalt  }
0x49: {  	_ =	shalt  }
0x4a: {  	_ =	shalt  }
0x4b: {  	_ =	shalt  }
0x4c: {  	_ =	shalt  }
0x4d: {  	_ =	shalt  }
0x4e: {  	_ =	shalt  }
0x4f: {  	_ =	shalt  }
0x50: {  	_ =	shalt  }
0x51: {  	_ =	shalt  }
0x52: {  	_ =	shalt  }
0x53: {  	_ =	shalt  }
0x54: {  	_ =	shalt  }
0x55: {  	_ =	shalt  }
0x56: {  	_ =	shalt  }
0x57: {  	_ =	shalt  }
0x58: {  	_ =	shalt  }
0x59: {  	_ =	shalt  }
0x5a: {  	_ =	shalt  }
0x5b: {  	_ =	shalt  }
0x5c: {  	_ =	shalt  }
0x5d: {  	_ =	shalt  }
0x5e: {  	_ =	shalt  }
0x5f: {  	_ =	shalt  }
0x60: {  	_ =	shalt  }
0x61: {  	_ =	shalt  }
0x62: {  	_ =	shalt  }
0x63: {  	_ =	shalt  }
0x64: {  	_ =	shalt  }
0x65: {  	_ =	shalt  }
0x66: {  	_ =	shalt  }
0x67: {  	_ =	shalt  }
0x68: {  	_ =	shalt  }
0x69: {  	_ =	shalt  }
0x6a: {  	_ =	shalt  }
0x6b: {  	_ =	shalt  }
0x6c: {  	_ =	shalt  }
0x6d: {  	_ =	shalt  }
0x6e: {  	_ =	shalt  }
0x6f: {  	_ =	shalt  }
0x70: {  	_ =	shalt  }
0x71: {  	_ =	shalt  }
0x72: {  	_ =	shalt  }
0x73: {  	_ =	shalt  }
0x74: {  	_ =	shalt  }
0x75: {  	_ =	shalt  }
0x76: {  	_ =	shalt  }
0x77: {  	_ =	shalt  }
0x78: {  	_ =	shalt  }
0x79: {  	_ =	shalt  }
0x7a: {  	_ =	shalt  }
0x7b: {  	_ =	shalt  }
0x7c: {  	_ =	shalt  }
0x7d: {  	_ =	shalt  }
0x7e: {  	_ =	shalt  }
0x7f: {  	_ =	shalt  }
0x80: {  	_ =	shalt  }
0x81: {  	_ =	shalt  }
0x82: {  	_ =	shalt  }
0x83: {  	_ =	shalt  }
0x84: {  	_ =	shalt  }
0x85: {  	_ =	shalt  }
0x86: {  	_ =	shalt  }
0x87: {  	_ =	shalt  }
.Lfunc_end0:
.L_simem_size_0:
called_computation_lowered:
.L_overlay_start_0:
0x88: {  	s0 =	sld [smem:$0x3FD9]  }
0x89: {  	s1 =	sld [smem:$0x3FFE];
	_ =	sdelay $0x3  }
0x8a: {  	s0 =	sadd.s32 s1, s0  }
0x8b: {  	[smem:$0x3FC0] =	sst s0  }
0x8c: {  	_ = 	snop  }
0x8d: {  	s0 =	sld [smem:$0x3FD0];
	(tm) =	ssettm $0x1  }
0x8e: {  	s16 =	sld [smem:$0x3FFB];
	_ =	sdelay $0x3  }
0x8f: {  	_ =	strace s16  }
0x90: {  	s1 =	sld [smem:$0x3FFC];
	_ =	sdelay $0x3  }
0x91: {  	_ =	strace s1  }
0x92: {  	s1 =	sld [smem:$0x3FFD];
	_ =	sdelay $0x3  }
0x93: {  	_ =	strace s1  }
0x94: {  	_ =	strace $0x8FFFFFFF  }
0x95: {  	s17 =	sld [smem:$0x3FDB];
	_ =	sdelay $0x1  }
0x96: {  	s2 =	simm.s32 $_scs_section_size  }
0x97: {  	s3 =	simm.s32 $_size__tile_overlayer_lowered;
	s4 =	simm.s32 $_tile_overlayer_lowered  }
0x98: {  	s20 =	simm.s32 $0x1BFF;
	s19 =	sshll.u32 s4, $0x1;
	s1 =	sadd.s32 s2, s17  }
0x99: {  	s5 =	simm.s32 $0x0;
	s18 =	sshll.u32 s3, $0x1;
	s3 =	sadd.s32 s19, s1  }
0x9a: {  	[timem:s5], [sflag:s20] =	dma.local [hbm:s3], s18  }
0x9b: {  	_ =	swait.ge [sflag:s20], s18  }
0x9c: {  	s2 =	ssub.s32 $0x0, s18;
	[sflag:s20] =	ssyncset.done $0x0  }
0x9d: {  	[sflag:s20] =	ssyncadd.s32 s2;
	_ =	sdelay $0x1  }
0x9e: {  	s21 =	simm.s32 $0x1B8B  }
0x9f: {  	_ =	swait.ge [sflag:s21], $0x1  }
0xa0: {  	[sflag:s21] =	ssyncset.done $0x0  }
0xa1: {  	s23 =	simm.s32 $0x1B8E;
	s22 =	sld [smem:$0x3FFE];
	[sflag:s21] =	ssyncadd.s32 $0xFFFFFFFF  }
0xa2: {  	s24 =	simm.s32 $execute0_lowered;
	[smem:$0x3FD2] =	sst s23  }
0xa3: {  	s3 =	sshll.u32 s24, $0x1;
	_ =	strace $0x80000046;
	[dreg:$0x1] =	wrdreg $0xFFFFFFFF  }
0xa4: {  	s25 =	simm.s32 $_size_execute0_lowered;
	s1 =	sadd.s32 s1, s3;
	[dreg:$0x0] =	wrdreg $0x0  }
0xa5: {  	s3 =	sshll.u32 s25, $0x1;
	[dreg:$0x2] =	wrdreg s1  }
0xa6: {  	[dreg:$0x3] =	wrdreg s3  }
0xa7: {  	[dreg:$0x4] =	wrdreg $0xC0  }
0xa8: {  	_ =	task [dreg:s5], $0x5FFFF  }
0xa9: {  	[dreg:$0x1] =	wrdreg $0xFFFFFFFF  }
0xaa: {  	[dreg:$0x0] =	wrdreg $0x60  }
0xab: {  	[dreg:$0x2] =	wrdreg s0  }
0xac: {  	[dreg:$0x3] =	wrdreg s22  }
0xad: {  	[dreg:$0x4] =	wrdreg $0x9  }
0xae: {  	_ =	task.clear_ibuf [dreg:s5], $0x5FFFF;
	_ =	strace $0x90000046  }
0xaf: {  	s26 =	simm.s32 $0x9;
	_ =	strace $0x80000048  }
0xb0: {  	_ =	swait.ge [sflag:s26], $0x1  }
0xb1: {  	[sflag:s26] =	ssyncadd.s32 $0xFFFFFFFF  }
0xb2: {  	_ =	strace $0x90000048  }
0xb3: {  	_ =	sfence  }
0xb4: {  	s28 =	sld [smem:$0x0];
	_ =	sdelay $0x1  }
0xb5: {  	s29 =	srdreg.scid  }
0xb6: {  	s30 =	sshll.u32 s29, $0xD;
	s31 =	sshrl.u32 s29, $0x2  }
0xb7: {  	s2 =	sand.u32 $0x4000, s30;
	s1 =	sand.u32 $0x1, s29;
	s0 =	sadd.s32 s31, s28  }
0xb8: {  	s1 =	sor.u32 s2, s1;
	s0 =	sshll.u32 s0, $0x11  }
0xb9: {  	s0 =	sor.u32 s0, s1  }
0xba: {  	s0 =	sadd.s32 $0x8F2B, s0  }
0xbb: {  	[sflag:s0] =	ssyncadd.remote.s32 $0x1  }
0xbc: {  	_ =	sfence.sel $0xFFFF  }
0xbd: {  	[dreg:$0x0] =	wrdreg $0xFFFFFFFF;
	(pc) =	sbr.abs _section_cstart, $3  }
0xbe: {  	[dreg:$0x1] =	wrdreg $0xFFFFFFFF  }
0xbf: {  	_ =	task.clear_ibuf [dreg:s5], $0x2FFFF;
	_ =	strace $0x9FFFFFFF  }
0xc0: {  	(tm) =	ssettm $0x7FFFFFFF  }
0xc1: {  	_ =	shalt  }
tec
execute0_lowered:
.L_overlay_start_1:
0x0: {  	(tag) =	ssettag $0x1  }
0x1: {  	s1 =	rddreg [dreg:$0x0]  }
0x2: {  	s0 =	rddreg [dreg:$0x1];
	_ =	strace $0x80000047;
	s2 =	simm.s32 $0x1  }
0x3: {  	v1 =	vimm.s32 $0xFFFFFFFF;
	[sflag:s2] =	ssyncpa.u1 $0x0  }
0x4: {  	[tilespmem:$0x10] =	vst v1  }
0x5: {  	v0 =	vimm.f32 $0.0e+00;
	s6 =	stileid.u32;
	[tilespmem:$0x20] =	vst v1  }
0x6: {  	s4 =	simm.s32 $0x4000;
	s29 =	simm.s32 $0x2;
	s7 =	simm.s32 $0x7;
	[tilespmem:$0x30] =	vst v0  }
0x7: {  	s8 =	simm.s32 $0x8;
	s30 =	simm.s32 $0x9;
	s16 =	simm.s32 $0x0;
	[tilespmem:$0x40] =	vst v0  }
0x8: {  	s17 =	simm.s32 $0xFFFFE000;
	s18 =	simm.s32 $0xF0;
	s19 =	simm.s32 $0xFFFFFFFF;
	[tilespmem:$0x50] =	vst v0  }
0x9: {  	s20 =	simm.s32 $0xFFFFC100;
	s21 =	simm.s32 $0xFFFFFFFE;
	s28 =	smin.u32 s6, $0x5;
	[tilespmem:$0x60] =	vst v1  }
0xa: {  	s22 =	simm.s32 $0xF;
	p0 =	slt.u32 s6, $0x5;
	[tilespmem:$0x70] =	vst v1;
	s2 =	sadd.s32 s6, s28  }
0xb: {  	s26 =	simm.s32 $0x0;
	[tilespmem:$0x80] =	vst v1;
	s4 =	simm.s32 @!p0 $0x2000;
	s3 =	sshll.u32 s2, $0xD  }
0xc: {  	s25 =	simm.s32 $0x0;
	s11 =	sshll.u32 s6, $0x1;
	v1 =	vimm.s32 $0x0;
	[tilespmem:$0xB0] =	vst v0;
	s2 =	sadd.s32 s4, s3  }
0xd: {  	s14 =	sshllo.u32 s6, $0x1;
	s13 =	sor.u32 $0x81, s11;
	[tilespmem:$0x90] =	vst v1;
	s5 =	smin.u32 s2, $0x2A000  }
0xe: {  	s15 =	sor.u32 $0x80, s11;
	[tilespmem:$0xA0] =	vst v1;
	[sflag:s29] =	ssyncpa.u1 $0x0;
	s2 =	ssub.s32 s5, s3  }
.Ltmp0:
0xf: {  	s4 =	sadd.s32 $0xC600, s0;
	p0 =	sgt.s32 s2, $0x0;
	(pc) =	sbr.rel .LBB2_1-.Ltmp0, $4  }
0x10: {  	s0 =	sadd.s32 $0x11A00, s0;
	[sflag:s7] =	ssyncpa.u1 $0x0;
	s2 =	simm.s32 @!p0 $0x0  }
0x11: {  	s24 =	smov.u32 s3;
	[sflag:s8] =	ssyncpa.u1 $0x0;
	s9 =	sshrl.u32 s2, $0xD  }
0x12: {  	vm0 =	vmmov $0xffff;
	v2 =	vlaneseq.u32;
	[dreg:$0x3] =	wrdreg s0;
	[sflag:s30] =	ssyncpa.u1 $0x0;
	s31 =	sadd.s32 $0x1, s9  }
0x13: {  	vm1 =	vmxor vm1, vm1;
	vm2 =	vmmov $0x1;
	vm3 =	vcmask $0x3F3C;
	p0 =	por $0x0, $0x0;
	s12 =	sadd.s32 $0x2, s9;
	[dreg:$0x4] =	wrdreg s31  }
.LBB2_9:
0x14: {  	p1 =	slt.u32 s25, $0x3  }
0x15: {  	s0 =	simm.s32 @!p1 $0x2  }
0x16: {  	_ =	swait.ge @!p1 [sflag:s0], $0x2000  }
0x17: {  	[sflag:s0] =	ssyncset.done @!p1 $0x0  }
0x18: {  	[sflag:s0] =	ssyncadd.s32 @!p1 $0xFFFFE000;
	s0 =	simm.s32 @!p1 $0x9  }
0x19: {  	_ =	swait.ge @!p1 [sflag:s0], $0x10  }
0x1a: {  	s2 =	sadd.s32 $0x2000, s24;
	[sflag:s0] =	ssyncset.done @!p1 $0x0  }
0x1b: {  	[sflag:s0] =	ssyncadd.s32 @!p1 $0xFFFFFFF0;
	p1 =	slt.s32 s2, s5;
	s0 =	smov.u32 s3  }
0x1c: {  	s0 =	smov.u32 @p1 s2;
	p1 =	sne.s32 s25, s12  }
.Ltmp1:
0x1d: {  	_ = 	snop;
	(pc) =	sbr.rel @!p1 .LBB2_10-.Ltmp1, $4  }
0x1e: {  	s31 =	sadd.s32 $0x1, s25  }
0x1f: {  	s17 =	sadd.s32 $0x2000, s17;
	s18 =	sadd.s32 $0x2000, s18;
	s19 =	sadd.s32 $0x1, s19  }
0x20: {  	s26 =	smov.u32 s24;
	p0 =	por !p0, !p0;
	s20 =	sadd.s32 $0x2000, s20  }
0x21: {  	s21 =	sadd.s32 $0x1, s21;
	s25 =	smov.u32 s31;
	s24 =	smov.u32 s0  }
.LBB2_1:
0x22: {  	p1 =	sge.u32 s25, s9  }
0x23: {  	s0 =	smulhi.u32 @!p1 $0xAAAAAAAB, s25;
	_ =	sdelay $0x1  }
0x24: {  	s0 =	sshrl.u32 @!p1 s0, $0x1  }
0x25: {  	s0 =	smul.u32 @!p1 $0x3, s0;
	_ =	sdelay $0x1  }
0x26: {  	s0 =	ssub.s32 @!p1 s25, s0  }
0x27: {  	s2 =	sshrl.u32 @!p1 s24, $0x3;
	s0 =	sshll.u32 @!p1 s0, $0xD  }
0x28: {  	s6 =	sand.u32 @!p1 $0x7, s24;
	s2 =	sadd.s32 @!p1 s4, s2;
	s0 =	sor.u32 @!p1 $0x100, s0  }
0x29: {  	[tilespmem:s0], [sflag:$0x7] =	stream.linear.gather @!p1 [hbm4b:s2+s6], $0x2000, $0x38;
	[tilespmem:$0x12120] =	vst v63  }
0x2a: {  	s2 =	sadd.s32 $0xFFFFFFFF, s25  }
0x2b: {  	p1 =	sge.u32 s2, s9  }
.Ltmp2:
0x2c: {  	_ = 	snop;
	(pc) =	sbr.rel @p1 .LBB2_5-.Ltmp2, $1  }
0x2d: {  	_ =	sdelay $0x3  }
0x2e: {  	s0 =	smulhi.u32 $0xAAAAAAAB, s2;
	_ =	sdelay $0x1  }
0x2f: {  	s0 =	sshrl.u32 s0, $0x1  }
0x30: {  	s0 =	smul.u32 $0x3, s0;
	_ =	sdelay $0x1  }
0x31: {  	s0 =	ssub.s32 s2, s0  }
0x32: {  	_ =	swait.ge [sflag:s7], $0x2000;
	s0 =	sshll.u32 s0, $0xD  }
0x33: {  	[sflag:s7] =	ssyncset.done $0x0;
	s0 =	sor.u32 $0x100, s0  }
0x34: {  	[sflag:s7] =	ssyncadd.s32 $0xFFFFE000;
	(ifvalue) =	ssetifvalue $0xFFFFFFFF;
	v3 =	vld.msk [tilespmem:s0+$0x0 ss:$0x1], $0xffff;
	_ =	sdelay $0x2  }
0x35: {  	s29 =	smulhi.u32 $0xAAAAAAAB, s19;
	p1 =	sne.s32 s25, $0x1  }
0x36: {  	v4 =	vimm.s32 @!p1 $0x0  }
0x37: {  	s0 =	sshrl.u32 s29, $0x1;
	v4 =	vperm.xlane @!p1 v3, v4  }
0x38: {  	s6 =	sshll.u32 s25, $0x4;
	s0 =	smul.u32 $0xFFFE8000, s0;
	vm4 =	vlt.u32 v3, $0x2800  }
0x39: {  	s6 =	sand.u32 $0x10, s6;
	v3 =	vnsel vm4, $0xFFFFFFFE, v3;
	vm4 =	vlt.u32 @!p1 v4, $0x2800  }
0x3a: {  	s0 =	sshra.s32 s0, $0x2;
	[tilespmem:s6+$0x60] =	vst v3;
	v3 =	vnsel @!p1 vm4, $0xFFFFFFFE, v4  }
0x3b: {  	s28 =	sadd.s32 s0, s18;
	[tilespmem:$0x80] =	vst @!p1 v3  }
0x3c: {  	v3 =	vld.msk [tilespmem:s28+$0x0 ss:$0x1], $0xffff;
	_ =	sdelay $0x4  }
0x3d: {  	(xrf1) =	vunique.msk.u32 $0xffff, v3;
	_ =	sdelay $0xd  }
0x3e: {  	v4 =	vimm.s32 $0xFFFFFFFF;
	v5, _, _ =	vpop (xrf1)  }
0x3f: {  	vm5 =	vne.s32 v3, v4;
	vm4 =	veq.s32 v5, v2  }
0x40: {  	vm6 =	vlt.u32 v3, $0x2800;
	vm4 =	vmand vm5, vm4  }
0x41: {  	vm4 =	vmand vm6, vm4  }
0x42: {  	v4 =	vnsel vm4, $0xFFFFFFFF, v3;
	_ =	sdelay $0x2  }
0x43: {  	s30 =	sand.u32 $0x2000, s17  }
0x44: {  	s31 =	sshll.u32 s2, $0xD;
	s0 =	sor.u32 $0x80F0, s30;
	(ifvalue) =	ssetifvalue $0xFFFFFFFF  }
0x45: {  	v3 =	vperm.xlane v3, v1;
	[tilespmem:s0], [sflag:$0x8] =	stream.indirect_vreg.gather [hbm4b:s1+s16], $0x1, v4, vm0, $0x4038;
	v4 =	vnsel vm6, $0xFFFFFFFE, v4;
	[tilespmem:$0x12120] =	vst v63  }
0x46: {  	s23 =	simm.s32 $0x0;
	s2 =	sand.u32 $0x2000, s31;
	s6 =	sadd.s32 $0xFFFFFFF0, s28;
	[tilespmem:s28+$0x0] =	vst v4  }
.LBB2_3:
0x47: {  	v4 =	vld.msk [tilespmem:s6+$0x0 ss:$0x1], $0xffff;
	s23 =	sadd.s32 $0x10, s23;
	v5 =	vmov v3;
	s28 =	smov.u32 s6  }
0x48: {  	p1 =	slt.u32 s23, $0x1FF0;
	_ =	sdelay $0x4  }
0x49: {  	v3 =	vperm.xlane v4, v1;
	(xrf1) =	vunique.msk.u32 $0xffff, v4;
	_ =	sdelay $0xd  }
0x4a: {  	v6, _, _ =	vpop (xrf1)  }
0x4b: {  	vm5 =	vne.s32 v4, v5;
	vm4 =	veq.s32 v6, v2  }
0x4c: {  	vm6 =	vlt.u32 v4, $0x2800;
	vm4 =	vmand vm5, vm4  }
0x4d: {  	vm4 =	vmand vm6, vm4  }
0x4e: {  	v4 =	vnsel vm4, $0xFFFFFFFF, v4  }
.Ltmp3:
0x4f: {  	v5 =	vnsel vm6, $0xFFFFFFFE, v4;
	(pc) =	sbr.rel @p1 .LBB2_3-.Ltmp3, $3  }
0x50: {  	_ =	sdelay $0x1  }
0x51: {  	s6 =	sadd.s32 $0xFFFFFFF0, s6;
	s0 =	sadd.s32 $0xFFFFFFF0, s0;
	(ifvalue) =	ssetifvalue $0xFFFFFFFF  }
0x52: {  	[tilespmem:s0], [sflag:$0x8] =	stream.indirect_vreg.gather [hbm4b:s1+s16], $0x1, v4, vm0, $0x4038;
	[tilespmem:s28+$0x0] =	vst v5  }
0x53: {  	s0 =	sshrl.u32 s26, $0x3;
	s6 =	rddreg [dreg:$0x3]  }
0x54: {  	s2 =	sadd.s32 $0xA100, s2;
	s0 =	sadd.s32 s6, s0  }
0x55: {  	[tilespmem:s2], [sflag:$0x8] =	stream.linear.gather [hbm:s0], $0x2000, $0x38;
	[tilespmem:$0x12120] =	vst v63  }
.LBB2_5:
0x56: {  	p1 =	slt.u32 s25, $0x2  }
0x57: {  	p2 =	sge.u32 @!p1 s25, s12  }
0x58: {  	p1 =	por p1, p2  }
.Ltmp4:
0x59: {  	_ = 	snop;
	(pc) =	sbr.rel @p1 .LBB2_9-.Ltmp4, $1  }
0x5a: {  	_ =	sdelay $0x3  }
0x5b: {  	s0 =	sadd.s32 $0xFFFFFFFE, s25  }
0x5c: {  	s2 =	smulhi.u32 $0xAAAAAAAB, s0;
	_ =	sdelay $0x1  }
0x5d: {  	s2 =	sshrl.u32 s2, $0x1  }
0x5e: {  	s2 =	smul.u32 $0x3, s2  }
0x5f: {  	_ =	swait.ge [sflag:s8], $0x4000  }
0x60: {  	s6 =	rddreg [dreg:$0x4];
	s0 =	ssub.s32 s0, s2  }
0x61: {  	[sflag:s8] =	ssyncset.done $0x0;
	p1 =	sne.s32 s25, s6;
	s0 =	sshll.u32 s0, $0xD  }
0x62: {  	[sflag:s8] =	ssyncadd.s32 $0xFFFFC000;
	s2 =	sadd.s32 @!p1 $0x20FF, s0  }
0x63: {  	[spmem:s13] =	stream.linear.scatter @!p1 [tilespmem:s2], [sflag:$0x1], $0x1, $0x38;
	[tilespmem:$0x12120] =	vst v63  }
0x64: {  	s2 =	simm.s32 @!p1 $0x1  }
0x65: {  	_ =	swait.ge @!p1 [sflag:s2], $0x1  }
0x66: {  	s6 =	sshll.u32 s25, $0x4;
	[sflag:s2] =	ssyncset.done @!p1 $0x0  }
0x67: {  	s26 =	sand.u32 $0x10, s6;
	[sflag:s2] =	ssyncadd.s32 @!p1 $0xFFFFFFFF  }
0x68: {  	s2 =	sxor.u32 $0x10, s26;
	v4 =	vld [tilespmem:s26+$0x10]  }
0x69: {  	v5 =	vld [tilespmem:s2+$0x60]  }
0x6a: {  	v3 =	vld [tilespmem:$0x80];
	_ =	sdelay $0x2  }
0x6b: {  	(v2sf) =	vpush v4, $0x0  }
0x6c: {  	(v2sf) =	vpush v5, $0x0  }
0x6d: {  	(v2sf) =	vpush v3, $0x0;
	_ =	sdelay $0xc  }
0x6e: {  	s10 =	spop (v2sf)  }
0x6f: {  	s23 =	spop (v2sf)  }
0x70: {  	s29 =	spop (v2sf)  }
0x71: {  	p2 =	seq.s32 s10, s23;
	p3 =	seq.s32 s29, s10  }
0x72: {  	p3 =	por p2, p3  }
0x73: {  	v4 =	vpsel p3, $0xFFFFFFFF, v4  }
0x74: {  	s23 =	sand.u32 $0x1, s25;
	[tilespmem:s26+$0x10] =	vst.msk $0x1, v4  }
0x75: {  	s30 =	sshll.u32 s23, $0xD;
	v4 =	vld [tilespmem:$0x30]  }
0x76: {  	v5 =	vld [tilespmem:s30+$0xA100]  }
0x77: {  	v6 =	vld [tilespmem:s26+$0x40];
	_ =	sdelay $0x3  }
0x78: {  	vm4 =	vmmov vm1;
	v5 =	vadd.f32 v5, v4  }
0x79: {  	vm5 =	vmmov vm2;
	vm4 =	vmmov @p2 vm2;
	s6 =	sshll.u32 s23, $0x4;
	v4 =	vadd.f32 v6, v4  }
0x7a: {  	s28 =	sor.u32 $0x12100, s6;
	vm5 =	vmmov @p3 vm1;
	[tilespmem:s30+$0xA100] =	vst.msk vm4, v5  }
0x7b: {  	[tilespmem:s28+$0x0] =	vst.msk vm5, v4  }
0x7c: {  	v4 =	vld [tilespmem:s30+$0x80F0];
	_ =	sdelay $0x3  }
0x7d: {  	v5 =	vimm.f32 $0.0e+00  }
0x7e: {  	v4 =	vshift.insert v4, v5, s22  }
0x7f: {  	s10 =	sor.u32 $0x40, s2  }
0x80: {  	[tilespmem:s10+$0x0] =	vst.msk $0x1, v4  }
0x81: {  	[tilespmem:s30+$0x80FF] =	vst.msk $0x1, v5  }
0x82: {  	v4 =	vld [tilespmem:s0+$0x20F0];
	_ =	sdelay $0x1  }
0x83: {  	s23 =	smulhi.u32 $0xAAAAAAAB, s21;
	_ =	sdelay $0x1  }
0x84: {  	s6 =	simm.s32 $0x1;
	s0 =	sshrl.u32 s23, $0x1  }
0x85: {  	s6 =	simm.s32 @!p0 $0x0;
	s0 =	smul.u32 $0xFFFE8000, s0;
	v4 =	vshift.insert v4, v1, s22  }
0x86: {  	s6 =	sshll.u32 s6, $0xD  }
0x87: {  	s31 =	sadd.s32 $0xA100, s6;
	s0 =	sshra.s32 s0, $0x2;
	[tilespmem:s2+$0x10] =	vst.msk $0x1, v4  }
0x88: {  	s10 =	sadd.s32 s0, s20;
	v6 =	vld [tilespmem:s31+$0x0]  }
0x89: {  	v7 =	vld [tilespmem:s10+$0x0];
	_ =	sdelay $0x3  }
0x8a: {  	v5 =	vadd.f32 v6, v5  }
0x8b: {  	vm4 =	vne.s32 v7, $0xFFFFFFFF  }
0x8c: {  	(xrf2) =	vadd.seg.scan.f32 vm4, v5;
	_ =	sdelay $0x3  }
0x8d: {  	s0 =	sadd.s32 $0x6100, s6;
	v5 =	vperm.xlane v4, v1  }
0x8e: {  	v6 =	vld [tilespmem:s0+$0x0]  }
0x8f: {  	vm5 =	veq.s32 v7, v3;
	vm6 =	veq.s32 v7, v5  }
0x90: {  	vm7 =	vgt.u32 v7, $0xFFFFFFFD;
	vm6 =	vmor vm6, vm5  }
0x91: {  	vm6 =	vmor vm6, vm7  }
0x92: {  	v9 =	vld [tilespmem:$0xA0];
	v7 =	vsel vm6, $0xFFFFFFFF, v7  }
0x93: {  	v10 =	vld [tilespmem:$0x90];
	v6 =	vsel vm5, $0x0, v6;
	v8, _, _ =	vpop (xrf2)  }
0x94: {  	v6 =	vadd.f32 v8, v6  }
0x95: {  	s2 =	sadd.s32 $0xE100, s6  }
0x96: {  	vm4 =	vmand vm4, vm3;
	[tilespmem:s2+$0x0] =	vst v6;
	(ifvalue) =	ssetifvalue $0xFFFFFFFF  }
0x97: {  	vm6 =	veq.s32 v9, $0x1;
	[hbm4b:s1+s16] =	stream.indirect_vreg.scatter [tilespmem:s2], [sflag:$0x2], $0x1, v7, vm0, $0x4038;
	v7 =	vsel vm4, $0x0, v8;
	[tilespmem:$0x12120] =	vst v63  }
0x98: {  	s23 =	simm.s32 $0x0;
	s6 =	sadd.s32 $0x10, s10;
	vm4 =	vmor vm6, vm5;
	v6 =	vsel vm5, v8, v10;
	v7 =	vshift.insert v7, v0, s22  }
.LBB2_7:
0x99: {  	v8 =	vld [tilespmem:s6+$0x0];
	s31 =	sadd.s32 $0x10, s31  }
0x9a: {  	s0 =	sadd.s32 $0x10, s0;
	v9 =	vld [tilespmem:s31+$0x0]  }
0x9b: {  	s23 =	sadd.s32 $0x10, s23;
	v10 =	vld [tilespmem:s0+$0x0]  }
0x9c: {  	p2 =	slt.u32 s23, $0x1FF0;
	_ =	sdelay $0x2  }
0x9d: {  	v7 =	vadd.f32 v9, v7  }
0x9e: {  	vm5 =	vne.s32 v8, $0xFFFFFFFF  }
0x9f: {  	vm6 =	vmand vm5, vm3;
	(xrf2) =	vadd.seg.scan.f32 vm5, v7;
	_ =	sdelay $0x5  }
0xa0: {  	vm7 =	veq.s32 v8, v5;
	vm5 =	veq.s32 v8, v3  }
0xa1: {  	vm8 =	vgt.u32 v8, $0xFFFFFFFD;
	vm4 =	vmor vm4, vm5;
	vm7 =	vmor vm7, vm5  }
0xa2: {  	vm7 =	vmor vm7, vm8  }
0xa3: {  	v8 =	vsel vm7, $0xFFFFFFFF, v8  }
.Ltmp5:
0xa4: {  	v7 =	vsel vm5, $0x0, v10;
	v9, _, _ =	vpop (xrf2);
	(pc) =	sbr.rel @p2 .LBB2_7-.Ltmp5, $4  }
0xa5: {  	v6 =	vsel vm5, v9, v6;
	v10 =	vadd.f32 v9, v7;
	v7 =	vsel vm6, $0x0, v9  }
0xa6: {  	s2 =	sadd.s32 $0x10, s2;
	v7 =	vshift.insert v7, v0, s22  }
0xa7: {  	s6 =	sadd.s32 $0x10, s6;
	[tilespmem:s2+$0x0] =	vst v10;
	(ifvalue) =	ssetifvalue $0xFFFFFFFF  }
0xa8: {  	[hbm4b:s1+s16] =	stream.indirect_vreg.scatter [tilespmem:s2], [sflag:$0x2], $0x1, v8, vm0, $0x4038;
	[tilespmem:$0x12120] =	vst v63  }
0xa9: {  	v3 =	vld [tilespmem:s30+$0x100F0];
	_ =	sdelay $0x4  }
0xaa: {  	v3 =	vshift.insert v3, v0, s22  }
0xab: {  	s0 =	simm.s32 $0x30  }
0xac: {  	[tilespmem:s0+$0x0] =	vst.msk $0x1, v3  }
0xad: {  	v3 =	vsel vm4, $0x1, v1;
	[tilespmem:$0x90] =	vst v6  }
0xae: {  	s0 =	sadd.s32 @!p1 $0x100FF, s30;
	[tilespmem:$0xA0] =	vst v3  }
0xaf: {  	[spmem:s14] =	stream.linear.scatter @!p1 [tilespmem:s0], [sflag:$0x1], $0x1, $0x38;
	[tilespmem:$0x12120] =	vst v63  }
0xb0: {  	s0 =	simm.s32 @!p1 $0x1  }
0xb1: {  	v3 =	vmctz.xlane @!p1 vm4;
	_ =	swait.ge @!p1 [sflag:s0], $0x1  }
0xb2: {  	(v2sf) =	vpush @!p1 v4, $0x0  }
0xb3: {  	(v2sf) =	vpush @!p1 v3, $0x0;
	_ =	sdelay $0xd  }
0xb4: {  	s2 =	spop @!p1 (v2sf)  }
0xb5: {  	s6 =	spop @!p1 (v2sf)  }
0xb6: {  	p2 =	sne.s32 @!p1 s29, s2;
	p3 =	slt.s32 @!p1 s6, $0xF  }
0xb7: {  	[sflag:s0] =	ssyncset.done @!p1 $0x0;
	p2 =	por p2, p1;
	p3 =	por !p3, p1  }
0xb8: {  	[sflag:s0] =	ssyncadd.s32 @!p1 $0xFFFFFFFF;
	v3 =	vimm.s32 @!p2 $0xFFFFFFFF;
	s6 =	simm.s32 @p3 $0xF  }
0xb9: {  	[tilespmem:$0x80] =	vst @!p2 v3;
	s2 =	sadd.s32 @!p1 $0x90, s6  }
0xba: {  	[spmem:s11] =	stream.linear.scatter @!p1 [tilespmem:s2], [sflag:$0x1], $0x1, $0x38;
	[tilespmem:$0x12120] =	vst v63  }
0xbb: {  	_ =	swait.ge @!p1 [sflag:s0], $0x1  }
0xbc: {  	[sflag:s0] =	ssyncset.done @!p1 $0x0  }
0xbd: {  	s2 =	simm.s32 @!p1 $0x80;
	[sflag:s0] =	ssyncadd.s32 @!p1 $0xFFFFFFFF  }
0xbe: {  	[spmem:s15] =	stream.linear.scatter @!p1 [tilespmem:s2], [sflag:$0x1], $0x1, $0x38;
	[tilespmem:$0x12120] =	vst v63  }
0xbf: {  	_ =	swait.ge @!p1 [sflag:s0], $0x1  }
0xc0: {  	[sflag:s0] =	ssyncset.done @!p1 $0x0  }
0xc1: {  	[sflag:s0] =	ssyncadd.s32 @!p1 $0xFFFFFFFF;
	(ifvalue) =	ssetifvalue $0xFFFFFFFF;
	v3 =	vld [tilespmem:s26+$0x10];
	_ =	sdelay $0x3  }
.Ltmp6:
0xc2: {  	_ = 	snop;
	(pc) =	sbr.rel .LBB2_9-.Ltmp6, $3  }
0xc3: {  	_ =	sdelay $0x1  }
0xc4: {  	(ifvalue) =	ssetifvalue $0xFFFFFFFF  }
0xc5: {  	[hbm4b:s1+s16] =	stream.indirect_vreg.scatter [tilespmem:s28], [sflag:$0x9], $0x1, v3, vm0, $0x4038;
	[tilespmem:$0x12120] =	vst v63  }
.LBB2_10:
0xc6: {  	_ =	sfence.sel $0x180000  }
0xc7: {  	s0 =	simm.s32 $0x7;
	[bflag:$0x0] =	sbarrier.arrive $0xFFFF  }
0xc8: {  	s26 =	simm.s32 $0x8;
	[sflag:s0] =	ssyncpa.u1 $0x1  }
0xc9: {  	s28 =	simm.s32 $0x9;
	[sflag:s26] =	ssyncpa.u1 $0x1  }
0xca: {  	[sflag:s28] =	ssyncpa.u1 $0x1  }
0xcb: {  	_ =	sfence.stream.spmem  }
0xcc: {  	s29 =	simm.s32 $0x3;
	[bflag:$0x0] =	sbarrier.arrive $0xFFFF  }
0xcd: {  	s30 =	simm.s32 $0x4;
	[sflag:s29] =	ssyncpa.u1 $0x1  }
0xce: {  	s31 =	simm.s32 $0x3C;
	s2 =	stileid.u32;
	[sflag:s30] =	ssyncpa.u1 $0x1  }
0xcf: {  	p0 =	sne.s32 s2, $0x0;
	[sflag:s31] =	ssyncpa.u1 $0x1  }
0xd0: {  	s0 =	simm.s32 @p0 $0x1;
	_ =	sfence @p0  }
0xd1: {  	[sflag:s0] =	ssyncpa.u1 @p0 $0x1;
	s0 =	simm.s32 @p0 $0x2  }
0xd2: {  	[sflag:s0] =	ssyncpa.u1 @p0 $0x1  }
0xd3: {  	_ =	strace @p0 $0x90000047  }
0xd4: {  	[bflag:$0x2] =	sbarrier.arrive @p0 $0xFFFF  }
0xd5: {  	_ =	shalt @p0  }
.LBB2_11:
0xd6: {  	_ =	sfence.stream.spmem;
	s0 =	simm.s32 $0x5  }
0xd7: {  	s2 =	simm.s32 $0x80;
	s3 =	simm.s32 $0xC0;
	[sflag:s0] =	ssyncpa.u1 $0x0  }
0xd8: {  	[tilespmem:s3], [sflag:$0x5] =	stream.linear.gather [spmem:s2], $0x20, $0x38;
	[tilespmem:$0x12120] =	vst v63  }
0xd9: {  	s2 =	simm.s32 $0x0;
	s3 =	simm.s32 $0xE0  }
0xda: {  	[tilespmem:s3], [sflag:$0x5] =	stream.linear.gather [spmem:s2], $0x20, $0x38;
	[tilespmem:$0x12120] =	vst v63  }
.Ltmp7:
0xdb: {  	_ = 	snop;
	(pc) =	sbr.rel .LBB2_12-.Ltmp7, $4  }
0xdc: {  	_ =	swait.ge [sflag:s0], $0x40  }
0xdd: {  	[sflag:s0] =	ssyncset.done $0x0  }
0xde: {  	s31 =	simm.s32 $0x6;
	[sflag:s0] =	ssyncadd.s32 $0xFFFFFFC0  }
0xdf: {  	s4 =	simm.s32 $0x0;
	[sflag:s31] =	ssyncpa.u1 $0x0  }
.LBB2_17:
0xe0: {  	p0 =	sgt.u32 s0, $0x27FF  }
0xe1: {  	s5 =	sshrl.u32 @!p0 s0, $0x3  }
0xe2: {  	s0 =	sand.u32 @!p0 $0x7, s0;
	s6 =	simm.s32 @!p0 $0xB0;
	s5 =	sadd.s32 @!p0 s1, s5  }
0xe3: {  	[tilespmem:s6], [sflag:$0x6] =	stream.linear.gather @!p0 [hbm4b:s5+s0], $0x1, $0x38;
	[tilespmem:$0x12120] =	vst v63  }
0xe4: {  	s0 =	simm.s32 @!p0 $0x6  }
0xe5: {  	_ =	swait.ge @!p0 [sflag:s0], $0x1  }
0xe6: {  	[sflag:s0] =	ssyncset.done @!p0 $0x0  }
0xe7: {  	[sflag:s0] =	ssyncadd.s32 @!p0 $0xFFFFFFFF  }
0xe8: {  	v2 =	vmov @!p0 s4;
	v1 =	vld.msk @!p0 [tilespmem:$0xB0], $0x1;
	_ =	sdelay $0x3  }
0xe9: {  	s0 =	simm.s32 @!p0 $0xE0  }
0xea: {  	[tilespmem:v2+s0+$0x0], v1 =	vst.idx.ret.add.f32.msk @!p0 $0x1, v1  }
0xeb: {  	[tilespmem:s2+$0xC0] =	vst.msk $0x1, v0  }
0xec: {  	v0 =	vld.msk [tilespmem:s4+$0xE0], $0x1;
	_ =	sdelay $0x4  }
0xed: {  	[tilespmem:s2+$0xE0] =	vst.msk $0x1, v0;
	s2 =	sadd.s32 $0x1, s2  }
.LBB2_19:
0xee: {  	s4 =	sadd.s32 $0x1, s4  }
0xef: {  	p0 =	sne.s32 s4, $0x20  }
.Ltmp8:
0xf0: {  	_ = 	snop;
	(pc) =	sbr.rel @!p0 .LBB2_20-.Ltmp8, $1  }
0xf1: {  	_ =	sdelay $0x3  }
.LBB2_12:
0xf2: {  	v0 =	vld.msk [tilespmem:s4+$0xC0], $0x1;
	_ =	sdelay $0x4  }
0xf3: {  	(v2sf) =	vpush v0, $0x0;
	_ =	sdelay $0xe  }
0xf4: {  	s0 =	spop (v2sf)  }
0xf5: {  	p0 =	seq.s32 s0, $0xFFFFFFFF  }
.Ltmp9:
0xf6: {  	_ = 	snop;
	(pc) =	sbr.rel @p0 .LBB2_19-.Ltmp9, $1  }
0xf7: {  	_ =	sdelay $0x3  }
0xf8: {  	p0 =	slt.s32 s2, $0x1  }
.Ltmp10:
0xf9: {  	_ = 	snop;
	(pc) =	sbr.rel @p0 .LBB2_17-.Ltmp10, $1  }
0xfa: {  	_ =	sdelay $0x3  }
0xfb: {  	s5 =	simm.s32 $0xC0;
	p0 =	por $0x0, $0x0  }
0xfc: {  	v1 =	vld.msk @!p0 [tilespmem:s5+$0x0], $0x1;
	_ =	sdelay $0x4  }
0xfd: {  	(v2sf) =	vpush @!p0 v1, $0x0;
	_ =	sdelay $0xd  }
0xfe: {  	p2 =	sne.s32 s2, $0x1  }
.Ltmp11:
0xff: {  	s6 =	spop @!p0 (v2sf);
	(pc) =	sbr.rel @!p2 .LBB2_16-.Ltmp11, $4  }
0x100: {  	p1 =	seq.s32 @!p0 s0, s6  }
0x101: {  	s6 =	simm.s32 $0x0;
	p1 =	por !p1, p0  }
0x102: {  	s8 =	simm.s32 $0xFFFFFFFF;
	s6 =	simm.s32 @p1 $0xFFFFFFFF  }
0x103: {  	s7 =	simm.s32 $0x1;
	s6 =	smov.u32 @p0 s8  }
.LBB2_15:
0x104: {  	s8 =	smov.u32 s6;
	p0 =	sne.s32 s6, $0xFFFFFFFF  }
0x105: {  	s5 =	sadd.s32 $0x1, s5;
	s6 =	smov.u32 s7;
	s7 =	sadd.s32 $0x1, s7  }
0x106: {  	p1 =	sne.s32 s2, s7;
	v1 =	vld.msk @!p0 [tilespmem:s5+$0x0], $0x1;
	_ =	sdelay $0x4  }
0x107: {  	(v2sf) =	vpush @!p0 v1, $0x0;
	_ =	sdelay $0xe  }
.Ltmp12:
0x108: {  	s9 =	spop @!p0 (v2sf);
	(pc) =	sbr.rel @p1 .LBB2_15-.Ltmp12, $4  }
0x109: {  	p2 =	seq.s32 @!p0 s0, s9  }
0x10a: {  	p2 =	por !p2, p0  }
0x10b: {  	s6 =	simm.s32 @p2 $0xFFFFFFFF  }
0x10c: {  	s6 =	smov.u32 @p0 s8  }
.LBB2_16:
0x10d: {  	p0 =	sne.s32 s6, $0xFFFFFFFF  }
.Ltmp13:
0x10e: {  	_ = 	snop;
	(pc) =	sbr.rel @!p0 .LBB2_17-.Ltmp13, $1  }
0x10f: {  	_ =	sdelay $0x3  }
0x110: {  	v0 =	vld.msk [tilespmem:s4+$0xE0], $0x1;
	v1 =	vmov s6  }
.Ltmp14:
0x111: {  	_ = 	snop;
	(pc) =	sbr.rel .LBB2_19-.Ltmp14, $2  }
0x112: {  	_ =	sdelay $0x2  }
0x113: {  	[tilespmem:v1+s3+$0x0], v0 =	vst.idx.ret.add.f32.msk $0x1, v0  }
.LBB2_20:
0x114: {  	p0 =	slt.s32 s2, $0x1  }
.Ltmp15:
0x115: {  	_ = 	snop;
	(pc) =	sbr.rel @p0 .LBB2_24-.Ltmp15, $3  }
0x116: {  	_ =	sdelay $0x1  }
0x117: {  	s0 =	simm.s32 $0x6  }
0x118: {  	[sflag:s0] =	ssyncpa.u1 $0x1;
	s0 =	simm.s32 $0x0  }
0x119: {  	s3 =	simm.s32 $0xC0  }
0x11a: {  	v0 =	vld.msk [tilespmem:s3+$0x0], $0x1;
	_ =	sdelay $0x4  }
0x11b: {  	(v2sf) =	vpush v0, $0x0;
	_ =	sdelay $0xe  }
0x11c: {  	s2 =	sadd.s32 $0xFFFFFFFF, s2;
	s4 =	spop (v2sf)  }
0x11d: {  	p1 =	sne.s32 s2, $0x0;
	p0 =	sgt.u32 s4, $0x27FF  }
.Ltmp16:
0x11e: {  	s5 =	sshrl.u32 @!p0 s4, $0x3;
	(pc) =	sbr.rel @!p1 .LBB2_23-.Ltmp16, $4  }
0x11f: {  	s3 =	simm.s32 $0xE0;
	s4 =	sand.u32 @!p0 $0x7, s4;
	s5 =	sadd.s32 @!p0 s1, s5  }
0x120: {  	[hbm4b:s5+s4] =	stream.linear.scatter @!p0 [tilespmem:s3], [sflag:$0x5], $0x1, $0x38;
	[tilespmem:$0x12120] =	vst v63  }
0x121: {  	s5 =	simm.s32 $0x0  }
0x122: {  	s4 =	simm.s32 $0xC1;
	s5 =	simm.s32 @!p0 $0x4  }
.LBB2_22:
0x123: {  	v0 =	vld.msk [tilespmem:s4+$0x0], $0x1;
	s2 =	sadd.s32 $0xFFFFFFFF, s2;
	s0 =	sadd.s32 s0, s5  }
0x124: {  	p0 =	sne.s32 s2, $0x0;
	_ =	sdelay $0x3  }
0x125: {  	(v2sf) =	vpush v0, $0x0;
	_ =	sdelay $0xe  }
.Ltmp17:
0x126: {  	s6 =	spop (v2sf);
	(pc) =	sbr.rel @p0 .LBB2_22-.Ltmp17, $4  }
0x127: {  	s5 =	simm.s32 $0x0;
	p1 =	sgt.u32 s6, $0x27FF  }
0x128: {  	s3 =	sadd.s32 $0x1, s3;
	s5 =	simm.s32 @!p1 $0x4;
	s7 =	sshrl.u32 @!p1 s6, $0x3  }
0x129: {  	s4 =	sadd.s32 $0x1, s4;
	s6 =	sand.u32 @!p1 $0x7, s6;
	s7 =	sadd.s32 @!p1 s1, s7  }
0x12a: {  	[hbm4b:s7+s6] =	stream.linear.scatter @!p1 [tilespmem:s3], [sflag:$0x5], $0x1, $0x38;
	[tilespmem:$0x12120] =	vst v63  }
.LBB2_23:
0x12b: {  	s0 =	sadd.s32 s0, s5  }
0x12c: {  	s0 =	sshrl.u32 s0, $0x2  }
.LBB2_24:
0x12d: {  	s1 =	simm.s32 $0x5  }
0x12e: {  	_ =	swait.ge [sflag:s1], s0  }
0x12f: {  	s28 =	ssub.s32 $0x0, s0;
	[sflag:s1] =	ssyncset.done $0x0  }
0x130: {  	[sflag:s1] =	ssyncadd.s32 s28  }
0x131: {  	[sflag:s1] =	ssyncpa.u1 $0x1  }
0x132: {  	s29 =	simm.s32 $0x1;
	_ =	sfence  }
0x133: {  	s30 =	simm.s32 $0x2;
	[sflag:s29] =	ssyncpa.u1 $0x1  }
0x134: {  	[sflag:s30] =	ssyncpa.u1 $0x1  }
0x135: {  	_ =	strace $0x90000047  }
0x136: {  	[bflag:$0x2] =	sbarrier.arrive $0xFFFF  }
0x137: {  	s31 =	rddreg [dreg:$0x2]  }
0x138: {  	s0 =	sadd.s32 $0x100000, s31  }
0x139: {  	[sflag:s0] =	ssyncadd.tile.s32 $0x1;
	_ =	shalt  }
.Lfunc_end2:
_tile_overlayer_lowered:
.L_overlay_start_2:
0x13a: {  	(tag) =	ssettag $0x2  }
0x13b: {  	s0 =	rddreg [dreg:$0x0];
	s2 =	stileid.u32  }
0x13c: {  	s1 =	rddreg [dreg:$0x1];
	p0 =	sne.s32 s2, $0x0  }
0x13d: {  	s3 =	rddreg [dreg:$0x2];
	[bflag:$0x3] =	sbarrier.arrive $0xFFFF;
	s2 =	simm.s32 @!p0 $0x1C01  }
0x13e: {  	[timem:s3], [sflag:s2] =	dma.local @!p0 [hbm:s0], s1  }
0x13f: {  	s0 =	simm.s32 @!p0 $0x1  }
0x140: {  	_ =	swait.ge @!p0 [sflag:s0], s1  }
0x141: {  	s1 =	ssub.s32 @!p0 $0x0, s1;
	[sflag:s0] =	ssyncset.done @!p0 $0x0  }
0x142: {  	[sflag:s0] =	ssyncadd.s32 @!p0 s1  }
0x143: {  	[bflag:$0x3] =	sbarrier.arrive $0xFFFF  }
0x144: {  	_ =	shalt  }

</sc_bundles>
